<compile_context>
chip_gen: v7x
topology: tpu7x:2x2x1
jax: 0.10.2.dev20260603
libtpu: 0.0.44.dev20260713+nightly
codegen_flags: <defaults>
</compile_context>

<pallas_src>
import jax
import jax.numpy as jnp
from jax import lax
from jax.experimental import pallas as pl
from jax.experimental.pallas import tpu as pltpu
from jax.experimental.pallas import tpu_sc as plsc

N = 10000
E = 320000
NC = 2
NS = 16
NW = NC * NS

NP = 10016
NSTRIPE = NP // NS

NPD = 10240
NSTRIPED = NPD // NS

L32 = 128
CH32 = 80
EP32 = NW * CH32 * L32

L128 = 120
CH128 = 84
EP128 = NW * CH128 * L128

DEG_G = 8


def _mesh():
    return plsc.VectorSubcoreMesh(
        core_axis_name="c", subcore_axis_name="s", num_cores=NC, num_subcores=NS
    )


def _sc_degrees(srcr, dstr, ones_l, zeros_np):

    def body(src_hbm, dst_hbm, ones_hbm, z_hbm, dsrc_out, ddst_out,
             sidx, didx, ones_v, dsrc_sh, ddst_sh, ssem):
        c = lax.axis_index("c")
        s = lax.axis_index("s")
        w = s * NC + c
        stripe = pl.ds(s * NSTRIPED, NSTRIPED)
        pltpu.sync_copy(z_hbm.at[stripe], dsrc_sh.at[stripe])
        pltpu.sync_copy(z_hbm.at[stripe], ddst_sh.at[stripe])
        pltpu.sync_copy(ones_hbm, ones_v)
        pltpu.sync_copy(src_hbm.at[w], sidx)
        pltpu.sync_copy(dst_hbm.at[w], didx)
        plsc.subcore_barrier()

        def drain_group():
            for _ in range(DEG_G):
                pltpu.make_async_copy(ones_v, dsrc_sh.at[sidx.at[0]], ssem).wait()
                pltpu.make_async_copy(ones_v, ddst_sh.at[didx.at[0]], ssem).wait()

        def group(g, carry):
            @pl.when(g >= 1)
            def _():
                drain_group()
            for b in range(DEG_G):
                j = g * DEG_G + b
                pltpu.async_copy(ones_v, dsrc_sh.at[sidx.at[j]], ssem, add=True)
                pltpu.async_copy(ones_v, ddst_sh.at[didx.at[j]], ssem, add=True)
            return carry

        lax.fori_loop(0, CH32 // DEG_G, group, 0)
        drain_group()
        plsc.subcore_barrier()
        pltpu.sync_copy(dsrc_sh.at[stripe], dsrc_out.at[c, stripe])
        pltpu.sync_copy(ddst_sh.at[stripe], ddst_out.at[c, stripe])

    f = pl.kernel(
        body,
        out_type=(
            jax.ShapeDtypeStruct((NC, NPD), jnp.float32),
            jax.ShapeDtypeStruct((NC, NPD), jnp.float32),
        ),
        mesh=_mesh(),
        scratch_types=[
            pltpu.VMEM((CH32, L32), jnp.int32),
            pltpu.VMEM((CH32, L32), jnp.int32),
            pltpu.VMEM((L32,), jnp.float32),
            pltpu.VMEM_SHARED((NPD,), jnp.float32),
            pltpu.VMEM_SHARED((NPD,), jnp.float32),
            pltpu.SemaphoreType.DMA,
        ],
    )
    return f(srcr, dstr, ones_l, zeros_np)


def _sc_aggregate(h, srcr, dstr, zeros_nd, d, K, L, CH, h_in_spmem=False):
    R = CH // K

    def body(h_hbm, src_hbm, dst_hbm, z_hbm, agg_out, *scratch):
        if h_in_spmem:
            sidx, didx, rows, agg_sh, h_sh, gsem, ssem = scratch
        else:
            sidx, didx, rows, agg_sh, gsem, ssem = scratch
        c = lax.axis_index("c")
        s = lax.axis_index("s")
        w = s * NC + c
        stripe = pl.ds(s * NSTRIPE, NSTRIPE)
        pltpu.sync_copy(z_hbm.at[stripe], agg_sh.at[stripe])
        if h_in_spmem:
            pltpu.sync_copy(h_hbm.at[stripe], h_sh.at[stripe])
        pltpu.sync_copy(src_hbm.at[w], sidx)
        pltpu.sync_copy(dst_hbm.at[w], didx)
        plsc.subcore_barrier()
        h_src = h_sh if h_in_spmem else h_hbm

        def gather_group(r, grp):
            for b in range(K):
                pltpu.async_copy(h_src.at[sidx.at[r * K + b]],
                                 rows.at[grp + b], gsem)

        def drain(sem, src_dummy, dst_dummy, count):
            for _ in range(count):
                pltpu.make_async_copy(src_dummy, dst_dummy, sem).wait()

        gather_group(0, 0)

        def round_body(r, carry):
            p = (r % 2) * K
            q = K - p

            @pl.when(r >= 1)
            def _():
                drain(ssem, rows.at[0], agg_sh.at[didx.at[0]], K)

            @pl.when(r + 1 < R)
            def _():
                gather_group(r + 1, q)

            drain(gsem, h_src.at[sidx.at[0]], rows.at[0], K)
            for b in range(K):
                pltpu.async_copy(rows.at[p + b],
                                 agg_sh.at[didx.at[r * K + b]],
                                 ssem, add=True)
            return carry

        lax.fori_loop(0, R, round_body, 0)
        drain(ssem, rows.at[0], agg_sh.at[didx.at[0]], K)
        plsc.subcore_barrier()
        pltpu.sync_copy(agg_sh.at[stripe], agg_out.at[c, stripe])

    scratch_types = [
        pltpu.VMEM((CH, L), jnp.int32),
        pltpu.VMEM((CH, L), jnp.int32),
        pltpu.VMEM((2 * K, L, d), jnp.float32),
        pltpu.VMEM_SHARED((NP, d), jnp.float32),
    ]
    if h_in_spmem:
        scratch_types.append(pltpu.VMEM_SHARED((NP, d), jnp.float32))
    scratch_types += [pltpu.SemaphoreType.DMA, pltpu.SemaphoreType.DMA]

    f = pl.kernel(
        body,
        out_type=jax.ShapeDtypeStruct((NC, NP, d), jnp.float32),
        mesh=_mesh(),
        compiler_params=pltpu.CompilerParams(use_tc_tiling_on_sc=False),
        scratch_types=scratch_types,
    )
    return f(h, srcr, dstr, zeros_nd)


def _sc_aggregate_split(h_halves, srcr3, dstr3, zeros_nd):
    K, L, CH = 2, L128, CH128
    R = CH // K

    def body(h_hbm, src_hbm, dst_hbm, z_hbm, agg_out,
             sidx, didx, rows, agg_sh, h_sh, gsem, ssem):
        c = lax.axis_index("c")
        s = lax.axis_index("s")
        stripe = pl.ds(s * NSTRIPE, NSTRIPE)
        pltpu.sync_copy(z_hbm.at[stripe], agg_sh.at[stripe])
        pltpu.sync_copy(h_hbm.at[c, stripe], h_sh.at[stripe])
        plsc.subcore_barrier()

        def drain(sem, src_dummy, dst_dummy, count):
            for _ in range(count):
                pltpu.make_async_copy(src_dummy, dst_dummy, sem).wait()

        for ph in range(2):
            pltpu.sync_copy(src_hbm.at[s, ph], sidx)
            pltpu.sync_copy(dst_hbm.at[s, ph], didx)

            def gather_group(r, grp):
                for b in range(K):
                    pltpu.async_copy(h_sh.at[sidx.at[r * K + b]],
                                     rows.at[grp + b], gsem)

            gather_group(0, 0)

            def round_body(r, carry):
                p = (r % 2) * K
                q = K - p

                @pl.when(r >= 1)
                def _():
                    drain(ssem, rows.at[0], agg_sh.at[didx.at[0]], K)

                @pl.when(r + 1 < R)
                def _():
                    gather_group(r + 1, q)

                drain(gsem, h_sh.at[sidx.at[0]], rows.at[0], K)
                for b in range(K):
                    pltpu.async_copy(rows.at[p + b],
                                     agg_sh.at[didx.at[r * K + b]],
                                     ssem, add=True)
                return carry

            lax.fori_loop(0, R, round_body, 0)
            drain(ssem, rows.at[0], agg_sh.at[didx.at[0]], K)

        plsc.subcore_barrier()
        pltpu.sync_copy(agg_sh.at[stripe], agg_out.at[c, stripe])

    f = pl.kernel(
        body,
        out_type=jax.ShapeDtypeStruct((NC, NP, 64), jnp.float32),
        mesh=_mesh(),
        compiler_params=pltpu.CompilerParams(use_tc_tiling_on_sc=False),
        scratch_types=[
            pltpu.VMEM((CH, L), jnp.int32),
            pltpu.VMEM((CH, L), jnp.int32),
            pltpu.VMEM((2 * K, L, 64), jnp.float32),
            pltpu.VMEM_SHARED((NP, 64), jnp.float32),
            pltpu.VMEM_SHARED((NP, 64), jnp.float32),
            pltpu.SemaphoreType.DMA,
            pltpu.SemaphoreType.DMA,
        ],
    )
    return f(h_halves, srcr3, dstr3, zeros_nd)


def _tc_norms_h0(degs, degd, z_pad):

    def body(ds_ref, dd_ref, z_ref, ns_ref, nd_ref, h0_ref):
        dsum_s = ds_ref[0] + ds_ref[1]
        dsum_d = dd_ref[0] + dd_ref[1]
        ns = jnp.where(dsum_s > 0, lax.rsqrt(dsum_s), 0.0)
        nd = jnp.where(dsum_d > 0, lax.rsqrt(dsum_d), 0.0)
        ns_ref[...] = ns
        nd_ref[...] = nd
        h0_ref[...] = z_ref[...] * ns

    return pl.pallas_call(
        body,
        out_shape=(
            jax.ShapeDtypeStruct((NP, 1), jnp.float32),
            jax.ShapeDtypeStruct((NP, 1), jnp.float32),
            jax.ShapeDtypeStruct((NP, z_pad.shape[1]), jnp.float32),
        ),
    )(degs, degd, z_pad)


def _tc_layer(agg_part, W, b, norm_dst, norm_src, scale_src, d_out,
              out_rows=NP):

    def body(a_ref, w_ref, b_ref, nd_ref, ns_ref, o_ref):
        agg = a_ref[0] + a_ref[1]
        r = jnp.dot(agg, w_ref[...], preferred_element_type=jnp.float32)
        r = r * nd_ref[...] + b_ref[...]
        r = jnp.maximum(r, 0.0)
        if scale_src:
            r = r * ns_ref[...]
        o_ref[...] = r[:out_rows]

    return pl.pallas_call(
        body,
        out_shape=jax.ShapeDtypeStruct((out_rows, d_out), jnp.float32),
    )(agg_part, W, b.reshape(1, -1), norm_dst, norm_src)


def _tc_layer3_halves(agg_part, W, b, norm_dst, norm_src):

    def body(a_ref, w_ref, b_ref, nd_ref, ns_ref, o_ref):
        agg = a_ref[0] + a_ref[1]
        r = jnp.dot(agg, w_ref[...], preferred_element_type=jnp.float32)
        r = r * nd_ref[...] + b_ref[...]
        r = jnp.maximum(r, 0.0) * ns_ref[...]
        o_ref[0] = r[:, :64]
        o_ref[1] = r[:, 64:]

    return pl.pallas_call(
        body,
        out_shape=jax.ShapeDtypeStruct((2, NP, 64), jnp.float32),
    )(agg_part, W, b.reshape(1, -1), norm_dst, norm_src)


def _tc_layer4(agg_halves, W, b, norm_dst):

    def body(a_ref, w_ref, b_ref, nd_ref, o_ref):
        ra = jnp.dot(a_ref[0], w_ref[:64, :],
                     preferred_element_type=jnp.float32)
        rb = jnp.dot(a_ref[1], w_ref[64:, :],
                     preferred_element_type=jnp.float32)
        r = (ra + rb) * nd_ref[...] + b_ref[...]
        o_ref[...] = jnp.maximum(r, 0.0)[:N]

    return pl.pallas_call(
        body,
        out_shape=jax.ShapeDtypeStruct((N, 128), jnp.float32),
    )(agg_halves, W, b.reshape(1, -1), norm_dst)


def _pad_edges(idx, ep, ch, l):
    padded = jnp.concatenate([idx, jnp.full((ep - E,), N, jnp.int32)])
    return padded.reshape(NW, ch, l)


def kernel(z, edge_index, W1, b1, W2, b2, W3, b3, W4, b4):
    src = edge_index[0]
    dst = edge_index[1]
    srcr = _pad_edges(src, EP32, CH32, L32)
    dstr = _pad_edges(dst, EP32, CH32, L32)
    srcr2 = _pad_edges(src, EP128, CH128, L128)
    dstr2 = _pad_edges(dst, EP128, CH128, L128)
    srcr3 = srcr2.reshape(NS, 2, CH128, L128)
    dstr3 = dstr2.reshape(NS, 2, CH128, L128)
    z_pad = jnp.zeros((NP, z.shape[1]), jnp.float32).at[:N].set(z)

    ones_l = jnp.ones((L32,), jnp.float32)
    zeros_npd = jnp.zeros((NPD,), jnp.float32)

    degs, degd = _sc_degrees(srcr, dstr, ones_l, zeros_npd)
    ns, nd, h0 = _tc_norms_h0(degs[:, :NP, None], degd[:, :NP, None], z_pad)

    zeros32 = jnp.zeros((NP, 32), jnp.float32)
    agg = _sc_aggregate(h0, srcr, dstr, zeros32, 32, 8, L32, CH32,
                        h_in_spmem=True)
    h1 = _tc_layer(agg, W1, b1, nd, ns, True, 32)
    agg = _sc_aggregate(h1, srcr, dstr, zeros32, 32, 8, L32, CH32,
                        h_in_spmem=True)
    zeros64 = jnp.zeros((NP, 64), jnp.float32)
    h2 = _tc_layer(agg, W2, b2, nd, ns, True, 64)
    agg = _sc_aggregate(h2, srcr2, dstr2, zeros64, 64, 2, L128, CH128,
                        h_in_spmem=True)
    h3 = _tc_layer3_halves(agg, W3, b3, nd, ns)
    agg = _sc_aggregate_split(h3, srcr3, dstr3, zeros64)
    x4 = _tc_layer4(agg, W4, b4, nd)
    return x4

# --- scband reference (transcript-rebuilt; emitter-appended) ---
"""Pipeline reference for scband-attr-decoder-45466523796172 (READ-ONLY COPY).

The authoritative reference and input builder live on the scoring server;
editing this copy changes nothing except your own understanding.
"""

import jax, jax.numpy as jnp
import numpy as np

N = 10000
E = 320000
D_IN = 128
D1 = 128
D2 = 64
D3 = 32
DROPOUT = 0.0  # dropout prob; 0.0 -> identity (deterministic reference)


def _xavier(key, fan_in, fan_out):
    limit = float(np.sqrt(6.0 / (fan_in + fan_out)))
    return jax.random.uniform(key, (fan_in, fan_out), minval=-limit, maxval=limit, dtype=jnp.float32)


def setup_inputs(seed: int = 0) -> dict:
    key = jax.random.key(seed)
    ks = jax.random.split(key, 8)
    z = jax.random.normal(ks[0], (N, D3), dtype=jnp.float32)
    edge_index = jax.random.randint(ks[1], (2, E), 0, N, dtype=jnp.int32)
    # GraphConv layer weights: dec1: 32->32, dec2: 32->64, dec3: 64->128, dec4: 128->128
    W1 = _xavier(ks[2], D3, D3)
    b1 = jnp.zeros((D3,), dtype=jnp.float32)
    W2 = _xavier(ks[3], D3, D2)
    b2 = jnp.zeros((D2,), dtype=jnp.float32)
    W3 = _xavier(ks[4], D2, D1)
    b3 = jnp.zeros((D1,), dtype=jnp.float32)
    W4 = _xavier(ks[5], D1, D_IN)
    b4 = jnp.zeros((D_IN,), dtype=jnp.float32)
    return {"z": z, "edge_index": edge_index, "W1": W1, "b1": b1, "W2": W2, "b2": b2, "W3": W3, "b3": b3, "W4": W4, "b4": b4}


def _graph_conv(x, W, b, src, dst, norm_src, norm_dst):
    # DGL GraphConv with norm='both', in_feats <= out_feats path:
    # normalize by src out-degree, aggregate (copy_src + sum), matmul, normalize by dst in-degree, bias, relu
    h = x * norm_src[:, None]
    msgs = jnp.take(h, src, axis=0)
    agg = jax.ops.segment_sum(msgs, dst, num_segments=N)
    rst = agg @ W
    rst = rst * norm_dst[:, None]
    rst = rst + b
    return jax.nn.relu(rst)


def reference(z, edge_index, W1, b1, W2, b2, W3, b3, W4, b4):
    src = edge_index[0]
    dst = edge_index[1]
    ones = jnp.ones((E,), dtype=jnp.float32)
    deg_out = jax.ops.segment_sum(ones, src, num_segments=N)
    deg_in = jax.ops.segment_sum(ones, dst, num_segments=N)
    norm_src = jnp.where(deg_out > 0, deg_out ** -0.5, 0.0)
    norm_dst = jnp.where(deg_in > 0, deg_in ** -0.5, 0.0)
    x1 = _graph_conv(z, W1, b1, src, dst, norm_src, norm_dst)
    x2 = _graph_conv(x1, W2, b2, src, dst, norm_src, norm_dst)
    x3 = _graph_conv(x2, W3, b3, src, dst, norm_src, norm_dst)
    x4 = _graph_conv(x3, W4, b4, src, dst, norm_src, norm_dst)
    # dropout p=0.0 -> identity
    return x4

if __name__ == "__main__":
    import jax
    _d = setup_inputs()
    print(jax.jit(kernel)(*tuple(_d.values())))

</pallas_src>

<mosaic_0001>
#map = affine_map<(d0, d1) -> (0, 0)>
#map1 = affine_map<(d0, d1) -> (0, 0, 0)>
module attributes {stable_mosaic.version = 14 : i64} {
  func.func @body(%arg0: i32, %arg1: i32, %arg2: memref<10016x32xf32, #tpu.memory_space<hbm>>, %arg3: memref<32x80x128xi32, #tpu.memory_space<hbm>>, %arg4: memref<32x80x128xi32, #tpu.memory_space<hbm>>, %arg5: memref<10016x32xf32, #tpu.memory_space<hbm>>, %arg6: memref<2x10016x32xf32, #tpu.memory_space<hbm>>, %arg7: memref<80x128xi32, #tpu.memory_space<vmem>>, %arg8: memref<80x128xi32, #tpu.memory_space<vmem>>, %arg9: memref<16x128x32xf32, #tpu.memory_space<vmem>>, %arg10: memref<10016x32xf32, #tpu.memory_space<vmem_shared>>, %arg11: memref<10016x32xf32, #tpu.memory_space<vmem_shared>>, %arg12: memref<!tpu.dma_semaphore, #tpu.memory_space<semaphore_mem>>, %arg13: memref<!tpu.dma_semaphore, #tpu.memory_space<semaphore_mem>>) attributes {dimension_semantics = [#tpu.dimension_semantics<core_parallel>, #tpu.dimension_semantics<subcore_parallel>], iteration_bounds = array<i64: 2, 16>, scalar_prefetch = 0 : i64, scratch_operands = 7 : i64, tpu.core_type = #tpu.core_type<sc_vector_subcore>, window_params = [{transform_indices = #map}, {transform_indices = #map1}, {transform_indices = #map1}, {transform_indices = #map}, {transform_indices = #map1}]} {
    %mul3A = arith.constant 2 : i32
    %mul3A_0 = arith.muli %arg1, %mul3A : i32
    %add3A = arith.addi %mul3A_0, %arg0 : i32
    %mul3A_1 = arith.constant 626 : i32
    %mul3A_2 = arith.muli %arg1, %mul3A_1 : i32
    "tpu.region"() ({
      %run_scoped3A = tpu.sem_alloc : memref<!tpu.dma_semaphore, #tpu.memory_space<semaphore_mem>>
      %dma_start3A_199 = arith.constant 0 : i32
      %dma_start3A_200 = tpu.memref_slice %arg10[%mul3A_2, %dma_start3A_199] : memref<10016x32xf32, #tpu.memory_space<vmem_shared>> -> memref<626x32xf32, #tpu.memory_space<vmem_shared>>
      %dma_start3A_201 = arith.constant 0 : i32
      %dma_start3A_202 = tpu.memref_slice %arg5[%mul3A_2, %dma_start3A_201] : memref<10016x32xf32, #tpu.memory_space<hbm>> -> memref<626x32xf32, #tpu.memory_space<hbm>>
      tpu.enqueue_dma source(%dma_start3A_202 : memref<626x32xf32, #tpu.memory_space<hbm>>) target(%dma_start3A_200 : memref<626x32xf32, #tpu.memory_space<vmem_shared>>) target_semaphore(%run_scoped3A : memref<!tpu.dma_semaphore, #tpu.memory_space<semaphore_mem>>)
      %dma_wait3A_203 = arith.constant 0 : i32
      %dma_wait3A_204 = tpu.memref_slice %arg10[%mul3A_2, %dma_wait3A_203] : memref<10016x32xf32, #tpu.memory_space<vmem_shared>> -> memref<626x32xf32, #tpu.memory_space<vmem_shared>>
      %dma_wait3A_205 = arith.constant 0 : i32
      %dma_wait3A_206 = tpu.memref_slice %arg5[%mul3A_2, %dma_wait3A_205] : memref<10016x32xf32, #tpu.memory_space<hbm>> -> memref<626x32xf32, #tpu.memory_space<hbm>>
      tpu.wait_dma2 semaphore(%run_scoped3A : memref<!tpu.dma_semaphore, #tpu.memory_space<semaphore_mem>>) src(%dma_wait3A_206 : memref<626x32xf32, #tpu.memory_space<hbm>>) dst(%dma_wait3A_204 : memref<626x32xf32, #tpu.memory_space<vmem_shared>>)
      tpu.yield
    }) : () -> ()
    "tpu.region"() ({
      %run_scoped3A = tpu.sem_alloc : memref<!tpu.dma_semaphore, #tpu.memory_space<semaphore_mem>>
      %dma_start3A_199 = arith.constant 0 : i32
      %dma_start3A_200 = tpu.memref_slice %arg11[%mul3A_2, %dma_start3A_199] : memref<10016x32xf32, #tpu.memory_space<vmem_shared>> -> memref<626x32xf32, #tpu.memory_space<vmem_shared>>
      %dma_start3A_201 = arith.constant 0 : i32
      %dma_start3A_202 = tpu.memref_slice %arg2[%mul3A_2, %dma_start3A_201] : memref<10016x32xf32, #tpu.memory_space<hbm>> -> memref<626x32xf32, #tpu.memory_space<hbm>>
      tpu.enqueue_dma source(%dma_start3A_202 : memref<626x32xf32, #tpu.memory_space<hbm>>) target(%dma_start3A_200 : memref<626x32xf32, #tpu.memory_space<vmem_shared>>) target_semaphore(%run_scoped3A : memref<!tpu.dma_semaphore, #tpu.memory_space<semaphore_mem>>)
      %dma_wait3A_203 = arith.constant 0 : i32
      %dma_wait3A_204 = tpu.memref_slice %arg11[%mul3A_2, %dma_wait3A_203] : memref<10016x32xf32, #tpu.memory_space<vmem_shared>> -> memref<626x32xf32, #tpu.memory_space<vmem_shared>>
      %dma_wait3A_205 = arith.constant 0 : i32
      %dma_wait3A_206 = tpu.memref_slice %arg2[%mul3A_2, %dma_wait3A_205] : memref<10016x32xf32, #tpu.memory_space<hbm>> -> memref<626x32xf32, #tpu.memory_space<hbm>>
      tpu.wait_dma2 semaphore(%run_scoped3A : memref<!tpu.dma_semaphore, #tpu.memory_space<semaphore_mem>>) src(%dma_wait3A_206 : memref<626x32xf32, #tpu.memory_space<hbm>>) dst(%dma_wait3A_204 : memref<626x32xf32, #tpu.memory_space<vmem_shared>>)
      tpu.yield
    }) : () -> ()
    "tpu.region"() ({
      %run_scoped3A = tpu.sem_alloc : memref<!tpu.dma_semaphore, #tpu.memory_space<semaphore_mem>>
      %dma_start3A_199 = arith.constant 0 : i32
      %dma_start3A_200 = arith.constant 0 : i32
      %dma_start3A_201 = tpu.memref_slice %arg3[%add3A, %dma_start3A_199, %dma_start3A_200] : memref<32x80x128xi32, #tpu.memory_space<hbm>> -> memref<1x80x128xi32, #tpu.memory_space<hbm>>
      %dma_start3A_202 = tpu.memref_squeeze %dma_start3A_201 : memref<1x80x128xi32, #tpu.memory_space<hbm>> -> memref<80x128xi32, #tpu.memory_space<hbm>>
      %dma_start3A_203 = arith.constant 0 : i32
      %dma_start3A_204 = arith.constant 0 : i32
      %dma_start3A_205 = tpu.memref_slice %arg3[%add3A, %dma_start3A_203, %dma_start3A_204] : memref<32x80x128xi32, #tpu.memory_space<hbm>> -> memref<1x80x128xi32, #tpu.memory_space<hbm>>
      %dma_start3A_206 = tpu.memref_squeeze %dma_start3A_205 : memref<1x80x128xi32, #tpu.memory_space<hbm>> -> memref<80x128xi32, #tpu.memory_space<hbm>>
      tpu.enqueue_dma source(%dma_start3A_206 : memref<80x128xi32, #tpu.memory_space<hbm>>) target(%arg7 : memref<80x128xi32, #tpu.memory_space<vmem>>) target_semaphore(%run_scoped3A : memref<!tpu.dma_semaphore, #tpu.memory_space<semaphore_mem>>)
      %dma_wait3A_207 = arith.constant 0 : i32
      %dma_wait3A_208 = arith.constant 0 : i32
      %dma_wait3A_209 = tpu.memref_slice %arg3[%add3A, %dma_wait3A_207, %dma_wait3A_208] : memref<32x80x128xi32, #tpu.memory_space<hbm>> -> memref<1x80x128xi32, #tpu.memory_space<hbm>>
      %dma_wait3A_210 = tpu.memref_squeeze %dma_wait3A_209 : memref<1x80x128xi32, #tpu.memory_space<hbm>> -> memref<80x128xi32, #tpu.memory_space<hbm>>
      %dma_wait3A_211 = arith.constant 0 : i32
      %dma_wait3A_212 = arith.constant 0 : i32
      %dma_wait3A_213 = tpu.memref_slice %arg3[%add3A, %dma_wait3A_211, %dma_wait3A_212] : memref<32x80x128xi32, #tpu.memory_space<hbm>> -> memref<1x80x128xi32, #tpu.memory_space<hbm>>
      %dma_wait3A_214 = tpu.memref_squeeze %dma_wait3A_213 : memref<1x80x128xi32, #tpu.memory_space<hbm>> -> memref<80x128xi32, #tpu.memory_space<hbm>>
      tpu.wait_dma2 semaphore(%run_scoped3A : memref<!tpu.dma_semaphore, #tpu.memory_space<semaphore_mem>>) src(%dma_wait3A_214 : memref<80x128xi32, #tpu.memory_space<hbm>>) dst(%arg7 : memref<80x128xi32, #tpu.memory_space<vmem>>)
      tpu.yield
    }) : () -> ()
    "tpu.region"() ({
      %run_scoped3A = tpu.sem_alloc : memref<!tpu.dma_semaphore, #tpu.memory_space<semaphore_mem>>
      %dma_start3A_199 = arith.constant 0 : i32
      %dma_start3A_200 = arith.constant 0 : i32
      %dma_start3A_201 = tpu.memref_slice %arg4[%add3A, %dma_start3A_199, %dma_start3A_200] : memref<32x80x128xi32, #tpu.memory_space<hbm>> -> memref<1x80x128xi32, #tpu.memory_space<hbm>>
      %dma_start3A_202 = tpu.memref_squeeze %dma_start3A_201 : memref<1x80x128xi32, #tpu.memory_space<hbm>> -> memref<80x128xi32, #tpu.memory_space<hbm>>
      %dma_start3A_203 = arith.constant 0 : i32
      %dma_start3A_204 = arith.constant 0 : i32
      %dma_start3A_205 = tpu.memref_slice %arg4[%add3A, %dma_start3A_203, %dma_start3A_204] : memref<32x80x128xi32, #tpu.memory_space<hbm>> -> memref<1x80x128xi32, #tpu.memory_space<hbm>>
      %dma_start3A_206 = tpu.memref_squeeze %dma_start3A_205 : memref<1x80x128xi32, #tpu.memory_space<hbm>> -> memref<80x128xi32, #tpu.memory_space<hbm>>
      tpu.enqueue_dma source(%dma_start3A_206 : memref<80x128xi32, #tpu.memory_space<hbm>>) target(%arg8 : memref<80x128xi32, #tpu.memory_space<vmem>>) target_semaphore(%run_scoped3A : memref<!tpu.dma_semaphore, #tpu.memory_space<semaphore_mem>>)
      %dma_wait3A_207 = arith.constant 0 : i32
      %dma_wait3A_208 = arith.constant 0 : i32
      %dma_wait3A_209 = tpu.memref_slice %arg4[%add3A, %dma_wait3A_207, %dma_wait3A_208] : memref<32x80x128xi32, #tpu.memory_space<hbm>> -> memref<1x80x128xi32, #tpu.memory_space<hbm>>
      %dma_wait3A_210 = tpu.memref_squeeze %dma_wait3A_209 : memref<1x80x128xi32, #tpu.memory_space<hbm>> -> memref<80x128xi32, #tpu.memory_space<hbm>>
      %dma_wait3A_211 = arith.constant 0 : i32
      %dma_wait3A_212 = arith.constant 0 : i32
      %dma_wait3A_213 = tpu.memref_slice %arg4[%add3A, %dma_wait3A_211, %dma_wait3A_212] : memref<32x80x128xi32, #tpu.memory_space<hbm>> -> memref<1x80x128xi32, #tpu.memory_space<hbm>>
      %dma_wait3A_214 = tpu.memref_squeeze %dma_wait3A_213 : memref<1x80x128xi32, #tpu.memory_space<hbm>> -> memref<80x128xi32, #tpu.memory_space<hbm>>
      tpu.wait_dma2 semaphore(%run_scoped3A : memref<!tpu.dma_semaphore, #tpu.memory_space<semaphore_mem>>) src(%dma_wait3A_214 : memref<80x128xi32, #tpu.memory_space<hbm>>) dst(%arg8 : memref<80x128xi32, #tpu.memory_space<vmem>>)
      tpu.yield
    }) : () -> ()
    %barrier3A = arith.constant 0 : index
    tpu.barrier barrier_id(%barrier3A)
    %dma_start3A = arith.constant 0 : i32
    %dma_start3A_3 = arith.constant 0 : i32
    %dma_start3A_4 = arith.constant 0 : i32
    %dma_start3A_5 = arith.constant 0 : i32
    %dma_start3A_6 = tpu.memref_slice %arg9[%dma_start3A_3, %dma_start3A_4, %dma_start3A_5] : memref<16x128x32xf32, #tpu.memory_space<vmem>> -> memref<1x128x32xf32, #tpu.memory_space<vmem>>
    %dma_start3A_7 = tpu.memref_squeeze %dma_start3A_6 : memref<1x128x32xf32, #tpu.memory_space<vmem>> -> memref<128x32xf32, #tpu.memory_space<vmem>>
    %dma_start3A_8 = arith.constant 0 : i32
    %dma_start3A_9 = tpu.memref_slice %arg7[%dma_start3A, %dma_start3A_8] : memref<80x128xi32, #tpu.memory_space<vmem>> -> memref<1x128xi32, #tpu.memory_space<vmem>>
    %dma_start3A_10 = tpu.memref_squeeze %dma_start3A_9 : memref<1x128xi32, #tpu.memory_space<vmem>> -> memref<128xi32, #tpu.memory_space<vmem>>
    %dma_start3A_11 = arith.constant 0 : i32
    %dma_start3A_12 = arith.constant 0 : i32
    %dma_start3A_13 = tpu.memref_slice %arg11[%dma_start3A_11, %dma_start3A_12] : memref<10016x32xf32, #tpu.memory_space<vmem_shared>> -> memref<10016x32xf32, #tpu.memory_space<vmem_shared>>
    tpu.enqueue_indirect_dma source(%dma_start3A_13 : memref<10016x32xf32, #tpu.memory_space<vmem_shared>>) target(%dma_start3A_7 : memref<128x32xf32, #tpu.memory_space<vmem>>) offsets(%dma_start3A_10 : memref<128xi32, #tpu.memory_space<vmem>>) semaphore(%arg12 : memref<!tpu.dma_semaphore, #tpu.memory_space<semaphore_mem>>)
    %dma_start3A_14 = arith.constant 1 : i32
    %dma_start3A_15 = arith.constant 1 : i32
    %dma_start3A_16 = arith.constant 0 : i32
    %dma_start3A_17 = arith.constant 0 : i32
    %dma_start3A_18 = tpu.memref_slice %arg9[%dma_start3A_15, %dma_start3A_16, %dma_start3A_17] : memref<16x128x32xf32, #tpu.memory_space<vmem>> -> memref<1x128x32xf32, #tpu.memory_space<vmem>>
    %dma_start3A_19 = tpu.memref_squeeze %dma_start3A_18 : memref<1x128x32xf32, #tpu.memory_space<vmem>> -> memref<128x32xf32, #tpu.memory_space<vmem>>
    %dma_start3A_20 = arith.constant 0 : i32
    %dma_start3A_21 = tpu.memref_slice %arg7[%dma_start3A_14, %dma_start3A_20] : memref<80x128xi32, #tpu.memory_space<vmem>> -> memref<1x128xi32, #tpu.memory_space<vmem>>
    %dma_start3A_22 = tpu.memref_squeeze %dma_start3A_21 : memref<1x128xi32, #tpu.memory_space<vmem>> -> memref<128xi32, #tpu.memory_space<vmem>>
    %dma_start3A_23 = arith.constant 0 : i32
    %dma_start3A_24 = arith.constant 0 : i32
    %dma_start3A_25 = tpu.memref_slice %arg11[%dma_start3A_23, %dma_start3A_24] : memref<10016x32xf32, #tpu.memory_space<vmem_shared>> -> memref<10016x32xf32, #tpu.memory_space<vmem_shared>>
    tpu.enqueue_indirect_dma source(%dma_start3A_25 : memref<10016x32xf32, #tpu.memory_space<vmem_shared>>) target(%dma_start3A_19 : memref<128x32xf32, #tpu.memory_space<vmem>>) offsets(%dma_start3A_22 : memref<128xi32, #tpu.memory_space<vmem>>) semaphore(%arg12 : memref<!tpu.dma_semaphore, #tpu.memory_space<semaphore_mem>>)
    %dma_start3A_26 = arith.constant 2 : i32
    %dma_start3A_27 = arith.constant 2 : i32
    %dma_start3A_28 = arith.constant 0 : i32
    %dma_start3A_29 = arith.constant 0 : i32
    %dma_start3A_30 = tpu.memref_slice %arg9[%dma_start3A_27, %dma_start3A_28, %dma_start3A_29] : memref<16x128x32xf32, #tpu.memory_space<vmem>> -> memref<1x128x32xf32, #tpu.memory_space<vmem>>
    %dma_start3A_31 = tpu.memref_squeeze %dma_start3A_30 : memref<1x128x32xf32, #tpu.memory_space<vmem>> -> memref<128x32xf32, #tpu.memory_space<vmem>>
    %dma_start3A_32 = arith.constant 0 : i32
    %dma_start3A_33 = tpu.memref_slice %arg7[%dma_start3A_26, %dma_start3A_32] : memref<80x128xi32, #tpu.memory_space<vmem>> -> memref<1x128xi32, #tpu.memory_space<vmem>>
    %dma_start3A_34 = tpu.memref_squeeze %dma_start3A_33 : memref<1x128xi32, #tpu.memory_space<vmem>> -> memref<128xi32, #tpu.memory_space<vmem>>
    %dma_start3A_35 = arith.constant 0 : i32
    %dma_start3A_36 = arith.constant 0 : i32
    %dma_start3A_37 = tpu.memref_slice %arg11[%dma_start3A_35, %dma_start3A_36] : memref<10016x32xf32, #tpu.memory_space<vmem_shared>> -> memref<10016x32xf32, #tpu.memory_space<vmem_shared>>
    tpu.enqueue_indirect_dma source(%dma_start3A_37 : memref<10016x32xf32, #tpu.memory_space<vmem_shared>>) target(%dma_start3A_31 : memref<128x32xf32, #tpu.memory_space<vmem>>) offsets(%dma_start3A_34 : memref<128xi32, #tpu.memory_space<vmem>>) semaphore(%arg12 : memref<!tpu.dma_semaphore, #tpu.memory_space<semaphore_mem>>)
    %dma_start3A_38 = arith.constant 3 : i32
    %dma_start3A_39 = arith.constant 3 : i32
    %dma_start3A_40 = arith.constant 0 : i32
    %dma_start3A_41 = arith.constant 0 : i32
    %dma_start3A_42 = tpu.memref_slice %arg9[%dma_start3A_39, %dma_start3A_40, %dma_start3A_41] : memref<16x128x32xf32, #tpu.memory_space<vmem>> -> memref<1x128x32xf32, #tpu.memory_space<vmem>>
    %dma_start3A_43 = tpu.memref_squeeze %dma_start3A_42 : memref<1x128x32xf32, #tpu.memory_space<vmem>> -> memref<128x32xf32, #tpu.memory_space<vmem>>
    %dma_start3A_44 = arith.constant 0 : i32
    %dma_start3A_45 = tpu.memref_slice %arg7[%dma_start3A_38, %dma_start3A_44] : memref<80x128xi32, #tpu.memory_space<vmem>> -> memref<1x128xi32, #tpu.memory_space<vmem>>
    %dma_start3A_46 = tpu.memref_squeeze %dma_start3A_45 : memref<1x128xi32, #tpu.memory_space<vmem>> -> memref<128xi32, #tpu.memory_space<vmem>>
    %dma_start3A_47 = arith.constant 0 : i32
    %dma_start3A_48 = arith.constant 0 : i32
    %dma_start3A_49 = tpu.memref_slice %arg11[%dma_start3A_47, %dma_start3A_48] : memref<10016x32xf32, #tpu.memory_space<vmem_shared>> -> memref<10016x32xf32, #tpu.memory_space<vmem_shared>>
    tpu.enqueue_indirect_dma source(%dma_start3A_49 : memref<10016x32xf32, #tpu.memory_space<vmem_shared>>) target(%dma_start3A_43 : memref<128x32xf32, #tpu.memory_space<vmem>>) offsets(%dma_start3A_46 : memref<128xi32, #tpu.memory_space<vmem>>) semaphore(%arg12 : memref<!tpu.dma_semaphore, #tpu.memory_space<semaphore_mem>>)
    %dma_start3A_50 = arith.constant 4 : i32
    %dma_start3A_51 = arith.constant 4 : i32
    %dma_start3A_52 = arith.constant 0 : i32
    %dma_start3A_53 = arith.constant 0 : i32
    %dma_start3A_54 = tpu.memref_slice %arg9[%dma_start3A_51, %dma_start3A_52, %dma_start3A_53] : memref<16x128x32xf32, #tpu.memory_space<vmem>> -> memref<1x128x32xf32, #tpu.memory_space<vmem>>
    %dma_start3A_55 = tpu.memref_squeeze %dma_start3A_54 : memref<1x128x32xf32, #tpu.memory_space<vmem>> -> memref<128x32xf32, #tpu.memory_space<vmem>>
    %dma_start3A_56 = arith.constant 0 : i32
    %dma_start3A_57 = tpu.memref_slice %arg7[%dma_start3A_50, %dma_start3A_56] : memref<80x128xi32, #tpu.memory_space<vmem>> -> memref<1x128xi32, #tpu.memory_space<vmem>>
    %dma_start3A_58 = tpu.memref_squeeze %dma_start3A_57 : memref<1x128xi32, #tpu.memory_space<vmem>> -> memref<128xi32, #tpu.memory_space<vmem>>
    %dma_start3A_59 = arith.constant 0 : i32
    %dma_start3A_60 = arith.constant 0 : i32
    %dma_start3A_61 = tpu.memref_slice %arg11[%dma_start3A_59, %dma_start3A_60] : memref<10016x32xf32, #tpu.memory_space<vmem_shared>> -> memref<10016x32xf32, #tpu.memory_space<vmem_shared>>
    tpu.enqueue_indirect_dma source(%dma_start3A_61 : memref<10016x32xf32, #tpu.memory_space<vmem_shared>>) target(%dma_start3A_55 : memref<128x32xf32, #tpu.memory_space<vmem>>) offsets(%dma_start3A_58 : memref<128xi32, #tpu.memory_space<vmem>>) semaphore(%arg12 : memref<!tpu.dma_semaphore, #tpu.memory_space<semaphore_mem>>)
    %dma_start3A_62 = arith.constant 5 : i32
    %dma_start3A_63 = arith.constant 5 : i32
    %dma_start3A_64 = arith.constant 0 : i32
    %dma_start3A_65 = arith.constant 0 : i32
    %dma_start3A_66 = tpu.memref_slice %arg9[%dma_start3A_63, %dma_start3A_64, %dma_start3A_65] : memref<16x128x32xf32, #tpu.memory_space<vmem>> -> memref<1x128x32xf32, #tpu.memory_space<vmem>>
    %dma_start3A_67 = tpu.memref_squeeze %dma_start3A_66 : memref<1x128x32xf32, #tpu.memory_space<vmem>> -> memref<128x32xf32, #tpu.memory_space<vmem>>
    %dma_start3A_68 = arith.constant 0 : i32
    %dma_start3A_69 = tpu.memref_slice %arg7[%dma_start3A_62, %dma_start3A_68] : memref<80x128xi32, #tpu.memory_space<vmem>> -> memref<1x128xi32, #tpu.memory_space<vmem>>
    %dma_start3A_70 = tpu.memref_squeeze %dma_start3A_69 : memref<1x128xi32, #tpu.memory_space<vmem>> -> memref<128xi32, #tpu.memory_space<vmem>>
    %dma_start3A_71 = arith.constant 0 : i32
    %dma_start3A_72 = arith.constant 0 : i32
    %dma_start3A_73 = tpu.memref_slice %arg11[%dma_start3A_71, %dma_start3A_72] : memref<10016x32xf32, #tpu.memory_space<vmem_shared>> -> memref<10016x32xf32, #tpu.memory_space<vmem_shared>>
    tpu.enqueue_indirect_dma source(%dma_start3A_73 : memref<10016x32xf32, #tpu.memory_space<vmem_shared>>) target(%dma_start3A_67 : memref<128x32xf32, #tpu.memory_space<vmem>>) offsets(%dma_start3A_70 : memref<128xi32, #tpu.memory_space<vmem>>) semaphore(%arg12 : memref<!tpu.dma_semaphore, #tpu.memory_space<semaphore_mem>>)
    %dma_start3A_74 = arith.constant 6 : i32
    %dma_start3A_75 = arith.constant 6 : i32
    %dma_start3A_76 = arith.constant 0 : i32
    %dma_start3A_77 = arith.constant 0 : i32
    %dma_start3A_78 = tpu.memref_slice %arg9[%dma_start3A_75, %dma_start3A_76, %dma_start3A_77] : memref<16x128x32xf32, #tpu.memory_space<vmem>> -> memref<1x128x32xf32, #tpu.memory_space<vmem>>
    %dma_start3A_79 = tpu.memref_squeeze %dma_start3A_78 : memref<1x128x32xf32, #tpu.memory_space<vmem>> -> memref<128x32xf32, #tpu.memory_space<vmem>>
    %dma_start3A_80 = arith.constant 0 : i32
    %dma_start3A_81 = tpu.memref_slice %arg7[%dma_start3A_74, %dma_start3A_80] : memref<80x128xi32, #tpu.memory_space<vmem>> -> memref<1x128xi32, #tpu.memory_space<vmem>>
    %dma_start3A_82 = tpu.memref_squeeze %dma_start3A_81 : memref<1x128xi32, #tpu.memory_space<vmem>> -> memref<128xi32, #tpu.memory_space<vmem>>
    %dma_start3A_83 = arith.constant 0 : i32
    %dma_start3A_84 = arith.constant 0 : i32
    %dma_start3A_85 = tpu.memref_slice %arg11[%dma_start3A_83, %dma_start3A_84] : memref<10016x32xf32, #tpu.memory_space<vmem_shared>> -> memref<10016x32xf32, #tpu.memory_space<vmem_shared>>
    tpu.enqueue_indirect_dma source(%dma_start3A_85 : memref<10016x32xf32, #tpu.memory_space<vmem_shared>>) target(%dma_start3A_79 : memref<128x32xf32, #tpu.memory_space<vmem>>) offsets(%dma_start3A_82 : memref<128xi32, #tpu.memory_space<vmem>>) semaphore(%arg12 : memref<!tpu.dma_semaphore, #tpu.memory_space<semaphore_mem>>)
    %dma_start3A_86 = arith.constant 7 : i32
    %dma_start3A_87 = arith.constant 7 : i32
    %dma_start3A_88 = arith.constant 0 : i32
    %dma_start3A_89 = arith.constant 0 : i32
    %dma_start3A_90 = tpu.memref_slice %arg9[%dma_start3A_87, %dma_start3A_88, %dma_start3A_89] : memref<16x128x32xf32, #tpu.memory_space<vmem>> -> memref<1x128x32xf32, #tpu.memory_space<vmem>>
    %dma_start3A_91 = tpu.memref_squeeze %dma_start3A_90 : memref<1x128x32xf32, #tpu.memory_space<vmem>> -> memref<128x32xf32, #tpu.memory_space<vmem>>
    %dma_start3A_92 = arith.constant 0 : i32
    %dma_start3A_93 = tpu.memref_slice %arg7[%dma_start3A_86, %dma_start3A_92] : memref<80x128xi32, #tpu.memory_space<vmem>> -> memref<1x128xi32, #tpu.memory_space<vmem>>
    %dma_start3A_94 = tpu.memref_squeeze %dma_start3A_93 : memref<1x128xi32, #tpu.memory_space<vmem>> -> memref<128xi32, #tpu.memory_space<vmem>>
    %dma_start3A_95 = arith.constant 0 : i32
    %dma_start3A_96 = arith.constant 0 : i32
    %dma_start3A_97 = tpu.memref_slice %arg11[%dma_start3A_95, %dma_start3A_96] : memref<10016x32xf32, #tpu.memory_space<vmem_shared>> -> memref<10016x32xf32, #tpu.memory_space<vmem_shared>>
    tpu.enqueue_indirect_dma source(%dma_start3A_97 : memref<10016x32xf32, #tpu.memory_space<vmem_shared>>) target(%dma_start3A_91 : memref<128x32xf32, #tpu.memory_space<vmem>>) offsets(%dma_start3A_94 : memref<128xi32, #tpu.memory_space<vmem>>) semaphore(%arg12 : memref<!tpu.dma_semaphore, #tpu.memory_space<semaphore_mem>>)
    %scan3A = arith.constant 0 : i32
    %scan3A_98 = arith.constant 0 : i32
    %scan3A_99 = arith.constant 10 : i32
    %scan3A_100 = arith.addi %scan3A_98, %scan3A_99 : i32
    %scan3A_101 = arith.constant 1 : i32
    scf.for %scan3A_199 = %scan3A_98 to %scan3A_100 step %scan3A_101  : i32 {
      %jit3A = arith.constant 2 : i32
      %eq3A = arith.constant 0 : i32
      %eq3A_200 = arith.cmpi eq, %jit3A, %eq3A : i32
      %jit3A_201 = arith.constant 1 : i32
      %select_n3A = arith.select %eq3A_200, %jit3A_201, %jit3A : i32
      %rem3A = arith.remsi %scan3A_199, %select_n3A : i32
      %ne3A = arith.constant 0 : i32
      %ne3A_202 = arith.cmpi ne, %rem3A, %ne3A : i32
      %lt3A = arith.constant 0 : i32
      %lt3A_203 = arith.cmpi slt, %rem3A, %lt3A : i32
      %lt3A_204 = arith.constant 0 : i32
      %lt3A_205 = arith.cmpi slt, %select_n3A, %lt3A_204 : i32
      %ne3A_206 = arith.xori %lt3A_203, %lt3A_205 : i1
      %and3A = arith.andi %ne3A_206, %ne3A_202 : i1
      %add3A_207 = arith.addi %rem3A, %select_n3A : i32
      %select_n3A_208 = arith.select %and3A, %add3A_207, %rem3A : i32
      %mul3A_209 = arith.constant 8 : i32
      %mul3A_210 = arith.muli %select_n3A_208, %mul3A_209 : i32
      %sub3A = arith.constant 8 : i32
      %sub3A_211 = arith.subi %sub3A, %mul3A_210 : i32
      %ge3A = arith.constant 1 : i32
      %ge3A_212 = arith.cmpi sge, %scan3A_199, %ge3A : i32
      %convert_element_type3A = arith.extui %ge3A_212 : i1 to i32
      %cond3A = arith.constant 0 : i32
      %cond3A_213 = arith.cmpi ne, %convert_element_type3A, %cond3A : i32
      scf.if %cond3A_213 {
        %dma_wait3A_445 = arith.constant 0 : i32
        %dma_wait3A_446 = arith.constant 0 : i32
        %dma_wait3A_447 = arith.constant 0 : i32
        %dma_wait3A_448 = arith.constant 0 : i32
        %dma_wait3A_449 = tpu.memref_slice %arg9[%dma_wait3A_445, %dma_wait3A_447, %dma_wait3A_448] : memref<16x128x32xf32, #tpu.memory_space<vmem>> -> memref<1x128x32xf32, #tpu.memory_space<vmem>>
        %dma_wait3A_450 = tpu.memref_squeeze %dma_wait3A_449 : memref<1x128x32xf32, #tpu.memory_space<vmem>> -> memref<128x32xf32, #tpu.memory_space<vmem>>
        %dma_wait3A_451 = arith.constant 0 : i32
        %dma_wait3A_452 = tpu.memref_slice %arg8[%dma_wait3A_446, %dma_wait3A_451] : memref<80x128xi32, #tpu.memory_space<vmem>> -> memref<1x128xi32, #tpu.memory_space<vmem>>
        %dma_wait3A_453 = tpu.memref_squeeze %dma_wait3A_452 : memref<1x128xi32, #tpu.memory_space<vmem>> -> memref<128xi32, #tpu.memory_space<vmem>>
        %dma_wait3A_454 = arith.constant 0 : i32
        %dma_wait3A_455 = arith.constant 0 : i32
        %dma_wait3A_456 = tpu.memref_slice %arg10[%dma_wait3A_454, %dma_wait3A_455] : memref<10016x32xf32, #tpu.memory_space<vmem_shared>> -> memref<10016x32xf32, #tpu.memory_space<vmem_shared>>
        tpu.wait_indirect_dma semaphore(%arg13 : memref<!tpu.dma_semaphore, #tpu.memory_space<semaphore_mem>>) src(%dma_wait3A_450 : memref<128x32xf32, #tpu.memory_space<vmem>>) dst(%dma_wait3A_456 : memref<10016x32xf32, #tpu.memory_space<vmem_shared>>)
        %dma_wait3A_457 = arith.constant 0 : i32
        %dma_wait3A_458 = arith.constant 0 : i32
        %dma_wait3A_459 = arith.constant 0 : i32
        %dma_wait3A_460 = arith.constant 0 : i32
        %dma_wait3A_461 = tpu.memref_slice %arg9[%dma_wait3A_457, %dma_wait3A_459, %dma_wait3A_460] : memref<16x128x32xf32, #tpu.memory_space<vmem>> -> memref<1x128x32xf32, #tpu.memory_space<vmem>>
        %dma_wait3A_462 = tpu.memref_squeeze %dma_wait3A_461 : memref<1x128x32xf32, #tpu.memory_space<vmem>> -> memref<128x32xf32, #tpu.memory_space<vmem>>
        %dma_wait3A_463 = arith.constant 0 : i32
        %dma_wait3A_464 = tpu.memref_slice %arg8[%dma_wait3A_458, %dma_wait3A_463] : memref<80x128xi32, #tpu.memory_space<vmem>> -> memref<1x128xi32, #tpu.memory_space<vmem>>
        %dma_wait3A_465 = tpu.memref_squeeze %dma_wait3A_464 : memref<1x128xi32, #tpu.memory_space<vmem>> -> memref<128xi32, #tpu.memory_space<vmem>>
        %dma_wait3A_466 = arith.constant 0 : i32
        %dma_wait3A_467 = arith.constant 0 : i32
        %dma_wait3A_468 = tpu.memref_slice %arg10[%dma_wait3A_466, %dma_wait3A_467] : memref<10016x32xf32, #tpu.memory_space<vmem_shared>> -> memref<10016x32xf32, #tpu.memory_space<vmem_shared>>
        tpu.wait_indirect_dma semaphore(%arg13 : memref<!tpu.dma_semaphore, #tpu.memory_space<semaphore_mem>>) src(%dma_wait3A_462 : memref<128x32xf32, #tpu.memory_space<vmem>>) dst(%dma_wait3A_468 : memref<10016x32xf32, #tpu.memory_space<vmem_shared>>)
        %dma_wait3A_469 = arith.constant 0 : i32
        %dma_wait3A_470 = arith.constant 0 : i32
        %dma_wait3A_471 = arith.constant 0 : i32
        %dma_wait3A_472 = arith.constant 0 : i32
        %dma_wait3A_473 = tpu.memref_slice %arg9[%dma_wait3A_469, %dma_wait3A_471, %dma_wait3A_472] : memref<16x128x32xf32, #tpu.memory_space<vmem>> -> memref<1x128x32xf32, #tpu.memory_space<vmem>>
        %dma_wait3A_474 = tpu.memref_squeeze %dma_wait3A_473 : memref<1x128x32xf32, #tpu.memory_space<vmem>> -> memref<128x32xf32, #tpu.memory_space<vmem>>
        %dma_wait3A_475 = arith.constant 0 : i32
        %dma_wait3A_476 = tpu.memref_slice %arg8[%dma_wait3A_470, %dma_wait3A_475] : memref<80x128xi32, #tpu.memory_space<vmem>> -> memref<1x128xi32, #tpu.memory_space<vmem>>
        %dma_wait3A_477 = tpu.memref_squeeze %dma_wait3A_476 : memref<1x128xi32, #tpu.memory_space<vmem>> -> memref<128xi32, #tpu.memory_space<vmem>>
        %dma_wait3A_478 = arith.constant 0 : i32
        %dma_wait3A_479 = arith.constant 0 : i32
        %dma_wait3A_480 = tpu.memref_slice %arg10[%dma_wait3A_478, %dma_wait3A_479] : memref<10016x32xf32, #tpu.memory_space<vmem_shared>> -> memref<10016x32xf32, #tpu.memory_space<vmem_shared>>
        tpu.wait_indirect_dma semaphore(%arg13 : memref<!tpu.dma_semaphore, #tpu.memory_space<semaphore_mem>>) src(%dma_wait3A_474 : memref<128x32xf32, #tpu.memory_space<vmem>>) dst(%dma_wait3A_480 : memref<10016x32xf32, #tpu.memory_space<vmem_shared>>)
        %dma_wait3A_481 = arith.constant 0 : i32
        %dma_wait3A_482 = arith.constant 0 : i32
        %dma_wait3A_483 = arith.constant 0 : i32
        %dma_wait3A_484 = arith.constant 0 : i32
        %dma_wait3A_485 = tpu.memref_slice %arg9[%dma_wait3A_481, %dma_wait3A_483, %dma_wait3A_484] : memref<16x128x32xf32, #tpu.memory_space<vmem>> -> memref<1x128x32xf32, #tpu.memory_space<vmem>>
        %dma_wait3A_486 = tpu.memref_squeeze %dma_wait3A_485 : memref<1x128x32xf32, #tpu.memory_space<vmem>> -> memref<128x32xf32, #tpu.memory_space<vmem>>
        %dma_wait3A_487 = arith.constant 0 : i32
        %dma_wait3A_488 = tpu.memref_slice %arg8[%dma_wait3A_482, %dma_wait3A_487] : memref<80x128xi32, #tpu.memory_space<vmem>> -> memref<1x128xi32, #tpu.memory_space<vmem>>
        %dma_wait3A_489 = tpu.memref_squeeze %dma_wait3A_488 : memref<1x128xi32, #tpu.memory_space<vmem>> -> memref<128xi32, #tpu.memory_space<vmem>>
        %dma_wait3A_490 = arith.constant 0 : i32
        %dma_wait3A_491 = arith.constant 0 : i32
        %dma_wait3A_492 = tpu.memref_slice %arg10[%dma_wait3A_490, %dma_wait3A_491] : memref<10016x32xf32, #tpu.memory_space<vmem_shared>> -> memref<10016x32xf32, #tpu.memory_space<vmem_shared>>
        tpu.wait_indirect_dma semaphore(%arg13 : memref<!tpu.dma_semaphore, #tpu.memory_space<semaphore_mem>>) src(%dma_wait3A_486 : memref<128x32xf32, #tpu.memory_space<vmem>>) dst(%dma_wait3A_492 : memref<10016x32xf32, #tpu.memory_space<vmem_shared>>)
        %dma_wait3A_493 = arith.constant 0 : i32
        %dma_wait3A_494 = arith.constant 0 : i32
        %dma_wait3A_495 = arith.constant 0 : i32
        %dma_wait3A_496 = arith.constant 0 : i32
        %dma_wait3A_497 = tpu.memref_slice %arg9[%dma_wait3A_493, %dma_wait3A_495, %dma_wait3A_496] : memref<16x128x32xf32, #tpu.memory_space<vmem>> -> memref<1x128x32xf32, #tpu.memory_space<vmem>>
        %dma_wait3A_498 = tpu.memref_squeeze %dma_wait3A_497 : memref<1x128x32xf32, #tpu.memory_space<vmem>> -> memref<128x32xf32, #tpu.memory_space<vmem>>
        %dma_wait3A_499 = arith.constant 0 : i32
        %dma_wait3A_500 = tpu.memref_slice %arg8[%dma_wait3A_494, %dma_wait3A_499] : memref<80x128xi32, #tpu.memory_space<vmem>> -> memref<1x128xi32, #tpu.memory_space<vmem>>
        %dma_wait3A_501 = tpu.memref_squeeze %dma_wait3A_500 : memref<1x128xi32, #tpu.memory_space<vmem>> -> memref<128xi32, #tpu.memory_space<vmem>>
        %dma_wait3A_502 = arith.constant 0 : i32
        %dma_wait3A_503 = arith.constant 0 : i32
        %dma_wait3A_504 = tpu.memref_slice %arg10[%dma_wait3A_502, %dma_wait3A_503] : memref<10016x32xf32, #tpu.memory_space<vmem_shared>> -> memref<10016x32xf32, #tpu.memory_space<vmem_shared>>
        tpu.wait_indirect_dma semaphore(%arg13 : memref<!tpu.dma_semaphore, #tpu.memory_space<semaphore_mem>>) src(%dma_wait3A_498 : memref<128x32xf32, #tpu.memory_space<vmem>>) dst(%dma_wait3A_504 : memref<10016x32xf32, #tpu.memory_space<vmem_shared>>)
        %dma_wait3A_505 = arith.constant 0 : i32
        %dma_wait3A_506 = arith.constant 0 : i32
        %dma_wait3A_507 = arith.constant 0 : i32
        %dma_wait3A_508 = arith.constant 0 : i32
        %dma_wait3A_509 = tpu.memref_slice %arg9[%dma_wait3A_505, %dma_wait3A_507, %dma_wait3A_508] : memref<16x128x32xf32, #tpu.memory_space<vmem>> -> memref<1x128x32xf32, #tpu.memory_space<vmem>>
        %dma_wait3A_510 = tpu.memref_squeeze %dma_wait3A_509 : memref<1x128x32xf32, #tpu.memory_space<vmem>> -> memref<128x32xf32, #tpu.memory_space<vmem>>
        %dma_wait3A_511 = arith.constant 0 : i32
        %dma_wait3A_512 = tpu.memref_slice %arg8[%dma_wait3A_506, %dma_wait3A_511] : memref<80x128xi32, #tpu.memory_space<vmem>> -> memref<1x128xi32, #tpu.memory_space<vmem>>
        %dma_wait3A_513 = tpu.memref_squeeze %dma_wait3A_512 : memref<1x128xi32, #tpu.memory_space<vmem>> -> memref<128xi32, #tpu.memory_space<vmem>>
        %dma_wait3A_514 = arith.constant 0 : i32
        %dma_wait3A_515 = arith.constant 0 : i32
        %dma_wait3A_516 = tpu.memref_slice %arg10[%dma_wait3A_514, %dma_wait3A_515] : memref<10016x32xf32, #tpu.memory_space<vmem_shared>> -> memref<10016x32xf32, #tpu.memory_space<vmem_shared>>
        tpu.wait_indirect_dma semaphore(%arg13 : memref<!tpu.dma_semaphore, #tpu.memory_space<semaphore_mem>>) src(%dma_wait3A_510 : memref<128x32xf32, #tpu.memory_space<vmem>>) dst(%dma_wait3A_516 : memref<10016x32xf32, #tpu.memory_space<vmem_shared>>)
        %dma_wait3A_517 = arith.constant 0 : i32
        %dma_wait3A_518 = arith.constant 0 : i32
        %dma_wait3A_519 = arith.constant 0 : i32
        %dma_wait3A_520 = arith.constant 0 : i32
        %dma_wait3A_521 = tpu.memref_slice %arg9[%dma_wait3A_517, %dma_wait3A_519, %dma_wait3A_520] : memref<16x128x32xf32, #tpu.memory_space<vmem>> -> memref<1x128x32xf32, #tpu.memory_space<vmem>>
        %dma_wait3A_522 = tpu.memref_squeeze %dma_wait3A_521 : memref<1x128x32xf32, #tpu.memory_space<vmem>> -> memref<128x32xf32, #tpu.memory_space<vmem>>
        %dma_wait3A_523 = arith.constant 0 : i32
        %dma_wait3A_524 = tpu.memref_slice %arg8[%dma_wait3A_518, %dma_wait3A_523] : memref<80x128xi32, #tpu.memory_space<vmem>> -> memref<1x128xi32, #tpu.memory_space<vmem>>
        %dma_wait3A_525 = tpu.memref_squeeze %dma_wait3A_524 : memref<1x128xi32, #tpu.memory_space<vmem>> -> memref<128xi32, #tpu.memory_space<vmem>>
        %dma_wait3A_526 = arith.constant 0 : i32
        %dma_wait3A_527 = arith.constant 0 : i32
        %dma_wait3A_528 = tpu.memref_slice %arg10[%dma_wait3A_526, %dma_wait3A_527] : memref<10016x32xf32, #tpu.memory_space<vmem_shared>> -> memref<10016x32xf32, #tpu.memory_space<vmem_shared>>
        tpu.wait_indirect_dma semaphore(%arg13 : memref<!tpu.dma_semaphore, #tpu.memory_space<semaphore_mem>>) src(%dma_wait3A_522 : memref<128x32xf32, #tpu.memory_space<vmem>>) dst(%dma_wait3A_528 : memref<10016x32xf32, #tpu.memory_space<vmem_shared>>)
        %dma_wait3A_529 = arith.constant 0 : i32
        %dma_wait3A_530 = arith.constant 0 : i32
        %dma_wait3A_531 = arith.constant 0 : i32
        %dma_wait3A_532 = arith.constant 0 : i32
        %dma_wait3A_533 = tpu.memref_slice %arg9[%dma_wait3A_529, %dma_wait3A_531, %dma_wait3A_532] : memref<16x128x32xf32, #tpu.memory_space<vmem>> -> memref<1x128x32xf32, #tpu.memory_space<vmem>>
        %dma_wait3A_534 = tpu.memref_squeeze %dma_wait3A_533 : memref<1x128x32xf32, #tpu.memory_space<vmem>> -> memref<128x32xf32, #tpu.memory_space<vmem>>
        %dma_wait3A_535 = arith.constant 0 : i32
        %dma_wait3A_536 = tpu.memref_slice %arg8[%dma_wait3A_530, %dma_wait3A_535] : memref<80x128xi32, #tpu.memory_space<vmem>> -> memref<1x128xi32, #tpu.memory_space<vmem>>
        %dma_wait3A_537 = tpu.memref_squeeze %dma_wait3A_536 : memref<1x128xi32, #tpu.memory_space<vmem>> -> memref<128xi32, #tpu.memory_space<vmem>>
        %dma_wait3A_538 = arith.constant 0 : i32
        %dma_wait3A_539 = arith.constant 0 : i32
        %dma_wait3A_540 = tpu.memref_slice %arg10[%dma_wait3A_538, %dma_wait3A_539] : memref<10016x32xf32, #tpu.memory_space<vmem_shared>> -> memref<10016x32xf32, #tpu.memory_space<vmem_shared>>
        tpu.wait_indirect_dma semaphore(%arg13 : memref<!tpu.dma_semaphore, #tpu.memory_space<semaphore_mem>>) src(%dma_wait3A_534 : memref<128x32xf32, #tpu.memory_space<vmem>>) dst(%dma_wait3A_540 : memref<10016x32xf32, #tpu.memory_space<vmem_shared>>)
      } else {
      }
      %add3A_214 = arith.constant 1 : i32
      %add3A_215 = arith.addi %scan3A_199, %add3A_214 : i32
      %lt3A_216 = arith.constant 10 : i32
      %lt3A_217 = arith.cmpi slt, %add3A_215, %lt3A_216 : i32
      %convert_element_type3A_218 = arith.extui %lt3A_217 : i1 to i32
      %cond3A_219 = arith.constant 0 : i32
      %cond3A_220 = arith.cmpi ne, %convert_element_type3A_218, %cond3A_219 : i32
      scf.if %cond3A_220 {
        %add3A_445 = arith.constant 1 : i32
        %add3A_446 = arith.addi %scan3A_199, %add3A_445 : i32
        %mul3A_447 = arith.constant 8 : i32
        %mul3A_448 = arith.muli %add3A_446, %mul3A_447 : i32
        %add3A_449 = arith.constant 0 : i32
        %add3A_450 = arith.addi %mul3A_448, %add3A_449 : i32
        %add3A_451 = arith.constant 0 : i32
        %add3A_452 = arith.addi %sub3A_211, %add3A_451 : i32
        %dma_start3A_453 = arith.constant 0 : i32
        %dma_start3A_454 = arith.constant 0 : i32
        %dma_start3A_455 = tpu.memref_slice %arg9[%add3A_452, %dma_start3A_453, %dma_start3A_454] : memref<16x128x32xf32, #tpu.memory_space<vmem>> -> memref<1x128x32xf32, #tpu.memory_space<vmem>>
        %dma_start3A_456 = tpu.memref_squeeze %dma_start3A_455 : memref<1x128x32xf32, #tpu.memory_space<vmem>> -> memref<128x32xf32, #tpu.memory_space<vmem>>
        %dma_start3A_457 = arith.constant 0 : i32
        %dma_start3A_458 = tpu.memref_slice %arg7[%add3A_450, %dma_start3A_457] : memref<80x128xi32, #tpu.memory_space<vmem>> -> memref<1x128xi32, #tpu.memory_space<vmem>>
        %dma_start3A_459 = tpu.memref_squeeze %dma_start3A_458 : memref<1x128xi32, #tpu.memory_space<vmem>> -> memref<128xi32, #tpu.memory_space<vmem>>
        %dma_start3A_460 = arith.constant 0 : i32
        %dma_start3A_461 = arith.constant 0 : i32
        %dma_start3A_462 = tpu.memref_slice %arg11[%dma_start3A_460, %dma_start3A_461] : memref<10016x32xf32, #tpu.memory_space<vmem_shared>> -> memref<10016x32xf32, #tpu.memory_space<vmem_shared>>
        tpu.enqueue_indirect_dma source(%dma_start3A_462 : memref<10016x32xf32, #tpu.memory_space<vmem_shared>>) target(%dma_start3A_456 : memref<128x32xf32, #tpu.memory_space<vmem>>) offsets(%dma_start3A_459 : memref<128xi32, #tpu.memory_space<vmem>>) semaphore(%arg12 : memref<!tpu.dma_semaphore, #tpu.memory_space<semaphore_mem>>)
        %mul3A_463 = arith.constant 8 : i32
        %mul3A_464 = arith.muli %add3A_446, %mul3A_463 : i32
        %add3A_465 = arith.constant 1 : i32
        %add3A_466 = arith.addi %mul3A_464, %add3A_465 : i32
        %add3A_467 = arith.constant 1 : i32
        %add3A_468 = arith.addi %sub3A_211, %add3A_467 : i32
        %dma_start3A_469 = arith.constant 0 : i32
        %dma_start3A_470 = arith.constant 0 : i32
        %dma_start3A_471 = tpu.memref_slice %arg9[%add3A_468, %dma_start3A_469, %dma_start3A_470] : memref<16x128x32xf32, #tpu.memory_space<vmem>> -> memref<1x128x32xf32, #tpu.memory_space<vmem>>
        %dma_start3A_472 = tpu.memref_squeeze %dma_start3A_471 : memref<1x128x32xf32, #tpu.memory_space<vmem>> -> memref<128x32xf32, #tpu.memory_space<vmem>>
        %dma_start3A_473 = arith.constant 0 : i32
        %dma_start3A_474 = tpu.memref_slice %arg7[%add3A_466, %dma_start3A_473] : memref<80x128xi32, #tpu.memory_space<vmem>> -> memref<1x128xi32, #tpu.memory_space<vmem>>
        %dma_start3A_475 = tpu.memref_squeeze %dma_start3A_474 : memref<1x128xi32, #tpu.memory_space<vmem>> -> memref<128xi32, #tpu.memory_space<vmem>>
        %dma_start3A_476 = arith.constant 0 : i32
        %dma_start3A_477 = arith.constant 0 : i32
        %dma_start3A_478 = tpu.memref_slice %arg11[%dma_start3A_476, %dma_start3A_477] : memref<10016x32xf32, #tpu.memory_space<vmem_shared>> -> memref<10016x32xf32, #tpu.memory_space<vmem_shared>>
        tpu.enqueue_indirect_dma source(%dma_start3A_478 : memref<10016x32xf32, #tpu.memory_space<vmem_shared>>) target(%dma_start3A_472 : memref<128x32xf32, #tpu.memory_space<vmem>>) offsets(%dma_start3A_475 : memref<128xi32, #tpu.memory_space<vmem>>) semaphore(%arg12 : memref<!tpu.dma_semaphore, #tpu.memory_space<semaphore_mem>>)
        %mul3A_479 = arith.constant 8 : i32
        %mul3A_480 = arith.muli %add3A_446, %mul3A_479 : i32
        %add3A_481 = arith.constant 2 : i32
        %add3A_482 = arith.addi %mul3A_480, %add3A_481 : i32
        %add3A_483 = arith.constant 2 : i32
        %add3A_484 = arith.addi %sub3A_211, %add3A_483 : i32
        %dma_start3A_485 = arith.constant 0 : i32
        %dma_start3A_486 = arith.constant 0 : i32
        %dma_start3A_487 = tpu.memref_slice %arg9[%add3A_484, %dma_start3A_485, %dma_start3A_486] : memref<16x128x32xf32, #tpu.memory_space<vmem>> -> memref<1x128x32xf32, #tpu.memory_space<vmem>>
        %dma_start3A_488 = tpu.memref_squeeze %dma_start3A_487 : memref<1x128x32xf32, #tpu.memory_space<vmem>> -> memref<128x32xf32, #tpu.memory_space<vmem>>
        %dma_start3A_489 = arith.constant 0 : i32
        %dma_start3A_490 = tpu.memref_slice %arg7[%add3A_482, %dma_start3A_489] : memref<80x128xi32, #tpu.memory_space<vmem>> -> memref<1x128xi32, #tpu.memory_space<vmem>>
        %dma_start3A_491 = tpu.memref_squeeze %dma_start3A_490 : memref<1x128xi32, #tpu.memory_space<vmem>> -> memref<128xi32, #tpu.memory_space<vmem>>
        %dma_start3A_492 = arith.constant 0 : i32
        %dma_start3A_493 = arith.constant 0 : i32
        %dma_start3A_494 = tpu.memref_slice %arg11[%dma_start3A_492, %dma_start3A_493] : memref<10016x32xf32, #tpu.memory_space<vmem_shared>> -> memref<10016x32xf32, #tpu.memory_space<vmem_shared>>
        tpu.enqueue_indirect_dma source(%dma_start3A_494 : memref<10016x32xf32, #tpu.memory_space<vmem_shared>>) target(%dma_start3A_488 : memref<128x32xf32, #tpu.memory_space<vmem>>) offsets(%dma_start3A_491 : memref<128xi32, #tpu.memory_space<vmem>>) semaphore(%arg12 : memref<!tpu.dma_semaphore, #tpu.memory_space<semaphore_mem>>)
        %mul3A_495 = arith.constant 8 : i32
        %mul3A_496 = arith.muli %add3A_446, %mul3A_495 : i32
        %add3A_497 = arith.constant 3 : i32
        %add3A_498 = arith.addi %mul3A_496, %add3A_497 : i32
        %add3A_499 = arith.constant 3 : i32
        %add3A_500 = arith.addi %sub3A_211, %add3A_499 : i32
        %dma_start3A_501 = arith.constant 0 : i32
        %dma_start3A_502 = arith.constant 0 : i32
        %dma_start3A_503 = tpu.memref_slice %arg9[%add3A_500, %dma_start3A_501, %dma_start3A_502] : memref<16x128x32xf32, #tpu.memory_space<vmem>> -> memref<1x128x32xf32, #tpu.memory_space<vmem>>
        %dma_start3A_504 = tpu.memref_squeeze %dma_start3A_503 : memref<1x128x32xf32, #tpu.memory_space<vmem>> -> memref<128x32xf32, #tpu.memory_space<vmem>>
        %dma_start3A_505 = arith.constant 0 : i32
        %dma_start3A_506 = tpu.memref_slice %arg7[%add3A_498, %dma_start3A_505] : memref<80x128xi32, #tpu.memory_space<vmem>> -> memref<1x128xi32, #tpu.memory_space<vmem>>
        %dma_start3A_507 = tpu.memref_squeeze %dma_start3A_506 : memref<1x128xi32, #tpu.memory_space<vmem>> -> memref<128xi32, #tpu.memory_space<vmem>>
        %dma_start3A_508 = arith.constant 0 : i32
        %dma_start3A_509 = arith.constant 0 : i32
        %dma_start3A_510 = tpu.memref_slice %arg11[%dma_start3A_508, %dma_start3A_509] : memref<10016x32xf32, #tpu.memory_space<vmem_shared>> -> memref<10016x32xf32, #tpu.memory_space<vmem_shared>>
        tpu.enqueue_indirect_dma source(%dma_start3A_510 : memref<10016x32xf32, #tpu.memory_space<vmem_shared>>) target(%dma_start3A_504 : memref<128x32xf32, #tpu.memory_space<vmem>>) offsets(%dma_start3A_507 : memref<128xi32, #tpu.memory_space<vmem>>) semaphore(%arg12 : memref<!tpu.dma_semaphore, #tpu.memory_space<semaphore_mem>>)
        %mul3A_511 = arith.constant 8 : i32
        %mul3A_512 = arith.muli %add3A_446, %mul3A_511 : i32
        %add3A_513 = arith.constant 4 : i32
        %add3A_514 = arith.addi %mul3A_512, %add3A_513 : i32
        %add3A_515 = arith.constant 4 : i32
        %add3A_516 = arith.addi %sub3A_211, %add3A_515 : i32
        %dma_start3A_517 = arith.constant 0 : i32
        %dma_start3A_518 = arith.constant 0 : i32
        %dma_start3A_519 = tpu.memref_slice %arg9[%add3A_516, %dma_start3A_517, %dma_start3A_518] : memref<16x128x32xf32, #tpu.memory_space<vmem>> -> memref<1x128x32xf32, #tpu.memory_space<vmem>>
        %dma_start3A_520 = tpu.memref_squeeze %dma_start3A_519 : memref<1x128x32xf32, #tpu.memory_space<vmem>> -> memref<128x32xf32, #tpu.memory_space<vmem>>
        %dma_start3A_521 = arith.constant 0 : i32
        %dma_start3A_522 = tpu.memref_slice %arg7[%add3A_514, %dma_start3A_521] : memref<80x128xi32, #tpu.memory_space<vmem>> -> memref<1x128xi32, #tpu.memory_space<vmem>>
        %dma_start3A_523 = tpu.memref_squeeze %dma_start3A_522 : memref<1x128xi32, #tpu.memory_space<vmem>> -> memref<128xi32, #tpu.memory_space<vmem>>
        %dma_start3A_524 = arith.constant 0 : i32
        %dma_start3A_525 = arith.constant 0 : i32
        %dma_start3A_526 = tpu.memref_slice %arg11[%dma_start3A_524, %dma_start3A_525] : memref<10016x32xf32, #tpu.memory_space<vmem_shared>> -> memref<10016x32xf32, #tpu.memory_space<vmem_shared>>
        tpu.enqueue_indirect_dma source(%dma_start3A_526 : memref<10016x32xf32, #tpu.memory_space<vmem_shared>>) target(%dma_start3A_520 : memref<128x32xf32, #tpu.memory_space<vmem>>) offsets(%dma_start3A_523 : memref<128xi32, #tpu.memory_space<vmem>>) semaphore(%arg12 : memref<!tpu.dma_semaphore, #tpu.memory_space<semaphore_mem>>)
        %mul3A_527 = arith.constant 8 : i32
        %mul3A_528 = arith.muli %add3A_446, %mul3A_527 : i32
        %add3A_529 = arith.constant 5 : i32
        %add3A_530 = arith.addi %mul3A_528, %add3A_529 : i32
        %add3A_531 = arith.constant 5 : i32
        %add3A_532 = arith.addi %sub3A_211, %add3A_531 : i32
        %dma_start3A_533 = arith.constant 0 : i32
        %dma_start3A_534 = arith.constant 0 : i32
        %dma_start3A_535 = tpu.memref_slice %arg9[%add3A_532, %dma_start3A_533, %dma_start3A_534] : memref<16x128x32xf32, #tpu.memory_space<vmem>> -> memref<1x128x32xf32, #tpu.memory_space<vmem>>
        %dma_start3A_536 = tpu.memref_squeeze %dma_start3A_535 : memref<1x128x32xf32, #tpu.memory_space<vmem>> -> memref<128x32xf32, #tpu.memory_space<vmem>>
        %dma_start3A_537 = arith.constant 0 : i32
        %dma_start3A_538 = tpu.memref_slice %arg7[%add3A_530, %dma_start3A_537] : memref<80x128xi32, #tpu.memory_space<vmem>> -> memref<1x128xi32, #tpu.memory_space<vmem>>
        %dma_start3A_539 = tpu.memref_squeeze %dma_start3A_538 : memref<1x128xi32, #tpu.memory_space<vmem>> -> memref<128xi32, #tpu.memory_space<vmem>>
        %dma_start3A_540 = arith.constant 0 : i32
        %dma_start3A_541 = arith.constant 0 : i32
        %dma_start3A_542 = tpu.memref_slice %arg11[%dma_start3A_540, %dma_start3A_541] : memref<10016x32xf32, #tpu.memory_space<vmem_shared>> -> memref<10016x32xf32, #tpu.memory_space<vmem_shared>>
        tpu.enqueue_indirect_dma source(%dma_start3A_542 : memref<10016x32xf32, #tpu.memory_space<vmem_shared>>) target(%dma_start3A_536 : memref<128x32xf32, #tpu.memory_space<vmem>>) offsets(%dma_start3A_539 : memref<128xi32, #tpu.memory_space<vmem>>) semaphore(%arg12 : memref<!tpu.dma_semaphore, #tpu.memory_space<semaphore_mem>>)
        %mul3A_543 = arith.constant 8 : i32
        %mul3A_544 = arith.muli %add3A_446, %mul3A_543 : i32
        %add3A_545 = arith.constant 6 : i32
        %add3A_546 = arith.addi %mul3A_544, %add3A_545 : i32
        %add3A_547 = arith.constant 6 : i32
        %add3A_548 = arith.addi %sub3A_211, %add3A_547 : i32
        %dma_start3A_549 = arith.constant 0 : i32
        %dma_start3A_550 = arith.constant 0 : i32
        %dma_start3A_551 = tpu.memref_slice %arg9[%add3A_548, %dma_start3A_549, %dma_start3A_550] : memref<16x128x32xf32, #tpu.memory_space<vmem>> -> memref<1x128x32xf32, #tpu.memory_space<vmem>>
        %dma_start3A_552 = tpu.memref_squeeze %dma_start3A_551 : memref<1x128x32xf32, #tpu.memory_space<vmem>> -> memref<128x32xf32, #tpu.memory_space<vmem>>
        %dma_start3A_553 = arith.constant 0 : i32
        %dma_start3A_554 = tpu.memref_slice %arg7[%add3A_546, %dma_start3A_553] : memref<80x128xi32, #tpu.memory_space<vmem>> -> memref<1x128xi32, #tpu.memory_space<vmem>>
        %dma_start3A_555 = tpu.memref_squeeze %dma_start3A_554 : memref<1x128xi32, #tpu.memory_space<vmem>> -> memref<128xi32, #tpu.memory_space<vmem>>
        %dma_start3A_556 = arith.constant 0 : i32
        %dma_start3A_557 = arith.constant 0 : i32
        %dma_start3A_558 = tpu.memref_slice %arg11[%dma_start3A_556, %dma_start3A_557] : memref<10016x32xf32, #tpu.memory_space<vmem_shared>> -> memref<10016x32xf32, #tpu.memory_space<vmem_shared>>
        tpu.enqueue_indirect_dma source(%dma_start3A_558 : memref<10016x32xf32, #tpu.memory_space<vmem_shared>>) target(%dma_start3A_552 : memref<128x32xf32, #tpu.memory_space<vmem>>) offsets(%dma_start3A_555 : memref<128xi32, #tpu.memory_space<vmem>>) semaphore(%arg12 : memref<!tpu.dma_semaphore, #tpu.memory_space<semaphore_mem>>)
        %mul3A_559 = arith.constant 8 : i32
        %mul3A_560 = arith.muli %add3A_446, %mul3A_559 : i32
        %add3A_561 = arith.constant 7 : i32
        %add3A_562 = arith.addi %mul3A_560, %add3A_561 : i32
        %add3A_563 = arith.constant 7 : i32
        %add3A_564 = arith.addi %sub3A_211, %add3A_563 : i32
        %dma_start3A_565 = arith.constant 0 : i32
        %dma_start3A_566 = arith.constant 0 : i32
        %dma_start3A_567 = tpu.memref_slice %arg9[%add3A_564, %dma_start3A_565, %dma_start3A_566] : memref<16x128x32xf32, #tpu.memory_space<vmem>> -> memref<1x128x32xf32, #tpu.memory_space<vmem>>
        %dma_start3A_568 = tpu.memref_squeeze %dma_start3A_567 : memref<1x128x32xf32, #tpu.memory_space<vmem>> -> memref<128x32xf32, #tpu.memory_space<vmem>>
        %dma_start3A_569 = arith.constant 0 : i32
        %dma_start3A_570 = tpu.memref_slice %arg7[%add3A_562, %dma_start3A_569] : memref<80x128xi32, #tpu.memory_space<vmem>> -> memref<1x128xi32, #tpu.memory_space<vmem>>
        %dma_start3A_571 = tpu.memref_squeeze %dma_start3A_570 : memref<1x128xi32, #tpu.memory_space<vmem>> -> memref<128xi32, #tpu.memory_space<vmem>>
        %dma_start3A_572 = arith.constant 0 : i32
        %dma_start3A_573 = arith.constant 0 : i32
        %dma_start3A_574 = tpu.memref_slice %arg11[%dma_start3A_572, %dma_start3A_573] : memref<10016x32xf32, #tpu.memory_space<vmem_shared>> -> memref<10016x32xf32, #tpu.memory_space<vmem_shared>>
        tpu.enqueue_indirect_dma source(%dma_start3A_574 : memref<10016x32xf32, #tpu.memory_space<vmem_shared>>) target(%dma_start3A_568 : memref<128x32xf32, #tpu.memory_space<vmem>>) offsets(%dma_start3A_571 : memref<128xi32, #tpu.memory_space<vmem>>) semaphore(%arg12 : memref<!tpu.dma_semaphore, #tpu.memory_space<semaphore_mem>>)
      } else {
      }
      %dma_wait3A_221 = arith.constant 0 : i32
      %dma_wait3A_222 = arith.constant 0 : i32
      %dma_wait3A_223 = arith.constant 0 : i32
      %dma_wait3A_224 = arith.constant 0 : i32
      %dma_wait3A_225 = tpu.memref_slice %arg9[%dma_wait3A_222, %dma_wait3A_223, %dma_wait3A_224] : memref<16x128x32xf32, #tpu.memory_space<vmem>> -> memref<1x128x32xf32, #tpu.memory_space<vmem>>
      %dma_wait3A_226 = tpu.memref_squeeze %dma_wait3A_225 : memref<1x128x32xf32, #tpu.memory_space<vmem>> -> memref<128x32xf32, #tpu.memory_space<vmem>>
      %dma_wait3A_227 = arith.constant 0 : i32
      %dma_wait3A_228 = tpu.memref_slice %arg7[%dma_wait3A_221, %dma_wait3A_227] : memref<80x128xi32, #tpu.memory_space<vmem>> -> memref<1x128xi32, #tpu.memory_space<vmem>>
      %dma_wait3A_229 = tpu.memref_squeeze %dma_wait3A_228 : memref<1x128xi32, #tpu.memory_space<vmem>> -> memref<128xi32, #tpu.memory_space<vmem>>
      %dma_wait3A_230 = arith.constant 0 : i32
      %dma_wait3A_231 = arith.constant 0 : i32
      %dma_wait3A_232 = tpu.memref_slice %arg11[%dma_wait3A_230, %dma_wait3A_231] : memref<10016x32xf32, #tpu.memory_space<vmem_shared>> -> memref<10016x32xf32, #tpu.memory_space<vmem_shared>>
      tpu.wait_indirect_dma semaphore(%arg12 : memref<!tpu.dma_semaphore, #tpu.memory_space<semaphore_mem>>) src(%dma_wait3A_232 : memref<10016x32xf32, #tpu.memory_space<vmem_shared>>) dst(%dma_wait3A_226 : memref<128x32xf32, #tpu.memory_space<vmem>>)
      %dma_wait3A_233 = arith.constant 0 : i32
      %dma_wait3A_234 = arith.constant 0 : i32
      %dma_wait3A_235 = arith.constant 0 : i32
      %dma_wait3A_236 = arith.constant 0 : i32
      %dma_wait3A_237 = tpu.memref_slice %arg9[%dma_wait3A_234, %dma_wait3A_235, %dma_wait3A_236] : memref<16x128x32xf32, #tpu.memory_space<vmem>> -> memref<1x128x32xf32, #tpu.memory_space<vmem>>
      %dma_wait3A_238 = tpu.memref_squeeze %dma_wait3A_237 : memref<1x128x32xf32, #tpu.memory_space<vmem>> -> memref<128x32xf32, #tpu.memory_space<vmem>>
      %dma_wait3A_239 = arith.constant 0 : i32
      %dma_wait3A_240 = tpu.memref_slice %arg7[%dma_wait3A_233, %dma_wait3A_239] : memref<80x128xi32, #tpu.memory_space<vmem>> -> memref<1x128xi32, #tpu.memory_space<vmem>>
      %dma_wait3A_241 = tpu.memref_squeeze %dma_wait3A_240 : memref<1x128xi32, #tpu.memory_space<vmem>> -> memref<128xi32, #tpu.memory_space<vmem>>
      %dma_wait3A_242 = arith.constant 0 : i32
      %dma_wait3A_243 = arith.constant 0 : i32
      %dma_wait3A_244 = tpu.memref_slice %arg11[%dma_wait3A_242, %dma_wait3A_243] : memref<10016x32xf32, #tpu.memory_space<vmem_shared>> -> memref<10016x32xf32, #tpu.memory_space<vmem_shared>>
      tpu.wait_indirect_dma semaphore(%arg12 : memref<!tpu.dma_semaphore, #tpu.memory_space<semaphore_mem>>) src(%dma_wait3A_244 : memref<10016x32xf32, #tpu.memory_space<vmem_shared>>) dst(%dma_wait3A_238 : memref<128x32xf32, #tpu.memory_space<vmem>>)
      %dma_wait3A_245 = arith.constant 0 : i32
      %dma_wait3A_246 = arith.constant 0 : i32
      %dma_wait3A_247 = arith.constant 0 : i32
      %dma_wait3A_248 = arith.constant 0 : i32
      %dma_wait3A_249 = tpu.memref_slice %arg9[%dma_wait3A_246, %dma_wait3A_247, %dma_wait3A_248] : memref<16x128x32xf32, #tpu.memory_space<vmem>> -> memref<1x128x32xf32, #tpu.memory_space<vmem>>
      %dma_wait3A_250 = tpu.memref_squeeze %dma_wait3A_249 : memref<1x128x32xf32, #tpu.memory_space<vmem>> -> memref<128x32xf32, #tpu.memory_space<vmem>>
      %dma_wait3A_251 = arith.constant 0 : i32
      %dma_wait3A_252 = tpu.memref_slice %arg7[%dma_wait3A_245, %dma_wait3A_251] : memref<80x128xi32, #tpu.memory_space<vmem>> -> memref<1x128xi32, #tpu.memory_space<vmem>>
      %dma_wait3A_253 = tpu.memref_squeeze %dma_wait3A_252 : memref<1x128xi32, #tpu.memory_space<vmem>> -> memref<128xi32, #tpu.memory_space<vmem>>
      %dma_wait3A_254 = arith.constant 0 : i32
      %dma_wait3A_255 = arith.constant 0 : i32
      %dma_wait3A_256 = tpu.memref_slice %arg11[%dma_wait3A_254, %dma_wait3A_255] : memref<10016x32xf32, #tpu.memory_space<vmem_shared>> -> memref<10016x32xf32, #tpu.memory_space<vmem_shared>>
      tpu.wait_indirect_dma semaphore(%arg12 : memref<!tpu.dma_semaphore, #tpu.memory_space<semaphore_mem>>) src(%dma_wait3A_256 : memref<10016x32xf32, #tpu.memory_space<vmem_shared>>) dst(%dma_wait3A_250 : memref<128x32xf32, #tpu.memory_space<vmem>>)
      %dma_wait3A_257 = arith.constant 0 : i32
      %dma_wait3A_258 = arith.constant 0 : i32
      %dma_wait3A_259 = arith.constant 0 : i32
      %dma_wait3A_260 = arith.constant 0 : i32
      %dma_wait3A_261 = tpu.memref_slice %arg9[%dma_wait3A_258, %dma_wait3A_259, %dma_wait3A_260] : memref<16x128x32xf32, #tpu.memory_space<vmem>> -> memref<1x128x32xf32, #tpu.memory_space<vmem>>
      %dma_wait3A_262 = tpu.memref_squeeze %dma_wait3A_261 : memref<1x128x32xf32, #tpu.memory_space<vmem>> -> memref<128x32xf32, #tpu.memory_space<vmem>>
      %dma_wait3A_263 = arith.constant 0 : i32
      %dma_wait3A_264 = tpu.memref_slice %arg7[%dma_wait3A_257, %dma_wait3A_263] : memref<80x128xi32, #tpu.memory_space<vmem>> -> memref<1x128xi32, #tpu.memory_space<vmem>>
      %dma_wait3A_265 = tpu.memref_squeeze %dma_wait3A_264 : memref<1x128xi32, #tpu.memory_space<vmem>> -> memref<128xi32, #tpu.memory_space<vmem>>
      %dma_wait3A_266 = arith.constant 0 : i32
      %dma_wait3A_267 = arith.constant 0 : i32
      %dma_wait3A_268 = tpu.memref_slice %arg11[%dma_wait3A_266, %dma_wait3A_267] : memref<10016x32xf32, #tpu.memory_space<vmem_shared>> -> memref<10016x32xf32, #tpu.memory_space<vmem_shared>>
      tpu.wait_indirect_dma semaphore(%arg12 : memref<!tpu.dma_semaphore, #tpu.memory_space<semaphore_mem>>) src(%dma_wait3A_268 : memref<10016x32xf32, #tpu.memory_space<vmem_shared>>) dst(%dma_wait3A_262 : memref<128x32xf32, #tpu.memory_space<vmem>>)
      %dma_wait3A_269 = arith.constant 0 : i32
      %dma_wait3A_270 = arith.constant 0 : i32
      %dma_wait3A_271 = arith.constant 0 : i32
      %dma_wait3A_272 = arith.constant 0 : i32
      %dma_wait3A_273 = tpu.memref_slice %arg9[%dma_wait3A_270, %dma_wait3A_271, %dma_wait3A_272] : memref<16x128x32xf32, #tpu.memory_space<vmem>> -> memref<1x128x32xf32, #tpu.memory_space<vmem>>
      %dma_wait3A_274 = tpu.memref_squeeze %dma_wait3A_273 : memref<1x128x32xf32, #tpu.memory_space<vmem>> -> memref<128x32xf32, #tpu.memory_space<vmem>>
      %dma_wait3A_275 = arith.constant 0 : i32
      %dma_wait3A_276 = tpu.memref_slice %arg7[%dma_wait3A_269, %dma_wait3A_275] : memref<80x128xi32, #tpu.memory_space<vmem>> -> memref<1x128xi32, #tpu.memory_space<vmem>>
      %dma_wait3A_277 = tpu.memref_squeeze %dma_wait3A_276 : memref<1x128xi32, #tpu.memory_space<vmem>> -> memref<128xi32, #tpu.memory_space<vmem>>
      %dma_wait3A_278 = arith.constant 0 : i32
      %dma_wait3A_279 = arith.constant 0 : i32
      %dma_wait3A_280 = tpu.memref_slice %arg11[%dma_wait3A_278, %dma_wait3A_279] : memref<10016x32xf32, #tpu.memory_space<vmem_shared>> -> memref<10016x32xf32, #tpu.memory_space<vmem_shared>>
      tpu.wait_indirect_dma semaphore(%arg12 : memref<!tpu.dma_semaphore, #tpu.memory_space<semaphore_mem>>) src(%dma_wait3A_280 : memref<10016x32xf32, #tpu.memory_space<vmem_shared>>) dst(%dma_wait3A_274 : memref<128x32xf32, #tpu.memory_space<vmem>>)
      %dma_wait3A_281 = arith.constant 0 : i32
      %dma_wait3A_282 = arith.constant 0 : i32
      %dma_wait3A_283 = arith.constant 0 : i32
      %dma_wait3A_284 = arith.constant 0 : i32
      %dma_wait3A_285 = tpu.memref_slice %arg9[%dma_wait3A_282, %dma_wait3A_283, %dma_wait3A_284] : memref<16x128x32xf32, #tpu.memory_space<vmem>> -> memref<1x128x32xf32, #tpu.memory_space<vmem>>
      %dma_wait3A_286 = tpu.memref_squeeze %dma_wait3A_285 : memref<1x128x32xf32, #tpu.memory_space<vmem>> -> memref<128x32xf32, #tpu.memory_space<vmem>>
      %dma_wait3A_287 = arith.constant 0 : i32
      %dma_wait3A_288 = tpu.memref_slice %arg7[%dma_wait3A_281, %dma_wait3A_287] : memref<80x128xi32, #tpu.memory_space<vmem>> -> memref<1x128xi32, #tpu.memory_space<vmem>>
      %dma_wait3A_289 = tpu.memref_squeeze %dma_wait3A_288 : memref<1x128xi32, #tpu.memory_space<vmem>> -> memref<128xi32, #tpu.memory_space<vmem>>
      %dma_wait3A_290 = arith.constant 0 : i32
      %dma_wait3A_291 = arith.constant 0 : i32
      %dma_wait3A_292 = tpu.memref_slice %arg11[%dma_wait3A_290, %dma_wait3A_291] : memref<10016x32xf32, #tpu.memory_space<vmem_shared>> -> memref<10016x32xf32, #tpu.memory_space<vmem_shared>>
      tpu.wait_indirect_dma semaphore(%arg12 : memref<!tpu.dma_semaphore, #tpu.memory_space<semaphore_mem>>) src(%dma_wait3A_292 : memref<10016x32xf32, #tpu.memory_space<vmem_shared>>) dst(%dma_wait3A_286 : memref<128x32xf32, #tpu.memory_space<vmem>>)
      %dma_wait3A_293 = arith.constant 0 : i32
      %dma_wait3A_294 = arith.constant 0 : i32
      %dma_wait3A_295 = arith.constant 0 : i32
      %dma_wait3A_296 = arith.constant 0 : i32
      %dma_wait3A_297 = tpu.memref_slice %arg9[%dma_wait3A_294, %dma_wait3A_295, %dma_wait3A_296] : memref<16x128x32xf32, #tpu.memory_space<vmem>> -> memref<1x128x32xf32, #tpu.memory_space<vmem>>
      %dma_wait3A_298 = tpu.memref_squeeze %dma_wait3A_297 : memref<1x128x32xf32, #tpu.memory_space<vmem>> -> memref<128x32xf32, #tpu.memory_space<vmem>>
      %dma_wait3A_299 = arith.constant 0 : i32
      %dma_wait3A_300 = tpu.memref_slice %arg7[%dma_wait3A_293, %dma_wait3A_299] : memref<80x128xi32, #tpu.memory_space<vmem>> -> memref<1x128xi32, #tpu.memory_space<vmem>>
      %dma_wait3A_301 = tpu.memref_squeeze %dma_wait3A_300 : memref<1x128xi32, #tpu.memory_space<vmem>> -> memref<128xi32, #tpu.memory_space<vmem>>
      %dma_wait3A_302 = arith.constant 0 : i32
      %dma_wait3A_303 = arith.constant 0 : i32
      %dma_wait3A_304 = tpu.memref_slice %arg11[%dma_wait3A_302, %dma_wait3A_303] : memref<10016x32xf32, #tpu.memory_space<vmem_shared>> -> memref<10016x32xf32, #tpu.memory_space<vmem_shared>>
      tpu.wait_indirect_dma semaphore(%arg12 : memref<!tpu.dma_semaphore, #tpu.memory_space<semaphore_mem>>) src(%dma_wait3A_304 : memref<10016x32xf32, #tpu.memory_space<vmem_shared>>) dst(%dma_wait3A_298 : memref<128x32xf32, #tpu.memory_space<vmem>>)
      %dma_wait3A_305 = arith.constant 0 : i32
      %dma_wait3A_306 = arith.constant 0 : i32
      %dma_wait3A_307 = arith.constant 0 : i32
      %dma_wait3A_308 = arith.constant 0 : i32
      %dma_wait3A_309 = tpu.memref_slice %arg9[%dma_wait3A_306, %dma_wait3A_307, %dma_wait3A_308] : memref<16x128x32xf32, #tpu.memory_space<vmem>> -> memref<1x128x32xf32, #tpu.memory_space<vmem>>
      %dma_wait3A_310 = tpu.memref_squeeze %dma_wait3A_309 : memref<1x128x32xf32, #tpu.memory_space<vmem>> -> memref<128x32xf32, #tpu.memory_space<vmem>>
      %dma_wait3A_311 = arith.constant 0 : i32
      %dma_wait3A_312 = tpu.memref_slice %arg7[%dma_wait3A_305, %dma_wait3A_311] : memref<80x128xi32, #tpu.memory_space<vmem>> -> memref<1x128xi32, #tpu.memory_space<vmem>>
      %dma_wait3A_313 = tpu.memref_squeeze %dma_wait3A_312 : memref<1x128xi32, #tpu.memory_space<vmem>> -> memref<128xi32, #tpu.memory_space<vmem>>
      %dma_wait3A_314 = arith.constant 0 : i32
      %dma_wait3A_315 = arith.constant 0 : i32
      %dma_wait3A_316 = tpu.memref_slice %arg11[%dma_wait3A_314, %dma_wait3A_315] : memref<10016x32xf32, #tpu.memory_space<vmem_shared>> -> memref<10016x32xf32, #tpu.memory_space<vmem_shared>>
      tpu.wait_indirect_dma semaphore(%arg12 : memref<!tpu.dma_semaphore, #tpu.memory_space<semaphore_mem>>) src(%dma_wait3A_316 : memref<10016x32xf32, #tpu.memory_space<vmem_shared>>) dst(%dma_wait3A_310 : memref<128x32xf32, #tpu.memory_space<vmem>>)
      %add3A_317 = arith.constant 0 : i32
      %add3A_318 = arith.addi %mul3A_210, %add3A_317 : i32
      %mul3A_319 = arith.constant 8 : i32
      %mul3A_320 = arith.muli %scan3A_199, %mul3A_319 : i32
      %add3A_321 = arith.constant 0 : i32
      %add3A_322 = arith.addi %mul3A_320, %add3A_321 : i32
      %dma_start3A_323 = arith.constant 0 : i32
      %dma_start3A_324 = arith.constant 0 : i32
      %dma_start3A_325 = tpu.memref_slice %arg9[%add3A_318, %dma_start3A_323, %dma_start3A_324] : memref<16x128x32xf32, #tpu.memory_space<vmem>> -> memref<1x128x32xf32, #tpu.memory_space<vmem>>
      %dma_start3A_326 = tpu.memref_squeeze %dma_start3A_325 : memref<1x128x32xf32, #tpu.memory_space<vmem>> -> memref<128x32xf32, #tpu.memory_space<vmem>>
      %dma_start3A_327 = arith.constant 0 : i32
      %dma_start3A_328 = tpu.memref_slice %arg8[%add3A_322, %dma_start3A_327] : memref<80x128xi32, #tpu.memory_space<vmem>> -> memref<1x128xi32, #tpu.memory_space<vmem>>
      %dma_start3A_329 = tpu.memref_squeeze %dma_start3A_328 : memref<1x128xi32, #tpu.memory_space<vmem>> -> memref<128xi32, #tpu.memory_space<vmem>>
      %dma_start3A_330 = arith.constant 0 : i32
      %dma_start3A_331 = arith.constant 0 : i32
      %dma_start3A_332 = tpu.memref_slice %arg10[%dma_start3A_330, %dma_start3A_331] : memref<10016x32xf32, #tpu.memory_space<vmem_shared>> -> memref<10016x32xf32, #tpu.memory_space<vmem_shared>>
      tpu.enqueue_indirect_dma source(%dma_start3A_326 : memref<128x32xf32, #tpu.memory_space<vmem>>) target(%dma_start3A_332 : memref<10016x32xf32, #tpu.memory_space<vmem_shared>>) offsets(%dma_start3A_329 : memref<128xi32, #tpu.memory_space<vmem>>) semaphore(%arg13 : memref<!tpu.dma_semaphore, #tpu.memory_space<semaphore_mem>>) {add = true}
      %add3A_333 = arith.constant 1 : i32
      %add3A_334 = arith.addi %mul3A_210, %add3A_333 : i32
      %mul3A_335 = arith.constant 8 : i32
      %mul3A_336 = arith.muli %scan3A_199, %mul3A_335 : i32
      %add3A_337 = arith.constant 1 : i32
      %add3A_338 = arith.addi %mul3A_336, %add3A_337 : i32
      %dma_start3A_339 = arith.constant 0 : i32
      %dma_start3A_340 = arith.constant 0 : i32
      %dma_start3A_341 = tpu.memref_slice %arg9[%add3A_334, %dma_start3A_339, %dma_start3A_340] : memref<16x128x32xf32, #tpu.memory_space<vmem>> -> memref<1x128x32xf32, #tpu.memory_space<vmem>>
      %dma_start3A_342 = tpu.memref_squeeze %dma_start3A_341 : memref<1x128x32xf32, #tpu.memory_space<vmem>> -> memref<128x32xf32, #tpu.memory_space<vmem>>
      %dma_start3A_343 = arith.constant 0 : i32
      %dma_start3A_344 = tpu.memref_slice %arg8[%add3A_338, %dma_start3A_343] : memref<80x128xi32, #tpu.memory_space<vmem>> -> memref<1x128xi32, #tpu.memory_space<vmem>>
      %dma_start3A_345 = tpu.memref_squeeze %dma_start3A_344 : memref<1x128xi32, #tpu.memory_space<vmem>> -> memref<128xi32, #tpu.memory_space<vmem>>
      %dma_start3A_346 = arith.constant 0 : i32
      %dma_start3A_347 = arith.constant 0 : i32
      %dma_start3A_348 = tpu.memref_slice %arg10[%dma_start3A_346, %dma_start3A_347] : memref<10016x32xf32, #tpu.memory_space<vmem_shared>> -> memref<10016x32xf32, #tpu.memory_space<vmem_shared>>
      tpu.enqueue_indirect_dma source(%dma_start3A_342 : memref<128x32xf32, #tpu.memory_space<vmem>>) target(%dma_start3A_348 : memref<10016x32xf32, #tpu.memory_space<vmem_shared>>) offsets(%dma_start3A_345 : memref<128xi32, #tpu.memory_space<vmem>>) semaphore(%arg13 : memref<!tpu.dma_semaphore, #tpu.memory_space<semaphore_mem>>) {add = true}
      %add3A_349 = arith.constant 2 : i32
      %add3A_350 = arith.addi %mul3A_210, %add3A_349 : i32
      %mul3A_351 = arith.constant 8 : i32
      %mul3A_352 = arith.muli %scan3A_199, %mul3A_351 : i32
      %add3A_353 = arith.constant 2 : i32
      %add3A_354 = arith.addi %mul3A_352, %add3A_353 : i32
      %dma_start3A_355 = arith.constant 0 : i32
      %dma_start3A_356 = arith.constant 0 : i32
      %dma_start3A_357 = tpu.memref_slice %arg9[%add3A_350, %dma_start3A_355, %dma_start3A_356] : memref<16x128x32xf32, #tpu.memory_space<vmem>> -> memref<1x128x32xf32, #tpu.memory_space<vmem>>
      %dma_start3A_358 = tpu.memref_squeeze %dma_start3A_357 : memref<1x128x32xf32, #tpu.memory_space<vmem>> -> memref<128x32xf32, #tpu.memory_space<vmem>>
      %dma_start3A_359 = arith.constant 0 : i32
      %dma_start3A_360 = tpu.memref_slice %arg8[%add3A_354, %dma_start3A_359] : memref<80x128xi32, #tpu.memory_space<vmem>> -> memref<1x128xi32, #tpu.memory_space<vmem>>
      %dma_start3A_361 = tpu.memref_squeeze %dma_start3A_360 : memref<1x128xi32, #tpu.memory_space<vmem>> -> memref<128xi32, #tpu.memory_space<vmem>>
      %dma_start3A_362 = arith.constant 0 : i32
      %dma_start3A_363 = arith.constant 0 : i32
      %dma_start3A_364 = tpu.memref_slice %arg10[%dma_start3A_362, %dma_start3A_363] : memref<10016x32xf32, #tpu.memory_space<vmem_shared>> -> memref<10016x32xf32, #tpu.memory_space<vmem_shared>>
      tpu.enqueue_indirect_dma source(%dma_start3A_358 : memref<128x32xf32, #tpu.memory_space<vmem>>) target(%dma_start3A_364 : memref<10016x32xf32, #tpu.memory_space<vmem_shared>>) offsets(%dma_start3A_361 : memref<128xi32, #tpu.memory_space<vmem>>) semaphore(%arg13 : memref<!tpu.dma_semaphore, #tpu.memory_space<semaphore_mem>>) {add = true}
      %add3A_365 = arith.constant 3 : i32
      %add3A_366 = arith.addi %mul3A_210, %add3A_365 : i32
      %mul3A_367 = arith.constant 8 : i32
      %mul3A_368 = arith.muli %scan3A_199, %mul3A_367 : i32
      %add3A_369 = arith.constant 3 : i32
      %add3A_370 = arith.addi %mul3A_368, %add3A_369 : i32
      %dma_start3A_371 = arith.constant 0 : i32
      %dma_start3A_372 = arith.constant 0 : i32
      %dma_start3A_373 = tpu.memref_slice %arg9[%add3A_366, %dma_start3A_371, %dma_start3A_372] : memref<16x128x32xf32, #tpu.memory_space<vmem>> -> memref<1x128x32xf32, #tpu.memory_space<vmem>>
      %dma_start3A_374 = tpu.memref_squeeze %dma_start3A_373 : memref<1x128x32xf32, #tpu.memory_space<vmem>> -> memref<128x32xf32, #tpu.memory_space<vmem>>
      %dma_start3A_375 = arith.constant 0 : i32
      %dma_start3A_376 = tpu.memref_slice %arg8[%add3A_370, %dma_start3A_375] : memref<80x128xi32, #tpu.memory_space<vmem>> -> memref<1x128xi32, #tpu.memory_space<vmem>>
      %dma_start3A_377 = tpu.memref_squeeze %dma_start3A_376 : memref<1x128xi32, #tpu.memory_space<vmem>> -> memref<128xi32, #tpu.memory_space<vmem>>
      %dma_start3A_378 = arith.constant 0 : i32
      %dma_start3A_379 = arith.constant 0 : i32
      %dma_start3A_380 = tpu.memref_slice %arg10[%dma_start3A_378, %dma_start3A_379] : memref<10016x32xf32, #tpu.memory_space<vmem_shared>> -> memref<10016x32xf32, #tpu.memory_space<vmem_shared>>
      tpu.enqueue_indirect_dma source(%dma_start3A_374 : memref<128x32xf32, #tpu.memory_space<vmem>>) target(%dma_start3A_380 : memref<10016x32xf32, #tpu.memory_space<vmem_shared>>) offsets(%dma_start3A_377 : memref<128xi32, #tpu.memory_space<vmem>>) semaphore(%arg13 : memref<!tpu.dma_semaphore, #tpu.memory_space<semaphore_mem>>) {add = true}
      %add3A_381 = arith.constant 4 : i32
      %add3A_382 = arith.addi %mul3A_210, %add3A_381 : i32
      %mul3A_383 = arith.constant 8 : i32
      %mul3A_384 = arith.muli %scan3A_199, %mul3A_383 : i32
      %add3A_385 = arith.constant 4 : i32
      %add3A_386 = arith.addi %mul3A_384, %add3A_385 : i32
      %dma_start3A_387 = arith.constant 0 : i32
      %dma_start3A_388 = arith.constant 0 : i32
      %dma_start3A_389 = tpu.memref_slice %arg9[%add3A_382, %dma_start3A_387, %dma_start3A_388] : memref<16x128x32xf32, #tpu.memory_space<vmem>> -> memref<1x128x32xf32, #tpu.memory_space<vmem>>
      %dma_start3A_390 = tpu.memref_squeeze %dma_start3A_389 : memref<1x128x32xf32, #tpu.memory_space<vmem>> -> memref<128x32xf32, #tpu.memory_space<vmem>>
      %dma_start3A_391 = arith.constant 0 : i32
      %dma_start3A_392 = tpu.memref_slice %arg8[%add3A_386, %dma_start3A_391] : memref<80x128xi32, #tpu.memory_space<vmem>> -> memref<1x128xi32, #tpu.memory_space<vmem>>
      %dma_start3A_393 = tpu.memref_squeeze %dma_start3A_392 : memref<1x128xi32, #tpu.memory_space<vmem>> -> memref<128xi32, #tpu.memory_space<vmem>>
      %dma_start3A_394 = arith.constant 0 : i32
      %dma_start3A_395 = arith.constant 0 : i32
      %dma_start3A_396 = tpu.memref_slice %arg10[%dma_start3A_394, %dma_start3A_395] : memref<10016x32xf32, #tpu.memory_space<vmem_shared>> -> memref<10016x32xf32, #tpu.memory_space<vmem_shared>>
      tpu.enqueue_indirect_dma source(%dma_start3A_390 : memref<128x32xf32, #tpu.memory_space<vmem>>) target(%dma_start3A_396 : memref<10016x32xf32, #tpu.memory_space<vmem_shared>>) offsets(%dma_start3A_393 : memref<128xi32, #tpu.memory_space<vmem>>) semaphore(%arg13 : memref<!tpu.dma_semaphore, #tpu.memory_space<semaphore_mem>>) {add = true}
      %add3A_397 = arith.constant 5 : i32
      %add3A_398 = arith.addi %mul3A_210, %add3A_397 : i32
      %mul3A_399 = arith.constant 8 : i32
      %mul3A_400 = arith.muli %scan3A_199, %mul3A_399 : i32
      %add3A_401 = arith.constant 5 : i32
      %add3A_402 = arith.addi %mul3A_400, %add3A_401 : i32
      %dma_start3A_403 = arith.constant 0 : i32
      %dma_start3A_404 = arith.constant 0 : i32
      %dma_start3A_405 = tpu.memref_slice %arg9[%add3A_398, %dma_start3A_403, %dma_start3A_404] : memref<16x128x32xf32, #tpu.memory_space<vmem>> -> memref<1x128x32xf32, #tpu.memory_space<vmem>>
      %dma_start3A_406 = tpu.memref_squeeze %dma_start3A_405 : memref<1x128x32xf32, #tpu.memory_space<vmem>> -> memref<128x32xf32, #tpu.memory_space<vmem>>
      %dma_start3A_407 = arith.constant 0 : i32
      %dma_start3A_408 = tpu.memref_slice %arg8[%add3A_402, %dma_start3A_407] : memref<80x128xi32, #tpu.memory_space<vmem>> -> memref<1x128xi32, #tpu.memory_space<vmem>>
      %dma_start3A_409 = tpu.memref_squeeze %dma_start3A_408 : memref<1x128xi32, #tpu.memory_space<vmem>> -> memref<128xi32, #tpu.memory_space<vmem>>
      %dma_start3A_410 = arith.constant 0 : i32
      %dma_start3A_411 = arith.constant 0 : i32
      %dma_start3A_412 = tpu.memref_slice %arg10[%dma_start3A_410, %dma_start3A_411] : memref<10016x32xf32, #tpu.memory_space<vmem_shared>> -> memref<10016x32xf32, #tpu.memory_space<vmem_shared>>
      tpu.enqueue_indirect_dma source(%dma_start3A_406 : memref<128x32xf32, #tpu.memory_space<vmem>>) target(%dma_start3A_412 : memref<10016x32xf32, #tpu.memory_space<vmem_shared>>) offsets(%dma_start3A_409 : memref<128xi32, #tpu.memory_space<vmem>>) semaphore(%arg13 : memref<!tpu.dma_semaphore, #tpu.memory_space<semaphore_mem>>) {add = true}
      %add3A_413 = arith.constant 6 : i32
      %add3A_414 = arith.addi %mul3A_210, %add3A_413 : i32
      %mul3A_415 = arith.constant 8 : i32
      %mul3A_416 = arith.muli %scan3A_199, %mul3A_415 : i32
      %add3A_417 = arith.constant 6 : i32
      %add3A_418 = arith.addi %mul3A_416, %add3A_417 : i32
      %dma_start3A_419 = arith.constant 0 : i32
      %dma_start3A_420 = arith.constant 0 : i32
      %dma_start3A_421 = tpu.memref_slice %arg9[%add3A_414, %dma_start3A_419, %dma_start3A_420] : memref<16x128x32xf32, #tpu.memory_space<vmem>> -> memref<1x128x32xf32, #tpu.memory_space<vmem>>
      %dma_start3A_422 = tpu.memref_squeeze %dma_start3A_421 : memref<1x128x32xf32, #tpu.memory_space<vmem>> -> memref<128x32xf32, #tpu.memory_space<vmem>>
      %dma_start3A_423 = arith.constant 0 : i32
      %dma_start3A_424 = tpu.memref_slice %arg8[%add3A_418, %dma_start3A_423] : memref<80x128xi32, #tpu.memory_space<vmem>> -> memref<1x128xi32, #tpu.memory_space<vmem>>
      %dma_start3A_425 = tpu.memref_squeeze %dma_start3A_424 : memref<1x128xi32, #tpu.memory_space<vmem>> -> memref<128xi32, #tpu.memory_space<vmem>>
      %dma_start3A_426 = arith.constant 0 : i32
      %dma_start3A_427 = arith.constant 0 : i32
      %dma_start3A_428 = tpu.memref_slice %arg10[%dma_start3A_426, %dma_start3A_427] : memref<10016x32xf32, #tpu.memory_space<vmem_shared>> -> memref<10016x32xf32, #tpu.memory_space<vmem_shared>>
      tpu.enqueue_indirect_dma source(%dma_start3A_422 : memref<128x32xf32, #tpu.memory_space<vmem>>) target(%dma_start3A_428 : memref<10016x32xf32, #tpu.memory_space<vmem_shared>>) offsets(%dma_start3A_425 : memref<128xi32, #tpu.memory_space<vmem>>) semaphore(%arg13 : memref<!tpu.dma_semaphore, #tpu.memory_space<semaphore_mem>>) {add = true}
      %add3A_429 = arith.constant 7 : i32
      %add3A_430 = arith.addi %mul3A_210, %add3A_429 : i32
      %mul3A_431 = arith.constant 8 : i32
      %mul3A_432 = arith.muli %scan3A_199, %mul3A_431 : i32
      %add3A_433 = arith.constant 7 : i32
      %add3A_434 = arith.addi %mul3A_432, %add3A_433 : i32
      %dma_start3A_435 = arith.constant 0 : i32
      %dma_start3A_436 = arith.constant 0 : i32
      %dma_start3A_437 = tpu.memref_slice %arg9[%add3A_430, %dma_start3A_435, %dma_start3A_436] : memref<16x128x32xf32, #tpu.memory_space<vmem>> -> memref<1x128x32xf32, #tpu.memory_space<vmem>>
      %dma_start3A_438 = tpu.memref_squeeze %dma_start3A_437 : memref<1x128x32xf32, #tpu.memory_space<vmem>> -> memref<128x32xf32, #tpu.memory_space<vmem>>
      %dma_start3A_439 = arith.constant 0 : i32
      %dma_start3A_440 = tpu.memref_slice %arg8[%add3A_434, %dma_start3A_439] : memref<80x128xi32, #tpu.memory_space<vmem>> -> memref<1x128xi32, #tpu.memory_space<vmem>>
      %dma_start3A_441 = tpu.memref_squeeze %dma_start3A_440 : memref<1x128xi32, #tpu.memory_space<vmem>> -> memref<128xi32, #tpu.memory_space<vmem>>
      %dma_start3A_442 = arith.constant 0 : i32
      %dma_start3A_443 = arith.constant 0 : i32
      %dma_start3A_444 = tpu.memref_slice %arg10[%dma_start3A_442, %dma_start3A_443] : memref<10016x32xf32, #tpu.memory_space<vmem_shared>> -> memref<10016x32xf32, #tpu.memory_space<vmem_shared>>
      tpu.enqueue_indirect_dma source(%dma_start3A_438 : memref<128x32xf32, #tpu.memory_space<vmem>>) target(%dma_start3A_444 : memref<10016x32xf32, #tpu.memory_space<vmem_shared>>) offsets(%dma_start3A_441 : memref<128xi32, #tpu.memory_space<vmem>>) semaphore(%arg13 : memref<!tpu.dma_semaphore, #tpu.memory_space<semaphore_mem>>) {add = true}
    }
    %scan3A_102 = arith.constant 10 : i32
    %dma_wait3A = arith.constant 0 : i32
    %dma_wait3A_103 = arith.constant 0 : i32
    %dma_wait3A_104 = arith.constant 0 : i32
    %dma_wait3A_105 = arith.constant 0 : i32
    %dma_wait3A_106 = tpu.memref_slice %arg9[%dma_wait3A, %dma_wait3A_104, %dma_wait3A_105] : memref<16x128x32xf32, #tpu.memory_space<vmem>> -> memref<1x128x32xf32, #tpu.memory_space<vmem>>
    %dma_wait3A_107 = tpu.memref_squeeze %dma_wait3A_106 : memref<1x128x32xf32, #tpu.memory_space<vmem>> -> memref<128x32xf32, #tpu.memory_space<vmem>>
    %dma_wait3A_108 = arith.constant 0 : i32
    %dma_wait3A_109 = tpu.memref_slice %arg8[%dma_wait3A_103, %dma_wait3A_108] : memref<80x128xi32, #tpu.memory_space<vmem>> -> memref<1x128xi32, #tpu.memory_space<vmem>>
    %dma_wait3A_110 = tpu.memref_squeeze %dma_wait3A_109 : memref<1x128xi32, #tpu.memory_space<vmem>> -> memref<128xi32, #tpu.memory_space<vmem>>
    %dma_wait3A_111 = arith.constant 0 : i32
    %dma_wait3A_112 = arith.constant 0 : i32
    %dma_wait3A_113 = tpu.memref_slice %arg10[%dma_wait3A_111, %dma_wait3A_112] : memref<10016x32xf32, #tpu.memory_space<vmem_shared>> -> memref<10016x32xf32, #tpu.memory_space<vmem_shared>>
    tpu.wait_indirect_dma semaphore(%arg13 : memref<!tpu.dma_semaphore, #tpu.memory_space<semaphore_mem>>) src(%dma_wait3A_107 : memref<128x32xf32, #tpu.memory_space<vmem>>) dst(%dma_wait3A_113 : memref<10016x32xf32, #tpu.memory_space<vmem_shared>>)
    %dma_wait3A_114 = arith.constant 0 : i32
    %dma_wait3A_115 = arith.constant 0 : i32
    %dma_wait3A_116 = arith.constant 0 : i32
    %dma_wait3A_117 = arith.constant 0 : i32
    %dma_wait3A_118 = tpu.memref_slice %arg9[%dma_wait3A_114, %dma_wait3A_116, %dma_wait3A_117] : memref<16x128x32xf32, #tpu.memory_space<vmem>> -> memref<1x128x32xf32, #tpu.memory_space<vmem>>
    %dma_wait3A_119 = tpu.memref_squeeze %dma_wait3A_118 : memref<1x128x32xf32, #tpu.memory_space<vmem>> -> memref<128x32xf32, #tpu.memory_space<vmem>>
    %dma_wait3A_120 = arith.constant 0 : i32
    %dma_wait3A_121 = tpu.memref_slice %arg8[%dma_wait3A_115, %dma_wait3A_120] : memref<80x128xi32, #tpu.memory_space<vmem>> -> memref<1x128xi32, #tpu.memory_space<vmem>>
    %dma_wait3A_122 = tpu.memref_squeeze %dma_wait3A_121 : memref<1x128xi32, #tpu.memory_space<vmem>> -> memref<128xi32, #tpu.memory_space<vmem>>
    %dma_wait3A_123 = arith.constant 0 : i32
    %dma_wait3A_124 = arith.constant 0 : i32
    %dma_wait3A_125 = tpu.memref_slice %arg10[%dma_wait3A_123, %dma_wait3A_124] : memref<10016x32xf32, #tpu.memory_space<vmem_shared>> -> memref<10016x32xf32, #tpu.memory_space<vmem_shared>>
    tpu.wait_indirect_dma semaphore(%arg13 : memref<!tpu.dma_semaphore, #tpu.memory_space<semaphore_mem>>) src(%dma_wait3A_119 : memref<128x32xf32, #tpu.memory_space<vmem>>) dst(%dma_wait3A_125 : memref<10016x32xf32, #tpu.memory_space<vmem_shared>>)
    %dma_wait3A_126 = arith.constant 0 : i32
    %dma_wait3A_127 = arith.constant 0 : i32
    %dma_wait3A_128 = arith.constant 0 : i32
    %dma_wait3A_129 = arith.constant 0 : i32
    %dma_wait3A_130 = tpu.memref_slice %arg9[%dma_wait3A_126, %dma_wait3A_128, %dma_wait3A_129] : memref<16x128x32xf32, #tpu.memory_space<vmem>> -> memref<1x128x32xf32, #tpu.memory_space<vmem>>
    %dma_wait3A_131 = tpu.memref_squeeze %dma_wait3A_130 : memref<1x128x32xf32, #tpu.memory_space<vmem>> -> memref<128x32xf32, #tpu.memory_space<vmem>>
    %dma_wait3A_132 = arith.constant 0 : i32
    %dma_wait3A_133 = tpu.memref_slice %arg8[%dma_wait3A_127, %dma_wait3A_132] : memref<80x128xi32, #tpu.memory_space<vmem>> -> memref<1x128xi32, #tpu.memory_space<vmem>>
    %dma_wait3A_134 = tpu.memref_squeeze %dma_wait3A_133 : memref<1x128xi32, #tpu.memory_space<vmem>> -> memref<128xi32, #tpu.memory_space<vmem>>
    %dma_wait3A_135 = arith.constant 0 : i32
    %dma_wait3A_136 = arith.constant 0 : i32
    %dma_wait3A_137 = tpu.memref_slice %arg10[%dma_wait3A_135, %dma_wait3A_136] : memref<10016x32xf32, #tpu.memory_space<vmem_shared>> -> memref<10016x32xf32, #tpu.memory_space<vmem_shared>>
    tpu.wait_indirect_dma semaphore(%arg13 : memref<!tpu.dma_semaphore, #tpu.memory_space<semaphore_mem>>) src(%dma_wait3A_131 : memref<128x32xf32, #tpu.memory_space<vmem>>) dst(%dma_wait3A_137 : memref<10016x32xf32, #tpu.memory_space<vmem_shared>>)
    %dma_wait3A_138 = arith.constant 0 : i32
    %dma_wait3A_139 = arith.constant 0 : i32
    %dma_wait3A_140 = arith.constant 0 : i32
    %dma_wait3A_141 = arith.constant 0 : i32
    %dma_wait3A_142 = tpu.memref_slice %arg9[%dma_wait3A_138, %dma_wait3A_140, %dma_wait3A_141] : memref<16x128x32xf32, #tpu.memory_space<vmem>> -> memref<1x128x32xf32, #tpu.memory_space<vmem>>
    %dma_wait3A_143 = tpu.memref_squeeze %dma_wait3A_142 : memref<1x128x32xf32, #tpu.memory_space<vmem>> -> memref<128x32xf32, #tpu.memory_space<vmem>>
    %dma_wait3A_144 = arith.constant 0 : i32
    %dma_wait3A_145 = tpu.memref_slice %arg8[%dma_wait3A_139, %dma_wait3A_144] : memref<80x128xi32, #tpu.memory_space<vmem>> -> memref<1x128xi32, #tpu.memory_space<vmem>>
    %dma_wait3A_146 = tpu.memref_squeeze %dma_wait3A_145 : memref<1x128xi32, #tpu.memory_space<vmem>> -> memref<128xi32, #tpu.memory_space<vmem>>
    %dma_wait3A_147 = arith.constant 0 : i32
    %dma_wait3A_148 = arith.constant 0 : i32
    %dma_wait3A_149 = tpu.memref_slice %arg10[%dma_wait3A_147, %dma_wait3A_148] : memref<10016x32xf32, #tpu.memory_space<vmem_shared>> -> memref<10016x32xf32, #tpu.memory_space<vmem_shared>>
    tpu.wait_indirect_dma semaphore(%arg13 : memref<!tpu.dma_semaphore, #tpu.memory_space<semaphore_mem>>) src(%dma_wait3A_143 : memref<128x32xf32, #tpu.memory_space<vmem>>) dst(%dma_wait3A_149 : memref<10016x32xf32, #tpu.memory_space<vmem_shared>>)
    %dma_wait3A_150 = arith.constant 0 : i32
    %dma_wait3A_151 = arith.constant 0 : i32
    %dma_wait3A_152 = arith.constant 0 : i32
    %dma_wait3A_153 = arith.constant 0 : i32
    %dma_wait3A_154 = tpu.memref_slice %arg9[%dma_wait3A_150, %dma_wait3A_152, %dma_wait3A_153] : memref<16x128x32xf32, #tpu.memory_space<vmem>> -> memref<1x128x32xf32, #tpu.memory_space<vmem>>
    %dma_wait3A_155 = tpu.memref_squeeze %dma_wait3A_154 : memref<1x128x32xf32, #tpu.memory_space<vmem>> -> memref<128x32xf32, #tpu.memory_space<vmem>>
    %dma_wait3A_156 = arith.constant 0 : i32
    %dma_wait3A_157 = tpu.memref_slice %arg8[%dma_wait3A_151, %dma_wait3A_156] : memref<80x128xi32, #tpu.memory_space<vmem>> -> memref<1x128xi32, #tpu.memory_space<vmem>>
    %dma_wait3A_158 = tpu.memref_squeeze %dma_wait3A_157 : memref<1x128xi32, #tpu.memory_space<vmem>> -> memref<128xi32, #tpu.memory_space<vmem>>
    %dma_wait3A_159 = arith.constant 0 : i32
    %dma_wait3A_160 = arith.constant 0 : i32
    %dma_wait3A_161 = tpu.memref_slice %arg10[%dma_wait3A_159, %dma_wait3A_160] : memref<10016x32xf32, #tpu.memory_space<vmem_shared>> -> memref<10016x32xf32, #tpu.memory_space<vmem_shared>>
    tpu.wait_indirect_dma semaphore(%arg13 : memref<!tpu.dma_semaphore, #tpu.memory_space<semaphore_mem>>) src(%dma_wait3A_155 : memref<128x32xf32, #tpu.memory_space<vmem>>) dst(%dma_wait3A_161 : memref<10016x32xf32, #tpu.memory_space<vmem_shared>>)
    %dma_wait3A_162 = arith.constant 0 : i32
    %dma_wait3A_163 = arith.constant 0 : i32
    %dma_wait3A_164 = arith.constant 0 : i32
    %dma_wait3A_165 = arith.constant 0 : i32
    %dma_wait3A_166 = tpu.memref_slice %arg9[%dma_wait3A_162, %dma_wait3A_164, %dma_wait3A_165] : memref<16x128x32xf32, #tpu.memory_space<vmem>> -> memref<1x128x32xf32, #tpu.memory_space<vmem>>
    %dma_wait3A_167 = tpu.memref_squeeze %dma_wait3A_166 : memref<1x128x32xf32, #tpu.memory_space<vmem>> -> memref<128x32xf32, #tpu.memory_space<vmem>>
    %dma_wait3A_168 = arith.constant 0 : i32
    %dma_wait3A_169 = tpu.memref_slice %arg8[%dma_wait3A_163, %dma_wait3A_168] : memref<80x128xi32, #tpu.memory_space<vmem>> -> memref<1x128xi32, #tpu.memory_space<vmem>>
    %dma_wait3A_170 = tpu.memref_squeeze %dma_wait3A_169 : memref<1x128xi32, #tpu.memory_space<vmem>> -> memref<128xi32, #tpu.memory_space<vmem>>
    %dma_wait3A_171 = arith.constant 0 : i32
    %dma_wait3A_172 = arith.constant 0 : i32
    %dma_wait3A_173 = tpu.memref_slice %arg10[%dma_wait3A_171, %dma_wait3A_172] : memref<10016x32xf32, #tpu.memory_space<vmem_shared>> -> memref<10016x32xf32, #tpu.memory_space<vmem_shared>>
    tpu.wait_indirect_dma semaphore(%arg13 : memref<!tpu.dma_semaphore, #tpu.memory_space<semaphore_mem>>) src(%dma_wait3A_167 : memref<128x32xf32, #tpu.memory_space<vmem>>) dst(%dma_wait3A_173 : memref<10016x32xf32, #tpu.memory_space<vmem_shared>>)
    %dma_wait3A_174 = arith.constant 0 : i32
    %dma_wait3A_175 = arith.constant 0 : i32
    %dma_wait3A_176 = arith.constant 0 : i32
    %dma_wait3A_177 = arith.constant 0 : i32
    %dma_wait3A_178 = tpu.memref_slice %arg9[%dma_wait3A_174, %dma_wait3A_176, %dma_wait3A_177] : memref<16x128x32xf32, #tpu.memory_space<vmem>> -> memref<1x128x32xf32, #tpu.memory_space<vmem>>
    %dma_wait3A_179 = tpu.memref_squeeze %dma_wait3A_178 : memref<1x128x32xf32, #tpu.memory_space<vmem>> -> memref<128x32xf32, #tpu.memory_space<vmem>>
    %dma_wait3A_180 = arith.constant 0 : i32
    %dma_wait3A_181 = tpu.memref_slice %arg8[%dma_wait3A_175, %dma_wait3A_180] : memref<80x128xi32, #tpu.memory_space<vmem>> -> memref<1x128xi32, #tpu.memory_space<vmem>>
    %dma_wait3A_182 = tpu.memref_squeeze %dma_wait3A_181 : memref<1x128xi32, #tpu.memory_space<vmem>> -> memref<128xi32, #tpu.memory_space<vmem>>
    %dma_wait3A_183 = arith.constant 0 : i32
    %dma_wait3A_184 = arith.constant 0 : i32
    %dma_wait3A_185 = tpu.memref_slice %arg10[%dma_wait3A_183, %dma_wait3A_184] : memref<10016x32xf32, #tpu.memory_space<vmem_shared>> -> memref<10016x32xf32, #tpu.memory_space<vmem_shared>>
    tpu.wait_indirect_dma semaphore(%arg13 : memref<!tpu.dma_semaphore, #tpu.memory_space<semaphore_mem>>) src(%dma_wait3A_179 : memref<128x32xf32, #tpu.memory_space<vmem>>) dst(%dma_wait3A_185 : memref<10016x32xf32, #tpu.memory_space<vmem_shared>>)
    %dma_wait3A_186 = arith.constant 0 : i32
    %dma_wait3A_187 = arith.constant 0 : i32
    %dma_wait3A_188 = arith.constant 0 : i32
    %dma_wait3A_189 = arith.constant 0 : i32
    %dma_wait3A_190 = tpu.memref_slice %arg9[%dma_wait3A_186, %dma_wait3A_188, %dma_wait3A_189] : memref<16x128x32xf32, #tpu.memory_space<vmem>> -> memref<1x128x32xf32, #tpu.memory_space<vmem>>
    %dma_wait3A_191 = tpu.memref_squeeze %dma_wait3A_190 : memref<1x128x32xf32, #tpu.memory_space<vmem>> -> memref<128x32xf32, #tpu.memory_space<vmem>>
    %dma_wait3A_192 = arith.constant 0 : i32
    %dma_wait3A_193 = tpu.memref_slice %arg8[%dma_wait3A_187, %dma_wait3A_192] : memref<80x128xi32, #tpu.memory_space<vmem>> -> memref<1x128xi32, #tpu.memory_space<vmem>>
    %dma_wait3A_194 = tpu.memref_squeeze %dma_wait3A_193 : memref<1x128xi32, #tpu.memory_space<vmem>> -> memref<128xi32, #tpu.memory_space<vmem>>
    %dma_wait3A_195 = arith.constant 0 : i32
    %dma_wait3A_196 = arith.constant 0 : i32
    %dma_wait3A_197 = tpu.memref_slice %arg10[%dma_wait3A_195, %dma_wait3A_196] : memref<10016x32xf32, #tpu.memory_space<vmem_shared>> -> memref<10016x32xf32, #tpu.memory_space<vmem_shared>>
    tpu.wait_indirect_dma semaphore(%arg13 : memref<!tpu.dma_semaphore, #tpu.memory_space<semaphore_mem>>) src(%dma_wait3A_191 : memref<128x32xf32, #tpu.memory_space<vmem>>) dst(%dma_wait3A_197 : memref<10016x32xf32, #tpu.memory_space<vmem_shared>>)
    %barrier3A_198 = arith.constant 0 : index
    tpu.barrier barrier_id(%barrier3A_198)
    "tpu.region"() ({
      %run_scoped3A = tpu.sem_alloc : memref<!tpu.dma_semaphore, #tpu.memory_space<semaphore_mem>>
      %dma_start3A_199 = arith.constant 0 : i32
      %dma_start3A_200 = tpu.memref_slice %arg6[%arg0, %mul3A_2, %dma_start3A_199] : memref<2x10016x32xf32, #tpu.memory_space<hbm>> -> memref<1x626x32xf32, #tpu.memory_space<hbm>>
      %dma_start3A_201 = tpu.memref_squeeze %dma_start3A_200 : memref<1x626x32xf32, #tpu.memory_space<hbm>> -> memref<626x32xf32, #tpu.memory_space<hbm>>
      %dma_start3A_202 = arith.constant 0 : i32
      %dma_start3A_203 = tpu.memref_slice %arg10[%mul3A_2, %dma_start3A_202] : memref<10016x32xf32, #tpu.memory_space<vmem_shared>> -> memref<626x32xf32, #tpu.memory_space<vmem_shared>>
      tpu.enqueue_dma source(%dma_start3A_203 : memref<626x32xf32, #tpu.memory_space<vmem_shared>>) target(%dma_start3A_201 : memref<626x32xf32, #tpu.memory_space<hbm>>) target_semaphore(%run_scoped3A : memref<!tpu.dma_semaphore, #tpu.memory_space<semaphore_mem>>)
      %dma_wait3A_204 = arith.constant 0 : i32
      %dma_wait3A_205 = tpu.memref_slice %arg6[%arg0, %mul3A_2, %dma_wait3A_204] : memref<2x10016x32xf32, #tpu.memory_space<hbm>> -> memref<1x626x32xf32, #tpu.memory_space<hbm>>
      %dma_wait3A_206 = tpu.memref_squeeze %dma_wait3A_205 : memref<1x626x32xf32, #tpu.memory_space<hbm>> -> memref<626x32xf32, #tpu.memory_space<hbm>>
      %dma_wait3A_207 = arith.constant 0 : i32
      %dma_wait3A_208 = tpu.memref_slice %arg10[%mul3A_2, %dma_wait3A_207] : memref<10016x32xf32, #tpu.memory_space<vmem_shared>> -> memref<626x32xf32, #tpu.memory_space<vmem_shared>>
      tpu.wait_dma2 semaphore(%run_scoped3A : memref<!tpu.dma_semaphore, #tpu.memory_space<semaphore_mem>>) src(%dma_wait3A_208 : memref<626x32xf32, #tpu.memory_space<vmem_shared>>) dst(%dma_wait3A_206 : memref<626x32xf32, #tpu.memory_space<hbm>>)
      tpu.yield
    }) : () -> ()
    return
  }
}

#map = affine_map<(d0, d1) -> (0, 0)>
#map1 = affine_map<(d0, d1) -> (0, 0, 0)>
module attributes {stable_mosaic.version = 14 : i64} {
  func.func @body(%arg0: i32, %arg1: i32, %arg2: memref<10016x64xf32, #tpu.memory_space<hbm>>, %arg3: memref<32x84x120xi32, #tpu.memory_space<hbm>>, %arg4: memref<32x84x120xi32, #tpu.memory_space<hbm>>, %arg5: memref<10016x64xf32, #tpu.memory_space<hbm>>, %arg6: memref<2x10016x64xf32, #tpu.memory_space<hbm>>, %arg7: memref<84x120xi32, #tpu.memory_space<vmem>>, %arg8: memref<84x120xi32, #tpu.memory_space<vmem>>, %arg9: memref<4x120x64xf32, #tpu.memory_space<vmem>>, %arg10: memref<10016x64xf32, #tpu.memory_space<vmem_shared>>, %arg11: memref<10016x64xf32, #tpu.memory_space<vmem_shared>>, %arg12: memref<!tpu.dma_semaphore, #tpu.memory_space<semaphore_mem>>, %arg13: memref<!tpu.dma_semaphore, #tpu.memory_space<semaphore_mem>>) attributes {dimension_semantics = [#tpu.dimension_semantics<core_parallel>, #tpu.dimension_semantics<subcore_parallel>], iteration_bounds = array<i64: 2, 16>, scalar_prefetch = 0 : i64, scratch_operands = 7 : i64, tpu.core_type = #tpu.core_type<sc_vector_subcore>, window_params = [{transform_indices = #map}, {transform_indices = #map1}, {transform_indices = #map1}, {transform_indices = #map}, {transform_indices = #map1}]} {
    %mul3A = arith.constant 2 : i32
    %mul3A_0 = arith.muli %arg1, %mul3A : i32
    %add3A = arith.addi %mul3A_0, %arg0 : i32
    %mul3A_1 = arith.constant 626 : i32
    %mul3A_2 = arith.muli %arg1, %mul3A_1 : i32
    "tpu.region"() ({
      %run_scoped3A = tpu.sem_alloc : memref<!tpu.dma_semaphore, #tpu.memory_space<semaphore_mem>>
      %dma_start3A_55 = arith.constant 0 : i32
      %dma_start3A_56 = tpu.memref_slice %arg10[%mul3A_2, %dma_start3A_55] : memref<10016x64xf32, #tpu.memory_space<vmem_shared>> -> memref<626x64xf32, #tpu.memory_space<vmem_shared>>
      %dma_start3A_57 = arith.constant 0 : i32
      %dma_start3A_58 = tpu.memref_slice %arg5[%mul3A_2, %dma_start3A_57] : memref<10016x64xf32, #tpu.memory_space<hbm>> -> memref<626x64xf32, #tpu.memory_space<hbm>>
      tpu.enqueue_dma source(%dma_start3A_58 : memref<626x64xf32, #tpu.memory_space<hbm>>) target(%dma_start3A_56 : memref<626x64xf32, #tpu.memory_space<vmem_shared>>) target_semaphore(%run_scoped3A : memref<!tpu.dma_semaphore, #tpu.memory_space<semaphore_mem>>)
      %dma_wait3A_59 = arith.constant 0 : i32
      %dma_wait3A_60 = tpu.memref_slice %arg10[%mul3A_2, %dma_wait3A_59] : memref<10016x64xf32, #tpu.memory_space<vmem_shared>> -> memref<626x64xf32, #tpu.memory_space<vmem_shared>>
      %dma_wait3A_61 = arith.constant 0 : i32
      %dma_wait3A_62 = tpu.memref_slice %arg5[%mul3A_2, %dma_wait3A_61] : memref<10016x64xf32, #tpu.memory_space<hbm>> -> memref<626x64xf32, #tpu.memory_space<hbm>>
      tpu.wait_dma2 semaphore(%run_scoped3A : memref<!tpu.dma_semaphore, #tpu.memory_space<semaphore_mem>>) src(%dma_wait3A_62 : memref<626x64xf32, #tpu.memory_space<hbm>>) dst(%dma_wait3A_60 : memref<626x64xf32, #tpu.memory_space<vmem_shared>>)
      tpu.yield
    }) : () -> ()
    "tpu.region"() ({
      %run_scoped3A = tpu.sem_alloc : memref<!tpu.dma_semaphore, #tpu.memory_space<semaphore_mem>>
      %dma_start3A_55 = arith.constant 0 : i32
      %dma_start3A_56 = tpu.memref_slice %arg11[%mul3A_2, %dma_start3A_55] : memref<10016x64xf32, #tpu.memory_space<vmem_shared>> -> memref<626x64xf32, #tpu.memory_space<vmem_shared>>
      %dma_start3A_57 = arith.constant 0 : i32
      %dma_start3A_58 = tpu.memref_slice %arg2[%mul3A_2, %dma_start3A_57] : memref<10016x64xf32, #tpu.memory_space<hbm>> -> memref<626x64xf32, #tpu.memory_space<hbm>>
      tpu.enqueue_dma source(%dma_start3A_58 : memref<626x64xf32, #tpu.memory_space<hbm>>) target(%dma_start3A_56 : memref<626x64xf32, #tpu.memory_space<vmem_shared>>) target_semaphore(%run_scoped3A : memref<!tpu.dma_semaphore, #tpu.memory_space<semaphore_mem>>)
      %dma_wait3A_59 = arith.constant 0 : i32
      %dma_wait3A_60 = tpu.memref_slice %arg11[%mul3A_2, %dma_wait3A_59] : memref<10016x64xf32, #tpu.memory_space<vmem_shared>> -> memref<626x64xf32, #tpu.memory_space<vmem_shared>>
      %dma_wait3A_61 = arith.constant 0 : i32
      %dma_wait3A_62 = tpu.memref_slice %arg2[%mul3A_2, %dma_wait3A_61] : memref<10016x64xf32, #tpu.memory_space<hbm>> -> memref<626x64xf32, #tpu.memory_space<hbm>>
      tpu.wait_dma2 semaphore(%run_scoped3A : memref<!tpu.dma_semaphore, #tpu.memory_space<semaphore_mem>>) src(%dma_wait3A_62 : memref<626x64xf32, #tpu.memory_space<hbm>>) dst(%dma_wait3A_60 : memref<626x64xf32, #tpu.memory_space<vmem_shared>>)
      tpu.yield
    }) : () -> ()
    "tpu.region"() ({
      %run_scoped3A = tpu.sem_alloc : memref<!tpu.dma_semaphore, #tpu.memory_space<semaphore_mem>>
      %dma_start3A_55 = arith.constant 0 : i32
      %dma_start3A_56 = arith.constant 0 : i32
      %dma_start3A_57 = tpu.memref_slice %arg3[%add3A, %dma_start3A_55, %dma_start3A_56] : memref<32x84x120xi32, #tpu.memory_space<hbm>> -> memref<1x84x120xi32, #tpu.memory_space<hbm>>
      %dma_start3A_58 = tpu.memref_squeeze %dma_start3A_57 : memref<1x84x120xi32, #tpu.memory_space<hbm>> -> memref<84x120xi32, #tpu.memory_space<hbm>>
      %dma_start3A_59 = arith.constant 0 : i32
      %dma_start3A_60 = arith.constant 0 : i32
      %dma_start3A_61 = tpu.memref_slice %arg3[%add3A, %dma_start3A_59, %dma_start3A_60] : memref<32x84x120xi32, #tpu.memory_space<hbm>> -> memref<1x84x120xi32, #tpu.memory_space<hbm>>
      %dma_start3A_62 = tpu.memref_squeeze %dma_start3A_61 : memref<1x84x120xi32, #tpu.memory_space<hbm>> -> memref<84x120xi32, #tpu.memory_space<hbm>>
      tpu.enqueue_dma source(%dma_start3A_62 : memref<84x120xi32, #tpu.memory_space<hbm>>) target(%arg7 : memref<84x120xi32, #tpu.memory_space<vmem>>) target_semaphore(%run_scoped3A : memref<!tpu.dma_semaphore, #tpu.memory_space<semaphore_mem>>)
      %dma_wait3A_63 = arith.constant 0 : i32
      %dma_wait3A_64 = arith.constant 0 : i32
      %dma_wait3A_65 = tpu.memref_slice %arg3[%add3A, %dma_wait3A_63, %dma_wait3A_64] : memref<32x84x120xi32, #tpu.memory_space<hbm>> -> memref<1x84x120xi32, #tpu.memory_space<hbm>>
      %dma_wait3A_66 = tpu.memref_squeeze %dma_wait3A_65 : memref<1x84x120xi32, #tpu.memory_space<hbm>> -> memref<84x120xi32, #tpu.memory_space<hbm>>
      %dma_wait3A_67 = arith.constant 0 : i32
      %dma_wait3A_68 = arith.constant 0 : i32
      %dma_wait3A_69 = tpu.memref_slice %arg3[%add3A, %dma_wait3A_67, %dma_wait3A_68] : memref<32x84x120xi32, #tpu.memory_space<hbm>> -> memref<1x84x120xi32, #tpu.memory_space<hbm>>
      %dma_wait3A_70 = tpu.memref_squeeze %dma_wait3A_69 : memref<1x84x120xi32, #tpu.memory_space<hbm>> -> memref<84x120xi32, #tpu.memory_space<hbm>>
      tpu.wait_dma2 semaphore(%run_scoped3A : memref<!tpu.dma_semaphore, #tpu.memory_space<semaphore_mem>>) src(%dma_wait3A_70 : memref<84x120xi32, #tpu.memory_space<hbm>>) dst(%arg7 : memref<84x120xi32, #tpu.memory_space<vmem>>)
      tpu.yield
    }) : () -> ()
    "tpu.region"() ({
      %run_scoped3A = tpu.sem_alloc : memref<!tpu.dma_semaphore, #tpu.memory_space<semaphore_mem>>
      %dma_start3A_55 = arith.constant 0 : i32
      %dma_start3A_56 = arith.constant 0 : i32
      %dma_start3A_57 = tpu.memref_slice %arg4[%add3A, %dma_start3A_55, %dma_start3A_56] : memref<32x84x120xi32, #tpu.memory_space<hbm>> -> memref<1x84x120xi32, #tpu.memory_space<hbm>>
      %dma_start3A_58 = tpu.memref_squeeze %dma_start3A_57 : memref<1x84x120xi32, #tpu.memory_space<hbm>> -> memref<84x120xi32, #tpu.memory_space<hbm>>
      %dma_start3A_59 = arith.constant 0 : i32
      %dma_start3A_60 = arith.constant 0 : i32
      %dma_start3A_61 = tpu.memref_slice %arg4[%add3A, %dma_start3A_59, %dma_start3A_60] : memref<32x84x120xi32, #tpu.memory_space<hbm>> -> memref<1x84x120xi32, #tpu.memory_space<hbm>>
      %dma_start3A_62 = tpu.memref_squeeze %dma_start3A_61 : memref<1x84x120xi32, #tpu.memory_space<hbm>> -> memref<84x120xi32, #tpu.memory_space<hbm>>
      tpu.enqueue_dma source(%dma_start3A_62 : memref<84x120xi32, #tpu.memory_space<hbm>>) target(%arg8 : memref<84x120xi32, #tpu.memory_space<vmem>>) target_semaphore(%run_scoped3A : memref<!tpu.dma_semaphore, #tpu.memory_space<semaphore_mem>>)
      %dma_wait3A_63 = arith.constant 0 : i32
      %dma_wait3A_64 = arith.constant 0 : i32
      %dma_wait3A_65 = tpu.memref_slice %arg4[%add3A, %dma_wait3A_63, %dma_wait3A_64] : memref<32x84x120xi32, #tpu.memory_space<hbm>> -> memref<1x84x120xi32, #tpu.memory_space<hbm>>
      %dma_wait3A_66 = tpu.memref_squeeze %dma_wait3A_65 : memref<1x84x120xi32, #tpu.memory_space<hbm>> -> memref<84x120xi32, #tpu.memory_space<hbm>>
      %dma_wait3A_67 = arith.constant 0 : i32
      %dma_wait3A_68 = arith.constant 0 : i32
      %dma_wait3A_69 = tpu.memref_slice %arg4[%add3A, %dma_wait3A_67, %dma_wait3A_68] : memref<32x84x120xi32, #tpu.memory_space<hbm>> -> memref<1x84x120xi32, #tpu.memory_space<hbm>>
      %dma_wait3A_70 = tpu.memref_squeeze %dma_wait3A_69 : memref<1x84x120xi32, #tpu.memory_space<hbm>> -> memref<84x120xi32, #tpu.memory_space<hbm>>
      tpu.wait_dma2 semaphore(%run_scoped3A : memref<!tpu.dma_semaphore, #tpu.memory_space<semaphore_mem>>) src(%dma_wait3A_70 : memref<84x120xi32, #tpu.memory_space<hbm>>) dst(%arg8 : memref<84x120xi32, #tpu.memory_space<vmem>>)
      tpu.yield
    }) : () -> ()
    %barrier3A = arith.constant 0 : index
    tpu.barrier barrier_id(%barrier3A)
    %dma_start3A = arith.constant 0 : i32
    %dma_start3A_3 = arith.constant 0 : i32
    %dma_start3A_4 = arith.constant 0 : i32
    %dma_start3A_5 = arith.constant 0 : i32
    %dma_start3A_6 = tpu.memref_slice %arg9[%dma_start3A_3, %dma_start3A_4, %dma_start3A_5] : memref<4x120x64xf32, #tpu.memory_space<vmem>> -> memref<1x120x64xf32, #tpu.memory_space<vmem>>
    %dma_start3A_7 = tpu.memref_squeeze %dma_start3A_6 : memref<1x120x64xf32, #tpu.memory_space<vmem>> -> memref<120x64xf32, #tpu.memory_space<vmem>>
    %dma_start3A_8 = arith.constant 0 : i32
    %dma_start3A_9 = tpu.memref_slice %arg7[%dma_start3A, %dma_start3A_8] : memref<84x120xi32, #tpu.memory_space<vmem>> -> memref<1x120xi32, #tpu.memory_space<vmem>>
    %dma_start3A_10 = tpu.memref_squeeze %dma_start3A_9 : memref<1x120xi32, #tpu.memory_space<vmem>> -> memref<120xi32, #tpu.memory_space<vmem>>
    %dma_start3A_11 = arith.constant 0 : i32
    %dma_start3A_12 = arith.constant 0 : i32
    %dma_start3A_13 = tpu.memref_slice %arg11[%dma_start3A_11, %dma_start3A_12] : memref<10016x64xf32, #tpu.memory_space<vmem_shared>> -> memref<10016x64xf32, #tpu.memory_space<vmem_shared>>
    tpu.enqueue_indirect_dma source(%dma_start3A_13 : memref<10016x64xf32, #tpu.memory_space<vmem_shared>>) target(%dma_start3A_7 : memref<120x64xf32, #tpu.memory_space<vmem>>) offsets(%dma_start3A_10 : memref<120xi32, #tpu.memory_space<vmem>>) semaphore(%arg12 : memref<!tpu.dma_semaphore, #tpu.memory_space<semaphore_mem>>)
    %dma_start3A_14 = arith.constant 1 : i32
    %dma_start3A_15 = arith.constant 1 : i32
    %dma_start3A_16 = arith.constant 0 : i32
    %dma_start3A_17 = arith.constant 0 : i32
    %dma_start3A_18 = tpu.memref_slice %arg9[%dma_start3A_15, %dma_start3A_16, %dma_start3A_17] : memref<4x120x64xf32, #tpu.memory_space<vmem>> -> memref<1x120x64xf32, #tpu.memory_space<vmem>>
    %dma_start3A_19 = tpu.memref_squeeze %dma_start3A_18 : memref<1x120x64xf32, #tpu.memory_space<vmem>> -> memref<120x64xf32, #tpu.memory_space<vmem>>
    %dma_start3A_20 = arith.constant 0 : i32
    %dma_start3A_21 = tpu.memref_slice %arg7[%dma_start3A_14, %dma_start3A_20] : memref<84x120xi32, #tpu.memory_space<vmem>> -> memref<1x120xi32, #tpu.memory_space<vmem>>
    %dma_start3A_22 = tpu.memref_squeeze %dma_start3A_21 : memref<1x120xi32, #tpu.memory_space<vmem>> -> memref<120xi32, #tpu.memory_space<vmem>>
    %dma_start3A_23 = arith.constant 0 : i32
    %dma_start3A_24 = arith.constant 0 : i32
    %dma_start3A_25 = tpu.memref_slice %arg11[%dma_start3A_23, %dma_start3A_24] : memref<10016x64xf32, #tpu.memory_space<vmem_shared>> -> memref<10016x64xf32, #tpu.memory_space<vmem_shared>>
    tpu.enqueue_indirect_dma source(%dma_start3A_25 : memref<10016x64xf32, #tpu.memory_space<vmem_shared>>) target(%dma_start3A_19 : memref<120x64xf32, #tpu.memory_space<vmem>>) offsets(%dma_start3A_22 : memref<120xi32, #tpu.memory_space<vmem>>) semaphore(%arg12 : memref<!tpu.dma_semaphore, #tpu.memory_space<semaphore_mem>>)
    %scan3A = arith.constant 0 : i32
    %scan3A_26 = arith.constant 0 : i32
    %scan3A_27 = arith.constant 42 : i32
    %scan3A_28 = arith.addi %scan3A_26, %scan3A_27 : i32
    %scan3A_29 = arith.constant 1 : i32
    scf.for %scan3A_55 = %scan3A_26 to %scan3A_28 step %scan3A_29  : i32 {
      %jit3A = arith.constant 2 : i32
      %eq3A = arith.constant 0 : i32
      %eq3A_56 = arith.cmpi eq, %jit3A, %eq3A : i32
      %jit3A_57 = arith.constant 1 : i32
      %select_n3A = arith.select %eq3A_56, %jit3A_57, %jit3A : i32
      %rem3A = arith.remsi %scan3A_55, %select_n3A : i32
      %ne3A = arith.constant 0 : i32
      %ne3A_58 = arith.cmpi ne, %rem3A, %ne3A : i32
      %lt3A = arith.constant 0 : i32
      %lt3A_59 = arith.cmpi slt, %rem3A, %lt3A : i32
      %lt3A_60 = arith.constant 0 : i32
      %lt3A_61 = arith.cmpi slt, %select_n3A, %lt3A_60 : i32
      %ne3A_62 = arith.xori %lt3A_59, %lt3A_61 : i1
      %and3A = arith.andi %ne3A_62, %ne3A_58 : i1
      %add3A_63 = arith.addi %rem3A, %select_n3A : i32
      %select_n3A_64 = arith.select %and3A, %add3A_63, %rem3A : i32
      %mul3A_65 = arith.constant 2 : i32
      %mul3A_66 = arith.muli %select_n3A_64, %mul3A_65 : i32
      %sub3A = arith.constant 2 : i32
      %sub3A_67 = arith.subi %sub3A, %mul3A_66 : i32
      %ge3A = arith.constant 1 : i32
      %ge3A_68 = arith.cmpi sge, %scan3A_55, %ge3A : i32
      %convert_element_type3A = arith.extui %ge3A_68 : i1 to i32
      %cond3A = arith.constant 0 : i32
      %cond3A_69 = arith.cmpi ne, %convert_element_type3A, %cond3A : i32
      scf.if %cond3A_69 {
        %dma_wait3A_133 = arith.constant 0 : i32
        %dma_wait3A_134 = arith.constant 0 : i32
        %dma_wait3A_135 = arith.constant 0 : i32
        %dma_wait3A_136 = arith.constant 0 : i32
        %dma_wait3A_137 = tpu.memref_slice %arg9[%dma_wait3A_133, %dma_wait3A_135, %dma_wait3A_136] : memref<4x120x64xf32, #tpu.memory_space<vmem>> -> memref<1x120x64xf32, #tpu.memory_space<vmem>>
        %dma_wait3A_138 = tpu.memref_squeeze %dma_wait3A_137 : memref<1x120x64xf32, #tpu.memory_space<vmem>> -> memref<120x64xf32, #tpu.memory_space<vmem>>
        %dma_wait3A_139 = arith.constant 0 : i32
        %dma_wait3A_140 = tpu.memref_slice %arg8[%dma_wait3A_134, %dma_wait3A_139] : memref<84x120xi32, #tpu.memory_space<vmem>> -> memref<1x120xi32, #tpu.memory_space<vmem>>
        %dma_wait3A_141 = tpu.memref_squeeze %dma_wait3A_140 : memref<1x120xi32, #tpu.memory_space<vmem>> -> memref<120xi32, #tpu.memory_space<vmem>>
        %dma_wait3A_142 = arith.constant 0 : i32
        %dma_wait3A_143 = arith.constant 0 : i32
        %dma_wait3A_144 = tpu.memref_slice %arg10[%dma_wait3A_142, %dma_wait3A_143] : memref<10016x64xf32, #tpu.memory_space<vmem_shared>> -> memref<10016x64xf32, #tpu.memory_space<vmem_shared>>
        tpu.wait_indirect_dma semaphore(%arg13 : memref<!tpu.dma_semaphore, #tpu.memory_space<semaphore_mem>>) src(%dma_wait3A_138 : memref<120x64xf32, #tpu.memory_space<vmem>>) dst(%dma_wait3A_144 : memref<10016x64xf32, #tpu.memory_space<vmem_shared>>)
        %dma_wait3A_145 = arith.constant 0 : i32
        %dma_wait3A_146 = arith.constant 0 : i32
        %dma_wait3A_147 = arith.constant 0 : i32
        %dma_wait3A_148 = arith.constant 0 : i32
        %dma_wait3A_149 = tpu.memref_slice %arg9[%dma_wait3A_145, %dma_wait3A_147, %dma_wait3A_148] : memref<4x120x64xf32, #tpu.memory_space<vmem>> -> memref<1x120x64xf32, #tpu.memory_space<vmem>>
        %dma_wait3A_150 = tpu.memref_squeeze %dma_wait3A_149 : memref<1x120x64xf32, #tpu.memory_space<vmem>> -> memref<120x64xf32, #tpu.memory_space<vmem>>
        %dma_wait3A_151 = arith.constant 0 : i32
        %dma_wait3A_152 = tpu.memref_slice %arg8[%dma_wait3A_146, %dma_wait3A_151] : memref<84x120xi32, #tpu.memory_space<vmem>> -> memref<1x120xi32, #tpu.memory_space<vmem>>
        %dma_wait3A_153 = tpu.memref_squeeze %dma_wait3A_152 : memref<1x120xi32, #tpu.memory_space<vmem>> -> memref<120xi32, #tpu.memory_space<vmem>>
        %dma_wait3A_154 = arith.constant 0 : i32
        %dma_wait3A_155 = arith.constant 0 : i32
        %dma_wait3A_156 = tpu.memref_slice %arg10[%dma_wait3A_154, %dma_wait3A_155] : memref<10016x64xf32, #tpu.memory_space<vmem_shared>> -> memref<10016x64xf32, #tpu.memory_space<vmem_shared>>
        tpu.wait_indirect_dma semaphore(%arg13 : memref<!tpu.dma_semaphore, #tpu.memory_space<semaphore_mem>>) src(%dma_wait3A_150 : memref<120x64xf32, #tpu.memory_space<vmem>>) dst(%dma_wait3A_156 : memref<10016x64xf32, #tpu.memory_space<vmem_shared>>)
      } else {
      }
      %add3A_70 = arith.constant 1 : i32
      %add3A_71 = arith.addi %scan3A_55, %add3A_70 : i32
      %lt3A_72 = arith.constant 42 : i32
      %lt3A_73 = arith.cmpi slt, %add3A_71, %lt3A_72 : i32
      %convert_element_type3A_74 = arith.extui %lt3A_73 : i1 to i32
      %cond3A_75 = arith.constant 0 : i32
      %cond3A_76 = arith.cmpi ne, %convert_element_type3A_74, %cond3A_75 : i32
      scf.if %cond3A_76 {
        %add3A_133 = arith.constant 1 : i32
        %add3A_134 = arith.addi %scan3A_55, %add3A_133 : i32
        %mul3A_135 = arith.constant 2 : i32
        %mul3A_136 = arith.muli %add3A_134, %mul3A_135 : i32
        %add3A_137 = arith.constant 0 : i32
        %add3A_138 = arith.addi %mul3A_136, %add3A_137 : i32
        %add3A_139 = arith.constant 0 : i32
        %add3A_140 = arith.addi %sub3A_67, %add3A_139 : i32
        %dma_start3A_141 = arith.constant 0 : i32
        %dma_start3A_142 = arith.constant 0 : i32
        %dma_start3A_143 = tpu.memref_slice %arg9[%add3A_140, %dma_start3A_141, %dma_start3A_142] : memref<4x120x64xf32, #tpu.memory_space<vmem>> -> memref<1x120x64xf32, #tpu.memory_space<vmem>>
        %dma_start3A_144 = tpu.memref_squeeze %dma_start3A_143 : memref<1x120x64xf32, #tpu.memory_space<vmem>> -> memref<120x64xf32, #tpu.memory_space<vmem>>
        %dma_start3A_145 = arith.constant 0 : i32
        %dma_start3A_146 = tpu.memref_slice %arg7[%add3A_138, %dma_start3A_145] : memref<84x120xi32, #tpu.memory_space<vmem>> -> memref<1x120xi32, #tpu.memory_space<vmem>>
        %dma_start3A_147 = tpu.memref_squeeze %dma_start3A_146 : memref<1x120xi32, #tpu.memory_space<vmem>> -> memref<120xi32, #tpu.memory_space<vmem>>
        %dma_start3A_148 = arith.constant 0 : i32
        %dma_start3A_149 = arith.constant 0 : i32
        %dma_start3A_150 = tpu.memref_slice %arg11[%dma_start3A_148, %dma_start3A_149] : memref<10016x64xf32, #tpu.memory_space<vmem_shared>> -> memref<10016x64xf32, #tpu.memory_space<vmem_shared>>
        tpu.enqueue_indirect_dma source(%dma_start3A_150 : memref<10016x64xf32, #tpu.memory_space<vmem_shared>>) target(%dma_start3A_144 : memref<120x64xf32, #tpu.memory_space<vmem>>) offsets(%dma_start3A_147 : memref<120xi32, #tpu.memory_space<vmem>>) semaphore(%arg12 : memref<!tpu.dma_semaphore, #tpu.memory_space<semaphore_mem>>)
        %mul3A_151 = arith.constant 2 : i32
        %mul3A_152 = arith.muli %add3A_134, %mul3A_151 : i32
        %add3A_153 = arith.constant 1 : i32
        %add3A_154 = arith.addi %mul3A_152, %add3A_153 : i32
        %add3A_155 = arith.constant 1 : i32
        %add3A_156 = arith.addi %sub3A_67, %add3A_155 : i32
        %dma_start3A_157 = arith.constant 0 : i32
        %dma_start3A_158 = arith.constant 0 : i32
        %dma_start3A_159 = tpu.memref_slice %arg9[%add3A_156, %dma_start3A_157, %dma_start3A_158] : memref<4x120x64xf32, #tpu.memory_space<vmem>> -> memref<1x120x64xf32, #tpu.memory_space<vmem>>
        %dma_start3A_160 = tpu.memref_squeeze %dma_start3A_159 : memref<1x120x64xf32, #tpu.memory_space<vmem>> -> memref<120x64xf32, #tpu.memory_space<vmem>>
        %dma_start3A_161 = arith.constant 0 : i32
        %dma_start3A_162 = tpu.memref_slice %arg7[%add3A_154, %dma_start3A_161] : memref<84x120xi32, #tpu.memory_space<vmem>> -> memref<1x120xi32, #tpu.memory_space<vmem>>
        %dma_start3A_163 = tpu.memref_squeeze %dma_start3A_162 : memref<1x120xi32, #tpu.memory_space<vmem>> -> memref<120xi32, #tpu.memory_space<vmem>>
        %dma_start3A_164 = arith.constant 0 : i32
        %dma_start3A_165 = arith.constant 0 : i32
        %dma_start3A_166 = tpu.memref_slice %arg11[%dma_start3A_164, %dma_start3A_165] : memref<10016x64xf32, #tpu.memory_space<vmem_shared>> -> memref<10016x64xf32, #tpu.memory_space<vmem_shared>>
        tpu.enqueue_indirect_dma source(%dma_start3A_166 : memref<10016x64xf32, #tpu.memory_space<vmem_shared>>) target(%dma_start3A_160 : memref<120x64xf32, #tpu.memory_space<vmem>>) offsets(%dma_start3A_163 : memref<120xi32, #tpu.memory_space<vmem>>) semaphore(%arg12 : memref<!tpu.dma_semaphore, #tpu.memory_space<semaphore_mem>>)
      } else {
      }
      %dma_wait3A_77 = arith.constant 0 : i32
      %dma_wait3A_78 = arith.constant 0 : i32
      %dma_wait3A_79 = arith.constant 0 : i32
      %dma_wait3A_80 = arith.constant 0 : i32
      %dma_wait3A_81 = tpu.memref_slice %arg9[%dma_wait3A_78, %dma_wait3A_79, %dma_wait3A_80] : memref<4x120x64xf32, #tpu.memory_space<vmem>> -> memref<1x120x64xf32, #tpu.memory_space<vmem>>
      %dma_wait3A_82 = tpu.memref_squeeze %dma_wait3A_81 : memref<1x120x64xf32, #tpu.memory_space<vmem>> -> memref<120x64xf32, #tpu.memory_space<vmem>>
      %dma_wait3A_83 = arith.constant 0 : i32
      %dma_wait3A_84 = tpu.memref_slice %arg7[%dma_wait3A_77, %dma_wait3A_83] : memref<84x120xi32, #tpu.memory_space<vmem>> -> memref<1x120xi32, #tpu.memory_space<vmem>>
      %dma_wait3A_85 = tpu.memref_squeeze %dma_wait3A_84 : memref<1x120xi32, #tpu.memory_space<vmem>> -> memref<120xi32, #tpu.memory_space<vmem>>
      %dma_wait3A_86 = arith.constant 0 : i32
      %dma_wait3A_87 = arith.constant 0 : i32
      %dma_wait3A_88 = tpu.memref_slice %arg11[%dma_wait3A_86, %dma_wait3A_87] : memref<10016x64xf32, #tpu.memory_space<vmem_shared>> -> memref<10016x64xf32, #tpu.memory_space<vmem_shared>>
      tpu.wait_indirect_dma semaphore(%arg12 : memref<!tpu.dma_semaphore, #tpu.memory_space<semaphore_mem>>) src(%dma_wait3A_88 : memref<10016x64xf32, #tpu.memory_space<vmem_shared>>) dst(%dma_wait3A_82 : memref<120x64xf32, #tpu.memory_space<vmem>>)
      %dma_wait3A_89 = arith.constant 0 : i32
      %dma_wait3A_90 = arith.constant 0 : i32
      %dma_wait3A_91 = arith.constant 0 : i32
      %dma_wait3A_92 = arith.constant 0 : i32
      %dma_wait3A_93 = tpu.memref_slice %arg9[%dma_wait3A_90, %dma_wait3A_91, %dma_wait3A_92] : memref<4x120x64xf32, #tpu.memory_space<vmem>> -> memref<1x120x64xf32, #tpu.memory_space<vmem>>
      %dma_wait3A_94 = tpu.memref_squeeze %dma_wait3A_93 : memref<1x120x64xf32, #tpu.memory_space<vmem>> -> memref<120x64xf32, #tpu.memory_space<vmem>>
      %dma_wait3A_95 = arith.constant 0 : i32
      %dma_wait3A_96 = tpu.memref_slice %arg7[%dma_wait3A_89, %dma_wait3A_95] : memref<84x120xi32, #tpu.memory_space<vmem>> -> memref<1x120xi32, #tpu.memory_space<vmem>>
      %dma_wait3A_97 = tpu.memref_squeeze %dma_wait3A_96 : memref<1x120xi32, #tpu.memory_space<vmem>> -> memref<120xi32, #tpu.memory_space<vmem>>
      %dma_wait3A_98 = arith.constant 0 : i32
      %dma_wait3A_99 = arith.constant 0 : i32
      %dma_wait3A_100 = tpu.memref_slice %arg11[%dma_wait3A_98, %dma_wait3A_99] : memref<10016x64xf32, #tpu.memory_space<vmem_shared>> -> memref<10016x64xf32, #tpu.memory_space<vmem_shared>>
      tpu.wait_indirect_dma semaphore(%arg12 : memref<!tpu.dma_semaphore, #tpu.memory_space<semaphore_mem>>) src(%dma_wait3A_100 : memref<10016x64xf32, #tpu.memory_space<vmem_shared>>) dst(%dma_wait3A_94 : memref<120x64xf32, #tpu.memory_space<vmem>>)
      %add3A_101 = arith.constant 0 : i32
      %add3A_102 = arith.addi %mul3A_66, %add3A_101 : i32
      %mul3A_103 = arith.constant 2 : i32
      %mul3A_104 = arith.muli %scan3A_55, %mul3A_103 : i32
      %add3A_105 = arith.constant 0 : i32
      %add3A_106 = arith.addi %mul3A_104, %add3A_105 : i32
      %dma_start3A_107 = arith.constant 0 : i32
      %dma_start3A_108 = arith.constant 0 : i32
      %dma_start3A_109 = tpu.memref_slice %arg9[%add3A_102, %dma_start3A_107, %dma_start3A_108] : memref<4x120x64xf32, #tpu.memory_space<vmem>> -> memref<1x120x64xf32, #tpu.memory_space<vmem>>
      %dma_start3A_110 = tpu.memref_squeeze %dma_start3A_109 : memref<1x120x64xf32, #tpu.memory_space<vmem>> -> memref<120x64xf32, #tpu.memory_space<vmem>>
      %dma_start3A_111 = arith.constant 0 : i32
      %dma_start3A_112 = tpu.memref_slice %arg8[%add3A_106, %dma_start3A_111] : memref<84x120xi32, #tpu.memory_space<vmem>> -> memref<1x120xi32, #tpu.memory_space<vmem>>
      %dma_start3A_113 = tpu.memref_squeeze %dma_start3A_112 : memref<1x120xi32, #tpu.memory_space<vmem>> -> memref<120xi32, #tpu.memory_space<vmem>>
      %dma_start3A_114 = arith.constant 0 : i32
      %dma_start3A_115 = arith.constant 0 : i32
      %dma_start3A_116 = tpu.memref_slice %arg10[%dma_start3A_114, %dma_start3A_115] : memref<10016x64xf32, #tpu.memory_space<vmem_shared>> -> memref<10016x64xf32, #tpu.memory_space<vmem_shared>>
      tpu.enqueue_indirect_dma source(%dma_start3A_110 : memref<120x64xf32, #tpu.memory_space<vmem>>) target(%dma_start3A_116 : memref<10016x64xf32, #tpu.memory_space<vmem_shared>>) offsets(%dma_start3A_113 : memref<120xi32, #tpu.memory_space<vmem>>) semaphore(%arg13 : memref<!tpu.dma_semaphore, #tpu.memory_space<semaphore_mem>>) {add = true}
      %add3A_117 = arith.constant 1 : i32
      %add3A_118 = arith.addi %mul3A_66, %add3A_117 : i32
      %mul3A_119 = arith.constant 2 : i32
      %mul3A_120 = arith.muli %scan3A_55, %mul3A_119 : i32
      %add3A_121 = arith.constant 1 : i32
      %add3A_122 = arith.addi %mul3A_120, %add3A_121 : i32
      %dma_start3A_123 = arith.constant 0 : i32
      %dma_start3A_124 = arith.constant 0 : i32
      %dma_start3A_125 = tpu.memref_slice %arg9[%add3A_118, %dma_start3A_123, %dma_start3A_124] : memref<4x120x64xf32, #tpu.memory_space<vmem>> -> memref<1x120x64xf32, #tpu.memory_space<vmem>>
      %dma_start3A_126 = tpu.memref_squeeze %dma_start3A_125 : memref<1x120x64xf32, #tpu.memory_space<vmem>> -> memref<120x64xf32, #tpu.memory_space<vmem>>
      %dma_start3A_127 = arith.constant 0 : i32
      %dma_start3A_128 = tpu.memref_slice %arg8[%add3A_122, %dma_start3A_127] : memref<84x120xi32, #tpu.memory_space<vmem>> -> memref<1x120xi32, #tpu.memory_space<vmem>>
      %dma_start3A_129 = tpu.memref_squeeze %dma_start3A_128 : memref<1x120xi32, #tpu.memory_space<vmem>> -> memref<120xi32, #tpu.memory_space<vmem>>
      %dma_start3A_130 = arith.constant 0 : i32
      %dma_start3A_131 = arith.constant 0 : i32
      %dma_start3A_132 = tpu.memref_slice %arg10[%dma_start3A_130, %dma_start3A_131] : memref<10016x64xf32, #tpu.memory_space<vmem_shared>> -> memref<10016x64xf32, #tpu.memory_space<vmem_shared>>
      tpu.enqueue_indirect_dma source(%dma_start3A_126 : memref<120x64xf32, #tpu.memory_space<vmem>>) target(%dma_start3A_132 : memref<10016x64xf32, #tpu.memory_space<vmem_shared>>) offsets(%dma_start3A_129 : memref<120xi32, #tpu.memory_space<vmem>>) semaphore(%arg13 : memref<!tpu.dma_semaphore, #tpu.memory_space<semaphore_mem>>) {add = true}
    }
    %scan3A_30 = arith.constant 42 : i32
    %dma_wait3A = arith.constant 0 : i32
    %dma_wait3A_31 = arith.constant 0 : i32
    %dma_wait3A_32 = arith.constant 0 : i32
    %dma_wait3A_33 = arith.constant 0 : i32
    %dma_wait3A_34 = tpu.memref_slice %arg9[%dma_wait3A, %dma_wait3A_32, %dma_wait3A_33] : memref<4x120x64xf32, #tpu.memory_space<vmem>> -> memref<1x120x64xf32, #tpu.memory_space<vmem>>
    %dma_wait3A_35 = tpu.memref_squeeze %dma_wait3A_34 : memref<1x120x64xf32, #tpu.memory_space<vmem>> -> memref<120x64xf32, #tpu.memory_space<vmem>>
    %dma_wait3A_36 = arith.constant 0 : i32
    %dma_wait3A_37 = tpu.memref_slice %arg8[%dma_wait3A_31, %dma_wait3A_36] : memref<84x120xi32, #tpu.memory_space<vmem>> -> memref<1x120xi32, #tpu.memory_space<vmem>>
    %dma_wait3A_38 = tpu.memref_squeeze %dma_wait3A_37 : memref<1x120xi32, #tpu.memory_space<vmem>> -> memref<120xi32, #tpu.memory_space<vmem>>
    %dma_wait3A_39 = arith.constant 0 : i32
    %dma_wait3A_40 = arith.constant 0 : i32
    %dma_wait3A_41 = tpu.memref_slice %arg10[%dma_wait3A_39, %dma_wait3A_40] : memref<10016x64xf32, #tpu.memory_space<vmem_shared>> -> memref<10016x64xf32, #tpu.memory_space<vmem_shared>>
    tpu.wait_indirect_dma semaphore(%arg13 : memref<!tpu.dma_semaphore, #tpu.memory_space<semaphore_mem>>) src(%dma_wait3A_35 : memref<120x64xf32, #tpu.memory_space<vmem>>) dst(%dma_wait3A_41 : memref<10016x64xf32, #tpu.memory_space<vmem_shared>>)
    %dma_wait3A_42 = arith.constant 0 : i32
    %dma_wait3A_43 = arith.constant 0 : i32
    %dma_wait3A_44 = arith.constant 0 : i32
    %dma_wait3A_45 = arith.constant 0 : i32
    %dma_wait3A_46 = tpu.memref_slice %arg9[%dma_wait3A_42, %dma_wait3A_44, %dma_wait3A_45] : memref<4x120x64xf32, #tpu.memory_space<vmem>> -> memref<1x120x64xf32, #tpu.memory_space<vmem>>
    %dma_wait3A_47 = tpu.memref_squeeze %dma_wait3A_46 : memref<1x120x64xf32, #tpu.memory_space<vmem>> -> memref<120x64xf32, #tpu.memory_space<vmem>>
    %dma_wait3A_48 = arith.constant 0 : i32
    %dma_wait3A_49 = tpu.memref_slice %arg8[%dma_wait3A_43, %dma_wait3A_48] : memref<84x120xi32, #tpu.memory_space<vmem>> -> memref<1x120xi32, #tpu.memory_space<vmem>>
    %dma_wait3A_50 = tpu.memref_squeeze %dma_wait3A_49 : memref<1x120xi32, #tpu.memory_space<vmem>> -> memref<120xi32, #tpu.memory_space<vmem>>
    %dma_wait3A_51 = arith.constant 0 : i32
    %dma_wait3A_52 = arith.constant 0 : i32
    %dma_wait3A_53 = tpu.memref_slice %arg10[%dma_wait3A_51, %dma_wait3A_52] : memref<10016x64xf32, #tpu.memory_space<vmem_shared>> -> memref<10016x64xf32, #tpu.memory_space<vmem_shared>>
    tpu.wait_indirect_dma semaphore(%arg13 : memref<!tpu.dma_semaphore, #tpu.memory_space<semaphore_mem>>) src(%dma_wait3A_47 : memref<120x64xf32, #tpu.memory_space<vmem>>) dst(%dma_wait3A_53 : memref<10016x64xf32, #tpu.memory_space<vmem_shared>>)
    %barrier3A_54 = arith.constant 0 : index
    tpu.barrier barrier_id(%barrier3A_54)
    "tpu.region"() ({
      %run_scoped3A = tpu.sem_alloc : memref<!tpu.dma_semaphore, #tpu.memory_space<semaphore_mem>>
      %dma_start3A_55 = arith.constant 0 : i32
      %dma_start3A_56 = tpu.memref_slice %arg6[%arg0, %mul3A_2, %dma_start3A_55] : memref<2x10016x64xf32, #tpu.memory_space<hbm>> -> memref<1x626x64xf32, #tpu.memory_space<hbm>>
      %dma_start3A_57 = tpu.memref_squeeze %dma_start3A_56 : memref<1x626x64xf32, #tpu.memory_space<hbm>> -> memref<626x64xf32, #tpu.memory_space<hbm>>
      %dma_start3A_58 = arith.constant 0 : i32
      %dma_start3A_59 = tpu.memref_slice %arg10[%mul3A_2, %dma_start3A_58] : memref<10016x64xf32, #tpu.memory_space<vmem_shared>> -> memref<626x64xf32, #tpu.memory_space<vmem_shared>>
      tpu.enqueue_dma source(%dma_start3A_59 : memref<626x64xf32, #tpu.memory_space<vmem_shared>>) target(%dma_start3A_57 : memref<626x64xf32, #tpu.memory_space<hbm>>) target_semaphore(%run_scoped3A : memref<!tpu.dma_semaphore, #tpu.memory_space<semaphore_mem>>)
      %dma_wait3A_60 = arith.constant 0 : i32
      %dma_wait3A_61 = tpu.memref_slice %arg6[%arg0, %mul3A_2, %dma_wait3A_60] : memref<2x10016x64xf32, #tpu.memory_space<hbm>> -> memref<1x626x64xf32, #tpu.memory_space<hbm>>
      %dma_wait3A_62 = tpu.memref_squeeze %dma_wait3A_61 : memref<1x626x64xf32, #tpu.memory_space<hbm>> -> memref<626x64xf32, #tpu.memory_space<hbm>>
      %dma_wait3A_63 = arith.constant 0 : i32
      %dma_wait3A_64 = tpu.memref_slice %arg10[%mul3A_2, %dma_wait3A_63] : memref<10016x64xf32, #tpu.memory_space<vmem_shared>> -> memref<626x64xf32, #tpu.memory_space<vmem_shared>>
      tpu.wait_dma2 semaphore(%run_scoped3A : memref<!tpu.dma_semaphore, #tpu.memory_space<semaphore_mem>>) src(%dma_wait3A_64 : memref<626x64xf32, #tpu.memory_space<vmem_shared>>) dst(%dma_wait3A_62 : memref<626x64xf32, #tpu.memory_space<hbm>>)
      tpu.yield
    }) : () -> ()
    return
  }
}

#map = affine_map<(d0, d1) -> (0, 0, 0)>
#map1 = affine_map<(d0, d1) -> (0)>
#map2 = affine_map<(d0, d1) -> (0, 0)>
module attributes {stable_mosaic.version = 14 : i64} {
  func.func @body(%arg0: i32, %arg1: i32, %arg2: memref<32x80x128xi32, #tpu.memory_space<hbm>>, %arg3: memref<32x80x128xi32, #tpu.memory_space<hbm>>, %arg4: memref<128xf32, #tpu.memory_space<hbm>>, %arg5: memref<10240xf32, #tpu.memory_space<hbm>>, %arg6: memref<2x10240xf32, #tpu.memory_space<hbm>>, %arg7: memref<2x10240xf32, #tpu.memory_space<hbm>>, %arg8: memref<80x128xi32, #tpu.memory_space<vmem>>, %arg9: memref<80x128xi32, #tpu.memory_space<vmem>>, %arg10: memref<128xf32, #tpu.memory_space<vmem>>, %arg11: memref<10240xf32, #tpu.memory_space<vmem_shared>>, %arg12: memref<10240xf32, #tpu.memory_space<vmem_shared>>, %arg13: memref<!tpu.dma_semaphore, #tpu.memory_space<semaphore_mem>>) attributes {dimension_semantics = [#tpu.dimension_semantics<core_parallel>, #tpu.dimension_semantics<subcore_parallel>], iteration_bounds = array<i64: 2, 16>, scalar_prefetch = 0 : i64, scratch_operands = 6 : i64, tpu.core_type = #tpu.core_type<sc_vector_subcore>, window_params = [{transform_indices = #map}, {transform_indices = #map}, {transform_indices = #map1}, {transform_indices = #map1}, {transform_indices = #map2}, {transform_indices = #map2}]} {
    %mul3A = arith.constant 2 : i32
    %mul3A_0 = arith.muli %arg1, %mul3A : i32
    %add3A = arith.addi %mul3A_0, %arg0 : i32
    %mul3A_1 = arith.constant 640 : i32
    %mul3A_2 = arith.muli %arg1, %mul3A_1 : i32
    "tpu.region"() ({
      %run_scoped3A = tpu.sem_alloc : memref<!tpu.dma_semaphore, #tpu.memory_space<semaphore_mem>>
      %dma_start3A = tpu.memref_slice %arg11[%mul3A_2] : memref<10240xf32, #tpu.memory_space<vmem_shared>> -> memref<640xf32, #tpu.memory_space<vmem_shared>>
      %dma_start3A_104 = tpu.memref_slice %arg5[%mul3A_2] : memref<10240xf32, #tpu.memory_space<hbm>> -> memref<640xf32, #tpu.memory_space<hbm>>
      tpu.enqueue_dma source(%dma_start3A_104 : memref<640xf32, #tpu.memory_space<hbm>>) target(%dma_start3A : memref<640xf32, #tpu.memory_space<vmem_shared>>) target_semaphore(%run_scoped3A : memref<!tpu.dma_semaphore, #tpu.memory_space<semaphore_mem>>)
      %dma_wait3A_105 = tpu.memref_slice %arg11[%mul3A_2] : memref<10240xf32, #tpu.memory_space<vmem_shared>> -> memref<640xf32, #tpu.memory_space<vmem_shared>>
      %dma_wait3A_106 = tpu.memref_slice %arg5[%mul3A_2] : memref<10240xf32, #tpu.memory_space<hbm>> -> memref<640xf32, #tpu.memory_space<hbm>>
      tpu.wait_dma2 semaphore(%run_scoped3A : memref<!tpu.dma_semaphore, #tpu.memory_space<semaphore_mem>>) src(%dma_wait3A_106 : memref<640xf32, #tpu.memory_space<hbm>>) dst(%dma_wait3A_105 : memref<640xf32, #tpu.memory_space<vmem_shared>>)
      tpu.yield
    }) : () -> ()
    "tpu.region"() ({
      %run_scoped3A = tpu.sem_alloc : memref<!tpu.dma_semaphore, #tpu.memory_space<semaphore_mem>>
      %dma_start3A = tpu.memref_slice %arg12[%mul3A_2] : memref<10240xf32, #tpu.memory_space<vmem_shared>> -> memref<640xf32, #tpu.memory_space<vmem_shared>>
      %dma_start3A_104 = tpu.memref_slice %arg5[%mul3A_2] : memref<10240xf32, #tpu.memory_space<hbm>> -> memref<640xf32, #tpu.memory_space<hbm>>
      tpu.enqueue_dma source(%dma_start3A_104 : memref<640xf32, #tpu.memory_space<hbm>>) target(%dma_start3A : memref<640xf32, #tpu.memory_space<vmem_shared>>) target_semaphore(%run_scoped3A : memref<!tpu.dma_semaphore, #tpu.memory_space<semaphore_mem>>)
      %dma_wait3A_105 = tpu.memref_slice %arg12[%mul3A_2] : memref<10240xf32, #tpu.memory_space<vmem_shared>> -> memref<640xf32, #tpu.memory_space<vmem_shared>>
      %dma_wait3A_106 = tpu.memref_slice %arg5[%mul3A_2] : memref<10240xf32, #tpu.memory_space<hbm>> -> memref<640xf32, #tpu.memory_space<hbm>>
      tpu.wait_dma2 semaphore(%run_scoped3A : memref<!tpu.dma_semaphore, #tpu.memory_space<semaphore_mem>>) src(%dma_wait3A_106 : memref<640xf32, #tpu.memory_space<hbm>>) dst(%dma_wait3A_105 : memref<640xf32, #tpu.memory_space<vmem_shared>>)
      tpu.yield
    }) : () -> ()
    "tpu.region"() ({
      %run_scoped3A = tpu.sem_alloc : memref<!tpu.dma_semaphore, #tpu.memory_space<semaphore_mem>>
      tpu.enqueue_dma source(%arg4 : memref<128xf32, #tpu.memory_space<hbm>>) target(%arg10 : memref<128xf32, #tpu.memory_space<vmem>>) target_semaphore(%run_scoped3A : memref<!tpu.dma_semaphore, #tpu.memory_space<semaphore_mem>>)
      tpu.wait_dma2 semaphore(%run_scoped3A : memref<!tpu.dma_semaphore, #tpu.memory_space<semaphore_mem>>) src(%arg4 : memref<128xf32, #tpu.memory_space<hbm>>) dst(%arg10 : memref<128xf32, #tpu.memory_space<vmem>>)
      tpu.yield
    }) : () -> ()
    "tpu.region"() ({
      %run_scoped3A = tpu.sem_alloc : memref<!tpu.dma_semaphore, #tpu.memory_space<semaphore_mem>>
      %dma_start3A = arith.constant 0 : i32
      %dma_start3A_104 = arith.constant 0 : i32
      %dma_start3A_105 = tpu.memref_slice %arg2[%add3A, %dma_start3A, %dma_start3A_104] : memref<32x80x128xi32, #tpu.memory_space<hbm>> -> memref<1x80x128xi32, #tpu.memory_space<hbm>>
      %dma_start3A_106 = tpu.memref_squeeze %dma_start3A_105 : memref<1x80x128xi32, #tpu.memory_space<hbm>> -> memref<80x128xi32, #tpu.memory_space<hbm>>
      %dma_start3A_107 = arith.constant 0 : i32
      %dma_start3A_108 = arith.constant 0 : i32
      %dma_start3A_109 = tpu.memref_slice %arg2[%add3A, %dma_start3A_107, %dma_start3A_108] : memref<32x80x128xi32, #tpu.memory_space<hbm>> -> memref<1x80x128xi32, #tpu.memory_space<hbm>>
      %dma_start3A_110 = tpu.memref_squeeze %dma_start3A_109 : memref<1x80x128xi32, #tpu.memory_space<hbm>> -> memref<80x128xi32, #tpu.memory_space<hbm>>
      tpu.enqueue_dma source(%dma_start3A_110 : memref<80x128xi32, #tpu.memory_space<hbm>>) target(%arg8 : memref<80x128xi32, #tpu.memory_space<vmem>>) target_semaphore(%run_scoped3A : memref<!tpu.dma_semaphore, #tpu.memory_space<semaphore_mem>>)
      %dma_wait3A_111 = arith.constant 0 : i32
      %dma_wait3A_112 = arith.constant 0 : i32
      %dma_wait3A_113 = tpu.memref_slice %arg2[%add3A, %dma_wait3A_111, %dma_wait3A_112] : memref<32x80x128xi32, #tpu.memory_space<hbm>> -> memref<1x80x128xi32, #tpu.memory_space<hbm>>
      %dma_wait3A_114 = tpu.memref_squeeze %dma_wait3A_113 : memref<1x80x128xi32, #tpu.memory_space<hbm>> -> memref<80x128xi32, #tpu.memory_space<hbm>>
      %dma_wait3A_115 = arith.constant 0 : i32
      %dma_wait3A_116 = arith.constant 0 : i32
      %dma_wait3A_117 = tpu.memref_slice %arg2[%add3A, %dma_wait3A_115, %dma_wait3A_116] : memref<32x80x128xi32, #tpu.memory_space<hbm>> -> memref<1x80x128xi32, #tpu.memory_space<hbm>>
      %dma_wait3A_118 = tpu.memref_squeeze %dma_wait3A_117 : memref<1x80x128xi32, #tpu.memory_space<hbm>> -> memref<80x128xi32, #tpu.memory_space<hbm>>
      tpu.wait_dma2 semaphore(%run_scoped3A : memref<!tpu.dma_semaphore, #tpu.memory_space<semaphore_mem>>) src(%dma_wait3A_118 : memref<80x128xi32, #tpu.memory_space<hbm>>) dst(%arg8 : memref<80x128xi32, #tpu.memory_space<vmem>>)
      tpu.yield
    }) : () -> ()
    "tpu.region"() ({
      %run_scoped3A = tpu.sem_alloc : memref<!tpu.dma_semaphore, #tpu.memory_space<semaphore_mem>>
      %dma_start3A = arith.constant 0 : i32
      %dma_start3A_104 = arith.constant 0 : i32
      %dma_start3A_105 = tpu.memref_slice %arg3[%add3A, %dma_start3A, %dma_start3A_104] : memref<32x80x128xi32, #tpu.memory_space<hbm>> -> memref<1x80x128xi32, #tpu.memory_space<hbm>>
      %dma_start3A_106 = tpu.memref_squeeze %dma_start3A_105 : memref<1x80x128xi32, #tpu.memory_space<hbm>> -> memref<80x128xi32, #tpu.memory_space<hbm>>
      %dma_start3A_107 = arith.constant 0 : i32
      %dma_start3A_108 = arith.constant 0 : i32
      %dma_start3A_109 = tpu.memref_slice %arg3[%add3A, %dma_start3A_107, %dma_start3A_108] : memref<32x80x128xi32, #tpu.memory_space<hbm>> -> memref<1x80x128xi32, #tpu.memory_space<hbm>>
      %dma_start3A_110 = tpu.memref_squeeze %dma_start3A_109 : memref<1x80x128xi32, #tpu.memory_space<hbm>> -> memref<80x128xi32, #tpu.memory_space<hbm>>
      tpu.enqueue_dma source(%dma_start3A_110 : memref<80x128xi32, #tpu.memory_space<hbm>>) target(%arg9 : memref<80x128xi32, #tpu.memory_space<vmem>>) target_semaphore(%run_scoped3A : memref<!tpu.dma_semaphore, #tpu.memory_space<semaphore_mem>>)
      %dma_wait3A_111 = arith.constant 0 : i32
      %dma_wait3A_112 = arith.constant 0 : i32
      %dma_wait3A_113 = tpu.memref_slice %arg3[%add3A, %dma_wait3A_111, %dma_wait3A_112] : memref<32x80x128xi32, #tpu.memory_space<hbm>> -> memref<1x80x128xi32, #tpu.memory_space<hbm>>
      %dma_wait3A_114 = tpu.memref_squeeze %dma_wait3A_113 : memref<1x80x128xi32, #tpu.memory_space<hbm>> -> memref<80x128xi32, #tpu.memory_space<hbm>>
      %dma_wait3A_115 = arith.constant 0 : i32
      %dma_wait3A_116 = arith.constant 0 : i32
      %dma_wait3A_117 = tpu.memref_slice %arg3[%add3A, %dma_wait3A_115, %dma_wait3A_116] : memref<32x80x128xi32, #tpu.memory_space<hbm>> -> memref<1x80x128xi32, #tpu.memory_space<hbm>>
      %dma_wait3A_118 = tpu.memref_squeeze %dma_wait3A_117 : memref<1x80x128xi32, #tpu.memory_space<hbm>> -> memref<80x128xi32, #tpu.memory_space<hbm>>
      tpu.wait_dma2 semaphore(%run_scoped3A : memref<!tpu.dma_semaphore, #tpu.memory_space<semaphore_mem>>) src(%dma_wait3A_118 : memref<80x128xi32, #tpu.memory_space<hbm>>) dst(%arg9 : memref<80x128xi32, #tpu.memory_space<vmem>>)
      tpu.yield
    }) : () -> ()
    %barrier3A = arith.constant 0 : index
    tpu.barrier barrier_id(%barrier3A)
    %scan3A = arith.constant 0 : i32
    %scan3A_3 = arith.constant 0 : i32
    %scan3A_4 = arith.constant 10 : i32
    %scan3A_5 = arith.addi %scan3A_3, %scan3A_4 : i32
    %scan3A_6 = arith.constant 1 : i32
    scf.for %scan3A_104 = %scan3A_3 to %scan3A_5 step %scan3A_6  : i32 {
      %ge3A = arith.constant 1 : i32
      %ge3A_105 = arith.cmpi sge, %scan3A_104, %ge3A : i32
      %convert_element_type3A = arith.extui %ge3A_105 : i1 to i32
      %cond3A = arith.constant 0 : i32
      %cond3A_106 = arith.cmpi ne, %convert_element_type3A, %cond3A : i32
      scf.if %cond3A_106 {
        %dma_wait3A_218 = arith.constant 0 : i32
        %dma_wait3A_219 = arith.constant 0 : i32
        %dma_wait3A_220 = tpu.memref_slice %arg8[%dma_wait3A_218, %dma_wait3A_219] : memref<80x128xi32, #tpu.memory_space<vmem>> -> memref<1x128xi32, #tpu.memory_space<vmem>>
        %dma_wait3A_221 = tpu.memref_squeeze %dma_wait3A_220 : memref<1x128xi32, #tpu.memory_space<vmem>> -> memref<128xi32, #tpu.memory_space<vmem>>
        %dma_wait3A_222 = arith.constant 0 : i32
        %dma_wait3A_223 = tpu.memref_slice %arg11[%dma_wait3A_222] : memref<10240xf32, #tpu.memory_space<vmem_shared>> -> memref<10240xf32, #tpu.memory_space<vmem_shared>>
        tpu.wait_indirect_dma semaphore(%arg13 : memref<!tpu.dma_semaphore, #tpu.memory_space<semaphore_mem>>) src(%arg10 : memref<128xf32, #tpu.memory_space<vmem>>) dst(%dma_wait3A_223 : memref<10240xf32, #tpu.memory_space<vmem_shared>>)
        %dma_wait3A_224 = arith.constant 0 : i32
        %dma_wait3A_225 = arith.constant 0 : i32
        %dma_wait3A_226 = tpu.memref_slice %arg9[%dma_wait3A_224, %dma_wait3A_225] : memref<80x128xi32, #tpu.memory_space<vmem>> -> memref<1x128xi32, #tpu.memory_space<vmem>>
        %dma_wait3A_227 = tpu.memref_squeeze %dma_wait3A_226 : memref<1x128xi32, #tpu.memory_space<vmem>> -> memref<128xi32, #tpu.memory_space<vmem>>
        %dma_wait3A_228 = arith.constant 0 : i32
        %dma_wait3A_229 = tpu.memref_slice %arg12[%dma_wait3A_228] : memref<10240xf32, #tpu.memory_space<vmem_shared>> -> memref<10240xf32, #tpu.memory_space<vmem_shared>>
        tpu.wait_indirect_dma semaphore(%arg13 : memref<!tpu.dma_semaphore, #tpu.memory_space<semaphore_mem>>) src(%arg10 : memref<128xf32, #tpu.memory_space<vmem>>) dst(%dma_wait3A_229 : memref<10240xf32, #tpu.memory_space<vmem_shared>>)
        %dma_wait3A_230 = arith.constant 0 : i32
        %dma_wait3A_231 = arith.constant 0 : i32
        %dma_wait3A_232 = tpu.memref_slice %arg8[%dma_wait3A_230, %dma_wait3A_231] : memref<80x128xi32, #tpu.memory_space<vmem>> -> memref<1x128xi32, #tpu.memory_space<vmem>>
        %dma_wait3A_233 = tpu.memref_squeeze %dma_wait3A_232 : memref<1x128xi32, #tpu.memory_space<vmem>> -> memref<128xi32, #tpu.memory_space<vmem>>
        %dma_wait3A_234 = arith.constant 0 : i32
        %dma_wait3A_235 = tpu.memref_slice %arg11[%dma_wait3A_234] : memref<10240xf32, #tpu.memory_space<vmem_shared>> -> memref<10240xf32, #tpu.memory_space<vmem_shared>>
        tpu.wait_indirect_dma semaphore(%arg13 : memref<!tpu.dma_semaphore, #tpu.memory_space<semaphore_mem>>) src(%arg10 : memref<128xf32, #tpu.memory_space<vmem>>) dst(%dma_wait3A_235 : memref<10240xf32, #tpu.memory_space<vmem_shared>>)
        %dma_wait3A_236 = arith.constant 0 : i32
        %dma_wait3A_237 = arith.constant 0 : i32
        %dma_wait3A_238 = tpu.memref_slice %arg9[%dma_wait3A_236, %dma_wait3A_237] : memref<80x128xi32, #tpu.memory_space<vmem>> -> memref<1x128xi32, #tpu.memory_space<vmem>>
        %dma_wait3A_239 = tpu.memref_squeeze %dma_wait3A_238 : memref<1x128xi32, #tpu.memory_space<vmem>> -> memref<128xi32, #tpu.memory_space<vmem>>
        %dma_wait3A_240 = arith.constant 0 : i32
        %dma_wait3A_241 = tpu.memref_slice %arg12[%dma_wait3A_240] : memref<10240xf32, #tpu.memory_space<vmem_shared>> -> memref<10240xf32, #tpu.memory_space<vmem_shared>>
        tpu.wait_indirect_dma semaphore(%arg13 : memref<!tpu.dma_semaphore, #tpu.memory_space<semaphore_mem>>) src(%arg10 : memref<128xf32, #tpu.memory_space<vmem>>) dst(%dma_wait3A_241 : memref<10240xf32, #tpu.memory_space<vmem_shared>>)
        %dma_wait3A_242 = arith.constant 0 : i32
        %dma_wait3A_243 = arith.constant 0 : i32
        %dma_wait3A_244 = tpu.memref_slice %arg8[%dma_wait3A_242, %dma_wait3A_243] : memref<80x128xi32, #tpu.memory_space<vmem>> -> memref<1x128xi32, #tpu.memory_space<vmem>>
        %dma_wait3A_245 = tpu.memref_squeeze %dma_wait3A_244 : memref<1x128xi32, #tpu.memory_space<vmem>> -> memref<128xi32, #tpu.memory_space<vmem>>
        %dma_wait3A_246 = arith.constant 0 : i32
        %dma_wait3A_247 = tpu.memref_slice %arg11[%dma_wait3A_246] : memref<10240xf32, #tpu.memory_space<vmem_shared>> -> memref<10240xf32, #tpu.memory_space<vmem_shared>>
        tpu.wait_indirect_dma semaphore(%arg13 : memref<!tpu.dma_semaphore, #tpu.memory_space<semaphore_mem>>) src(%arg10 : memref<128xf32, #tpu.memory_space<vmem>>) dst(%dma_wait3A_247 : memref<10240xf32, #tpu.memory_space<vmem_shared>>)
        %dma_wait3A_248 = arith.constant 0 : i32
        %dma_wait3A_249 = arith.constant 0 : i32
        %dma_wait3A_250 = tpu.memref_slice %arg9[%dma_wait3A_248, %dma_wait3A_249] : memref<80x128xi32, #tpu.memory_space<vmem>> -> memref<1x128xi32, #tpu.memory_space<vmem>>
        %dma_wait3A_251 = tpu.memref_squeeze %dma_wait3A_250 : memref<1x128xi32, #tpu.memory_space<vmem>> -> memref<128xi32, #tpu.memory_space<vmem>>
        %dma_wait3A_252 = arith.constant 0 : i32
        %dma_wait3A_253 = tpu.memref_slice %arg12[%dma_wait3A_252] : memref<10240xf32, #tpu.memory_space<vmem_shared>> -> memref<10240xf32, #tpu.memory_space<vmem_shared>>
        tpu.wait_indirect_dma semaphore(%arg13 : memref<!tpu.dma_semaphore, #tpu.memory_space<semaphore_mem>>) src(%arg10 : memref<128xf32, #tpu.memory_space<vmem>>) dst(%dma_wait3A_253 : memref<10240xf32, #tpu.memory_space<vmem_shared>>)
        %dma_wait3A_254 = arith.constant 0 : i32
        %dma_wait3A_255 = arith.constant 0 : i32
        %dma_wait3A_256 = tpu.memref_slice %arg8[%dma_wait3A_254, %dma_wait3A_255] : memref<80x128xi32, #tpu.memory_space<vmem>> -> memref<1x128xi32, #tpu.memory_space<vmem>>
        %dma_wait3A_257 = tpu.memref_squeeze %dma_wait3A_256 : memref<1x128xi32, #tpu.memory_space<vmem>> -> memref<128xi32, #tpu.memory_space<vmem>>
        %dma_wait3A_258 = arith.constant 0 : i32
        %dma_wait3A_259 = tpu.memref_slice %arg11[%dma_wait3A_258] : memref<10240xf32, #tpu.memory_space<vmem_shared>> -> memref<10240xf32, #tpu.memory_space<vmem_shared>>
        tpu.wait_indirect_dma semaphore(%arg13 : memref<!tpu.dma_semaphore, #tpu.memory_space<semaphore_mem>>) src(%arg10 : memref<128xf32, #tpu.memory_space<vmem>>) dst(%dma_wait3A_259 : memref<10240xf32, #tpu.memory_space<vmem_shared>>)
        %dma_wait3A_260 = arith.constant 0 : i32
        %dma_wait3A_261 = arith.constant 0 : i32
        %dma_wait3A_262 = tpu.memref_slice %arg9[%dma_wait3A_260, %dma_wait3A_261] : memref<80x128xi32, #tpu.memory_space<vmem>> -> memref<1x128xi32, #tpu.memory_space<vmem>>
        %dma_wait3A_263 = tpu.memref_squeeze %dma_wait3A_262 : memref<1x128xi32, #tpu.memory_space<vmem>> -> memref<128xi32, #tpu.memory_space<vmem>>
        %dma_wait3A_264 = arith.constant 0 : i32
        %dma_wait3A_265 = tpu.memref_slice %arg12[%dma_wait3A_264] : memref<10240xf32, #tpu.memory_space<vmem_shared>> -> memref<10240xf32, #tpu.memory_space<vmem_shared>>
        tpu.wait_indirect_dma semaphore(%arg13 : memref<!tpu.dma_semaphore, #tpu.memory_space<semaphore_mem>>) src(%arg10 : memref<128xf32, #tpu.memory_space<vmem>>) dst(%dma_wait3A_265 : memref<10240xf32, #tpu.memory_space<vmem_shared>>)
        %dma_wait3A_266 = arith.constant 0 : i32
        %dma_wait3A_267 = arith.constant 0 : i32
        %dma_wait3A_268 = tpu.memref_slice %arg8[%dma_wait3A_266, %dma_wait3A_267] : memref<80x128xi32, #tpu.memory_space<vmem>> -> memref<1x128xi32, #tpu.memory_space<vmem>>
        %dma_wait3A_269 = tpu.memref_squeeze %dma_wait3A_268 : memref<1x128xi32, #tpu.memory_space<vmem>> -> memref<128xi32, #tpu.memory_space<vmem>>
        %dma_wait3A_270 = arith.constant 0 : i32
        %dma_wait3A_271 = tpu.memref_slice %arg11[%dma_wait3A_270] : memref<10240xf32, #tpu.memory_space<vmem_shared>> -> memref<10240xf32, #tpu.memory_space<vmem_shared>>
        tpu.wait_indirect_dma semaphore(%arg13 : memref<!tpu.dma_semaphore, #tpu.memory_space<semaphore_mem>>) src(%arg10 : memref<128xf32, #tpu.memory_space<vmem>>) dst(%dma_wait3A_271 : memref<10240xf32, #tpu.memory_space<vmem_shared>>)
        %dma_wait3A_272 = arith.constant 0 : i32
        %dma_wait3A_273 = arith.constant 0 : i32
        %dma_wait3A_274 = tpu.memref_slice %arg9[%dma_wait3A_272, %dma_wait3A_273] : memref<80x128xi32, #tpu.memory_space<vmem>> -> memref<1x128xi32, #tpu.memory_space<vmem>>
        %dma_wait3A_275 = tpu.memref_squeeze %dma_wait3A_274 : memref<1x128xi32, #tpu.memory_space<vmem>> -> memref<128xi32, #tpu.memory_space<vmem>>
        %dma_wait3A_276 = arith.constant 0 : i32
        %dma_wait3A_277 = tpu.memref_slice %arg12[%dma_wait3A_276] : memref<10240xf32, #tpu.memory_space<vmem_shared>> -> memref<10240xf32, #tpu.memory_space<vmem_shared>>
        tpu.wait_indirect_dma semaphore(%arg13 : memref<!tpu.dma_semaphore, #tpu.memory_space<semaphore_mem>>) src(%arg10 : memref<128xf32, #tpu.memory_space<vmem>>) dst(%dma_wait3A_277 : memref<10240xf32, #tpu.memory_space<vmem_shared>>)
        %dma_wait3A_278 = arith.constant 0 : i32
        %dma_wait3A_279 = arith.constant 0 : i32
        %dma_wait3A_280 = tpu.memref_slice %arg8[%dma_wait3A_278, %dma_wait3A_279] : memref<80x128xi32, #tpu.memory_space<vmem>> -> memref<1x128xi32, #tpu.memory_space<vmem>>
        %dma_wait3A_281 = tpu.memref_squeeze %dma_wait3A_280 : memref<1x128xi32, #tpu.memory_space<vmem>> -> memref<128xi32, #tpu.memory_space<vmem>>
        %dma_wait3A_282 = arith.constant 0 : i32
        %dma_wait3A_283 = tpu.memref_slice %arg11[%dma_wait3A_282] : memref<10240xf32, #tpu.memory_space<vmem_shared>> -> memref<10240xf32, #tpu.memory_space<vmem_shared>>
        tpu.wait_indirect_dma semaphore(%arg13 : memref<!tpu.dma_semaphore, #tpu.memory_space<semaphore_mem>>) src(%arg10 : memref<128xf32, #tpu.memory_space<vmem>>) dst(%dma_wait3A_283 : memref<10240xf32, #tpu.memory_space<vmem_shared>>)
        %dma_wait3A_284 = arith.constant 0 : i32
        %dma_wait3A_285 = arith.constant 0 : i32
        %dma_wait3A_286 = tpu.memref_slice %arg9[%dma_wait3A_284, %dma_wait3A_285] : memref<80x128xi32, #tpu.memory_space<vmem>> -> memref<1x128xi32, #tpu.memory_space<vmem>>
        %dma_wait3A_287 = tpu.memref_squeeze %dma_wait3A_286 : memref<1x128xi32, #tpu.memory_space<vmem>> -> memref<128xi32, #tpu.memory_space<vmem>>
        %dma_wait3A_288 = arith.constant 0 : i32
        %dma_wait3A_289 = tpu.memref_slice %arg12[%dma_wait3A_288] : memref<10240xf32, #tpu.memory_space<vmem_shared>> -> memref<10240xf32, #tpu.memory_space<vmem_shared>>
        tpu.wait_indirect_dma semaphore(%arg13 : memref<!tpu.dma_semaphore, #tpu.memory_space<semaphore_mem>>) src(%arg10 : memref<128xf32, #tpu.memory_space<vmem>>) dst(%dma_wait3A_289 : memref<10240xf32, #tpu.memory_space<vmem_shared>>)
        %dma_wait3A_290 = arith.constant 0 : i32
        %dma_wait3A_291 = arith.constant 0 : i32
        %dma_wait3A_292 = tpu.memref_slice %arg8[%dma_wait3A_290, %dma_wait3A_291] : memref<80x128xi32, #tpu.memory_space<vmem>> -> memref<1x128xi32, #tpu.memory_space<vmem>>
        %dma_wait3A_293 = tpu.memref_squeeze %dma_wait3A_292 : memref<1x128xi32, #tpu.memory_space<vmem>> -> memref<128xi32, #tpu.memory_space<vmem>>
        %dma_wait3A_294 = arith.constant 0 : i32
        %dma_wait3A_295 = tpu.memref_slice %arg11[%dma_wait3A_294] : memref<10240xf32, #tpu.memory_space<vmem_shared>> -> memref<10240xf32, #tpu.memory_space<vmem_shared>>
        tpu.wait_indirect_dma semaphore(%arg13 : memref<!tpu.dma_semaphore, #tpu.memory_space<semaphore_mem>>) src(%arg10 : memref<128xf32, #tpu.memory_space<vmem>>) dst(%dma_wait3A_295 : memref<10240xf32, #tpu.memory_space<vmem_shared>>)
        %dma_wait3A_296 = arith.constant 0 : i32
        %dma_wait3A_297 = arith.constant 0 : i32
        %dma_wait3A_298 = tpu.memref_slice %arg9[%dma_wait3A_296, %dma_wait3A_297] : memref<80x128xi32, #tpu.memory_space<vmem>> -> memref<1x128xi32, #tpu.memory_space<vmem>>
        %dma_wait3A_299 = tpu.memref_squeeze %dma_wait3A_298 : memref<1x128xi32, #tpu.memory_space<vmem>> -> memref<128xi32, #tpu.memory_space<vmem>>
        %dma_wait3A_300 = arith.constant 0 : i32
        %dma_wait3A_301 = tpu.memref_slice %arg12[%dma_wait3A_300] : memref<10240xf32, #tpu.memory_space<vmem_shared>> -> memref<10240xf32, #tpu.memory_space<vmem_shared>>
        tpu.wait_indirect_dma semaphore(%arg13 : memref<!tpu.dma_semaphore, #tpu.memory_space<semaphore_mem>>) src(%arg10 : memref<128xf32, #tpu.memory_space<vmem>>) dst(%dma_wait3A_301 : memref<10240xf32, #tpu.memory_space<vmem_shared>>)
        %dma_wait3A_302 = arith.constant 0 : i32
        %dma_wait3A_303 = arith.constant 0 : i32
        %dma_wait3A_304 = tpu.memref_slice %arg8[%dma_wait3A_302, %dma_wait3A_303] : memref<80x128xi32, #tpu.memory_space<vmem>> -> memref<1x128xi32, #tpu.memory_space<vmem>>
        %dma_wait3A_305 = tpu.memref_squeeze %dma_wait3A_304 : memref<1x128xi32, #tpu.memory_space<vmem>> -> memref<128xi32, #tpu.memory_space<vmem>>
        %dma_wait3A_306 = arith.constant 0 : i32
        %dma_wait3A_307 = tpu.memref_slice %arg11[%dma_wait3A_306] : memref<10240xf32, #tpu.memory_space<vmem_shared>> -> memref<10240xf32, #tpu.memory_space<vmem_shared>>
        tpu.wait_indirect_dma semaphore(%arg13 : memref<!tpu.dma_semaphore, #tpu.memory_space<semaphore_mem>>) src(%arg10 : memref<128xf32, #tpu.memory_space<vmem>>) dst(%dma_wait3A_307 : memref<10240xf32, #tpu.memory_space<vmem_shared>>)
        %dma_wait3A_308 = arith.constant 0 : i32
        %dma_wait3A_309 = arith.constant 0 : i32
        %dma_wait3A_310 = tpu.memref_slice %arg9[%dma_wait3A_308, %dma_wait3A_309] : memref<80x128xi32, #tpu.memory_space<vmem>> -> memref<1x128xi32, #tpu.memory_space<vmem>>
        %dma_wait3A_311 = tpu.memref_squeeze %dma_wait3A_310 : memref<1x128xi32, #tpu.memory_space<vmem>> -> memref<128xi32, #tpu.memory_space<vmem>>
        %dma_wait3A_312 = arith.constant 0 : i32
        %dma_wait3A_313 = tpu.memref_slice %arg12[%dma_wait3A_312] : memref<10240xf32, #tpu.memory_space<vmem_shared>> -> memref<10240xf32, #tpu.memory_space<vmem_shared>>
        tpu.wait_indirect_dma semaphore(%arg13 : memref<!tpu.dma_semaphore, #tpu.memory_space<semaphore_mem>>) src(%arg10 : memref<128xf32, #tpu.memory_space<vmem>>) dst(%dma_wait3A_313 : memref<10240xf32, #tpu.memory_space<vmem_shared>>)
      } else {
      }
      %mul3A_107 = arith.constant 8 : i32
      %mul3A_108 = arith.muli %scan3A_104, %mul3A_107 : i32
      %add3A_109 = arith.constant 0 : i32
      %add3A_110 = arith.addi %mul3A_108, %add3A_109 : i32
      %dma_start3A = arith.constant 0 : i32
      %dma_start3A_111 = tpu.memref_slice %arg8[%add3A_110, %dma_start3A] : memref<80x128xi32, #tpu.memory_space<vmem>> -> memref<1x128xi32, #tpu.memory_space<vmem>>
      %dma_start3A_112 = tpu.memref_squeeze %dma_start3A_111 : memref<1x128xi32, #tpu.memory_space<vmem>> -> memref<128xi32, #tpu.memory_space<vmem>>
      %dma_start3A_113 = arith.constant 0 : i32
      %dma_start3A_114 = tpu.memref_slice %arg11[%dma_start3A_113] : memref<10240xf32, #tpu.memory_space<vmem_shared>> -> memref<10240xf32, #tpu.memory_space<vmem_shared>>
      tpu.enqueue_indirect_dma source(%arg10 : memref<128xf32, #tpu.memory_space<vmem>>) target(%dma_start3A_114 : memref<10240xf32, #tpu.memory_space<vmem_shared>>) offsets(%dma_start3A_112 : memref<128xi32, #tpu.memory_space<vmem>>) semaphore(%arg13 : memref<!tpu.dma_semaphore, #tpu.memory_space<semaphore_mem>>) {add = true}
      %dma_start3A_115 = arith.constant 0 : i32
      %dma_start3A_116 = tpu.memref_slice %arg9[%add3A_110, %dma_start3A_115] : memref<80x128xi32, #tpu.memory_space<vmem>> -> memref<1x128xi32, #tpu.memory_space<vmem>>
      %dma_start3A_117 = tpu.memref_squeeze %dma_start3A_116 : memref<1x128xi32, #tpu.memory_space<vmem>> -> memref<128xi32, #tpu.memory_space<vmem>>
      %dma_start3A_118 = arith.constant 0 : i32
      %dma_start3A_119 = tpu.memref_slice %arg12[%dma_start3A_118] : memref<10240xf32, #tpu.memory_space<vmem_shared>> -> memref<10240xf32, #tpu.memory_space<vmem_shared>>
      tpu.enqueue_indirect_dma source(%arg10 : memref<128xf32, #tpu.memory_space<vmem>>) target(%dma_start3A_119 : memref<10240xf32, #tpu.memory_space<vmem_shared>>) offsets(%dma_start3A_117 : memref<128xi32, #tpu.memory_space<vmem>>) semaphore(%arg13 : memref<!tpu.dma_semaphore, #tpu.memory_space<semaphore_mem>>) {add = true}
      %mul3A_120 = arith.constant 8 : i32
      %mul3A_121 = arith.muli %scan3A_104, %mul3A_120 : i32
      %add3A_122 = arith.constant 1 : i32
      %add3A_123 = arith.addi %mul3A_121, %add3A_122 : i32
      %dma_start3A_124 = arith.constant 0 : i32
      %dma_start3A_125 = tpu.memref_slice %arg8[%add3A_123, %dma_start3A_124] : memref<80x128xi32, #tpu.memory_space<vmem>> -> memref<1x128xi32, #tpu.memory_space<vmem>>
      %dma_start3A_126 = tpu.memref_squeeze %dma_start3A_125 : memref<1x128xi32, #tpu.memory_space<vmem>> -> memref<128xi32, #tpu.memory_space<vmem>>
      %dma_start3A_127 = arith.constant 0 : i32
      %dma_start3A_128 = tpu.memref_slice %arg11[%dma_start3A_127] : memref<10240xf32, #tpu.memory_space<vmem_shared>> -> memref<10240xf32, #tpu.memory_space<vmem_shared>>
      tpu.enqueue_indirect_dma source(%arg10 : memref<128xf32, #tpu.memory_space<vmem>>) target(%dma_start3A_128 : memref<10240xf32, #tpu.memory_space<vmem_shared>>) offsets(%dma_start3A_126 : memref<128xi32, #tpu.memory_space<vmem>>) semaphore(%arg13 : memref<!tpu.dma_semaphore, #tpu.memory_space<semaphore_mem>>) {add = true}
      %dma_start3A_129 = arith.constant 0 : i32
      %dma_start3A_130 = tpu.memref_slice %arg9[%add3A_123, %dma_start3A_129] : memref<80x128xi32, #tpu.memory_space<vmem>> -> memref<1x128xi32, #tpu.memory_space<vmem>>
      %dma_start3A_131 = tpu.memref_squeeze %dma_start3A_130 : memref<1x128xi32, #tpu.memory_space<vmem>> -> memref<128xi32, #tpu.memory_space<vmem>>
      %dma_start3A_132 = arith.constant 0 : i32
      %dma_start3A_133 = tpu.memref_slice %arg12[%dma_start3A_132] : memref<10240xf32, #tpu.memory_space<vmem_shared>> -> memref<10240xf32, #tpu.memory_space<vmem_shared>>
      tpu.enqueue_indirect_dma source(%arg10 : memref<128xf32, #tpu.memory_space<vmem>>) target(%dma_start3A_133 : memref<10240xf32, #tpu.memory_space<vmem_shared>>) offsets(%dma_start3A_131 : memref<128xi32, #tpu.memory_space<vmem>>) semaphore(%arg13 : memref<!tpu.dma_semaphore, #tpu.memory_space<semaphore_mem>>) {add = true}
      %mul3A_134 = arith.constant 8 : i32
      %mul3A_135 = arith.muli %scan3A_104, %mul3A_134 : i32
      %add3A_136 = arith.constant 2 : i32
      %add3A_137 = arith.addi %mul3A_135, %add3A_136 : i32
      %dma_start3A_138 = arith.constant 0 : i32
      %dma_start3A_139 = tpu.memref_slice %arg8[%add3A_137, %dma_start3A_138] : memref<80x128xi32, #tpu.memory_space<vmem>> -> memref<1x128xi32, #tpu.memory_space<vmem>>
      %dma_start3A_140 = tpu.memref_squeeze %dma_start3A_139 : memref<1x128xi32, #tpu.memory_space<vmem>> -> memref<128xi32, #tpu.memory_space<vmem>>
      %dma_start3A_141 = arith.constant 0 : i32
      %dma_start3A_142 = tpu.memref_slice %arg11[%dma_start3A_141] : memref<10240xf32, #tpu.memory_space<vmem_shared>> -> memref<10240xf32, #tpu.memory_space<vmem_shared>>
      tpu.enqueue_indirect_dma source(%arg10 : memref<128xf32, #tpu.memory_space<vmem>>) target(%dma_start3A_142 : memref<10240xf32, #tpu.memory_space<vmem_shared>>) offsets(%dma_start3A_140 : memref<128xi32, #tpu.memory_space<vmem>>) semaphore(%arg13 : memref<!tpu.dma_semaphore, #tpu.memory_space<semaphore_mem>>) {add = true}
      %dma_start3A_143 = arith.constant 0 : i32
      %dma_start3A_144 = tpu.memref_slice %arg9[%add3A_137, %dma_start3A_143] : memref<80x128xi32, #tpu.memory_space<vmem>> -> memref<1x128xi32, #tpu.memory_space<vmem>>
      %dma_start3A_145 = tpu.memref_squeeze %dma_start3A_144 : memref<1x128xi32, #tpu.memory_space<vmem>> -> memref<128xi32, #tpu.memory_space<vmem>>
      %dma_start3A_146 = arith.constant 0 : i32
      %dma_start3A_147 = tpu.memref_slice %arg12[%dma_start3A_146] : memref<10240xf32, #tpu.memory_space<vmem_shared>> -> memref<10240xf32, #tpu.memory_space<vmem_shared>>
      tpu.enqueue_indirect_dma source(%arg10 : memref<128xf32, #tpu.memory_space<vmem>>) target(%dma_start3A_147 : memref<10240xf32, #tpu.memory_space<vmem_shared>>) offsets(%dma_start3A_145 : memref<128xi32, #tpu.memory_space<vmem>>) semaphore(%arg13 : memref<!tpu.dma_semaphore, #tpu.memory_space<semaphore_mem>>) {add = true}
      %mul3A_148 = arith.constant 8 : i32
      %mul3A_149 = arith.muli %scan3A_104, %mul3A_148 : i32
      %add3A_150 = arith.constant 3 : i32
      %add3A_151 = arith.addi %mul3A_149, %add3A_150 : i32
      %dma_start3A_152 = arith.constant 0 : i32
      %dma_start3A_153 = tpu.memref_slice %arg8[%add3A_151, %dma_start3A_152] : memref<80x128xi32, #tpu.memory_space<vmem>> -> memref<1x128xi32, #tpu.memory_space<vmem>>
      %dma_start3A_154 = tpu.memref_squeeze %dma_start3A_153 : memref<1x128xi32, #tpu.memory_space<vmem>> -> memref<128xi32, #tpu.memory_space<vmem>>
      %dma_start3A_155 = arith.constant 0 : i32
      %dma_start3A_156 = tpu.memref_slice %arg11[%dma_start3A_155] : memref<10240xf32, #tpu.memory_space<vmem_shared>> -> memref<10240xf32, #tpu.memory_space<vmem_shared>>
      tpu.enqueue_indirect_dma source(%arg10 : memref<128xf32, #tpu.memory_space<vmem>>) target(%dma_start3A_156 : memref<10240xf32, #tpu.memory_space<vmem_shared>>) offsets(%dma_start3A_154 : memref<128xi32, #tpu.memory_space<vmem>>) semaphore(%arg13 : memref<!tpu.dma_semaphore, #tpu.memory_space<semaphore_mem>>) {add = true}
      %dma_start3A_157 = arith.constant 0 : i32
      %dma_start3A_158 = tpu.memref_slice %arg9[%add3A_151, %dma_start3A_157] : memref<80x128xi32, #tpu.memory_space<vmem>> -> memref<1x128xi32, #tpu.memory_space<vmem>>
      %dma_start3A_159 = tpu.memref_squeeze %dma_start3A_158 : memref<1x128xi32, #tpu.memory_space<vmem>> -> memref<128xi32, #tpu.memory_space<vmem>>
      %dma_start3A_160 = arith.constant 0 : i32
      %dma_start3A_161 = tpu.memref_slice %arg12[%dma_start3A_160] : memref<10240xf32, #tpu.memory_space<vmem_shared>> -> memref<10240xf32, #tpu.memory_space<vmem_shared>>
      tpu.enqueue_indirect_dma source(%arg10 : memref<128xf32, #tpu.memory_space<vmem>>) target(%dma_start3A_161 : memref<10240xf32, #tpu.memory_space<vmem_shared>>) offsets(%dma_start3A_159 : memref<128xi32, #tpu.memory_space<vmem>>) semaphore(%arg13 : memref<!tpu.dma_semaphore, #tpu.memory_space<semaphore_mem>>) {add = true}
      %mul3A_162 = arith.constant 8 : i32
      %mul3A_163 = arith.muli %scan3A_104, %mul3A_162 : i32
      %add3A_164 = arith.constant 4 : i32
      %add3A_165 = arith.addi %mul3A_163, %add3A_164 : i32
      %dma_start3A_166 = arith.constant 0 : i32
      %dma_start3A_167 = tpu.memref_slice %arg8[%add3A_165, %dma_start3A_166] : memref<80x128xi32, #tpu.memory_space<vmem>> -> memref<1x128xi32, #tpu.memory_space<vmem>>
      %dma_start3A_168 = tpu.memref_squeeze %dma_start3A_167 : memref<1x128xi32, #tpu.memory_space<vmem>> -> memref<128xi32, #tpu.memory_space<vmem>>
      %dma_start3A_169 = arith.constant 0 : i32
      %dma_start3A_170 = tpu.memref_slice %arg11[%dma_start3A_169] : memref<10240xf32, #tpu.memory_space<vmem_shared>> -> memref<10240xf32, #tpu.memory_space<vmem_shared>>
      tpu.enqueue_indirect_dma source(%arg10 : memref<128xf32, #tpu.memory_space<vmem>>) target(%dma_start3A_170 : memref<10240xf32, #tpu.memory_space<vmem_shared>>) offsets(%dma_start3A_168 : memref<128xi32, #tpu.memory_space<vmem>>) semaphore(%arg13 : memref<!tpu.dma_semaphore, #tpu.memory_space<semaphore_mem>>) {add = true}
      %dma_start3A_171 = arith.constant 0 : i32
      %dma_start3A_172 = tpu.memref_slice %arg9[%add3A_165, %dma_start3A_171] : memref<80x128xi32, #tpu.memory_space<vmem>> -> memref<1x128xi32, #tpu.memory_space<vmem>>
      %dma_start3A_173 = tpu.memref_squeeze %dma_start3A_172 : memref<1x128xi32, #tpu.memory_space<vmem>> -> memref<128xi32, #tpu.memory_space<vmem>>
      %dma_start3A_174 = arith.constant 0 : i32
      %dma_start3A_175 = tpu.memref_slice %arg12[%dma_start3A_174] : memref<10240xf32, #tpu.memory_space<vmem_shared>> -> memref<10240xf32, #tpu.memory_space<vmem_shared>>
      tpu.enqueue_indirect_dma source(%arg10 : memref<128xf32, #tpu.memory_space<vmem>>) target(%dma_start3A_175 : memref<10240xf32, #tpu.memory_space<vmem_shared>>) offsets(%dma_start3A_173 : memref<128xi32, #tpu.memory_space<vmem>>) semaphore(%arg13 : memref<!tpu.dma_semaphore, #tpu.memory_space<semaphore_mem>>) {add = true}
      %mul3A_176 = arith.constant 8 : i32
      %mul3A_177 = arith.muli %scan3A_104, %mul3A_176 : i32
      %add3A_178 = arith.constant 5 : i32
      %add3A_179 = arith.addi %mul3A_177, %add3A_178 : i32
      %dma_start3A_180 = arith.constant 0 : i32
      %dma_start3A_181 = tpu.memref_slice %arg8[%add3A_179, %dma_start3A_180] : memref<80x128xi32, #tpu.memory_space<vmem>> -> memref<1x128xi32, #tpu.memory_space<vmem>>
      %dma_start3A_182 = tpu.memref_squeeze %dma_start3A_181 : memref<1x128xi32, #tpu.memory_space<vmem>> -> memref<128xi32, #tpu.memory_space<vmem>>
      %dma_start3A_183 = arith.constant 0 : i32
      %dma_start3A_184 = tpu.memref_slice %arg11[%dma_start3A_183] : memref<10240xf32, #tpu.memory_space<vmem_shared>> -> memref<10240xf32, #tpu.memory_space<vmem_shared>>
      tpu.enqueue_indirect_dma source(%arg10 : memref<128xf32, #tpu.memory_space<vmem>>) target(%dma_start3A_184 : memref<10240xf32, #tpu.memory_space<vmem_shared>>) offsets(%dma_start3A_182 : memref<128xi32, #tpu.memory_space<vmem>>) semaphore(%arg13 : memref<!tpu.dma_semaphore, #tpu.memory_space<semaphore_mem>>) {add = true}
      %dma_start3A_185 = arith.constant 0 : i32
      %dma_start3A_186 = tpu.memref_slice %arg9[%add3A_179, %dma_start3A_185] : memref<80x128xi32, #tpu.memory_space<vmem>> -> memref<1x128xi32, #tpu.memory_space<vmem>>
      %dma_start3A_187 = tpu.memref_squeeze %dma_start3A_186 : memref<1x128xi32, #tpu.memory_space<vmem>> -> memref<128xi32, #tpu.memory_space<vmem>>
      %dma_start3A_188 = arith.constant 0 : i32
      %dma_start3A_189 = tpu.memref_slice %arg12[%dma_start3A_188] : memref<10240xf32, #tpu.memory_space<vmem_shared>> -> memref<10240xf32, #tpu.memory_space<vmem_shared>>
      tpu.enqueue_indirect_dma source(%arg10 : memref<128xf32, #tpu.memory_space<vmem>>) target(%dma_start3A_189 : memref<10240xf32, #tpu.memory_space<vmem_shared>>) offsets(%dma_start3A_187 : memref<128xi32, #tpu.memory_space<vmem>>) semaphore(%arg13 : memref<!tpu.dma_semaphore, #tpu.memory_space<semaphore_mem>>) {add = true}
      %mul3A_190 = arith.constant 8 : i32
      %mul3A_191 = arith.muli %scan3A_104, %mul3A_190 : i32
      %add3A_192 = arith.constant 6 : i32
      %add3A_193 = arith.addi %mul3A_191, %add3A_192 : i32
      %dma_start3A_194 = arith.constant 0 : i32
      %dma_start3A_195 = tpu.memref_slice %arg8[%add3A_193, %dma_start3A_194] : memref<80x128xi32, #tpu.memory_space<vmem>> -> memref<1x128xi32, #tpu.memory_space<vmem>>
      %dma_start3A_196 = tpu.memref_squeeze %dma_start3A_195 : memref<1x128xi32, #tpu.memory_space<vmem>> -> memref<128xi32, #tpu.memory_space<vmem>>
      %dma_start3A_197 = arith.constant 0 : i32
      %dma_start3A_198 = tpu.memref_slice %arg11[%dma_start3A_197] : memref<10240xf32, #tpu.memory_space<vmem_shared>> -> memref<10240xf32, #tpu.memory_space<vmem_shared>>
      tpu.enqueue_indirect_dma source(%arg10 : memref<128xf32, #tpu.memory_space<vmem>>) target(%dma_start3A_198 : memref<10240xf32, #tpu.memory_space<vmem_shared>>) offsets(%dma_start3A_196 : memref<128xi32, #tpu.memory_space<vmem>>) semaphore(%arg13 : memref<!tpu.dma_semaphore, #tpu.memory_space<semaphore_mem>>) {add = true}
      %dma_start3A_199 = arith.constant 0 : i32
      %dma_start3A_200 = tpu.memref_slice %arg9[%add3A_193, %dma_start3A_199] : memref<80x128xi32, #tpu.memory_space<vmem>> -> memref<1x128xi32, #tpu.memory_space<vmem>>
      %dma_start3A_201 = tpu.memref_squeeze %dma_start3A_200 : memref<1x128xi32, #tpu.memory_space<vmem>> -> memref<128xi32, #tpu.memory_space<vmem>>
      %dma_start3A_202 = arith.constant 0 : i32
      %dma_start3A_203 = tpu.memref_slice %arg12[%dma_start3A_202] : memref<10240xf32, #tpu.memory_space<vmem_shared>> -> memref<10240xf32, #tpu.memory_space<vmem_shared>>
      tpu.enqueue_indirect_dma source(%arg10 : memref<128xf32, #tpu.memory_space<vmem>>) target(%dma_start3A_203 : memref<10240xf32, #tpu.memory_space<vmem_shared>>) offsets(%dma_start3A_201 : memref<128xi32, #tpu.memory_space<vmem>>) semaphore(%arg13 : memref<!tpu.dma_semaphore, #tpu.memory_space<semaphore_mem>>) {add = true}
      %mul3A_204 = arith.constant 8 : i32
      %mul3A_205 = arith.muli %scan3A_104, %mul3A_204 : i32
      %add3A_206 = arith.constant 7 : i32
      %add3A_207 = arith.addi %mul3A_205, %add3A_206 : i32
      %dma_start3A_208 = arith.constant 0 : i32
      %dma_start3A_209 = tpu.memref_slice %arg8[%add3A_207, %dma_start3A_208] : memref<80x128xi32, #tpu.memory_space<vmem>> -> memref<1x128xi32, #tpu.memory_space<vmem>>
      %dma_start3A_210 = tpu.memref_squeeze %dma_start3A_209 : memref<1x128xi32, #tpu.memory_space<vmem>> -> memref<128xi32, #tpu.memory_space<vmem>>
      %dma_start3A_211 = arith.constant 0 : i32
      %dma_start3A_212 = tpu.memref_slice %arg11[%dma_start3A_211] : memref<10240xf32, #tpu.memory_space<vmem_shared>> -> memref<10240xf32, #tpu.memory_space<vmem_shared>>
      tpu.enqueue_indirect_dma source(%arg10 : memref<128xf32, #tpu.memory_space<vmem>>) target(%dma_start3A_212 : memref<10240xf32, #tpu.memory_space<vmem_shared>>) offsets(%dma_start3A_210 : memref<128xi32, #tpu.memory_space<vmem>>) semaphore(%arg13 : memref<!tpu.dma_semaphore, #tpu.memory_space<semaphore_mem>>) {add = true}
      %dma_start3A_213 = arith.constant 0 : i32
      %dma_start3A_214 = tpu.memref_slice %arg9[%add3A_207, %dma_start3A_213] : memref<80x128xi32, #tpu.memory_space<vmem>> -> memref<1x128xi32, #tpu.memory_space<vmem>>
      %dma_start3A_215 = tpu.memref_squeeze %dma_start3A_214 : memref<1x128xi32, #tpu.memory_space<vmem>> -> memref<128xi32, #tpu.memory_space<vmem>>
      %dma_start3A_216 = arith.constant 0 : i32
      %dma_start3A_217 = tpu.memref_slice %arg12[%dma_start3A_216] : memref<10240xf32, #tpu.memory_space<vmem_shared>> -> memref<10240xf32, #tpu.memory_space<vmem_shared>>
      tpu.enqueue_indirect_dma source(%arg10 : memref<128xf32, #tpu.memory_space<vmem>>) target(%dma_start3A_217 : memref<10240xf32, #tpu.memory_space<vmem_shared>>) offsets(%dma_start3A_215 : memref<128xi32, #tpu.memory_space<vmem>>) semaphore(%arg13 : memref<!tpu.dma_semaphore, #tpu.memory_space<semaphore_mem>>) {add = true}
    }
    %scan3A_7 = arith.constant 10 : i32
    %dma_wait3A = arith.constant 0 : i32
    %dma_wait3A_8 = arith.constant 0 : i32
    %dma_wait3A_9 = tpu.memref_slice %arg8[%dma_wait3A, %dma_wait3A_8] : memref<80x128xi32, #tpu.memory_space<vmem>> -> memref<1x128xi32, #tpu.memory_space<vmem>>
    %dma_wait3A_10 = tpu.memref_squeeze %dma_wait3A_9 : memref<1x128xi32, #tpu.memory_space<vmem>> -> memref<128xi32, #tpu.memory_space<vmem>>
    %dma_wait3A_11 = arith.constant 0 : i32
    %dma_wait3A_12 = tpu.memref_slice %arg11[%dma_wait3A_11] : memref<10240xf32, #tpu.memory_space<vmem_shared>> -> memref<10240xf32, #tpu.memory_space<vmem_shared>>
    tpu.wait_indirect_dma semaphore(%arg13 : memref<!tpu.dma_semaphore, #tpu.memory_space<semaphore_mem>>) src(%arg10 : memref<128xf32, #tpu.memory_space<vmem>>) dst(%dma_wait3A_12 : memref<10240xf32, #tpu.memory_space<vmem_shared>>)
    %dma_wait3A_13 = arith.constant 0 : i32
    %dma_wait3A_14 = arith.constant 0 : i32
    %dma_wait3A_15 = tpu.memref_slice %arg9[%dma_wait3A_13, %dma_wait3A_14] : memref<80x128xi32, #tpu.memory_space<vmem>> -> memref<1x128xi32, #tpu.memory_space<vmem>>
    %dma_wait3A_16 = tpu.memref_squeeze %dma_wait3A_15 : memref<1x128xi32, #tpu.memory_space<vmem>> -> memref<128xi32, #tpu.memory_space<vmem>>
    %dma_wait3A_17 = arith.constant 0 : i32
    %dma_wait3A_18 = tpu.memref_slice %arg12[%dma_wait3A_17] : memref<10240xf32, #tpu.memory_space<vmem_shared>> -> memref<10240xf32, #tpu.memory_space<vmem_shared>>
    tpu.wait_indirect_dma semaphore(%arg13 : memref<!tpu.dma_semaphore, #tpu.memory_space<semaphore_mem>>) src(%arg10 : memref<128xf32, #tpu.memory_space<vmem>>) dst(%dma_wait3A_18 : memref<10240xf32, #tpu.memory_space<vmem_shared>>)
    %dma_wait3A_19 = arith.constant 0 : i32
    %dma_wait3A_20 = arith.constant 0 : i32
    %dma_wait3A_21 = tpu.memref_slice %arg8[%dma_wait3A_19, %dma_wait3A_20] : memref<80x128xi32, #tpu.memory_space<vmem>> -> memref<1x128xi32, #tpu.memory_space<vmem>>
    %dma_wait3A_22 = tpu.memref_squeeze %dma_wait3A_21 : memref<1x128xi32, #tpu.memory_space<vmem>> -> memref<128xi32, #tpu.memory_space<vmem>>
    %dma_wait3A_23 = arith.constant 0 : i32
    %dma_wait3A_24 = tpu.memref_slice %arg11[%dma_wait3A_23] : memref<10240xf32, #tpu.memory_space<vmem_shared>> -> memref<10240xf32, #tpu.memory_space<vmem_shared>>
    tpu.wait_indirect_dma semaphore(%arg13 : memref<!tpu.dma_semaphore, #tpu.memory_space<semaphore_mem>>) src(%arg10 : memref<128xf32, #tpu.memory_space<vmem>>) dst(%dma_wait3A_24 : memref<10240xf32, #tpu.memory_space<vmem_shared>>)
    %dma_wait3A_25 = arith.constant 0 : i32
    %dma_wait3A_26 = arith.constant 0 : i32
    %dma_wait3A_27 = tpu.memref_slice %arg9[%dma_wait3A_25, %dma_wait3A_26] : memref<80x128xi32, #tpu.memory_space<vmem>> -> memref<1x128xi32, #tpu.memory_space<vmem>>
    %dma_wait3A_28 = tpu.memref_squeeze %dma_wait3A_27 : memref<1x128xi32, #tpu.memory_space<vmem>> -> memref<128xi32, #tpu.memory_space<vmem>>
    %dma_wait3A_29 = arith.constant 0 : i32
    %dma_wait3A_30 = tpu.memref_slice %arg12[%dma_wait3A_29] : memref<10240xf32, #tpu.memory_space<vmem_shared>> -> memref<10240xf32, #tpu.memory_space<vmem_shared>>
    tpu.wait_indirect_dma semaphore(%arg13 : memref<!tpu.dma_semaphore, #tpu.memory_space<semaphore_mem>>) src(%arg10 : memref<128xf32, #tpu.memory_space<vmem>>) dst(%dma_wait3A_30 : memref<10240xf32, #tpu.memory_space<vmem_shared>>)
    %dma_wait3A_31 = arith.constant 0 : i32
    %dma_wait3A_32 = arith.constant 0 : i32
    %dma_wait3A_33 = tpu.memref_slice %arg8[%dma_wait3A_31, %dma_wait3A_32] : memref<80x128xi32, #tpu.memory_space<vmem>> -> memref<1x128xi32, #tpu.memory_space<vmem>>
    %dma_wait3A_34 = tpu.memref_squeeze %dma_wait3A_33 : memref<1x128xi32, #tpu.memory_space<vmem>> -> memref<128xi32, #tpu.memory_space<vmem>>
    %dma_wait3A_35 = arith.constant 0 : i32
    %dma_wait3A_36 = tpu.memref_slice %arg11[%dma_wait3A_35] : memref<10240xf32, #tpu.memory_space<vmem_shared>> -> memref<10240xf32, #tpu.memory_space<vmem_shared>>
    tpu.wait_indirect_dma semaphore(%arg13 : memref<!tpu.dma_semaphore, #tpu.memory_space<semaphore_mem>>) src(%arg10 : memref<128xf32, #tpu.memory_space<vmem>>) dst(%dma_wait3A_36 : memref<10240xf32, #tpu.memory_space<vmem_shared>>)
    %dma_wait3A_37 = arith.constant 0 : i32
    %dma_wait3A_38 = arith.constant 0 : i32
    %dma_wait3A_39 = tpu.memref_slice %arg9[%dma_wait3A_37, %dma_wait3A_38] : memref<80x128xi32, #tpu.memory_space<vmem>> -> memref<1x128xi32, #tpu.memory_space<vmem>>
    %dma_wait3A_40 = tpu.memref_squeeze %dma_wait3A_39 : memref<1x128xi32, #tpu.memory_space<vmem>> -> memref<128xi32, #tpu.memory_space<vmem>>
    %dma_wait3A_41 = arith.constant 0 : i32
    %dma_wait3A_42 = tpu.memref_slice %arg12[%dma_wait3A_41] : memref<10240xf32, #tpu.memory_space<vmem_shared>> -> memref<10240xf32, #tpu.memory_space<vmem_shared>>
    tpu.wait_indirect_dma semaphore(%arg13 : memref<!tpu.dma_semaphore, #tpu.memory_space<semaphore_mem>>) src(%arg10 : memref<128xf32, #tpu.memory_space<vmem>>) dst(%dma_wait3A_42 : memref<10240xf32, #tpu.memory_space<vmem_shared>>)
    %dma_wait3A_43 = arith.constant 0 : i32
    %dma_wait3A_44 = arith.constant 0 : i32
    %dma_wait3A_45 = tpu.memref_slice %arg8[%dma_wait3A_43, %dma_wait3A_44] : memref<80x128xi32, #tpu.memory_space<vmem>> -> memref<1x128xi32, #tpu.memory_space<vmem>>
    %dma_wait3A_46 = tpu.memref_squeeze %dma_wait3A_45 : memref<1x128xi32, #tpu.memory_space<vmem>> -> memref<128xi32, #tpu.memory_space<vmem>>
    %dma_wait3A_47 = arith.constant 0 : i32
    %dma_wait3A_48 = tpu.memref_slice %arg11[%dma_wait3A_47] : memref<10240xf32, #tpu.memory_space<vmem_shared>> -> memref<10240xf32, #tpu.memory_space<vmem_shared>>
    tpu.wait_indirect_dma semaphore(%arg13 : memref<!tpu.dma_semaphore, #tpu.memory_space<semaphore_mem>>) src(%arg10 : memref<128xf32, #tpu.memory_space<vmem>>) dst(%dma_wait3A_48 : memref<10240xf32, #tpu.memory_space<vmem_shared>>)
    %dma_wait3A_49 = arith.constant 0 : i32
    %dma_wait3A_50 = arith.constant 0 : i32
    %dma_wait3A_51 = tpu.memref_slice %arg9[%dma_wait3A_49, %dma_wait3A_50] : memref<80x128xi32, #tpu.memory_space<vmem>> -> memref<1x128xi32, #tpu.memory_space<vmem>>
    %dma_wait3A_52 = tpu.memref_squeeze %dma_wait3A_51 : memref<1x128xi32, #tpu.memory_space<vmem>> -> memref<128xi32, #tpu.memory_space<vmem>>
    %dma_wait3A_53 = arith.constant 0 : i32
    %dma_wait3A_54 = tpu.memref_slice %arg12[%dma_wait3A_53] : memref<10240xf32, #tpu.memory_space<vmem_shared>> -> memref<10240xf32, #tpu.memory_space<vmem_shared>>
    tpu.wait_indirect_dma semaphore(%arg13 : memref<!tpu.dma_semaphore, #tpu.memory_space<semaphore_mem>>) src(%arg10 : memref<128xf32, #tpu.memory_space<vmem>>) dst(%dma_wait3A_54 : memref<10240xf32, #tpu.memory_space<vmem_shared>>)
    %dma_wait3A_55 = arith.constant 0 : i32
    %dma_wait3A_56 = arith.constant 0 : i32
    %dma_wait3A_57 = tpu.memref_slice %arg8[%dma_wait3A_55, %dma_wait3A_56] : memref<80x128xi32, #tpu.memory_space<vmem>> -> memref<1x128xi32, #tpu.memory_space<vmem>>
    %dma_wait3A_58 = tpu.memref_squeeze %dma_wait3A_57 : memref<1x128xi32, #tpu.memory_space<vmem>> -> memref<128xi32, #tpu.memory_space<vmem>>
    %dma_wait3A_59 = arith.constant 0 : i32
    %dma_wait3A_60 = tpu.memref_slice %arg11[%dma_wait3A_59] : memref<10240xf32, #tpu.memory_space<vmem_shared>> -> memref<10240xf32, #tpu.memory_space<vmem_shared>>
    tpu.wait_indirect_dma semaphore(%arg13 : memref<!tpu.dma_semaphore, #tpu.memory_space<semaphore_mem>>) src(%arg10 : memref<128xf32, #tpu.memory_space<vmem>>) dst(%dma_wait3A_60 : memref<10240xf32, #tpu.memory_space<vmem_shared>>)
    %dma_wait3A_61 = arith.constant 0 : i32
    %dma_wait3A_62 = arith.constant 0 : i32
    %dma_wait3A_63 = tpu.memref_slice %arg9[%dma_wait3A_61, %dma_wait3A_62] : memref<80x128xi32, #tpu.memory_space<vmem>> -> memref<1x128xi32, #tpu.memory_space<vmem>>
    %dma_wait3A_64 = tpu.memref_squeeze %dma_wait3A_63 : memref<1x128xi32, #tpu.memory_space<vmem>> -> memref<128xi32, #tpu.memory_space<vmem>>
    %dma_wait3A_65 = arith.constant 0 : i32
    %dma_wait3A_66 = tpu.memref_slice %arg12[%dma_wait3A_65] : memref<10240xf32, #tpu.memory_space<vmem_shared>> -> memref<10240xf32, #tpu.memory_space<vmem_shared>>
    tpu.wait_indirect_dma semaphore(%arg13 : memref<!tpu.dma_semaphore, #tpu.memory_space<semaphore_mem>>) src(%arg10 : memref<128xf32, #tpu.memory_space<vmem>>) dst(%dma_wait3A_66 : memref<10240xf32, #tpu.memory_space<vmem_shared>>)
    %dma_wait3A_67 = arith.constant 0 : i32
    %dma_wait3A_68 = arith.constant 0 : i32
    %dma_wait3A_69 = tpu.memref_slice %arg8[%dma_wait3A_67, %dma_wait3A_68] : memref<80x128xi32, #tpu.memory_space<vmem>> -> memref<1x128xi32, #tpu.memory_space<vmem>>
    %dma_wait3A_70 = tpu.memref_squeeze %dma_wait3A_69 : memref<1x128xi32, #tpu.memory_space<vmem>> -> memref<128xi32, #tpu.memory_space<vmem>>
    %dma_wait3A_71 = arith.constant 0 : i32
    %dma_wait3A_72 = tpu.memref_slice %arg11[%dma_wait3A_71] : memref<10240xf32, #tpu.memory_space<vmem_shared>> -> memref<10240xf32, #tpu.memory_space<vmem_shared>>
    tpu.wait_indirect_dma semaphore(%arg13 : memref<!tpu.dma_semaphore, #tpu.memory_space<semaphore_mem>>) src(%arg10 : memref<128xf32, #tpu.memory_space<vmem>>) dst(%dma_wait3A_72 : memref<10240xf32, #tpu.memory_space<vmem_shared>>)
    %dma_wait3A_73 = arith.constant 0 : i32
    %dma_wait3A_74 = arith.constant 0 : i32
    %dma_wait3A_75 = tpu.memref_slice %arg9[%dma_wait3A_73, %dma_wait3A_74] : memref<80x128xi32, #tpu.memory_space<vmem>> -> memref<1x128xi32, #tpu.memory_space<vmem>>
    %dma_wait3A_76 = tpu.memref_squeeze %dma_wait3A_75 : memref<1x128xi32, #tpu.memory_space<vmem>> -> memref<128xi32, #tpu.memory_space<vmem>>
    %dma_wait3A_77 = arith.constant 0 : i32
    %dma_wait3A_78 = tpu.memref_slice %arg12[%dma_wait3A_77] : memref<10240xf32, #tpu.memory_space<vmem_shared>> -> memref<10240xf32, #tpu.memory_space<vmem_shared>>
    tpu.wait_indirect_dma semaphore(%arg13 : memref<!tpu.dma_semaphore, #tpu.memory_space<semaphore_mem>>) src(%arg10 : memref<128xf32, #tpu.memory_space<vmem>>) dst(%dma_wait3A_78 : memref<10240xf32, #tpu.memory_space<vmem_shared>>)
    %dma_wait3A_79 = arith.constant 0 : i32
    %dma_wait3A_80 = arith.constant 0 : i32
    %dma_wait3A_81 = tpu.memref_slice %arg8[%dma_wait3A_79, %dma_wait3A_80] : memref<80x128xi32, #tpu.memory_space<vmem>> -> memref<1x128xi32, #tpu.memory_space<vmem>>
    %dma_wait3A_82 = tpu.memref_squeeze %dma_wait3A_81 : memref<1x128xi32, #tpu.memory_space<vmem>> -> memref<128xi32, #tpu.memory_space<vmem>>
    %dma_wait3A_83 = arith.constant 0 : i32
    %dma_wait3A_84 = tpu.memref_slice %arg11[%dma_wait3A_83] : memref<10240xf32, #tpu.memory_space<vmem_shared>> -> memref<10240xf32, #tpu.memory_space<vmem_shared>>
    tpu.wait_indirect_dma semaphore(%arg13 : memref<!tpu.dma_semaphore, #tpu.memory_space<semaphore_mem>>) src(%arg10 : memref<128xf32, #tpu.memory_space<vmem>>) dst(%dma_wait3A_84 : memref<10240xf32, #tpu.memory_space<vmem_shared>>)
    %dma_wait3A_85 = arith.constant 0 : i32
    %dma_wait3A_86 = arith.constant 0 : i32
    %dma_wait3A_87 = tpu.memref_slice %arg9[%dma_wait3A_85, %dma_wait3A_86] : memref<80x128xi32, #tpu.memory_space<vmem>> -> memref<1x128xi32, #tpu.memory_space<vmem>>
    %dma_wait3A_88 = tpu.memref_squeeze %dma_wait3A_87 : memref<1x128xi32, #tpu.memory_space<vmem>> -> memref<128xi32, #tpu.memory_space<vmem>>
    %dma_wait3A_89 = arith.constant 0 : i32
    %dma_wait3A_90 = tpu.memref_slice %arg12[%dma_wait3A_89] : memref<10240xf32, #tpu.memory_space<vmem_shared>> -> memref<10240xf32, #tpu.memory_space<vmem_shared>>
    tpu.wait_indirect_dma semaphore(%arg13 : memref<!tpu.dma_semaphore, #tpu.memory_space<semaphore_mem>>) src(%arg10 : memref<128xf32, #tpu.memory_space<vmem>>) dst(%dma_wait3A_90 : memref<10240xf32, #tpu.memory_space<vmem_shared>>)
    %dma_wait3A_91 = arith.constant 0 : i32
    %dma_wait3A_92 = arith.constant 0 : i32
    %dma_wait3A_93 = tpu.memref_slice %arg8[%dma_wait3A_91, %dma_wait3A_92] : memref<80x128xi32, #tpu.memory_space<vmem>> -> memref<1x128xi32, #tpu.memory_space<vmem>>
    %dma_wait3A_94 = tpu.memref_squeeze %dma_wait3A_93 : memref<1x128xi32, #tpu.memory_space<vmem>> -> memref<128xi32, #tpu.memory_space<vmem>>
    %dma_wait3A_95 = arith.constant 0 : i32
    %dma_wait3A_96 = tpu.memref_slice %arg11[%dma_wait3A_95] : memref<10240xf32, #tpu.memory_space<vmem_shared>> -> memref<10240xf32, #tpu.memory_space<vmem_shared>>
    tpu.wait_indirect_dma semaphore(%arg13 : memref<!tpu.dma_semaphore, #tpu.memory_space<semaphore_mem>>) src(%arg10 : memref<128xf32, #tpu.memory_space<vmem>>) dst(%dma_wait3A_96 : memref<10240xf32, #tpu.memory_space<vmem_shared>>)
    %dma_wait3A_97 = arith.constant 0 : i32
    %dma_wait3A_98 = arith.constant 0 : i32
    %dma_wait3A_99 = tpu.memref_slice %arg9[%dma_wait3A_97, %dma_wait3A_98] : memref<80x128xi32, #tpu.memory_space<vmem>> -> memref<1x128xi32, #tpu.memory_space<vmem>>
    %dma_wait3A_100 = tpu.memref_squeeze %dma_wait3A_99 : memref<1x128xi32, #tpu.memory_space<vmem>> -> memref<128xi32, #tpu.memory_space<vmem>>
    %dma_wait3A_101 = arith.constant 0 : i32
    %dma_wait3A_102 = tpu.memref_slice %arg12[%dma_wait3A_101] : memref<10240xf32, #tpu.memory_space<vmem_shared>> -> memref<10240xf32, #tpu.memory_space<vmem_shared>>
    tpu.wait_indirect_dma semaphore(%arg13 : memref<!tpu.dma_semaphore, #tpu.memory_space<semaphore_mem>>) src(%arg10 : memref<128xf32, #tpu.memory_space<vmem>>) dst(%dma_wait3A_102 : memref<10240xf32, #tpu.memory_space<vmem_shared>>)
    %barrier3A_103 = arith.constant 0 : index
    tpu.barrier barrier_id(%barrier3A_103)
    "tpu.region"() ({
      %run_scoped3A = tpu.sem_alloc : memref<!tpu.dma_semaphore, #tpu.memory_space<semaphore_mem>>
      %dma_start3A = tpu.memref_slice %arg6[%arg0, %mul3A_2] : memref<2x10240xf32, #tpu.memory_space<hbm>> -> memref<1x640xf32, #tpu.memory_space<hbm>>
      %dma_start3A_104 = tpu.memref_squeeze %dma_start3A : memref<1x640xf32, #tpu.memory_space<hbm>> -> memref<640xf32, #tpu.memory_space<hbm>>
      %dma_start3A_105 = tpu.memref_slice %arg11[%mul3A_2] : memref<10240xf32, #tpu.memory_space<vmem_shared>> -> memref<640xf32, #tpu.memory_space<vmem_shared>>
      tpu.enqueue_dma source(%dma_start3A_105 : memref<640xf32, #tpu.memory_space<vmem_shared>>) target(%dma_start3A_104 : memref<640xf32, #tpu.memory_space<hbm>>) target_semaphore(%run_scoped3A : memref<!tpu.dma_semaphore, #tpu.memory_space<semaphore_mem>>)
      %dma_wait3A_106 = tpu.memref_slice %arg6[%arg0, %mul3A_2] : memref<2x10240xf32, #tpu.memory_space<hbm>> -> memref<1x640xf32, #tpu.memory_space<hbm>>
      %dma_wait3A_107 = tpu.memref_squeeze %dma_wait3A_106 : memref<1x640xf32, #tpu.memory_space<hbm>> -> memref<640xf32, #tpu.memory_space<hbm>>
      %dma_wait3A_108 = tpu.memref_slice %arg11[%mul3A_2] : memref<10240xf32, #tpu.memory_space<vmem_shared>> -> memref<640xf32, #tpu.memory_space<vmem_shared>>
      tpu.wait_dma2 semaphore(%run_scoped3A : memref<!tpu.dma_semaphore, #tpu.memory_space<semaphore_mem>>) src(%dma_wait3A_108 : memref<640xf32, #tpu.memory_space<vmem_shared>>) dst(%dma_wait3A_107 : memref<640xf32, #tpu.memory_space<hbm>>)
      tpu.yield
    }) : () -> ()
    "tpu.region"() ({
      %run_scoped3A = tpu.sem_alloc : memref<!tpu.dma_semaphore, #tpu.memory_space<semaphore_mem>>
      %dma_start3A = tpu.memref_slice %arg7[%arg0, %mul3A_2] : memref<2x10240xf32, #tpu.memory_space<hbm>> -> memref<1x640xf32, #tpu.memory_space<hbm>>
      %dma_start3A_104 = tpu.memref_squeeze %dma_start3A : memref<1x640xf32, #tpu.memory_space<hbm>> -> memref<640xf32, #tpu.memory_space<hbm>>
      %dma_start3A_105 = tpu.memref_slice %arg12[%mul3A_2] : memref<10240xf32, #tpu.memory_space<vmem_shared>> -> memref<640xf32, #tpu.memory_space<vmem_shared>>
      tpu.enqueue_dma source(%dma_start3A_105 : memref<640xf32, #tpu.memory_space<vmem_shared>>) target(%dma_start3A_104 : memref<640xf32, #tpu.memory_space<hbm>>) target_semaphore(%run_scoped3A : memref<!tpu.dma_semaphore, #tpu.memory_space<semaphore_mem>>)
      %dma_wait3A_106 = tpu.memref_slice %arg7[%arg0, %mul3A_2] : memref<2x10240xf32, #tpu.memory_space<hbm>> -> memref<1x640xf32, #tpu.memory_space<hbm>>
      %dma_wait3A_107 = tpu.memref_squeeze %dma_wait3A_106 : memref<1x640xf32, #tpu.memory_space<hbm>> -> memref<640xf32, #tpu.memory_space<hbm>>
      %dma_wait3A_108 = tpu.memref_slice %arg12[%mul3A_2] : memref<10240xf32, #tpu.memory_space<vmem_shared>> -> memref<640xf32, #tpu.memory_space<vmem_shared>>
      tpu.wait_dma2 semaphore(%run_scoped3A : memref<!tpu.dma_semaphore, #tpu.memory_space<semaphore_mem>>) src(%dma_wait3A_108 : memref<640xf32, #tpu.memory_space<vmem_shared>>) dst(%dma_wait3A_107 : memref<640xf32, #tpu.memory_space<hbm>>)
      tpu.yield
    }) : () -> ()
    return
  }
}

#map = affine_map<(d0, d1) -> (0, 0)>
#map1 = affine_map<(d0, d1) -> (0, 0, 0)>
module attributes {stable_mosaic.version = 14 : i64} {
  func.func @body(%arg0: i32, %arg1: i32, %arg2: memref<10016x32xf32, #tpu.memory_space<hbm>>, %arg3: memref<32x80x128xi32, #tpu.memory_space<hbm>>, %arg4: memref<32x80x128xi32, #tpu.memory_space<hbm>>, %arg5: memref<10016x32xf32, #tpu.memory_space<hbm>>, %arg6: memref<2x10016x32xf32, #tpu.memory_space<hbm>>, %arg7: memref<80x128xi32, #tpu.memory_space<vmem>>, %arg8: memref<80x128xi32, #tpu.memory_space<vmem>>, %arg9: memref<16x128x32xf32, #tpu.memory_space<vmem>>, %arg10: memref<10016x32xf32, #tpu.memory_space<vmem_shared>>, %arg11: memref<10016x32xf32, #tpu.memory_space<vmem_shared>>, %arg12: memref<!tpu.dma_semaphore, #tpu.memory_space<semaphore_mem>>, %arg13: memref<!tpu.dma_semaphore, #tpu.memory_space<semaphore_mem>>) attributes {dimension_semantics = [#tpu.dimension_semantics<core_parallel>, #tpu.dimension_semantics<subcore_parallel>], iteration_bounds = array<i64: 2, 16>, scalar_prefetch = 0 : i64, scratch_operands = 7 : i64, tpu.core_type = #tpu.core_type<sc_vector_subcore>, window_params = [{transform_indices = #map}, {transform_indices = #map1}, {transform_indices = #map1}, {transform_indices = #map}, {transform_indices = #map1}]} {
    %mul3A = arith.constant 2 : i32
    %mul3A_0 = arith.muli %arg1, %mul3A : i32
    %add3A = arith.addi %mul3A_0, %arg0 : i32
    %mul3A_1 = arith.constant 626 : i32
    %mul3A_2 = arith.muli %arg1, %mul3A_1 : i32
    "tpu.region"() ({
      %run_scoped3A = tpu.sem_alloc : memref<!tpu.dma_semaphore, #tpu.memory_space<semaphore_mem>>
      %dma_start3A_199 = arith.constant 0 : i32
      %dma_start3A_200 = tpu.memref_slice %arg10[%mul3A_2, %dma_start3A_199] : memref<10016x32xf32, #tpu.memory_space<vmem_shared>> -> memref<626x32xf32, #tpu.memory_space<vmem_shared>>
      %dma_start3A_201 = arith.constant 0 : i32
      %dma_start3A_202 = tpu.memref_slice %arg5[%mul3A_2, %dma_start3A_201] : memref<10016x32xf32, #tpu.memory_space<hbm>> -> memref<626x32xf32, #tpu.memory_space<hbm>>
      tpu.enqueue_dma source(%dma_start3A_202 : memref<626x32xf32, #tpu.memory_space<hbm>>) target(%dma_start3A_200 : memref<626x32xf32, #tpu.memory_space<vmem_shared>>) target_semaphore(%run_scoped3A : memref<!tpu.dma_semaphore, #tpu.memory_space<semaphore_mem>>)
      %dma_wait3A_203 = arith.constant 0 : i32
      %dma_wait3A_204 = tpu.memref_slice %arg10[%mul3A_2, %dma_wait3A_203] : memref<10016x32xf32, #tpu.memory_space<vmem_shared>> -> memref<626x32xf32, #tpu.memory_space<vmem_shared>>
      %dma_wait3A_205 = arith.constant 0 : i32
      %dma_wait3A_206 = tpu.memref_slice %arg5[%mul3A_2, %dma_wait3A_205] : memref<10016x32xf32, #tpu.memory_space<hbm>> -> memref<626x32xf32, #tpu.memory_space<hbm>>
      tpu.wait_dma2 semaphore(%run_scoped3A : memref<!tpu.dma_semaphore, #tpu.memory_space<semaphore_mem>>) src(%dma_wait3A_206 : memref<626x32xf32, #tpu.memory_space<hbm>>) dst(%dma_wait3A_204 : memref<626x32xf32, #tpu.memory_space<vmem_shared>>)
      tpu.yield
    }) : () -> ()
    "tpu.region"() ({
      %run_scoped3A = tpu.sem_alloc : memref<!tpu.dma_semaphore, #tpu.memory_space<semaphore_mem>>
      %dma_start3A_199 = arith.constant 0 : i32
      %dma_start3A_200 = tpu.memref_slice %arg11[%mul3A_2, %dma_start3A_199] : memref<10016x32xf32, #tpu.memory_space<vmem_shared>> -> memref<626x32xf32, #tpu.memory_space<vmem_shared>>
      %dma_start3A_201 = arith.constant 0 : i32
      %dma_start3A_202 = tpu.memref_slice %arg2[%mul3A_2, %dma_start3A_201] : memref<10016x32xf32, #tpu.memory_space<hbm>> -> memref<626x32xf32, #tpu.memory_space<hbm>>
      tpu.enqueue_dma source(%dma_start3A_202 : memref<626x32xf32, #tpu.memory_space<hbm>>) target(%dma_start3A_200 : memref<626x32xf32, #tpu.memory_space<vmem_shared>>) target_semaphore(%run_scoped3A : memref<!tpu.dma_semaphore, #tpu.memory_space<semaphore_mem>>)
      %dma_wait3A_203 = arith.constant 0 : i32
      %dma_wait3A_204 = tpu.memref_slice %arg11[%mul3A_2, %dma_wait3A_203] : memref<10016x32xf32, #tpu.memory_space<vmem_shared>> -> memref<626x32xf32, #tpu.memory_space<vmem_shared>>
      %dma_wait3A_205 = arith.constant 0 : i32
      %dma_wait3A_206 = tpu.memref_slice %arg2[%mul3A_2, %dma_wait3A_205] : memref<10016x32xf32, #tpu.memory_space<hbm>> -> memref<626x32xf32, #tpu.memory_space<hbm>>
      tpu.wait_dma2 semaphore(%run_scoped3A : memref<!tpu.dma_semaphore, #tpu.memory_space<semaphore_mem>>) src(%dma_wait3A_206 : memref<626x32xf32, #tpu.memory_space<hbm>>) dst(%dma_wait3A_204 : memref<626x32xf32, #tpu.memory_space<vmem_shared>>)
      tpu.yield
    }) : () -> ()
    "tpu.region"() ({
      %run_scoped3A = tpu.sem_alloc : memref<!tpu.dma_semaphore, #tpu.memory_space<semaphore_mem>>
      %dma_start3A_199 = arith.constant 0 : i32
      %dma_start3A_200 = arith.constant 0 : i32
      %dma_start3A_201 = tpu.memref_slice %arg3[%add3A, %dma_start3A_199, %dma_start3A_200] : memref<32x80x128xi32, #tpu.memory_space<hbm>> -> memref<1x80x128xi32, #tpu.memory_space<hbm>>
      %dma_start3A_202 = tpu.memref_squeeze %dma_start3A_201 : memref<1x80x128xi32, #tpu.memory_space<hbm>> -> memref<80x128xi32, #tpu.memory_space<hbm>>
      %dma_start3A_203 = arith.constant 0 : i32
      %dma_start3A_204 = arith.constant 0 : i32
      %dma_start3A_205 = tpu.memref_slice %arg3[%add3A, %dma_start3A_203, %dma_start3A_204] : memref<32x80x128xi32, #tpu.memory_space<hbm>> -> memref<1x80x128xi32, #tpu.memory_space<hbm>>
      %dma_start3A_206 = tpu.memref_squeeze %dma_start3A_205 : memref<1x80x128xi32, #tpu.memory_space<hbm>> -> memref<80x128xi32, #tpu.memory_space<hbm>>
      tpu.enqueue_dma source(%dma_start3A_206 : memref<80x128xi32, #tpu.memory_space<hbm>>) target(%arg7 : memref<80x128xi32, #tpu.memory_space<vmem>>) target_semaphore(%run_scoped3A : memref<!tpu.dma_semaphore, #tpu.memory_space<semaphore_mem>>)
      %dma_wait3A_207 = arith.constant 0 : i32
      %dma_wait3A_208 = arith.constant 0 : i32
      %dma_wait3A_209 = tpu.memref_slice %arg3[%add3A, %dma_wait3A_207, %dma_wait3A_208] : memref<32x80x128xi32, #tpu.memory_space<hbm>> -> memref<1x80x128xi32, #tpu.memory_space<hbm>>
      %dma_wait3A_210 = tpu.memref_squeeze %dma_wait3A_209 : memref<1x80x128xi32, #tpu.memory_space<hbm>> -> memref<80x128xi32, #tpu.memory_space<hbm>>
      %dma_wait3A_211 = arith.constant 0 : i32
      %dma_wait3A_212 = arith.constant 0 : i32
      %dma_wait3A_213 = tpu.memref_slice %arg3[%add3A, %dma_wait3A_211, %dma_wait3A_212] : memref<32x80x128xi32, #tpu.memory_space<hbm>> -> memref<1x80x128xi32, #tpu.memory_space<hbm>>
      %dma_wait3A_214 = tpu.memref_squeeze %dma_wait3A_213 : memref<1x80x128xi32, #tpu.memory_space<hbm>> -> memref<80x128xi32, #tpu.memory_space<hbm>>
      tpu.wait_dma2 semaphore(%run_scoped3A : memref<!tpu.dma_semaphore, #tpu.memory_space<semaphore_mem>>) src(%dma_wait3A_214 : memref<80x128xi32, #tpu.memory_space<hbm>>) dst(%arg7 : memref<80x128xi32, #tpu.memory_space<vmem>>)
      tpu.yield
    }) : () -> ()
    "tpu.region"() ({
      %run_scoped3A = tpu.sem_alloc : memref<!tpu.dma_semaphore, #tpu.memory_space<semaphore_mem>>
      %dma_start3A_199 = arith.constant 0 : i32
      %dma_start3A_200 = arith.constant 0 : i32
      %dma_start3A_201 = tpu.memref_slice %arg4[%add3A, %dma_start3A_199, %dma_start3A_200] : memref<32x80x128xi32, #tpu.memory_space<hbm>> -> memref<1x80x128xi32, #tpu.memory_space<hbm>>
      %dma_start3A_202 = tpu.memref_squeeze %dma_start3A_201 : memref<1x80x128xi32, #tpu.memory_space<hbm>> -> memref<80x128xi32, #tpu.memory_space<hbm>>
      %dma_start3A_203 = arith.constant 0 : i32
      %dma_start3A_204 = arith.constant 0 : i32
      %dma_start3A_205 = tpu.memref_slice %arg4[%add3A, %dma_start3A_203, %dma_start3A_204] : memref<32x80x128xi32, #tpu.memory_space<hbm>> -> memref<1x80x128xi32, #tpu.memory_space<hbm>>
      %dma_start3A_206 = tpu.memref_squeeze %dma_start3A_205 : memref<1x80x128xi32, #tpu.memory_space<hbm>> -> memref<80x128xi32, #tpu.memory_space<hbm>>
      tpu.enqueue_dma source(%dma_start3A_206 : memref<80x128xi32, #tpu.memory_space<hbm>>) target(%arg8 : memref<80x128xi32, #tpu.memory_space<vmem>>) target_semaphore(%run_scoped3A : memref<!tpu.dma_semaphore, #tpu.memory_space<semaphore_mem>>)
      %dma_wait3A_207 = arith.constant 0 : i32
      %dma_wait3A_208 = arith.constant 0 : i32
      %dma_wait3A_209 = tpu.memref_slice %arg4[%add3A, %dma_wait3A_207, %dma_wait3A_208] : memref<32x80x128xi32, #tpu.memory_space<hbm>> -> memref<1x80x128xi32, #tpu.memory_space<hbm>>
      %dma_wait3A_210 = tpu.memref_squeeze %dma_wait3A_209 : memref<1x80x128xi32, #tpu.memory_space<hbm>> -> memref<80x128xi32, #tpu.memory_space<hbm>>
      %dma_wait3A_211 = arith.constant 0 : i32
      %dma_wait3A_212 = arith.constant 0 : i32
      %dma_wait3A_213 = tpu.memref_slice %arg4[%add3A, %dma_wait3A_211, %dma_wait3A_212] : memref<32x80x128xi32, #tpu.memory_space<hbm>> -> memref<1x80x128xi32, #tpu.memory_space<hbm>>
      %dma_wait3A_214 = tpu.memref_squeeze %dma_wait3A_213 : memref<1x80x128xi32, #tpu.memory_space<hbm>> -> memref<80x128xi32, #tpu.memory_space<hbm>>
      tpu.wait_dma2 semaphore(%run_scoped3A : memref<!tpu.dma_semaphore, #tpu.memory_space<semaphore_mem>>) src(%dma_wait3A_214 : memref<80x128xi32, #tpu.memory_space<hbm>>) dst(%arg8 : memref<80x128xi32, #tpu.memory_space<vmem>>)
      tpu.yield
    }) : () -> ()
    %barrier3A = arith.constant 0 : index
    tpu.barrier barrier_id(%barrier3A)
    %dma_start3A = arith.constant 0 : i32
    %dma_start3A_3 = arith.constant 0 : i32
    %dma_start3A_4 = arith.constant 0 : i32
    %dma_start3A_5 = arith.constant 0 : i32
    %dma_start3A_6 = tpu.memref_slice %arg9[%dma_start3A_3, %dma_start3A_4, %dma_start3A_5] : memref<16x128x32xf32, #tpu.memory_space<vmem>> -> memref<1x128x32xf32, #tpu.memory_space<vmem>>
    %dma_start3A_7 = tpu.memref_squeeze %dma_start3A_6 : memref<1x128x32xf32, #tpu.memory_space<vmem>> -> memref<128x32xf32, #tpu.memory_space<vmem>>
    %dma_start3A_8 = arith.constant 0 : i32
    %dma_start3A_9 = tpu.memref_slice %arg7[%dma_start3A, %dma_start3A_8] : memref<80x128xi32, #tpu.memory_space<vmem>> -> memref<1x128xi32, #tpu.memory_space<vmem>>
    %dma_start3A_10 = tpu.memref_squeeze %dma_start3A_9 : memref<1x128xi32, #tpu.memory_space<vmem>> -> memref<128xi32, #tpu.memory_space<vmem>>
    %dma_start3A_11 = arith.constant 0 : i32
    %dma_start3A_12 = arith.constant 0 : i32
    %dma_start3A_13 = tpu.memref_slice %arg11[%dma_start3A_11, %dma_start3A_12] : memref<10016x32xf32, #tpu.memory_space<vmem_shared>> -> memref<10016x32xf32, #tpu.memory_space<vmem_shared>>
    tpu.enqueue_indirect_dma source(%dma_start3A_13 : memref<10016x32xf32, #tpu.memory_space<vmem_shared>>) target(%dma_start3A_7 : memref<128x32xf32, #tpu.memory_space<vmem>>) offsets(%dma_start3A_10 : memref<128xi32, #tpu.memory_space<vmem>>) semaphore(%arg12 : memref<!tpu.dma_semaphore, #tpu.memory_space<semaphore_mem>>)
    %dma_start3A_14 = arith.constant 1 : i32
    %dma_start3A_15 = arith.constant 1 : i32
    %dma_start3A_16 = arith.constant 0 : i32
    %dma_start3A_17 = arith.constant 0 : i32
    %dma_start3A_18 = tpu.memref_slice %arg9[%dma_start3A_15, %dma_start3A_16, %dma_start3A_17] : memref<16x128x32xf32, #tpu.memory_space<vmem>> -> memref<1x128x32xf32, #tpu.memory_space<vmem>>
    %dma_start3A_19 = tpu.memref_squeeze %dma_start3A_18 : memref<1x128x32xf32, #tpu.memory_space<vmem>> -> memref<128x32xf32, #tpu.memory_space<vmem>>
    %dma_start3A_20 = arith.constant 0 : i32
    %dma_start3A_21 = tpu.memref_slice %arg7[%dma_start3A_14, %dma_start3A_20] : memref<80x128xi32, #tpu.memory_space<vmem>> -> memref<1x128xi32, #tpu.memory_space<vmem>>
    %dma_start3A_22 = tpu.memref_squeeze %dma_start3A_21 : memref<1x128xi32, #tpu.memory_space<vmem>> -> memref<128xi32, #tpu.memory_space<vmem>>
    %dma_start3A_23 = arith.constant 0 : i32
    %dma_start3A_24 = arith.constant 0 : i32
    %dma_start3A_25 = tpu.memref_slice %arg11[%dma_start3A_23, %dma_start3A_24] : memref<10016x32xf32, #tpu.memory_space<vmem_shared>> -> memref<10016x32xf32, #tpu.memory_space<vmem_shared>>
    tpu.enqueue_indirect_dma source(%dma_start3A_25 : memref<10016x32xf32, #tpu.memory_space<vmem_shared>>) target(%dma_start3A_19 : memref<128x32xf32, #tpu.memory_space<vmem>>) offsets(%dma_start3A_22 : memref<128xi32, #tpu.memory_space<vmem>>) semaphore(%arg12 : memref<!tpu.dma_semaphore, #tpu.memory_space<semaphore_mem>>)
    %dma_start3A_26 = arith.constant 2 : i32
    %dma_start3A_27 = arith.constant 2 : i32
    %dma_start3A_28 = arith.constant 0 : i32
    %dma_start3A_29 = arith.constant 0 : i32
    %dma_start3A_30 = tpu.memref_slice %arg9[%dma_start3A_27, %dma_start3A_28, %dma_start3A_29] : memref<16x128x32xf32, #tpu.memory_space<vmem>> -> memref<1x128x32xf32, #tpu.memory_space<vmem>>
    %dma_start3A_31 = tpu.memref_squeeze %dma_start3A_30 : memref<1x128x32xf32, #tpu.memory_space<vmem>> -> memref<128x32xf32, #tpu.memory_space<vmem>>
    %dma_start3A_32 = arith.constant 0 : i32
    %dma_start3A_33 = tpu.memref_slice %arg7[%dma_start3A_26, %dma_start3A_32] : memref<80x128xi32, #tpu.memory_space<vmem>> -> memref<1x128xi32, #tpu.memory_space<vmem>>
    %dma_start3A_34 = tpu.memref_squeeze %dma_start3A_33 : memref<1x128xi32, #tpu.memory_space<vmem>> -> memref<128xi32, #tpu.memory_space<vmem>>
    %dma_start3A_35 = arith.constant 0 : i32
    %dma_start3A_36 = arith.constant 0 : i32
    %dma_start3A_37 = tpu.memref_slice %arg11[%dma_start3A_35, %dma_start3A_36] : memref<10016x32xf32, #tpu.memory_space<vmem_shared>> -> memref<10016x32xf32, #tpu.memory_space<vmem_shared>>
    tpu.enqueue_indirect_dma source(%dma_start3A_37 : memref<10016x32xf32, #tpu.memory_space<vmem_shared>>) target(%dma_start3A_31 : memref<128x32xf32, #tpu.memory_space<vmem>>) offsets(%dma_start3A_34 : memref<128xi32, #tpu.memory_space<vmem>>) semaphore(%arg12 : memref<!tpu.dma_semaphore, #tpu.memory_space<semaphore_mem>>)
    %dma_start3A_38 = arith.constant 3 : i32
    %dma_start3A_39 = arith.constant 3 : i32
    %dma_start3A_40 = arith.constant 0 : i32
    %dma_start3A_41 = arith.constant 0 : i32
    %dma_start3A_42 = tpu.memref_slice %arg9[%dma_start3A_39, %dma_start3A_40, %dma_start3A_41] : memref<16x128x32xf32, #tpu.memory_space<vmem>> -> memref<1x128x32xf32, #tpu.memory_space<vmem>>
    %dma_start3A_43 = tpu.memref_squeeze %dma_start3A_42 : memref<1x128x32xf32, #tpu.memory_space<vmem>> -> memref<128x32xf32, #tpu.memory_space<vmem>>
    %dma_start3A_44 = arith.constant 0 : i32
    %dma_start3A_45 = tpu.memref_slice %arg7[%dma_start3A_38, %dma_start3A_44] : memref<80x128xi32, #tpu.memory_space<vmem>> -> memref<1x128xi32, #tpu.memory_space<vmem>>
    %dma_start3A_46 = tpu.memref_squeeze %dma_start3A_45 : memref<1x128xi32, #tpu.memory_space<vmem>> -> memref<128xi32, #tpu.memory_space<vmem>>
    %dma_start3A_47 = arith.constant 0 : i32
    %dma_start3A_48 = arith.constant 0 : i32
    %dma_start3A_49 = tpu.memref_slice %arg11[%dma_start3A_47, %dma_start3A_48] : memref<10016x32xf32, #tpu.memory_space<vmem_shared>> -> memref<10016x32xf32, #tpu.memory_space<vmem_shared>>
    tpu.enqueue_indirect_dma source(%dma_start3A_49 : memref<10016x32xf32, #tpu.memory_space<vmem_shared>>) target(%dma_start3A_43 : memref<128x32xf32, #tpu.memory_space<vmem>>) offsets(%dma_start3A_46 : memref<128xi32, #tpu.memory_space<vmem>>) semaphore(%arg12 : memref<!tpu.dma_semaphore, #tpu.memory_space<semaphore_mem>>)
    %dma_start3A_50 = arith.constant 4 : i32
    %dma_start3A_51 = arith.constant 4 : i32
    %dma_start3A_52 = arith.constant 0 : i32
    %dma_start3A_53 = arith.constant 0 : i32
    %dma_start3A_54 = tpu.memref_slice %arg9[%dma_start3A_51, %dma_start3A_52, %dma_start3A_53] : memref<16x128x32xf32, #tpu.memory_space<vmem>> -> memref<1x128x32xf32, #tpu.memory_space<vmem>>
    %dma_start3A_55 = tpu.memref_squeeze %dma_start3A_54 : memref<1x128x32xf32, #tpu.memory_space<vmem>> -> memref<128x32xf32, #tpu.memory_space<vmem>>
    %dma_start3A_56 = arith.constant 0 : i32
    %dma_start3A_57 = tpu.memref_slice %arg7[%dma_start3A_50, %dma_start3A_56] : memref<80x128xi32, #tpu.memory_space<vmem>> -> memref<1x128xi32, #tpu.memory_space<vmem>>
    %dma_start3A_58 = tpu.memref_squeeze %dma_start3A_57 : memref<1x128xi32, #tpu.memory_space<vmem>> -> memref<128xi32, #tpu.memory_space<vmem>>
    %dma_start3A_59 = arith.constant 0 : i32
    %dma_start3A_60 = arith.constant 0 : i32
    %dma_start3A_61 = tpu.memref_slice %arg11[%dma_start3A_59, %dma_start3A_60] : memref<10016x32xf32, #tpu.memory_space<vmem_shared>> -> memref<10016x32xf32, #tpu.memory_space<vmem_shared>>
    tpu.enqueue_indirect_dma source(%dma_start3A_61 : memref<10016x32xf32, #tpu.memory_space<vmem_shared>>) target(%dma_start3A_55 : memref<128x32xf32, #tpu.memory_space<vmem>>) offsets(%dma_start3A_58 : memref<128xi32, #tpu.memory_space<vmem>>) semaphore(%arg12 : memref<!tpu.dma_semaphore, #tpu.memory_space<semaphore_mem>>)
    %dma_start3A_62 = arith.constant 5 : i32
    %dma_start3A_63 = arith.constant 5 : i32
    %dma_start3A_64 = arith.constant 0 : i32
    %dma_start3A_65 = arith.constant 0 : i32
    %dma_start3A_66 = tpu.memref_slice %arg9[%dma_start3A_63, %dma_start3A_64, %dma_start3A_65] : memref<16x128x32xf32, #tpu.memory_space<vmem>> -> memref<1x128x32xf32, #tpu.memory_space<vmem>>
    %dma_start3A_67 = tpu.memref_squeeze %dma_start3A_66 : memref<1x128x32xf32, #tpu.memory_space<vmem>> -> memref<128x32xf32, #tpu.memory_space<vmem>>
    %dma_start3A_68 = arith.constant 0 : i32
    %dma_start3A_69 = tpu.memref_slice %arg7[%dma_start3A_62, %dma_start3A_68] : memref<80x128xi32, #tpu.memory_space<vmem>> -> memref<1x128xi32, #tpu.memory_space<vmem>>
    %dma_start3A_70 = tpu.memref_squeeze %dma_start3A_69 : memref<1x128xi32, #tpu.memory_space<vmem>> -> memref<128xi32, #tpu.memory_space<vmem>>
    %dma_start3A_71 = arith.constant 0 : i32
    %dma_start3A_72 = arith.constant 0 : i32
    %dma_start3A_73 = tpu.memref_slice %arg11[%dma_start3A_71, %dma_start3A_72] : memref<10016x32xf32, #tpu.memory_space<vmem_shared>> -> memref<10016x32xf32, #tpu.memory_space<vmem_shared>>
    tpu.enqueue_indirect_dma source(%dma_start3A_73 : memref<10016x32xf32, #tpu.memory_space<vmem_shared>>) target(%dma_start3A_67 : memref<128x32xf32, #tpu.memory_space<vmem>>) offsets(%dma_start3A_70 : memref<128xi32, #tpu.memory_space<vmem>>) semaphore(%arg12 : memref<!tpu.dma_semaphore, #tpu.memory_space<semaphore_mem>>)
    %dma_start3A_74 = arith.constant 6 : i32
    %dma_start3A_75 = arith.constant 6 : i32
    %dma_start3A_76 = arith.constant 0 : i32
    %dma_start3A_77 = arith.constant 0 : i32
    %dma_start3A_78 = tpu.memref_slice %arg9[%dma_start3A_75, %dma_start3A_76, %dma_start3A_77] : memref<16x128x32xf32, #tpu.memory_space<vmem>> -> memref<1x128x32xf32, #tpu.memory_space<vmem>>
    %dma_start3A_79 = tpu.memref_squeeze %dma_start3A_78 : memref<1x128x32xf32, #tpu.memory_space<vmem>> -> memref<128x32xf32, #tpu.memory_space<vmem>>
    %dma_start3A_80 = arith.constant 0 : i32
    %dma_start3A_81 = tpu.memref_slice %arg7[%dma_start3A_74, %dma_start3A_80] : memref<80x128xi32, #tpu.memory_space<vmem>> -> memref<1x128xi32, #tpu.memory_space<vmem>>
    %dma_start3A_82 = tpu.memref_squeeze %dma_start3A_81 : memref<1x128xi32, #tpu.memory_space<vmem>> -> memref<128xi32, #tpu.memory_space<vmem>>
    %dma_start3A_83 = arith.constant 0 : i32
    %dma_start3A_84 = arith.constant 0 : i32
    %dma_start3A_85 = tpu.memref_slice %arg11[%dma_start3A_83, %dma_start3A_84] : memref<10016x32xf32, #tpu.memory_space<vmem_shared>> -> memref<10016x32xf32, #tpu.memory_space<vmem_shared>>
    tpu.enqueue_indirect_dma source(%dma_start3A_85 : memref<10016x32xf32, #tpu.memory_space<vmem_shared>>) target(%dma_start3A_79 : memref<128x32xf32, #tpu.memory_space<vmem>>) offsets(%dma_start3A_82 : memref<128xi32, #tpu.memory_space<vmem>>) semaphore(%arg12 : memref<!tpu.dma_semaphore, #tpu.memory_space<semaphore_mem>>)
    %dma_start3A_86 = arith.constant 7 : i32
    %dma_start3A_87 = arith.constant 7 : i32
    %dma_start3A_88 = arith.constant 0 : i32
    %dma_start3A_89 = arith.constant 0 : i32
    %dma_start3A_90 = tpu.memref_slice %arg9[%dma_start3A_87, %dma_start3A_88, %dma_start3A_89] : memref<16x128x32xf32, #tpu.memory_space<vmem>> -> memref<1x128x32xf32, #tpu.memory_space<vmem>>
    %dma_start3A_91 = tpu.memref_squeeze %dma_start3A_90 : memref<1x128x32xf32, #tpu.memory_space<vmem>> -> memref<128x32xf32, #tpu.memory_space<vmem>>
    %dma_start3A_92 = arith.constant 0 : i32
    %dma_start3A_93 = tpu.memref_slice %arg7[%dma_start3A_86, %dma_start3A_92] : memref<80x128xi32, #tpu.memory_space<vmem>> -> memref<1x128xi32, #tpu.memory_space<vmem>>
    %dma_start3A_94 = tpu.memref_squeeze %dma_start3A_93 : memref<1x128xi32, #tpu.memory_space<vmem>> -> memref<128xi32, #tpu.memory_space<vmem>>
    %dma_start3A_95 = arith.constant 0 : i32
    %dma_start3A_96 = arith.constant 0 : i32
    %dma_start3A_97 = tpu.memref_slice %arg11[%dma_start3A_95, %dma_start3A_96] : memref<10016x32xf32, #tpu.memory_space<vmem_shared>> -> memref<10016x32xf32, #tpu.memory_space<vmem_shared>>
    tpu.enqueue_indirect_dma source(%dma_start3A_97 : memref<10016x32xf32, #tpu.memory_space<vmem_shared>>) target(%dma_start3A_91 : memref<128x32xf32, #tpu.memory_space<vmem>>) offsets(%dma_start3A_94 : memref<128xi32, #tpu.memory_space<vmem>>) semaphore(%arg12 : memref<!tpu.dma_semaphore, #tpu.memory_space<semaphore_mem>>)
    %scan3A = arith.constant 0 : i32
    %scan3A_98 = arith.constant 0 : i32
    %scan3A_99 = arith.constant 10 : i32
    %scan3A_100 = arith.addi %scan3A_98, %scan3A_99 : i32
    %scan3A_101 = arith.constant 1 : i32
    scf.for %scan3A_199 = %scan3A_98 to %scan3A_100 step %scan3A_101  : i32 {
      %jit3A = arith.constant 2 : i32
      %eq3A = arith.constant 0 : i32
      %eq3A_200 = arith.cmpi eq, %jit3A, %eq3A : i32
      %jit3A_201 = arith.constant 1 : i32
      %select_n3A = arith.select %eq3A_200, %jit3A_201, %jit3A : i32
      %rem3A = arith.remsi %scan3A_199, %select_n3A : i32
      %ne3A = arith.constant 0 : i32
      %ne3A_202 = arith.cmpi ne, %rem3A, %ne3A : i32
      %lt3A = arith.constant 0 : i32
      %lt3A_203 = arith.cmpi slt, %rem3A, %lt3A : i32
      %lt3A_204 = arith.constant 0 : i32
      %lt3A_205 = arith.cmpi slt, %select_n3A, %lt3A_204 : i32
      %ne3A_206 = arith.xori %lt3A_203, %lt3A_205 : i1
      %and3A = arith.andi %ne3A_206, %ne3A_202 : i1
      %add3A_207 = arith.addi %rem3A, %select_n3A : i32
      %select_n3A_208 = arith.select %and3A, %add3A_207, %rem3A : i32
      %mul3A_209 = arith.constant 8 : i32
      %mul3A_210 = arith.muli %select_n3A_208, %mul3A_209 : i32
      %sub3A = arith.constant 8 : i32
      %sub3A_211 = arith.subi %sub3A, %mul3A_210 : i32
      %ge3A = arith.constant 1 : i32
      %ge3A_212 = arith.cmpi sge, %scan3A_199, %ge3A : i32
      %convert_element_type3A = arith.extui %ge3A_212 : i1 to i32
      %cond3A = arith.constant 0 : i32
      %cond3A_213 = arith.cmpi ne, %convert_element_type3A, %cond3A : i32
      scf.if %cond3A_213 {
        %dma_wait3A_445 = arith.constant 0 : i32
        %dma_wait3A_446 = arith.constant 0 : i32
        %dma_wait3A_447 = arith.constant 0 : i32
        %dma_wait3A_448 = arith.constant 0 : i32
        %dma_wait3A_449 = tpu.memref_slice %arg9[%dma_wait3A_445, %dma_wait3A_447, %dma_wait3A_448] : memref<16x128x32xf32, #tpu.memory_space<vmem>> -> memref<1x128x32xf32, #tpu.memory_space<vmem>>
        %dma_wait3A_450 = tpu.memref_squeeze %dma_wait3A_449 : memref<1x128x32xf32, #tpu.memory_space<vmem>> -> memref<128x32xf32, #tpu.memory_space<vmem>>
        %dma_wait3A_451 = arith.constant 0 : i32
        %dma_wait3A_452 = tpu.memref_slice %arg8[%dma_wait3A_446, %dma_wait3A_451] : memref<80x128xi32, #tpu.memory_space<vmem>> -> memref<1x128xi32, #tpu.memory_space<vmem>>
        %dma_wait3A_453 = tpu.memref_squeeze %dma_wait3A_452 : memref<1x128xi32, #tpu.memory_space<vmem>> -> memref<128xi32, #tpu.memory_space<vmem>>
        %dma_wait3A_454 = arith.constant 0 : i32
        %dma_wait3A_455 = arith.constant 0 : i32
        %dma_wait3A_456 = tpu.memref_slice %arg10[%dma_wait3A_454, %dma_wait3A_455] : memref<10016x32xf32, #tpu.memory_space<vmem_shared>> -> memref<10016x32xf32, #tpu.memory_space<vmem_shared>>
        tpu.wait_indirect_dma semaphore(%arg13 : memref<!tpu.dma_semaphore, #tpu.memory_space<semaphore_mem>>) src(%dma_wait3A_450 : memref<128x32xf32, #tpu.memory_space<vmem>>) dst(%dma_wait3A_456 : memref<10016x32xf32, #tpu.memory_space<vmem_shared>>)
        %dma_wait3A_457 = arith.constant 0 : i32
        %dma_wait3A_458 = arith.constant 0 : i32
        %dma_wait3A_459 = arith.constant 0 : i32
        %dma_wait3A_460 = arith.constant 0 : i32
        %dma_wait3A_461 = tpu.memref_slice %arg9[%dma_wait3A_457, %dma_wait3A_459, %dma_wait3A_460] : memref<16x128x32xf32, #tpu.memory_space<vmem>> -> memref<1x128x32xf32, #tpu.memory_space<vmem>>
        %dma_wait3A_462 = tpu.memref_squeeze %dma_wait3A_461 : memref<1x128x32xf32, #tpu.memory_space<vmem>> -> memref<128x32xf32, #tpu.memory_space<vmem>>
        %dma_wait3A_463 = arith.constant 0 : i32
        %dma_wait3A_464 = tpu.memref_slice %arg8[%dma_wait3A_458, %dma_wait3A_463] : memref<80x128xi32, #tpu.memory_space<vmem>> -> memref<1x128xi32, #tpu.memory_space<vmem>>
        %dma_wait3A_465 = tpu.memref_squeeze %dma_wait3A_464 : memref<1x128xi32, #tpu.memory_space<vmem>> -> memref<128xi32, #tpu.memory_space<vmem>>
        %dma_wait3A_466 = arith.constant 0 : i32
        %dma_wait3A_467 = arith.constant 0 : i32
        %dma_wait3A_468 = tpu.memref_slice %arg10[%dma_wait3A_466, %dma_wait3A_467] : memref<10016x32xf32, #tpu.memory_space<vmem_shared>> -> memref<10016x32xf32, #tpu.memory_space<vmem_shared>>
        tpu.wait_indirect_dma semaphore(%arg13 : memref<!tpu.dma_semaphore, #tpu.memory_space<semaphore_mem>>) src(%dma_wait3A_462 : memref<128x32xf32, #tpu.memory_space<vmem>>) dst(%dma_wait3A_468 : memref<10016x32xf32, #tpu.memory_space<vmem_shared>>)
        %dma_wait3A_469 = arith.constant 0 : i32
        %dma_wait3A_470 = arith.constant 0 : i32
        %dma_wait3A_471 = arith.constant 0 : i32
        %dma_wait3A_472 = arith.constant 0 : i32
        %dma_wait3A_473 = tpu.memref_slice %arg9[%dma_wait3A_469, %dma_wait3A_471, %dma_wait3A_472] : memref<16x128x32xf32, #tpu.memory_space<vmem>> -> memref<1x128x32xf32, #tpu.memory_space<vmem>>
        %dma_wait3A_474 = tpu.memref_squeeze %dma_wait3A_473 : memref<1x128x32xf32, #tpu.memory_space<vmem>> -> memref<128x32xf32, #tpu.memory_space<vmem>>
        %dma_wait3A_475 = arith.constant 0 : i32
        %dma_wait3A_476 = tpu.memref_slice %arg8[%dma_wait3A_470, %dma_wait3A_475] : memref<80x128xi32, #tpu.memory_space<vmem>> -> memref<1x128xi32, #tpu.memory_space<vmem>>
        %dma_wait3A_477 = tpu.memref_squeeze %dma_wait3A_476 : memref<1x128xi32, #tpu.memory_space<vmem>> -> memref<128xi32, #tpu.memory_space<vmem>>
        %dma_wait3A_478 = arith.constant 0 : i32
        %dma_wait3A_479 = arith.constant 0 : i32
        %dma_wait3A_480 = tpu.memref_slice %arg10[%dma_wait3A_478, %dma_wait3A_479] : memref<10016x32xf32, #tpu.memory_space<vmem_shared>> -> memref<10016x32xf32, #tpu.memory_space<vmem_shared>>
        tpu.wait_indirect_dma semaphore(%arg13 : memref<!tpu.dma_semaphore, #tpu.memory_space<semaphore_mem>>) src(%dma_wait3A_474 : memref<128x32xf32, #tpu.memory_space<vmem>>) dst(%dma_wait3A_480 : memref<10016x32xf32, #tpu.memory_space<vmem_shared>>)
        %dma_wait3A_481 = arith.constant 0 : i32
        %dma_wait3A_482 = arith.constant 0 : i32
        %dma_wait3A_483 = arith.constant 0 : i32
        %dma_wait3A_484 = arith.constant 0 : i32
        %dma_wait3A_485 = tpu.memref_slice %arg9[%dma_wait3A_481, %dma_wait3A_483, %dma_wait3A_484] : memref<16x128x32xf32, #tpu.memory_space<vmem>> -> memref<1x128x32xf32, #tpu.memory_space<vmem>>
        %dma_wait3A_486 = tpu.memref_squeeze %dma_wait3A_485 : memref<1x128x32xf32, #tpu.memory_space<vmem>> -> memref<128x32xf32, #tpu.memory_space<vmem>>
        %dma_wait3A_487 = arith.constant 0 : i32
        %dma_wait3A_488 = tpu.memref_slice %arg8[%dma_wait3A_482, %dma_wait3A_487] : memref<80x128xi32, #tpu.memory_space<vmem>> -> memref<1x128xi32, #tpu.memory_space<vmem>>
        %dma_wait3A_489 = tpu.memref_squeeze %dma_wait3A_488 : memref<1x128xi32, #tpu.memory_space<vmem>> -> memref<128xi32, #tpu.memory_space<vmem>>
        %dma_wait3A_490 = arith.constant 0 : i32
        %dma_wait3A_491 = arith.constant 0 : i32
        %dma_wait3A_492 = tpu.memref_slice %arg10[%dma_wait3A_490, %dma_wait3A_491] : memref<10016x32xf32, #tpu.memory_space<vmem_shared>> -> memref<10016x32xf32, #tpu.memory_space<vmem_shared>>
        tpu.wait_indirect_dma semaphore(%arg13 : memref<!tpu.dma_semaphore, #tpu.memory_space<semaphore_mem>>) src(%dma_wait3A_486 : memref<128x32xf32, #tpu.memory_space<vmem>>) dst(%dma_wait3A_492 : memref<10016x32xf32, #tpu.memory_space<vmem_shared>>)
        %dma_wait3A_493 = arith.constant 0 : i32
        %dma_wait3A_494 = arith.constant 0 : i32
        %dma_wait3A_495 = arith.constant 0 : i32
        %dma_wait3A_496 = arith.constant 0 : i32
        %dma_wait3A_497 = tpu.memref_slice %arg9[%dma_wait3A_493, %dma_wait3A_495, %dma_wait3A_496] : memref<16x128x32xf32, #tpu.memory_space<vmem>> -> memref<1x128x32xf32, #tpu.memory_space<vmem>>
        %dma_wait3A_498 = tpu.memref_squeeze %dma_wait3A_497 : memref<1x128x32xf32, #tpu.memory_space<vmem>> -> memref<128x32xf32, #tpu.memory_space<vmem>>
        %dma_wait3A_499 = arith.constant 0 : i32
        %dma_wait3A_500 = tpu.memref_slice %arg8[%dma_wait3A_494, %dma_wait3A_499] : memref<80x128xi32, #tpu.memory_space<vmem>> -> memref<1x128xi32, #tpu.memory_space<vmem>>
        %dma_wait3A_501 = tpu.memref_squeeze %dma_wait3A_500 : memref<1x128xi32, #tpu.memory_space<vmem>> -> memref<128xi32, #tpu.memory_space<vmem>>
        %dma_wait3A_502 = arith.constant 0 : i32
        %dma_wait3A_503 = arith.constant 0 : i32
        %dma_wait3A_504 = tpu.memref_slice %arg10[%dma_wait3A_502, %dma_wait3A_503] : memref<10016x32xf32, #tpu.memory_space<vmem_shared>> -> memref<10016x32xf32, #tpu.memory_space<vmem_shared>>
        tpu.wait_indirect_dma semaphore(%arg13 : memref<!tpu.dma_semaphore, #tpu.memory_space<semaphore_mem>>) src(%dma_wait3A_498 : memref<128x32xf32, #tpu.memory_space<vmem>>) dst(%dma_wait3A_504 : memref<10016x32xf32, #tpu.memory_space<vmem_shared>>)
        %dma_wait3A_505 = arith.constant 0 : i32
        %dma_wait3A_506 = arith.constant 0 : i32
        %dma_wait3A_507 = arith.constant 0 : i32
        %dma_wait3A_508 = arith.constant 0 : i32
        %dma_wait3A_509 = tpu.memref_slice %arg9[%dma_wait3A_505, %dma_wait3A_507, %dma_wait3A_508] : memref<16x128x32xf32, #tpu.memory_space<vmem>> -> memref<1x128x32xf32, #tpu.memory_space<vmem>>
        %dma_wait3A_510 = tpu.memref_squeeze %dma_wait3A_509 : memref<1x128x32xf32, #tpu.memory_space<vmem>> -> memref<128x32xf32, #tpu.memory_space<vmem>>
        %dma_wait3A_511 = arith.constant 0 : i32
        %dma_wait3A_512 = tpu.memref_slice %arg8[%dma_wait3A_506, %dma_wait3A_511] : memref<80x128xi32, #tpu.memory_space<vmem>> -> memref<1x128xi32, #tpu.memory_space<vmem>>
        %dma_wait3A_513 = tpu.memref_squeeze %dma_wait3A_512 : memref<1x128xi32, #tpu.memory_space<vmem>> -> memref<128xi32, #tpu.memory_space<vmem>>
        %dma_wait3A_514 = arith.constant 0 : i32
        %dma_wait3A_515 = arith.constant 0 : i32
        %dma_wait3A_516 = tpu.memref_slice %arg10[%dma_wait3A_514, %dma_wait3A_515] : memref<10016x32xf32, #tpu.memory_space<vmem_shared>> -> memref<10016x32xf32, #tpu.memory_space<vmem_shared>>
        tpu.wait_indirect_dma semaphore(%arg13 : memref<!tpu.dma_semaphore, #tpu.memory_space<semaphore_mem>>) src(%dma_wait3A_510 : memref<128x32xf32, #tpu.memory_space<vmem>>) dst(%dma_wait3A_516 : memref<10016x32xf32, #tpu.memory_space<vmem_shared>>)
        %dma_wait3A_517 = arith.constant 0 : i32
        %dma_wait3A_518 = arith.constant 0 : i32
        %dma_wait3A_519 = arith.constant 0 : i32
        %dma_wait3A_520 = arith.constant 0 : i32
        %dma_wait3A_521 = tpu.memref_slice %arg9[%dma_wait3A_517, %dma_wait3A_519, %dma_wait3A_520] : memref<16x128x32xf32, #tpu.memory_space<vmem>> -> memref<1x128x32xf32, #tpu.memory_space<vmem>>
        %dma_wait3A_522 = tpu.memref_squeeze %dma_wait3A_521 : memref<1x128x32xf32, #tpu.memory_space<vmem>> -> memref<128x32xf32, #tpu.memory_space<vmem>>
        %dma_wait3A_523 = arith.constant 0 : i32
        %dma_wait3A_524 = tpu.memref_slice %arg8[%dma_wait3A_518, %dma_wait3A_523] : memref<80x128xi32, #tpu.memory_space<vmem>> -> memref<1x128xi32, #tpu.memory_space<vmem>>
        %dma_wait3A_525 = tpu.memref_squeeze %dma_wait3A_524 : memref<1x128xi32, #tpu.memory_space<vmem>> -> memref<128xi32, #tpu.memory_space<vmem>>
        %dma_wait3A_526 = arith.constant 0 : i32
        %dma_wait3A_527 = arith.constant 0 : i32
        %dma_wait3A_528 = tpu.memref_slice %arg10[%dma_wait3A_526, %dma_wait3A_527] : memref<10016x32xf32, #tpu.memory_space<vmem_shared>> -> memref<10016x32xf32, #tpu.memory_space<vmem_shared>>
        tpu.wait_indirect_dma semaphore(%arg13 : memref<!tpu.dma_semaphore, #tpu.memory_space<semaphore_mem>>) src(%dma_wait3A_522 : memref<128x32xf32, #tpu.memory_space<vmem>>) dst(%dma_wait3A_528 : memref<10016x32xf32, #tpu.memory_space<vmem_shared>>)
        %dma_wait3A_529 = arith.constant 0 : i32
        %dma_wait3A_530 = arith.constant 0 : i32
        %dma_wait3A_531 = arith.constant 0 : i32
        %dma_wait3A_532 = arith.constant 0 : i32
        %dma_wait3A_533 = tpu.memref_slice %arg9[%dma_wait3A_529, %dma_wait3A_531, %dma_wait3A_532] : memref<16x128x32xf32, #tpu.memory_space<vmem>> -> memref<1x128x32xf32, #tpu.memory_space<vmem>>
        %dma_wait3A_534 = tpu.memref_squeeze %dma_wait3A_533 : memref<1x128x32xf32, #tpu.memory_space<vmem>> -> memref<128x32xf32, #tpu.memory_space<vmem>>
        %dma_wait3A_535 = arith.constant 0 : i32
        %dma_wait3A_536 = tpu.memref_slice %arg8[%dma_wait3A_530, %dma_wait3A_535] : memref<80x128xi32, #tpu.memory_space<vmem>> -> memref<1x128xi32, #tpu.memory_space<vmem>>
        %dma_wait3A_537 = tpu.memref_squeeze %dma_wait3A_536 : memref<1x128xi32, #tpu.memory_space<vmem>> -> memref<128xi32, #tpu.memory_space<vmem>>
        %dma_wait3A_538 = arith.constant 0 : i32
        %dma_wait3A_539 = arith.constant 0 : i32
        %dma_wait3A_540 = tpu.memref_slice %arg10[%dma_wait3A_538, %dma_wait3A_539] : memref<10016x32xf32, #tpu.memory_space<vmem_shared>> -> memref<10016x32xf32, #tpu.memory_space<vmem_shared>>
        tpu.wait_indirect_dma semaphore(%arg13 : memref<!tpu.dma_semaphore, #tpu.memory_space<semaphore_mem>>) src(%dma_wait3A_534 : memref<128x32xf32, #tpu.memory_space<vmem>>) dst(%dma_wait3A_540 : memref<10016x32xf32, #tpu.memory_space<vmem_shared>>)
      } else {
      }
      %add3A_214 = arith.constant 1 : i32
      %add3A_215 = arith.addi %scan3A_199, %add3A_214 : i32
      %lt3A_216 = arith.constant 10 : i32
      %lt3A_217 = arith.cmpi slt, %add3A_215, %lt3A_216 : i32
      %convert_element_type3A_218 = arith.extui %lt3A_217 : i1 to i32
      %cond3A_219 = arith.constant 0 : i32
      %cond3A_220 = arith.cmpi ne, %convert_element_type3A_218, %cond3A_219 : i32
      scf.if %cond3A_220 {
        %add3A_445 = arith.constant 1 : i32
        %add3A_446 = arith.addi %scan3A_199, %add3A_445 : i32
        %mul3A_447 = arith.constant 8 : i32
        %mul3A_448 = arith.muli %add3A_446, %mul3A_447 : i32
        %add3A_449 = arith.constant 0 : i32
        %add3A_450 = arith.addi %mul3A_448, %add3A_449 : i32
        %add3A_451 = arith.constant 0 : i32
        %add3A_452 = arith.addi %sub3A_211, %add3A_451 : i32
        %dma_start3A_453 = arith.constant 0 : i32
        %dma_start3A_454 = arith.constant 0 : i32
        %dma_start3A_455 = tpu.memref_slice %arg9[%add3A_452, %dma_start3A_453, %dma_start3A_454] : memref<16x128x32xf32, #tpu.memory_space<vmem>> -> memref<1x128x32xf32, #tpu.memory_space<vmem>>
        %dma_start3A_456 = tpu.memref_squeeze %dma_start3A_455 : memref<1x128x32xf32, #tpu.memory_space<vmem>> -> memref<128x32xf32, #tpu.memory_space<vmem>>
        %dma_start3A_457 = arith.constant 0 : i32
        %dma_start3A_458 = tpu.memref_slice %arg7[%add3A_450, %dma_start3A_457] : memref<80x128xi32, #tpu.memory_space<vmem>> -> memref<1x128xi32, #tpu.memory_space<vmem>>
        %dma_start3A_459 = tpu.memref_squeeze %dma_start3A_458 : memref<1x128xi32, #tpu.memory_space<vmem>> -> memref<128xi32, #tpu.memory_space<vmem>>
        %dma_start3A_460 = arith.constant 0 : i32
        %dma_start3A_461 = arith.constant 0 : i32
        %dma_start3A_462 = tpu.memref_slice %arg11[%dma_start3A_460, %dma_start3A_461] : memref<10016x32xf32, #tpu.memory_space<vmem_shared>> -> memref<10016x32xf32, #tpu.memory_space<vmem_shared>>
        tpu.enqueue_indirect_dma source(%dma_start3A_462 : memref<10016x32xf32, #tpu.memory_space<vmem_shared>>) target(%dma_start3A_456 : memref<128x32xf32, #tpu.memory_space<vmem>>) offsets(%dma_start3A_459 : memref<128xi32, #tpu.memory_space<vmem>>) semaphore(%arg12 : memref<!tpu.dma_semaphore, #tpu.memory_space<semaphore_mem>>)
        %mul3A_463 = arith.constant 8 : i32
        %mul3A_464 = arith.muli %add3A_446, %mul3A_463 : i32
        %add3A_465 = arith.constant 1 : i32
        %add3A_466 = arith.addi %mul3A_464, %add3A_465 : i32
        %add3A_467 = arith.constant 1 : i32
        %add3A_468 = arith.addi %sub3A_211, %add3A_467 : i32
        %dma_start3A_469 = arith.constant 0 : i32
        %dma_start3A_470 = arith.constant 0 : i32
        %dma_start3A_471 = tpu.memref_slice %arg9[%add3A_468, %dma_start3A_469, %dma_start3A_470] : memref<16x128x32xf32, #tpu.memory_space<vmem>> -> memref<1x128x32xf32, #tpu.memory_space<vmem>>
        %dma_start3A_472 = tpu.memref_squeeze %dma_start3A_471 : memref<1x128x32xf32, #tpu.memory_space<vmem>> -> memref<128x32xf32, #tpu.memory_space<vmem>>
        %dma_start3A_473 = arith.constant 0 : i32
        %dma_start3A_474 = tpu.memref_slice %arg7[%add3A_466, %dma_start3A_473] : memref<80x128xi32, #tpu.memory_space<vmem>> -> memref<1x128xi32, #tpu.memory_space<vmem>>
        %dma_start3A_475 = tpu.memref_squeeze %dma_start3A_474 : memref<1x128xi32, #tpu.memory_space<vmem>> -> memref<128xi32, #tpu.memory_space<vmem>>
        %dma_start3A_476 = arith.constant 0 : i32
        %dma_start3A_477 = arith.constant 0 : i32
        %dma_start3A_478 = tpu.memref_slice %arg11[%dma_start3A_476, %dma_start3A_477] : memref<10016x32xf32, #tpu.memory_space<vmem_shared>> -> memref<10016x32xf32, #tpu.memory_space<vmem_shared>>
        tpu.enqueue_indirect_dma source(%dma_start3A_478 : memref<10016x32xf32, #tpu.memory_space<vmem_shared>>) target(%dma_start3A_472 : memref<128x32xf32, #tpu.memory_space<vmem>>) offsets(%dma_start3A_475 : memref<128xi32, #tpu.memory_space<vmem>>) semaphore(%arg12 : memref<!tpu.dma_semaphore, #tpu.memory_space<semaphore_mem>>)
        %mul3A_479 = arith.constant 8 : i32
        %mul3A_480 = arith.muli %add3A_446, %mul3A_479 : i32
        %add3A_481 = arith.constant 2 : i32
        %add3A_482 = arith.addi %mul3A_480, %add3A_481 : i32
        %add3A_483 = arith.constant 2 : i32
        %add3A_484 = arith.addi %sub3A_211, %add3A_483 : i32
        %dma_start3A_485 = arith.constant 0 : i32
        %dma_start3A_486 = arith.constant 0 : i32
        %dma_start3A_487 = tpu.memref_slice %arg9[%add3A_484, %dma_start3A_485, %dma_start3A_486] : memref<16x128x32xf32, #tpu.memory_space<vmem>> -> memref<1x128x32xf32, #tpu.memory_space<vmem>>
        %dma_start3A_488 = tpu.memref_squeeze %dma_start3A_487 : memref<1x128x32xf32, #tpu.memory_space<vmem>> -> memref<128x32xf32, #tpu.memory_space<vmem>>
        %dma_start3A_489 = arith.constant 0 : i32
        %dma_start3A_490 = tpu.memref_slice %arg7[%add3A_482, %dma_start3A_489] : memref<80x128xi32, #tpu.memory_space<vmem>> -> memref<1x128xi32, #tpu.memory_space<vmem>>
        %dma_start3A_491 = tpu.memref_squeeze %dma_start3A_490 : memref<1x128xi32, #tpu.memory_space<vmem>> -> memref<128xi32, #tpu.memory_space<vmem>>
        %dma_start3A_492 = arith.constant 0 : i32
        %dma_start3A_493 = arith.constant 0 : i32
        %dma_start3A_494 = tpu.memref_slice %arg11[%dma_start3A_492, %dma_start3A_493] : memref<10016x32xf32, #tpu.memory_space<vmem_shared>> -> memref<10016x32xf32, #tpu.memory_space<vmem_shared>>
        tpu.enqueue_indirect_dma source(%dma_start3A_494 : memref<10016x32xf32, #tpu.memory_space<vmem_shared>>) target(%dma_start3A_488 : memref<128x32xf32, #tpu.memory_space<vmem>>) offsets(%dma_start3A_491 : memref<128xi32, #tpu.memory_space<vmem>>) semaphore(%arg12 : memref<!tpu.dma_semaphore, #tpu.memory_space<semaphore_mem>>)
        %mul3A_495 = arith.constant 8 : i32
        %mul3A_496 = arith.muli %add3A_446, %mul3A_495 : i32
        %add3A_497 = arith.constant 3 : i32
        %add3A_498 = arith.addi %mul3A_496, %add3A_497 : i32
        %add3A_499 = arith.constant 3 : i32
        %add3A_500 = arith.addi %sub3A_211, %add3A_499 : i32
        %dma_start3A_501 = arith.constant 0 : i32
        %dma_start3A_502 = arith.constant 0 : i32
        %dma_start3A_503 = tpu.memref_slice %arg9[%add3A_500, %dma_start3A_501, %dma_start3A_502] : memref<16x128x32xf32, #tpu.memory_space<vmem>> -> memref<1x128x32xf32, #tpu.memory_space<vmem>>
        %dma_start3A_504 = tpu.memref_squeeze %dma_start3A_503 : memref<1x128x32xf32, #tpu.memory_space<vmem>> -> memref<128x32xf32, #tpu.memory_space<vmem>>
        %dma_start3A_505 = arith.constant 0 : i32
        %dma_start3A_506 = tpu.memref_slice %arg7[%add3A_498, %dma_start3A_505] : memref<80x128xi32, #tpu.memory_space<vmem>> -> memref<1x128xi32, #tpu.memory_space<vmem>>
        %dma_start3A_507 = tpu.memref_squeeze %dma_start3A_506 : memref<1x128xi32, #tpu.memory_space<vmem>> -> memref<128xi32, #tpu.memory_space<vmem>>
        %dma_start3A_508 = arith.constant 0 : i32
        %dma_start3A_509 = arith.constant 0 : i32
        %dma_start3A_510 = tpu.memref_slice %arg11[%dma_start3A_508, %dma_start3A_509] : memref<10016x32xf32, #tpu.memory_space<vmem_shared>> -> memref<10016x32xf32, #tpu.memory_space<vmem_shared>>
        tpu.enqueue_indirect_dma source(%dma_start3A_510 : memref<10016x32xf32, #tpu.memory_space<vmem_shared>>) target(%dma_start3A_504 : memref<128x32xf32, #tpu.memory_space<vmem>>) offsets(%dma_start3A_507 : memref<128xi32, #tpu.memory_space<vmem>>) semaphore(%arg12 : memref<!tpu.dma_semaphore, #tpu.memory_space<semaphore_mem>>)
        %mul3A_511 = arith.constant 8 : i32
        %mul3A_512 = arith.muli %add3A_446, %mul3A_511 : i32
        %add3A_513 = arith.constant 4 : i32
        %add3A_514 = arith.addi %mul3A_512, %add3A_513 : i32
        %add3A_515 = arith.constant 4 : i32
        %add3A_516 = arith.addi %sub3A_211, %add3A_515 : i32
        %dma_start3A_517 = arith.constant 0 : i32
        %dma_start3A_518 = arith.constant 0 : i32
        %dma_start3A_519 = tpu.memref_slice %arg9[%add3A_516, %dma_start3A_517, %dma_start3A_518] : memref<16x128x32xf32, #tpu.memory_space<vmem>> -> memref<1x128x32xf32, #tpu.memory_space<vmem>>
        %dma_start3A_520 = tpu.memref_squeeze %dma_start3A_519 : memref<1x128x32xf32, #tpu.memory_space<vmem>> -> memref<128x32xf32, #tpu.memory_space<vmem>>
        %dma_start3A_521 = arith.constant 0 : i32
        %dma_start3A_522 = tpu.memref_slice %arg7[%add3A_514, %dma_start3A_521] : memref<80x128xi32, #tpu.memory_space<vmem>> -> memref<1x128xi32, #tpu.memory_space<vmem>>
        %dma_start3A_523 = tpu.memref_squeeze %dma_start3A_522 : memref<1x128xi32, #tpu.memory_space<vmem>> -> memref<128xi32, #tpu.memory_space<vmem>>
        %dma_start3A_524 = arith.constant 0 : i32
        %dma_start3A_525 = arith.constant 0 : i32
        %dma_start3A_526 = tpu.memref_slice %arg11[%dma_start3A_524, %dma_start3A_525] : memref<10016x32xf32, #tpu.memory_space<vmem_shared>> -> memref<10016x32xf32, #tpu.memory_space<vmem_shared>>
        tpu.enqueue_indirect_dma source(%dma_start3A_526 : memref<10016x32xf32, #tpu.memory_space<vmem_shared>>) target(%dma_start3A_520 : memref<128x32xf32, #tpu.memory_space<vmem>>) offsets(%dma_start3A_523 : memref<128xi32, #tpu.memory_space<vmem>>) semaphore(%arg12 : memref<!tpu.dma_semaphore, #tpu.memory_space<semaphore_mem>>)
        %mul3A_527 = arith.constant 8 : i32
        %mul3A_528 = arith.muli %add3A_446, %mul3A_527 : i32
        %add3A_529 = arith.constant 5 : i32
        %add3A_530 = arith.addi %mul3A_528, %add3A_529 : i32
        %add3A_531 = arith.constant 5 : i32
        %add3A_532 = arith.addi %sub3A_211, %add3A_531 : i32
        %dma_start3A_533 = arith.constant 0 : i32
        %dma_start3A_534 = arith.constant 0 : i32
        %dma_start3A_535 = tpu.memref_slice %arg9[%add3A_532, %dma_start3A_533, %dma_start3A_534] : memref<16x128x32xf32, #tpu.memory_space<vmem>> -> memref<1x128x32xf32, #tpu.memory_space<vmem>>
        %dma_start3A_536 = tpu.memref_squeeze %dma_start3A_535 : memref<1x128x32xf32, #tpu.memory_space<vmem>> -> memref<128x32xf32, #tpu.memory_space<vmem>>
        %dma_start3A_537 = arith.constant 0 : i32
        %dma_start3A_538 = tpu.memref_slice %arg7[%add3A_530, %dma_start3A_537] : memref<80x128xi32, #tpu.memory_space<vmem>> -> memref<1x128xi32, #tpu.memory_space<vmem>>
        %dma_start3A_539 = tpu.memref_squeeze %dma_start3A_538 : memref<1x128xi32, #tpu.memory_space<vmem>> -> memref<128xi32, #tpu.memory_space<vmem>>
        %dma_start3A_540 = arith.constant 0 : i32
        %dma_start3A_541 = arith.constant 0 : i32
        %dma_start3A_542 = tpu.memref_slice %arg11[%dma_start3A_540, %dma_start3A_541] : memref<10016x32xf32, #tpu.memory_space<vmem_shared>> -> memref<10016x32xf32, #tpu.memory_space<vmem_shared>>
        tpu.enqueue_indirect_dma source(%dma_start3A_542 : memref<10016x32xf32, #tpu.memory_space<vmem_shared>>) target(%dma_start3A_536 : memref<128x32xf32, #tpu.memory_space<vmem>>) offsets(%dma_start3A_539 : memref<128xi32, #tpu.memory_space<vmem>>) semaphore(%arg12 : memref<!tpu.dma_semaphore, #tpu.memory_space<semaphore_mem>>)
        %mul3A_543 = arith.constant 8 : i32
        %mul3A_544 = arith.muli %add3A_446, %mul3A_543 : i32
        %add3A_545 = arith.constant 6 : i32
        %add3A_546 = arith.addi %mul3A_544, %add3A_545 : i32
        %add3A_547 = arith.constant 6 : i32
        %add3A_548 = arith.addi %sub3A_211, %add3A_547 : i32
        %dma_start3A_549 = arith.constant 0 : i32
        %dma_start3A_550 = arith.constant 0 : i32
        %dma_start3A_551 = tpu.memref_slice %arg9[%add3A_548, %dma_start3A_549, %dma_start3A_550] : memref<16x128x32xf32, #tpu.memory_space<vmem>> -> memref<1x128x32xf32, #tpu.memory_space<vmem>>
        %dma_start3A_552 = tpu.memref_squeeze %dma_start3A_551 : memref<1x128x32xf32, #tpu.memory_space<vmem>> -> memref<128x32xf32, #tpu.memory_space<vmem>>
        %dma_start3A_553 = arith.constant 0 : i32
        %dma_start3A_554 = tpu.memref_slice %arg7[%add3A_546, %dma_start3A_553] : memref<80x128xi32, #tpu.memory_space<vmem>> -> memref<1x128xi32, #tpu.memory_space<vmem>>
        %dma_start3A_555 = tpu.memref_squeeze %dma_start3A_554 : memref<1x128xi32, #tpu.memory_space<vmem>> -> memref<128xi32, #tpu.memory_space<vmem>>
        %dma_start3A_556 = arith.constant 0 : i32
        %dma_start3A_557 = arith.constant 0 : i32
        %dma_start3A_558 = tpu.memref_slice %arg11[%dma_start3A_556, %dma_start3A_557] : memref<10016x32xf32, #tpu.memory_space<vmem_shared>> -> memref<10016x32xf32, #tpu.memory_space<vmem_shared>>
        tpu.enqueue_indirect_dma source(%dma_start3A_558 : memref<10016x32xf32, #tpu.memory_space<vmem_shared>>) target(%dma_start3A_552 : memref<128x32xf32, #tpu.memory_space<vmem>>) offsets(%dma_start3A_555 : memref<128xi32, #tpu.memory_space<vmem>>) semaphore(%arg12 : memref<!tpu.dma_semaphore, #tpu.memory_space<semaphore_mem>>)
        %mul3A_559 = arith.constant 8 : i32
        %mul3A_560 = arith.muli %add3A_446, %mul3A_559 : i32
        %add3A_561 = arith.constant 7 : i32
        %add3A_562 = arith.addi %mul3A_560, %add3A_561 : i32
        %add3A_563 = arith.constant 7 : i32
        %add3A_564 = arith.addi %sub3A_211, %add3A_563 : i32
        %dma_start3A_565 = arith.constant 0 : i32
        %dma_start3A_566 = arith.constant 0 : i32
        %dma_start3A_567 = tpu.memref_slice %arg9[%add3A_564, %dma_start3A_565, %dma_start3A_566] : memref<16x128x32xf32, #tpu.memory_space<vmem>> -> memref<1x128x32xf32, #tpu.memory_space<vmem>>
        %dma_start3A_568 = tpu.memref_squeeze %dma_start3A_567 : memref<1x128x32xf32, #tpu.memory_space<vmem>> -> memref<128x32xf32, #tpu.memory_space<vmem>>
        %dma_start3A_569 = arith.constant 0 : i32
        %dma_start3A_570 = tpu.memref_slice %arg7[%add3A_562, %dma_start3A_569] : memref<80x128xi32, #tpu.memory_space<vmem>> -> memref<1x128xi32, #tpu.memory_space<vmem>>
        %dma_start3A_571 = tpu.memref_squeeze %dma_start3A_570 : memref<1x128xi32, #tpu.memory_space<vmem>> -> memref<128xi32, #tpu.memory_space<vmem>>
        %dma_start3A_572 = arith.constant 0 : i32
        %dma_start3A_573 = arith.constant 0 : i32
        %dma_start3A_574 = tpu.memref_slice %arg11[%dma_start3A_572, %dma_start3A_573] : memref<10016x32xf32, #tpu.memory_space<vmem_shared>> -> memref<10016x32xf32, #tpu.memory_space<vmem_shared>>
        tpu.enqueue_indirect_dma source(%dma_start3A_574 : memref<10016x32xf32, #tpu.memory_space<vmem_shared>>) target(%dma_start3A_568 : memref<128x32xf32, #tpu.memory_space<vmem>>) offsets(%dma_start3A_571 : memref<128xi32, #tpu.memory_space<vmem>>) semaphore(%arg12 : memref<!tpu.dma_semaphore, #tpu.memory_space<semaphore_mem>>)
      } else {
      }
      %dma_wait3A_221 = arith.constant 0 : i32
      %dma_wait3A_222 = arith.constant 0 : i32
      %dma_wait3A_223 = arith.constant 0 : i32
      %dma_wait3A_224 = arith.constant 0 : i32
      %dma_wait3A_225 = tpu.memref_slice %arg9[%dma_wait3A_222, %dma_wait3A_223, %dma_wait3A_224] : memref<16x128x32xf32, #tpu.memory_space<vmem>> -> memref<1x128x32xf32, #tpu.memory_space<vmem>>
      %dma_wait3A_226 = tpu.memref_squeeze %dma_wait3A_225 : memref<1x128x32xf32, #tpu.memory_space<vmem>> -> memref<128x32xf32, #tpu.memory_space<vmem>>
      %dma_wait3A_227 = arith.constant 0 : i32
      %dma_wait3A_228 = tpu.memref_slice %arg7[%dma_wait3A_221, %dma_wait3A_227] : memref<80x128xi32, #tpu.memory_space<vmem>> -> memref<1x128xi32, #tpu.memory_space<vmem>>
      %dma_wait3A_229 = tpu.memref_squeeze %dma_wait3A_228 : memref<1x128xi32, #tpu.memory_space<vmem>> -> memref<128xi32, #tpu.memory_space<vmem>>
      %dma_wait3A_230 = arith.constant 0 : i32
      %dma_wait3A_231 = arith.constant 0 : i32
      %dma_wait3A_232 = tpu.memref_slice %arg11[%dma_wait3A_230, %dma_wait3A_231] : memref<10016x32xf32, #tpu.memory_space<vmem_shared>> -> memref<10016x32xf32, #tpu.memory_space<vmem_shared>>
      tpu.wait_indirect_dma semaphore(%arg12 : memref<!tpu.dma_semaphore, #tpu.memory_space<semaphore_mem>>) src(%dma_wait3A_232 : memref<10016x32xf32, #tpu.memory_space<vmem_shared>>) dst(%dma_wait3A_226 : memref<128x32xf32, #tpu.memory_space<vmem>>)
      %dma_wait3A_233 = arith.constant 0 : i32
      %dma_wait3A_234 = arith.constant 0 : i32
      %dma_wait3A_235 = arith.constant 0 : i32
      %dma_wait3A_236 = arith.constant 0 : i32
      %dma_wait3A_237 = tpu.memref_slice %arg9[%dma_wait3A_234, %dma_wait3A_235, %dma_wait3A_236] : memref<16x128x32xf32, #tpu.memory_space<vmem>> -> memref<1x128x32xf32, #tpu.memory_space<vmem>>
      %dma_wait3A_238 = tpu.memref_squeeze %dma_wait3A_237 : memref<1x128x32xf32, #tpu.memory_space<vmem>> -> memref<128x32xf32, #tpu.memory_space<vmem>>
      %dma_wait3A_239 = arith.constant 0 : i32
      %dma_wait3A_240 = tpu.memref_slice %arg7[%dma_wait3A_233, %dma_wait3A_239] : memref<80x128xi32, #tpu.memory_space<vmem>> -> memref<1x128xi32, #tpu.memory_space<vmem>>
      %dma_wait3A_241 = tpu.memref_squeeze %dma_wait3A_240 : memref<1x128xi32, #tpu.memory_space<vmem>> -> memref<128xi32, #tpu.memory_space<vmem>>
      %dma_wait3A_242 = arith.constant 0 : i32
      %dma_wait3A_243 = arith.constant 0 : i32
      %dma_wait3A_244 = tpu.memref_slice %arg11[%dma_wait3A_242, %dma_wait3A_243] : memref<10016x32xf32, #tpu.memory_space<vmem_shared>> -> memref<10016x32xf32, #tpu.memory_space<vmem_shared>>
      tpu.wait_indirect_dma semaphore(%arg12 : memref<!tpu.dma_semaphore, #tpu.memory_space<semaphore_mem>>) src(%dma_wait3A_244 : memref<10016x32xf32, #tpu.memory_space<vmem_shared>>) dst(%dma_wait3A_238 : memref<128x32xf32, #tpu.memory_space<vmem>>)
      %dma_wait3A_245 = arith.constant 0 : i32
      %dma_wait3A_246 = arith.constant 0 : i32
      %dma_wait3A_247 = arith.constant 0 : i32
      %dma_wait3A_248 = arith.constant 0 : i32
      %dma_wait3A_249 = tpu.memref_slice %arg9[%dma_wait3A_246, %dma_wait3A_247, %dma_wait3A_248] : memref<16x128x32xf32, #tpu.memory_space<vmem>> -> memref<1x128x32xf32, #tpu.memory_space<vmem>>
      %dma_wait3A_250 = tpu.memref_squeeze %dma_wait3A_249 : memref<1x128x32xf32, #tpu.memory_space<vmem>> -> memref<128x32xf32, #tpu.memory_space<vmem>>
      %dma_wait3A_251 = arith.constant 0 : i32
      %dma_wait3A_252 = tpu.memref_slice %arg7[%dma_wait3A_245, %dma_wait3A_251] : memref<80x128xi32, #tpu.memory_space<vmem>> -> memref<1x128xi32, #tpu.memory_space<vmem>>
      %dma_wait3A_253 = tpu.memref_squeeze %dma_wait3A_252 : memref<1x128xi32, #tpu.memory_space<vmem>> -> memref<128xi32, #tpu.memory_space<vmem>>
      %dma_wait3A_254 = arith.constant 0 : i32
      %dma_wait3A_255 = arith.constant 0 : i32
      %dma_wait3A_256 = tpu.memref_slice %arg11[%dma_wait3A_254, %dma_wait3A_255] : memref<10016x32xf32, #tpu.memory_space<vmem_shared>> -> memref<10016x32xf32, #tpu.memory_space<vmem_shared>>
      tpu.wait_indirect_dma semaphore(%arg12 : memref<!tpu.dma_semaphore, #tpu.memory_space<semaphore_mem>>) src(%dma_wait3A_256 : memref<10016x32xf32, #tpu.memory_space<vmem_shared>>) dst(%dma_wait3A_250 : memref<128x32xf32, #tpu.memory_space<vmem>>)
      %dma_wait3A_257 = arith.constant 0 : i32
      %dma_wait3A_258 = arith.constant 0 : i32
      %dma_wait3A_259 = arith.constant 0 : i32
      %dma_wait3A_260 = arith.constant 0 : i32
      %dma_wait3A_261 = tpu.memref_slice %arg9[%dma_wait3A_258, %dma_wait3A_259, %dma_wait3A_260] : memref<16x128x32xf32, #tpu.memory_space<vmem>> -> memref<1x128x32xf32, #tpu.memory_space<vmem>>
      %dma_wait3A_262 = tpu.memref_squeeze %dma_wait3A_261 : memref<1x128x32xf32, #tpu.memory_space<vmem>> -> memref<128x32xf32, #tpu.memory_space<vmem>>
      %dma_wait3A_263 = arith.constant 0 : i32
      %dma_wait3A_264 = tpu.memref_slice %arg7[%dma_wait3A_257, %dma_wait3A_263] : memref<80x128xi32, #tpu.memory_space<vmem>> -> memref<1x128xi32, #tpu.memory_space<vmem>>
      %dma_wait3A_265 = tpu.memref_squeeze %dma_wait3A_264 : memref<1x128xi32, #tpu.memory_space<vmem>> -> memref<128xi32, #tpu.memory_space<vmem>>
      %dma_wait3A_266 = arith.constant 0 : i32
      %dma_wait3A_267 = arith.constant 0 : i32
      %dma_wait3A_268 = tpu.memref_slice %arg11[%dma_wait3A_266, %dma_wait3A_267] : memref<10016x32xf32, #tpu.memory_space<vmem_shared>> -> memref<10016x32xf32, #tpu.memory_space<vmem_shared>>
      tpu.wait_indirect_dma semaphore(%arg12 : memref<!tpu.dma_semaphore, #tpu.memory_space<semaphore_mem>>) src(%dma_wait3A_268 : memref<10016x32xf32, #tpu.memory_space<vmem_shared>>) dst(%dma_wait3A_262 : memref<128x32xf32, #tpu.memory_space<vmem>>)
      %dma_wait3A_269 = arith.constant 0 : i32
      %dma_wait3A_270 = arith.constant 0 : i32
      %dma_wait3A_271 = arith.constant 0 : i32
      %dma_wait3A_272 = arith.constant 0 : i32
      %dma_wait3A_273 = tpu.memref_slice %arg9[%dma_wait3A_270, %dma_wait3A_271, %dma_wait3A_272] : memref<16x128x32xf32, #tpu.memory_space<vmem>> -> memref<1x128x32xf32, #tpu.memory_space<vmem>>
      %dma_wait3A_274 = tpu.memref_squeeze %dma_wait3A_273 : memref<1x128x32xf32, #tpu.memory_space<vmem>> -> memref<128x32xf32, #tpu.memory_space<vmem>>
      %dma_wait3A_275 = arith.constant 0 : i32
      %dma_wait3A_276 = tpu.memref_slice %arg7[%dma_wait3A_269, %dma_wait3A_275] : memref<80x128xi32, #tpu.memory_space<vmem>> -> memref<1x128xi32, #tpu.memory_space<vmem>>
      %dma_wait3A_277 = tpu.memref_squeeze %dma_wait3A_276 : memref<1x128xi32, #tpu.memory_space<vmem>> -> memref<128xi32, #tpu.memory_space<vmem>>
      %dma_wait3A_278 = arith.constant 0 : i32
      %dma_wait3A_279 = arith.constant 0 : i32
      %dma_wait3A_280 = tpu.memref_slice %arg11[%dma_wait3A_278, %dma_wait3A_279] : memref<10016x32xf32, #tpu.memory_space<vmem_shared>> -> memref<10016x32xf32, #tpu.memory_space<vmem_shared>>
      tpu.wait_indirect_dma semaphore(%arg12 : memref<!tpu.dma_semaphore, #tpu.memory_space<semaphore_mem>>) src(%dma_wait3A_280 : memref<10016x32xf32, #tpu.memory_space<vmem_shared>>) dst(%dma_wait3A_274 : memref<128x32xf32, #tpu.memory_space<vmem>>)
      %dma_wait3A_281 = arith.constant 0 : i32
      %dma_wait3A_282 = arith.constant 0 : i32
      %dma_wait3A_283 = arith.constant 0 : i32
      %dma_wait3A_284 = arith.constant 0 : i32
      %dma_wait3A_285 = tpu.memref_slice %arg9[%dma_wait3A_282, %dma_wait3A_283, %dma_wait3A_284] : memref<16x128x32xf32, #tpu.memory_space<vmem>> -> memref<1x128x32xf32, #tpu.memory_space<vmem>>
      %dma_wait3A_286 = tpu.memref_squeeze %dma_wait3A_285 : memref<1x128x32xf32, #tpu.memory_space<vmem>> -> memref<128x32xf32, #tpu.memory_space<vmem>>
      %dma_wait3A_287 = arith.constant 0 : i32
      %dma_wait3A_288 = tpu.memref_slice %arg7[%dma_wait3A_281, %dma_wait3A_287] : memref<80x128xi32, #tpu.memory_space<vmem>> -> memref<1x128xi32, #tpu.memory_space<vmem>>
      %dma_wait3A_289 = tpu.memref_squeeze %dma_wait3A_288 : memref<1x128xi32, #tpu.memory_space<vmem>> -> memref<128xi32, #tpu.memory_space<vmem>>
      %dma_wait3A_290 = arith.constant 0 : i32
      %dma_wait3A_291 = arith.constant 0 : i32
      %dma_wait3A_292 = tpu.memref_slice %arg11[%dma_wait3A_290, %dma_wait3A_291] : memref<10016x32xf32, #tpu.memory_space<vmem_shared>> -> memref<10016x32xf32, #tpu.memory_space<vmem_shared>>
      tpu.wait_indirect_dma semaphore(%arg12 : memref<!tpu.dma_semaphore, #tpu.memory_space<semaphore_mem>>) src(%dma_wait3A_292 : memref<10016x32xf32, #tpu.memory_space<vmem_shared>>) dst(%dma_wait3A_286 : memref<128x32xf32, #tpu.memory_space<vmem>>)
      %dma_wait3A_293 = arith.constant 0 : i32
      %dma_wait3A_294 = arith.constant 0 : i32
      %dma_wait3A_295 = arith.constant 0 : i32
      %dma_wait3A_296 = arith.constant 0 : i32
      %dma_wait3A_297 = tpu.memref_slice %arg9[%dma_wait3A_294, %dma_wait3A_295, %dma_wait3A_296] : memref<16x128x32xf32, #tpu.memory_space<vmem>> -> memref<1x128x32xf32, #tpu.memory_space<vmem>>
      %dma_wait3A_298 = tpu.memref_squeeze %dma_wait3A_297 : memref<1x128x32xf32, #tpu.memory_space<vmem>> -> memref<128x32xf32, #tpu.memory_space<vmem>>
      %dma_wait3A_299 = arith.constant 0 : i32
      %dma_wait3A_300 = tpu.memref_slice %arg7[%dma_wait3A_293, %dma_wait3A_299] : memref<80x128xi32, #tpu.memory_space<vmem>> -> memref<1x128xi32, #tpu.memory_space<vmem>>
      %dma_wait3A_301 = tpu.memref_squeeze %dma_wait3A_300 : memref<1x128xi32, #tpu.memory_space<vmem>> -> memref<128xi32, #tpu.memory_space<vmem>>
      %dma_wait3A_302 = arith.constant 0 : i32
      %dma_wait3A_303 = arith.constant 0 : i32
      %dma_wait3A_304 = tpu.memref_slice %arg11[%dma_wait3A_302, %dma_wait3A_303] : memref<10016x32xf32, #tpu.memory_space<vmem_shared>> -> memref<10016x32xf32, #tpu.memory_space<vmem_shared>>
      tpu.wait_indirect_dma semaphore(%arg12 : memref<!tpu.dma_semaphore, #tpu.memory_space<semaphore_mem>>) src(%dma_wait3A_304 : memref<10016x32xf32, #tpu.memory_space<vmem_shared>>) dst(%dma_wait3A_298 : memref<128x32xf32, #tpu.memory_space<vmem>>)
      %dma_wait3A_305 = arith.constant 0 : i32
      %dma_wait3A_306 = arith.constant 0 : i32
      %dma_wait3A_307 = arith.constant 0 : i32
      %dma_wait3A_308 = arith.constant 0 : i32
      %dma_wait3A_309 = tpu.memref_slice %arg9[%dma_wait3A_306, %dma_wait3A_307, %dma_wait3A_308] : memref<16x128x32xf32, #tpu.memory_space<vmem>> -> memref<1x128x32xf32, #tpu.memory_space<vmem>>
      %dma_wait3A_310 = tpu.memref_squeeze %dma_wait3A_309 : memref<1x128x32xf32, #tpu.memory_space<vmem>> -> memref<128x32xf32, #tpu.memory_space<vmem>>
      %dma_wait3A_311 = arith.constant 0 : i32
      %dma_wait3A_312 = tpu.memref_slice %arg7[%dma_wait3A_305, %dma_wait3A_311] : memref<80x128xi32, #tpu.memory_space<vmem>> -> memref<1x128xi32, #tpu.memory_space<vmem>>
      %dma_wait3A_313 = tpu.memref_squeeze %dma_wait3A_312 : memref<1x128xi32, #tpu.memory_space<vmem>> -> memref<128xi32, #tpu.memory_space<vmem>>
      %dma_wait3A_314 = arith.constant 0 : i32
      %dma_wait3A_315 = arith.constant 0 : i32
      %dma_wait3A_316 = tpu.memref_slice %arg11[%dma_wait3A_314, %dma_wait3A_315] : memref<10016x32xf32, #tpu.memory_space<vmem_shared>> -> memref<10016x32xf32, #tpu.memory_space<vmem_shared>>
      tpu.wait_indirect_dma semaphore(%arg12 : memref<!tpu.dma_semaphore, #tpu.memory_space<semaphore_mem>>) src(%dma_wait3A_316 : memref<10016x32xf32, #tpu.memory_space<vmem_shared>>) dst(%dma_wait3A_310 : memref<128x32xf32, #tpu.memory_space<vmem>>)
      %add3A_317 = arith.constant 0 : i32
      %add3A_318 = arith.addi %mul3A_210, %add3A_317 : i32
      %mul3A_319 = arith.constant 8 : i32
      %mul3A_320 = arith.muli %scan3A_199, %mul3A_319 : i32
      %add3A_321 = arith.constant 0 : i32
      %add3A_322 = arith.addi %mul3A_320, %add3A_321 : i32
      %dma_start3A_323 = arith.constant 0 : i32
      %dma_start3A_324 = arith.constant 0 : i32
      %dma_start3A_325 = tpu.memref_slice %arg9[%add3A_318, %dma_start3A_323, %dma_start3A_324] : memref<16x128x32xf32, #tpu.memory_space<vmem>> -> memref<1x128x32xf32, #tpu.memory_space<vmem>>
      %dma_start3A_326 = tpu.memref_squeeze %dma_start3A_325 : memref<1x128x32xf32, #tpu.memory_space<vmem>> -> memref<128x32xf32, #tpu.memory_space<vmem>>
      %dma_start3A_327 = arith.constant 0 : i32
      %dma_start3A_328 = tpu.memref_slice %arg8[%add3A_322, %dma_start3A_327] : memref<80x128xi32, #tpu.memory_space<vmem>> -> memref<1x128xi32, #tpu.memory_space<vmem>>
      %dma_start3A_329 = tpu.memref_squeeze %dma_start3A_328 : memref<1x128xi32, #tpu.memory_space<vmem>> -> memref<128xi32, #tpu.memory_space<vmem>>
      %dma_start3A_330 = arith.constant 0 : i32
      %dma_start3A_331 = arith.constant 0 : i32
      %dma_start3A_332 = tpu.memref_slice %arg10[%dma_start3A_330, %dma_start3A_331] : memref<10016x32xf32, #tpu.memory_space<vmem_shared>> -> memref<10016x32xf32, #tpu.memory_space<vmem_shared>>
      tpu.enqueue_indirect_dma source(%dma_start3A_326 : memref<128x32xf32, #tpu.memory_space<vmem>>) target(%dma_start3A_332 : memref<10016x32xf32, #tpu.memory_space<vmem_shared>>) offsets(%dma_start3A_329 : memref<128xi32, #tpu.memory_space<vmem>>) semaphore(%arg13 : memref<!tpu.dma_semaphore, #tpu.memory_space<semaphore_mem>>) {add = true}
      %add3A_333 = arith.constant 1 : i32
      %add3A_334 = arith.addi %mul3A_210, %add3A_333 : i32
      %mul3A_335 = arith.constant 8 : i32
      %mul3A_336 = arith.muli %scan3A_199, %mul3A_335 : i32
      %add3A_337 = arith.constant 1 : i32
      %add3A_338 = arith.addi %mul3A_336, %add3A_337 : i32
      %dma_start3A_339 = arith.constant 0 : i32
      %dma_start3A_340 = arith.constant 0 : i32
      %dma_start3A_341 = tpu.memref_slice %arg9[%add3A_334, %dma_start3A_339, %dma_start3A_340] : memref<16x128x32xf32, #tpu.memory_space<vmem>> -> memref<1x128x32xf32, #tpu.memory_space<vmem>>
      %dma_start3A_342 = tpu.memref_squeeze %dma_start3A_341 : memref<1x128x32xf32, #tpu.memory_space<vmem>> -> memref<128x32xf32, #tpu.memory_space<vmem>>
      %dma_start3A_343 = arith.constant 0 : i32
      %dma_start3A_344 = tpu.memref_slice %arg8[%add3A_338, %dma_start3A_343] : memref<80x128xi32, #tpu.memory_space<vmem>> -> memref<1x128xi32, #tpu.memory_space<vmem>>
      %dma_start3A_345 = tpu.memref_squeeze %dma_start3A_344 : memref<1x128xi32, #tpu.memory_space<vmem>> -> memref<128xi32, #tpu.memory_space<vmem>>
      %dma_start3A_346 = arith.constant 0 : i32
      %dma_start3A_347 = arith.constant 0 : i32
      %dma_start3A_348 = tpu.memref_slice %arg10[%dma_start3A_346, %dma_start3A_347] : memref<10016x32xf32, #tpu.memory_space<vmem_shared>> -> memref<10016x32xf32, #tpu.memory_space<vmem_shared>>
      tpu.enqueue_indirect_dma source(%dma_start3A_342 : memref<128x32xf32, #tpu.memory_space<vmem>>) target(%dma_start3A_348 : memref<10016x32xf32, #tpu.memory_space<vmem_shared>>) offsets(%dma_start3A_345 : memref<128xi32, #tpu.memory_space<vmem>>) semaphore(%arg13 : memref<!tpu.dma_semaphore, #tpu.memory_space<semaphore_mem>>) {add = true}
      %add3A_349 = arith.constant 2 : i32
      %add3A_350 = arith.addi %mul3A_210, %add3A_349 : i32
      %mul3A_351 = arith.constant 8 : i32
      %mul3A_352 = arith.muli %scan3A_199, %mul3A_351 : i32
      %add3A_353 = arith.constant 2 : i32
      %add3A_354 = arith.addi %mul3A_352, %add3A_353 : i32
      %dma_start3A_355 = arith.constant 0 : i32
      %dma_start3A_356 = arith.constant 0 : i32
      %dma_start3A_357 = tpu.memref_slice %arg9[%add3A_350, %dma_start3A_355, %dma_start3A_356] : memref<16x128x32xf32, #tpu.memory_space<vmem>> -> memref<1x128x32xf32, #tpu.memory_space<vmem>>
      %dma_start3A_358 = tpu.memref_squeeze %dma_start3A_357 : memref<1x128x32xf32, #tpu.memory_space<vmem>> -> memref<128x32xf32, #tpu.memory_space<vmem>>
      %dma_start3A_359 = arith.constant 0 : i32
      %dma_start3A_360 = tpu.memref_slice %arg8[%add3A_354, %dma_start3A_359] : memref<80x128xi32, #tpu.memory_space<vmem>> -> memref<1x128xi32, #tpu.memory_space<vmem>>
      %dma_start3A_361 = tpu.memref_squeeze %dma_start3A_360 : memref<1x128xi32, #tpu.memory_space<vmem>> -> memref<128xi32, #tpu.memory_space<vmem>>
      %dma_start3A_362 = arith.constant 0 : i32
      %dma_start3A_363 = arith.constant 0 : i32
      %dma_start3A_364 = tpu.memref_slice %arg10[%dma_start3A_362, %dma_start3A_363] : memref<10016x32xf32, #tpu.memory_space<vmem_shared>> -> memref<10016x32xf32, #tpu.memory_space<vmem_shared>>
      tpu.enqueue_indirect_dma source(%dma_start3A_358 : memref<128x32xf32, #tpu.memory_space<vmem>>) target(%dma_start3A_364 : memref<10016x32xf32, #tpu.memory_space<vmem_shared>>) offsets(%dma_start3A_361 : memref<128xi32, #tpu.memory_space<vmem>>) semaphore(%arg13 : memref<!tpu.dma_semaphore, #tpu.memory_space<semaphore_mem>>) {add = true}
      %add3A_365 = arith.constant 3 : i32
      %add3A_366 = arith.addi %mul3A_210, %add3A_365 : i32
      %mul3A_367 = arith.constant 8 : i32
      %mul3A_368 = arith.muli %scan3A_199, %mul3A_367 : i32
      %add3A_369 = arith.constant 3 : i32
      %add3A_370 = arith.addi %mul3A_368, %add3A_369 : i32
      %dma_start3A_371 = arith.constant 0 : i32
      %dma_start3A_372 = arith.constant 0 : i32
      %dma_start3A_373 = tpu.memref_slice %arg9[%add3A_366, %dma_start3A_371, %dma_start3A_372] : memref<16x128x32xf32, #tpu.memory_space<vmem>> -> memref<1x128x32xf32, #tpu.memory_space<vmem>>
      %dma_start3A_374 = tpu.memref_squeeze %dma_start3A_373 : memref<1x128x32xf32, #tpu.memory_space<vmem>> -> memref<128x32xf32, #tpu.memory_space<vmem>>
      %dma_start3A_375 = arith.constant 0 : i32
      %dma_start3A_376 = tpu.memref_slice %arg8[%add3A_370, %dma_start3A_375] : memref<80x128xi32, #tpu.memory_space<vmem>> -> memref<1x128xi32, #tpu.memory_space<vmem>>
      %dma_start3A_377 = tpu.memref_squeeze %dma_start3A_376 : memref<1x128xi32, #tpu.memory_space<vmem>> -> memref<128xi32, #tpu.memory_space<vmem>>
      %dma_start3A_378 = arith.constant 0 : i32
      %dma_start3A_379 = arith.constant 0 : i32
      %dma_start3A_380 = tpu.memref_slice %arg10[%dma_start3A_378, %dma_start3A_379] : memref<10016x32xf32, #tpu.memory_space<vmem_shared>> -> memref<10016x32xf32, #tpu.memory_space<vmem_shared>>
      tpu.enqueue_indirect_dma source(%dma_start3A_374 : memref<128x32xf32, #tpu.memory_space<vmem>>) target(%dma_start3A_380 : memref<10016x32xf32, #tpu.memory_space<vmem_shared>>) offsets(%dma_start3A_377 : memref<128xi32, #tpu.memory_space<vmem>>) semaphore(%arg13 : memref<!tpu.dma_semaphore, #tpu.memory_space<semaphore_mem>>) {add = true}
      %add3A_381 = arith.constant 4 : i32
      %add3A_382 = arith.addi %mul3A_210, %add3A_381 : i32
      %mul3A_383 = arith.constant 8 : i32
      %mul3A_384 = arith.muli %scan3A_199, %mul3A_383 : i32
      %add3A_385 = arith.constant 4 : i32
      %add3A_386 = arith.addi %mul3A_384, %add3A_385 : i32
      %dma_start3A_387 = arith.constant 0 : i32
      %dma_start3A_388 = arith.constant 0 : i32
      %dma_start3A_389 = tpu.memref_slice %arg9[%add3A_382, %dma_start3A_387, %dma_start3A_388] : memref<16x128x32xf32, #tpu.memory_space<vmem>> -> memref<1x128x32xf32, #tpu.memory_space<vmem>>
      %dma_start3A_390 = tpu.memref_squeeze %dma_start3A_389 : memref<1x128x32xf32, #tpu.memory_space<vmem>> -> memref<128x32xf32, #tpu.memory_space<vmem>>
      %dma_start3A_391 = arith.constant 0 : i32
      %dma_start3A_392 = tpu.memref_slice %arg8[%add3A_386, %dma_start3A_391] : memref<80x128xi32, #tpu.memory_space<vmem>> -> memref<1x128xi32, #tpu.memory_space<vmem>>
      %dma_start3A_393 = tpu.memref_squeeze %dma_start3A_392 : memref<1x128xi32, #tpu.memory_space<vmem>> -> memref<128xi32, #tpu.memory_space<vmem>>
      %dma_start3A_394 = arith.constant 0 : i32
      %dma_start3A_395 = arith.constant 0 : i32
      %dma_start3A_396 = tpu.memref_slice %arg10[%dma_start3A_394, %dma_start3A_395] : memref<10016x32xf32, #tpu.memory_space<vmem_shared>> -> memref<10016x32xf32, #tpu.memory_space<vmem_shared>>
      tpu.enqueue_indirect_dma source(%dma_start3A_390 : memref<128x32xf32, #tpu.memory_space<vmem>>) target(%dma_start3A_396 : memref<10016x32xf32, #tpu.memory_space<vmem_shared>>) offsets(%dma_start3A_393 : memref<128xi32, #tpu.memory_space<vmem>>) semaphore(%arg13 : memref<!tpu.dma_semaphore, #tpu.memory_space<semaphore_mem>>) {add = true}
      %add3A_397 = arith.constant 5 : i32
      %add3A_398 = arith.addi %mul3A_210, %add3A_397 : i32
      %mul3A_399 = arith.constant 8 : i32
      %mul3A_400 = arith.muli %scan3A_199, %mul3A_399 : i32
      %add3A_401 = arith.constant 5 : i32
      %add3A_402 = arith.addi %mul3A_400, %add3A_401 : i32
      %dma_start3A_403 = arith.constant 0 : i32
      %dma_start3A_404 = arith.constant 0 : i32
      %dma_start3A_405 = tpu.memref_slice %arg9[%add3A_398, %dma_start3A_403, %dma_start3A_404] : memref<16x128x32xf32, #tpu.memory_space<vmem>> -> memref<1x128x32xf32, #tpu.memory_space<vmem>>
      %dma_start3A_406 = tpu.memref_squeeze %dma_start3A_405 : memref<1x128x32xf32, #tpu.memory_space<vmem>> -> memref<128x32xf32, #tpu.memory_space<vmem>>
      %dma_start3A_407 = arith.constant 0 : i32
      %dma_start3A_408 = tpu.memref_slice %arg8[%add3A_402, %dma_start3A_407] : memref<80x128xi32, #tpu.memory_space<vmem>> -> memref<1x128xi32, #tpu.memory_space<vmem>>
      %dma_start3A_409 = tpu.memref_squeeze %dma_start3A_408 : memref<1x128xi32, #tpu.memory_space<vmem>> -> memref<128xi32, #tpu.memory_space<vmem>>
      %dma_start3A_410 = arith.constant 0 : i32
      %dma_start3A_411 = arith.constant 0 : i32
      %dma_start3A_412 = tpu.memref_slice %arg10[%dma_start3A_410, %dma_start3A_411] : memref<10016x32xf32, #tpu.memory_space<vmem_shared>> -> memref<10016x32xf32, #tpu.memory_space<vmem_shared>>
      tpu.enqueue_indirect_dma source(%dma_start3A_406 : memref<128x32xf32, #tpu.memory_space<vmem>>) target(%dma_start3A_412 : memref<10016x32xf32, #tpu.memory_space<vmem_shared>>) offsets(%dma_start3A_409 : memref<128xi32, #tpu.memory_space<vmem>>) semaphore(%arg13 : memref<!tpu.dma_semaphore, #tpu.memory_space<semaphore_mem>>) {add = true}
      %add3A_413 = arith.constant 6 : i32
      %add3A_414 = arith.addi %mul3A_210, %add3A_413 : i32
      %mul3A_415 = arith.constant 8 : i32
      %mul3A_416 = arith.muli %scan3A_199, %mul3A_415 : i32
      %add3A_417 = arith.constant 6 : i32
      %add3A_418 = arith.addi %mul3A_416, %add3A_417 : i32
      %dma_start3A_419 = arith.constant 0 : i32
      %dma_start3A_420 = arith.constant 0 : i32
      %dma_start3A_421 = tpu.memref_slice %arg9[%add3A_414, %dma_start3A_419, %dma_start3A_420] : memref<16x128x32xf32, #tpu.memory_space<vmem>> -> memref<1x128x32xf32, #tpu.memory_space<vmem>>
      %dma_start3A_422 = tpu.memref_squeeze %dma_start3A_421 : memref<1x128x32xf32, #tpu.memory_space<vmem>> -> memref<128x32xf32, #tpu.memory_space<vmem>>
      %dma_start3A_423 = arith.constant 0 : i32
      %dma_start3A_424 = tpu.memref_slice %arg8[%add3A_418, %dma_start3A_423] : memref<80x128xi32, #tpu.memory_space<vmem>> -> memref<1x128xi32, #tpu.memory_space<vmem>>
      %dma_start3A_425 = tpu.memref_squeeze %dma_start3A_424 : memref<1x128xi32, #tpu.memory_space<vmem>> -> memref<128xi32, #tpu.memory_space<vmem>>
      %dma_start3A_426 = arith.constant 0 : i32
      %dma_start3A_427 = arith.constant 0 : i32
      %dma_start3A_428 = tpu.memref_slice %arg10[%dma_start3A_426, %dma_start3A_427] : memref<10016x32xf32, #tpu.memory_space<vmem_shared>> -> memref<10016x32xf32, #tpu.memory_space<vmem_shared>>
      tpu.enqueue_indirect_dma source(%dma_start3A_422 : memref<128x32xf32, #tpu.memory_space<vmem>>) target(%dma_start3A_428 : memref<10016x32xf32, #tpu.memory_space<vmem_shared>>) offsets(%dma_start3A_425 : memref<128xi32, #tpu.memory_space<vmem>>) semaphore(%arg13 : memref<!tpu.dma_semaphore, #tpu.memory_space<semaphore_mem>>) {add = true}
      %add3A_429 = arith.constant 7 : i32
      %add3A_430 = arith.addi %mul3A_210, %add3A_429 : i32
      %mul3A_431 = arith.constant 8 : i32
      %mul3A_432 = arith.muli %scan3A_199, %mul3A_431 : i32
      %add3A_433 = arith.constant 7 : i32
      %add3A_434 = arith.addi %mul3A_432, %add3A_433 : i32
      %dma_start3A_435 = arith.constant 0 : i32
      %dma_start3A_436 = arith.constant 0 : i32
      %dma_start3A_437 = tpu.memref_slice %arg9[%add3A_430, %dma_start3A_435, %dma_start3A_436] : memref<16x128x32xf32, #tpu.memory_space<vmem>> -> memref<1x128x32xf32, #tpu.memory_space<vmem>>
      %dma_start3A_438 = tpu.memref_squeeze %dma_start3A_437 : memref<1x128x32xf32, #tpu.memory_space<vmem>> -> memref<128x32xf32, #tpu.memory_space<vmem>>
      %dma_start3A_439 = arith.constant 0 : i32
      %dma_start3A_440 = tpu.memref_slice %arg8[%add3A_434, %dma_start3A_439] : memref<80x128xi32, #tpu.memory_space<vmem>> -> memref<1x128xi32, #tpu.memory_space<vmem>>
      %dma_start3A_441 = tpu.memref_squeeze %dma_start3A_440 : memref<1x128xi32, #tpu.memory_space<vmem>> -> memref<128xi32, #tpu.memory_space<vmem>>
      %dma_start3A_442 = arith.constant 0 : i32
      %dma_start3A_443 = arith.constant 0 : i32
      %dma_start3A_444 = tpu.memref_slice %arg10[%dma_start3A_442, %dma_start3A_443] : memref<10016x32xf32, #tpu.memory_space<vmem_shared>> -> memref<10016x32xf32, #tpu.memory_space<vmem_shared>>
      tpu.enqueue_indirect_dma source(%dma_start3A_438 : memref<128x32xf32, #tpu.memory_space<vmem>>) target(%dma_start3A_444 : memref<10016x32xf32, #tpu.memory_space<vmem_shared>>) offsets(%dma_start3A_441 : memref<128xi32, #tpu.memory_space<vmem>>) semaphore(%arg13 : memref<!tpu.dma_semaphore, #tpu.memory_space<semaphore_mem>>) {add = true}
    }
    %scan3A_102 = arith.constant 10 : i32
    %dma_wait3A = arith.constant 0 : i32
    %dma_wait3A_103 = arith.constant 0 : i32
    %dma_wait3A_104 = arith.constant 0 : i32
    %dma_wait3A_105 = arith.constant 0 : i32
    %dma_wait3A_106 = tpu.memref_slice %arg9[%dma_wait3A, %dma_wait3A_104, %dma_wait3A_105] : memref<16x128x32xf32, #tpu.memory_space<vmem>> -> memref<1x128x32xf32, #tpu.memory_space<vmem>>
    %dma_wait3A_107 = tpu.memref_squeeze %dma_wait3A_106 : memref<1x128x32xf32, #tpu.memory_space<vmem>> -> memref<128x32xf32, #tpu.memory_space<vmem>>
    %dma_wait3A_108 = arith.constant 0 : i32
    %dma_wait3A_109 = tpu.memref_slice %arg8[%dma_wait3A_103, %dma_wait3A_108] : memref<80x128xi32, #tpu.memory_space<vmem>> -> memref<1x128xi32, #tpu.memory_space<vmem>>
    %dma_wait3A_110 = tpu.memref_squeeze %dma_wait3A_109 : memref<1x128xi32, #tpu.memory_space<vmem>> -> memref<128xi32, #tpu.memory_space<vmem>>
    %dma_wait3A_111 = arith.constant 0 : i32
    %dma_wait3A_112 = arith.constant 0 : i32
    %dma_wait3A_113 = tpu.memref_slice %arg10[%dma_wait3A_111, %dma_wait3A_112] : memref<10016x32xf32, #tpu.memory_space<vmem_shared>> -> memref<10016x32xf32, #tpu.memory_space<vmem_shared>>
    tpu.wait_indirect_dma semaphore(%arg13 : memref<!tpu.dma_semaphore, #tpu.memory_space<semaphore_mem>>) src(%dma_wait3A_107 : memref<128x32xf32, #tpu.memory_space<vmem>>) dst(%dma_wait3A_113 : memref<10016x32xf32, #tpu.memory_space<vmem_shared>>)
    %dma_wait3A_114 = arith.constant 0 : i32
    %dma_wait3A_115 = arith.constant 0 : i32
    %dma_wait3A_116 = arith.constant 0 : i32
    %dma_wait3A_117 = arith.constant 0 : i32
    %dma_wait3A_118 = tpu.memref_slice %arg9[%dma_wait3A_114, %dma_wait3A_116, %dma_wait3A_117] : memref<16x128x32xf32, #tpu.memory_space<vmem>> -> memref<1x128x32xf32, #tpu.memory_space<vmem>>
    %dma_wait3A_119 = tpu.memref_squeeze %dma_wait3A_118 : memref<1x128x32xf32, #tpu.memory_space<vmem>> -> memref<128x32xf32, #tpu.memory_space<vmem>>
    %dma_wait3A_120 = arith.constant 0 : i32
    %dma_wait3A_121 = tpu.memref_slice %arg8[%dma_wait3A_115, %dma_wait3A_120] : memref<80x128xi32, #tpu.memory_space<vmem>> -> memref<1x128xi32, #tpu.memory_space<vmem>>
    %dma_wait3A_122 = tpu.memref_squeeze %dma_wait3A_121 : memref<1x128xi32, #tpu.memory_space<vmem>> -> memref<128xi32, #tpu.memory_space<vmem>>
    %dma_wait3A_123 = arith.constant 0 : i32
    %dma_wait3A_124 = arith.constant 0 : i32
    %dma_wait3A_125 = tpu.memref_slice %arg10[%dma_wait3A_123, %dma_wait3A_124] : memref<10016x32xf32, #tpu.memory_space<vmem_shared>> -> memref<10016x32xf32, #tpu.memory_space<vmem_shared>>
    tpu.wait_indirect_dma semaphore(%arg13 : memref<!tpu.dma_semaphore, #tpu.memory_space<semaphore_mem>>) src(%dma_wait3A_119 : memref<128x32xf32, #tpu.memory_space<vmem>>) dst(%dma_wait3A_125 : memref<10016x32xf32, #tpu.memory_space<vmem_shared>>)
    %dma_wait3A_126 = arith.constant 0 : i32
    %dma_wait3A_127 = arith.constant 0 : i32
    %dma_wait3A_128 = arith.constant 0 : i32
    %dma_wait3A_129 = arith.constant 0 : i32
    %dma_wait3A_130 = tpu.memref_slice %arg9[%dma_wait3A_126, %dma_wait3A_128, %dma_wait3A_129] : memref<16x128x32xf32, #tpu.memory_space<vmem>> -> memref<1x128x32xf32, #tpu.memory_space<vmem>>
    %dma_wait3A_131 = tpu.memref_squeeze %dma_wait3A_130 : memref<1x128x32xf32, #tpu.memory_space<vmem>> -> memref<128x32xf32, #tpu.memory_space<vmem>>
    %dma_wait3A_132 = arith.constant 0 : i32
    %dma_wait3A_133 = tpu.memref_slice %arg8[%dma_wait3A_127, %dma_wait3A_132] : memref<80x128xi32, #tpu.memory_space<vmem>> -> memref<1x128xi32, #tpu.memory_space<vmem>>
    %dma_wait3A_134 = tpu.memref_squeeze %dma_wait3A_133 : memref<1x128xi32, #tpu.memory_space<vmem>> -> memref<128xi32, #tpu.memory_space<vmem>>
    %dma_wait3A_135 = arith.constant 0 : i32
    %dma_wait3A_136 = arith.constant 0 : i32
    %dma_wait3A_137 = tpu.memref_slice %arg10[%dma_wait3A_135, %dma_wait3A_136] : memref<10016x32xf32, #tpu.memory_space<vmem_shared>> -> memref<10016x32xf32, #tpu.memory_space<vmem_shared>>
    tpu.wait_indirect_dma semaphore(%arg13 : memref<!tpu.dma_semaphore, #tpu.memory_space<semaphore_mem>>) src(%dma_wait3A_131 : memref<128x32xf32, #tpu.memory_space<vmem>>) dst(%dma_wait3A_137 : memref<10016x32xf32, #tpu.memory_space<vmem_shared>>)
    %dma_wait3A_138 = arith.constant 0 : i32
    %dma_wait3A_139 = arith.constant 0 : i32
    %dma_wait3A_140 = arith.constant 0 : i32
    %dma_wait3A_141 = arith.constant 0 : i32
    %dma_wait3A_142 = tpu.memref_slice %arg9[%dma_wait3A_138, %dma_wait3A_140, %dma_wait3A_141] : memref<16x128x32xf32, #tpu.memory_space<vmem>> -> memref<1x128x32xf32, #tpu.memory_space<vmem>>
    %dma_wait3A_143 = tpu.memref_squeeze %dma_wait3A_142 : memref<1x128x32xf32, #tpu.memory_space<vmem>> -> memref<128x32xf32, #tpu.memory_space<vmem>>
    %dma_wait3A_144 = arith.constant 0 : i32
    %dma_wait3A_145 = tpu.memref_slice %arg8[%dma_wait3A_139, %dma_wait3A_144] : memref<80x128xi32, #tpu.memory_space<vmem>> -> memref<1x128xi32, #tpu.memory_space<vmem>>
    %dma_wait3A_146 = tpu.memref_squeeze %dma_wait3A_145 : memref<1x128xi32, #tpu.memory_space<vmem>> -> memref<128xi32, #tpu.memory_space<vmem>>
    %dma_wait3A_147 = arith.constant 0 : i32
    %dma_wait3A_148 = arith.constant 0 : i32
    %dma_wait3A_149 = tpu.memref_slice %arg10[%dma_wait3A_147, %dma_wait3A_148] : memref<10016x32xf32, #tpu.memory_space<vmem_shared>> -> memref<10016x32xf32, #tpu.memory_space<vmem_shared>>
    tpu.wait_indirect_dma semaphore(%arg13 : memref<!tpu.dma_semaphore, #tpu.memory_space<semaphore_mem>>) src(%dma_wait3A_143 : memref<128x32xf32, #tpu.memory_space<vmem>>) dst(%dma_wait3A_149 : memref<10016x32xf32, #tpu.memory_space<vmem_shared>>)
    %dma_wait3A_150 = arith.constant 0 : i32
    %dma_wait3A_151 = arith.constant 0 : i32
    %dma_wait3A_152 = arith.constant 0 : i32
    %dma_wait3A_153 = arith.constant 0 : i32
    %dma_wait3A_154 = tpu.memref_slice %arg9[%dma_wait3A_150, %dma_wait3A_152, %dma_wait3A_153] : memref<16x128x32xf32, #tpu.memory_space<vmem>> -> memref<1x128x32xf32, #tpu.memory_space<vmem>>
    %dma_wait3A_155 = tpu.memref_squeeze %dma_wait3A_154 : memref<1x128x32xf32, #tpu.memory_space<vmem>> -> memref<128x32xf32, #tpu.memory_space<vmem>>
    %dma_wait3A_156 = arith.constant 0 : i32
    %dma_wait3A_157 = tpu.memref_slice %arg8[%dma_wait3A_151, %dma_wait3A_156] : memref<80x128xi32, #tpu.memory_space<vmem>> -> memref<1x128xi32, #tpu.memory_space<vmem>>
    %dma_wait3A_158 = tpu.memref_squeeze %dma_wait3A_157 : memref<1x128xi32, #tpu.memory_space<vmem>> -> memref<128xi32, #tpu.memory_space<vmem>>
    %dma_wait3A_159 = arith.constant 0 : i32
    %dma_wait3A_160 = arith.constant 0 : i32
    %dma_wait3A_161 = tpu.memref_slice %arg10[%dma_wait3A_159, %dma_wait3A_160] : memref<10016x32xf32, #tpu.memory_space<vmem_shared>> -> memref<10016x32xf32, #tpu.memory_space<vmem_shared>>
    tpu.wait_indirect_dma semaphore(%arg13 : memref<!tpu.dma_semaphore, #tpu.memory_space<semaphore_mem>>) src(%dma_wait3A_155 : memref<128x32xf32, #tpu.memory_space<vmem>>) dst(%dma_wait3A_161 : memref<10016x32xf32, #tpu.memory_space<vmem_shared>>)
    %dma_wait3A_162 = arith.constant 0 : i32
    %dma_wait3A_163 = arith.constant 0 : i32
    %dma_wait3A_164 = arith.constant 0 : i32
    %dma_wait3A_165 = arith.constant 0 : i32
    %dma_wait3A_166 = tpu.memref_slice %arg9[%dma_wait3A_162, %dma_wait3A_164, %dma_wait3A_165] : memref<16x128x32xf32, #tpu.memory_space<vmem>> -> memref<1x128x32xf32, #tpu.memory_space<vmem>>
    %dma_wait3A_167 = tpu.memref_squeeze %dma_wait3A_166 : memref<1x128x32xf32, #tpu.memory_space<vmem>> -> memref<128x32xf32, #tpu.memory_space<vmem>>
    %dma_wait3A_168 = arith.constant 0 : i32
    %dma_wait3A_169 = tpu.memref_slice %arg8[%dma_wait3A_163, %dma_wait3A_168] : memref<80x128xi32, #tpu.memory_space<vmem>> -> memref<1x128xi32, #tpu.memory_space<vmem>>
    %dma_wait3A_170 = tpu.memref_squeeze %dma_wait3A_169 : memref<1x128xi32, #tpu.memory_space<vmem>> -> memref<128xi32, #tpu.memory_space<vmem>>
    %dma_wait3A_171 = arith.constant 0 : i32
    %dma_wait3A_172 = arith.constant 0 : i32
    %dma_wait3A_173 = tpu.memref_slice %arg10[%dma_wait3A_171, %dma_wait3A_172] : memref<10016x32xf32, #tpu.memory_space<vmem_shared>> -> memref<10016x32xf32, #tpu.memory_space<vmem_shared>>
    tpu.wait_indirect_dma semaphore(%arg13 : memref<!tpu.dma_semaphore, #tpu.memory_space<semaphore_mem>>) src(%dma_wait3A_167 : memref<128x32xf32, #tpu.memory_space<vmem>>) dst(%dma_wait3A_173 : memref<10016x32xf32, #tpu.memory_space<vmem_shared>>)
    %dma_wait3A_174 = arith.constant 0 : i32
    %dma_wait3A_175 = arith.constant 0 : i32
    %dma_wait3A_176 = arith.constant 0 : i32
    %dma_wait3A_177 = arith.constant 0 : i32
    %dma_wait3A_178 = tpu.memref_slice %arg9[%dma_wait3A_174, %dma_wait3A_176, %dma_wait3A_177] : memref<16x128x32xf32, #tpu.memory_space<vmem>> -> memref<1x128x32xf32, #tpu.memory_space<vmem>>
    %dma_wait3A_179 = tpu.memref_squeeze %dma_wait3A_178 : memref<1x128x32xf32, #tpu.memory_space<vmem>> -> memref<128x32xf32, #tpu.memory_space<vmem>>
    %dma_wait3A_180 = arith.constant 0 : i32
    %dma_wait3A_181 = tpu.memref_slice %arg8[%dma_wait3A_175, %dma_wait3A_180] : memref<80x128xi32, #tpu.memory_space<vmem>> -> memref<1x128xi32, #tpu.memory_space<vmem>>
    %dma_wait3A_182 = tpu.memref_squeeze %dma_wait3A_181 : memref<1x128xi32, #tpu.memory_space<vmem>> -> memref<128xi32, #tpu.memory_space<vmem>>
    %dma_wait3A_183 = arith.constant 0 : i32
    %dma_wait3A_184 = arith.constant 0 : i32
    %dma_wait3A_185 = tpu.memref_slice %arg10[%dma_wait3A_183, %dma_wait3A_184] : memref<10016x32xf32, #tpu.memory_space<vmem_shared>> -> memref<10016x32xf32, #tpu.memory_space<vmem_shared>>
    tpu.wait_indirect_dma semaphore(%arg13 : memref<!tpu.dma_semaphore, #tpu.memory_space<semaphore_mem>>) src(%dma_wait3A_179 : memref<128x32xf32, #tpu.memory_space<vmem>>) dst(%dma_wait3A_185 : memref<10016x32xf32, #tpu.memory_space<vmem_shared>>)
    %dma_wait3A_186 = arith.constant 0 : i32
    %dma_wait3A_187 = arith.constant 0 : i32
    %dma_wait3A_188 = arith.constant 0 : i32
    %dma_wait3A_189 = arith.constant 0 : i32
    %dma_wait3A_190 = tpu.memref_slice %arg9[%dma_wait3A_186, %dma_wait3A_188, %dma_wait3A_189] : memref<16x128x32xf32, #tpu.memory_space<vmem>> -> memref<1x128x32xf32, #tpu.memory_space<vmem>>
    %dma_wait3A_191 = tpu.memref_squeeze %dma_wait3A_190 : memref<1x128x32xf32, #tpu.memory_space<vmem>> -> memref<128x32xf32, #tpu.memory_space<vmem>>
    %dma_wait3A_192 = arith.constant 0 : i32
    %dma_wait3A_193 = tpu.memref_slice %arg8[%dma_wait3A_187, %dma_wait3A_192] : memref<80x128xi32, #tpu.memory_space<vmem>> -> memref<1x128xi32, #tpu.memory_space<vmem>>
    %dma_wait3A_194 = tpu.memref_squeeze %dma_wait3A_193 : memref<1x128xi32, #tpu.memory_space<vmem>> -> memref<128xi32, #tpu.memory_space<vmem>>
    %dma_wait3A_195 = arith.constant 0 : i32
    %dma_wait3A_196 = arith.constant 0 : i32
    %dma_wait3A_197 = tpu.memref_slice %arg10[%dma_wait3A_195, %dma_wait3A_196] : memref<10016x32xf32, #tpu.memory_space<vmem_shared>> -> memref<10016x32xf32, #tpu.memory_space<vmem_shared>>
    tpu.wait_indirect_dma semaphore(%arg13 : memref<!tpu.dma_semaphore, #tpu.memory_space<semaphore_mem>>) src(%dma_wait3A_191 : memref<128x32xf32, #tpu.memory_space<vmem>>) dst(%dma_wait3A_197 : memref<10016x32xf32, #tpu.memory_space<vmem_shared>>)
    %barrier3A_198 = arith.constant 0 : index
    tpu.barrier barrier_id(%barrier3A_198)
    "tpu.region"() ({
      %run_scoped3A = tpu.sem_alloc : memref<!tpu.dma_semaphore, #tpu.memory_space<semaphore_mem>>
      %dma_start3A_199 = arith.constant 0 : i32
      %dma_start3A_200 = tpu.memref_slice %arg6[%arg0, %mul3A_2, %dma_start3A_199] : memref<2x10016x32xf32, #tpu.memory_space<hbm>> -> memref<1x626x32xf32, #tpu.memory_space<hbm>>
      %dma_start3A_201 = tpu.memref_squeeze %dma_start3A_200 : memref<1x626x32xf32, #tpu.memory_space<hbm>> -> memref<626x32xf32, #tpu.memory_space<hbm>>
      %dma_start3A_202 = arith.constant 0 : i32
      %dma_start3A_203 = tpu.memref_slice %arg10[%mul3A_2, %dma_start3A_202] : memref<10016x32xf32, #tpu.memory_space<vmem_shared>> -> memref<626x32xf32, #tpu.memory_space<vmem_shared>>
      tpu.enqueue_dma source(%dma_start3A_203 : memref<626x32xf32, #tpu.memory_space<vmem_shared>>) target(%dma_start3A_201 : memref<626x32xf32, #tpu.memory_space<hbm>>) target_semaphore(%run_scoped3A : memref<!tpu.dma_semaphore, #tpu.memory_space<semaphore_mem>>)
      %dma_wait3A_204 = arith.constant 0 : i32
      %dma_wait3A_205 = tpu.memref_slice %arg6[%arg0, %mul3A_2, %dma_wait3A_204] : memref<2x10016x32xf32, #tpu.memory_space<hbm>> -> memref<1x626x32xf32, #tpu.memory_space<hbm>>
      %dma_wait3A_206 = tpu.memref_squeeze %dma_wait3A_205 : memref<1x626x32xf32, #tpu.memory_space<hbm>> -> memref<626x32xf32, #tpu.memory_space<hbm>>
      %dma_wait3A_207 = arith.constant 0 : i32
      %dma_wait3A_208 = tpu.memref_slice %arg10[%mul3A_2, %dma_wait3A_207] : memref<10016x32xf32, #tpu.memory_space<vmem_shared>> -> memref<626x32xf32, #tpu.memory_space<vmem_shared>>
      tpu.wait_dma2 semaphore(%run_scoped3A : memref<!tpu.dma_semaphore, #tpu.memory_space<semaphore_mem>>) src(%dma_wait3A_208 : memref<626x32xf32, #tpu.memory_space<vmem_shared>>) dst(%dma_wait3A_206 : memref<626x32xf32, #tpu.memory_space<hbm>>)
      tpu.yield
    }) : () -> ()
    return
  }
}

#map = affine_map<(d0, d1) -> (0, 0, 0)>
#map1 = affine_map<(d0, d1) -> (0, 0, 0, 0)>
#map2 = affine_map<(d0, d1) -> (0, 0)>
module attributes {stable_mosaic.version = 14 : i64} {
  func.func @body(%arg0: i32, %arg1: i32, %arg2: memref<2x10016x64xf32, #tpu.memory_space<hbm>>, %arg3: memref<16x2x84x120xi32, #tpu.memory_space<hbm>>, %arg4: memref<16x2x84x120xi32, #tpu.memory_space<hbm>>, %arg5: memref<10016x64xf32, #tpu.memory_space<hbm>>, %arg6: memref<2x10016x64xf32, #tpu.memory_space<hbm>>, %arg7: memref<84x120xi32, #tpu.memory_space<vmem>>, %arg8: memref<84x120xi32, #tpu.memory_space<vmem>>, %arg9: memref<4x120x64xf32, #tpu.memory_space<vmem>>, %arg10: memref<10016x64xf32, #tpu.memory_space<vmem_shared>>, %arg11: memref<10016x64xf32, #tpu.memory_space<vmem_shared>>, %arg12: memref<!tpu.dma_semaphore, #tpu.memory_space<semaphore_mem>>, %arg13: memref<!tpu.dma_semaphore, #tpu.memory_space<semaphore_mem>>) attributes {dimension_semantics = [#tpu.dimension_semantics<core_parallel>, #tpu.dimension_semantics<subcore_parallel>], iteration_bounds = array<i64: 2, 16>, scalar_prefetch = 0 : i64, scratch_operands = 7 : i64, tpu.core_type = #tpu.core_type<sc_vector_subcore>, window_params = [{transform_indices = #map}, {transform_indices = #map1}, {transform_indices = #map1}, {transform_indices = #map2}, {transform_indices = #map}]} {
    %mul3A = arith.constant 626 : i32
    %mul3A_0 = arith.muli %arg1, %mul3A : i32
    "tpu.region"() ({
      %run_scoped3A_110 = tpu.sem_alloc : memref<!tpu.dma_semaphore, #tpu.memory_space<semaphore_mem>>
      %dma_start3A_111 = arith.constant 0 : i32
      %dma_start3A_112 = tpu.memref_slice %arg10[%mul3A_0, %dma_start3A_111] : memref<10016x64xf32, #tpu.memory_space<vmem_shared>> -> memref<626x64xf32, #tpu.memory_space<vmem_shared>>
      %dma_start3A_113 = arith.constant 0 : i32
      %dma_start3A_114 = tpu.memref_slice %arg5[%mul3A_0, %dma_start3A_113] : memref<10016x64xf32, #tpu.memory_space<hbm>> -> memref<626x64xf32, #tpu.memory_space<hbm>>
      tpu.enqueue_dma source(%dma_start3A_114 : memref<626x64xf32, #tpu.memory_space<hbm>>) target(%dma_start3A_112 : memref<626x64xf32, #tpu.memory_space<vmem_shared>>) target_semaphore(%run_scoped3A_110 : memref<!tpu.dma_semaphore, #tpu.memory_space<semaphore_mem>>)
      %dma_wait3A_115 = arith.constant 0 : i32
      %dma_wait3A_116 = tpu.memref_slice %arg10[%mul3A_0, %dma_wait3A_115] : memref<10016x64xf32, #tpu.memory_space<vmem_shared>> -> memref<626x64xf32, #tpu.memory_space<vmem_shared>>
      %dma_wait3A_117 = arith.constant 0 : i32
      %dma_wait3A_118 = tpu.memref_slice %arg5[%mul3A_0, %dma_wait3A_117] : memref<10016x64xf32, #tpu.memory_space<hbm>> -> memref<626x64xf32, #tpu.memory_space<hbm>>
      tpu.wait_dma2 semaphore(%run_scoped3A_110 : memref<!tpu.dma_semaphore, #tpu.memory_space<semaphore_mem>>) src(%dma_wait3A_118 : memref<626x64xf32, #tpu.memory_space<hbm>>) dst(%dma_wait3A_116 : memref<626x64xf32, #tpu.memory_space<vmem_shared>>)
      tpu.yield
    }) : () -> ()
    "tpu.region"() ({
      %run_scoped3A_110 = tpu.sem_alloc : memref<!tpu.dma_semaphore, #tpu.memory_space<semaphore_mem>>
      %dma_start3A_111 = arith.constant 0 : i32
      %dma_start3A_112 = tpu.memref_slice %arg11[%mul3A_0, %dma_start3A_111] : memref<10016x64xf32, #tpu.memory_space<vmem_shared>> -> memref<626x64xf32, #tpu.memory_space<vmem_shared>>
      %dma_start3A_113 = arith.constant 0 : i32
      %dma_start3A_114 = tpu.memref_slice %arg2[%arg0, %mul3A_0, %dma_start3A_113] : memref<2x10016x64xf32, #tpu.memory_space<hbm>> -> memref<1x626x64xf32, #tpu.memory_space<hbm>>
      %dma_start3A_115 = tpu.memref_squeeze %dma_start3A_114 : memref<1x626x64xf32, #tpu.memory_space<hbm>> -> memref<626x64xf32, #tpu.memory_space<hbm>>
      tpu.enqueue_dma source(%dma_start3A_115 : memref<626x64xf32, #tpu.memory_space<hbm>>) target(%dma_start3A_112 : memref<626x64xf32, #tpu.memory_space<vmem_shared>>) target_semaphore(%run_scoped3A_110 : memref<!tpu.dma_semaphore, #tpu.memory_space<semaphore_mem>>)
      %dma_wait3A_116 = arith.constant 0 : i32
      %dma_wait3A_117 = tpu.memref_slice %arg11[%mul3A_0, %dma_wait3A_116] : memref<10016x64xf32, #tpu.memory_space<vmem_shared>> -> memref<626x64xf32, #tpu.memory_space<vmem_shared>>
      %dma_wait3A_118 = arith.constant 0 : i32
      %dma_wait3A_119 = tpu.memref_slice %arg2[%arg0, %mul3A_0, %dma_wait3A_118] : memref<2x10016x64xf32, #tpu.memory_space<hbm>> -> memref<1x626x64xf32, #tpu.memory_space<hbm>>
      %dma_wait3A_120 = tpu.memref_squeeze %dma_wait3A_119 : memref<1x626x64xf32, #tpu.memory_space<hbm>> -> memref<626x64xf32, #tpu.memory_space<hbm>>
      tpu.wait_dma2 semaphore(%run_scoped3A_110 : memref<!tpu.dma_semaphore, #tpu.memory_space<semaphore_mem>>) src(%dma_wait3A_120 : memref<626x64xf32, #tpu.memory_space<hbm>>) dst(%dma_wait3A_117 : memref<626x64xf32, #tpu.memory_space<vmem_shared>>)
      tpu.yield
    }) : () -> ()
    %barrier3A = arith.constant 0 : index
    tpu.barrier barrier_id(%barrier3A)
    %run_scoped3A = arith.constant 0 : i32
    "tpu.region"() ({
      %run_scoped3A_110 = tpu.sem_alloc : memref<!tpu.dma_semaphore, #tpu.memory_space<semaphore_mem>>
      %dma_start3A_111 = arith.constant 0 : i32
      %dma_start3A_112 = arith.constant 0 : i32
      %dma_start3A_113 = tpu.memref_slice %arg3[%arg1, %run_scoped3A, %dma_start3A_111, %dma_start3A_112] : memref<16x2x84x120xi32, #tpu.memory_space<hbm>> -> memref<1x1x84x120xi32, #tpu.memory_space<hbm>>
      %dma_start3A_114 = tpu.memref_squeeze %dma_start3A_113 : memref<1x1x84x120xi32, #tpu.memory_space<hbm>> -> memref<84x120xi32, #tpu.memory_space<hbm>>
      %dma_start3A_115 = arith.constant 0 : i32
      %dma_start3A_116 = arith.constant 0 : i32
      %dma_start3A_117 = tpu.memref_slice %arg3[%arg1, %run_scoped3A, %dma_start3A_115, %dma_start3A_116] : memref<16x2x84x120xi32, #tpu.memory_space<hbm>> -> memref<1x1x84x120xi32, #tpu.memory_space<hbm>>
      %dma_start3A_118 = tpu.memref_squeeze %dma_start3A_117 : memref<1x1x84x120xi32, #tpu.memory_space<hbm>> -> memref<84x120xi32, #tpu.memory_space<hbm>>
      tpu.enqueue_dma source(%dma_start3A_118 : memref<84x120xi32, #tpu.memory_space<hbm>>) target(%arg7 : memref<84x120xi32, #tpu.memory_space<vmem>>) target_semaphore(%run_scoped3A_110 : memref<!tpu.dma_semaphore, #tpu.memory_space<semaphore_mem>>)
      %dma_wait3A_119 = arith.constant 0 : i32
      %dma_wait3A_120 = arith.constant 0 : i32
      %dma_wait3A_121 = tpu.memref_slice %arg3[%arg1, %run_scoped3A, %dma_wait3A_119, %dma_wait3A_120] : memref<16x2x84x120xi32, #tpu.memory_space<hbm>> -> memref<1x1x84x120xi32, #tpu.memory_space<hbm>>
      %dma_wait3A_122 = tpu.memref_squeeze %dma_wait3A_121 : memref<1x1x84x120xi32, #tpu.memory_space<hbm>> -> memref<84x120xi32, #tpu.memory_space<hbm>>
      %dma_wait3A_123 = arith.constant 0 : i32
      %dma_wait3A_124 = arith.constant 0 : i32
      %dma_wait3A_125 = tpu.memref_slice %arg3[%arg1, %run_scoped3A, %dma_wait3A_123, %dma_wait3A_124] : memref<16x2x84x120xi32, #tpu.memory_space<hbm>> -> memref<1x1x84x120xi32, #tpu.memory_space<hbm>>
      %dma_wait3A_126 = tpu.memref_squeeze %dma_wait3A_125 : memref<1x1x84x120xi32, #tpu.memory_space<hbm>> -> memref<84x120xi32, #tpu.memory_space<hbm>>
      tpu.wait_dma2 semaphore(%run_scoped3A_110 : memref<!tpu.dma_semaphore, #tpu.memory_space<semaphore_mem>>) src(%dma_wait3A_126 : memref<84x120xi32, #tpu.memory_space<hbm>>) dst(%arg7 : memref<84x120xi32, #tpu.memory_space<vmem>>)
      tpu.yield
    }) : () -> ()
    %run_scoped3A_1 = arith.constant 0 : i32
    "tpu.region"() ({
      %run_scoped3A_110 = tpu.sem_alloc : memref<!tpu.dma_semaphore, #tpu.memory_space<semaphore_mem>>
      %dma_start3A_111 = arith.constant 0 : i32
      %dma_start3A_112 = arith.constant 0 : i32
      %dma_start3A_113 = tpu.memref_slice %arg4[%arg1, %run_scoped3A_1, %dma_start3A_111, %dma_start3A_112] : memref<16x2x84x120xi32, #tpu.memory_space<hbm>> -> memref<1x1x84x120xi32, #tpu.memory_space<hbm>>
      %dma_start3A_114 = tpu.memref_squeeze %dma_start3A_113 : memref<1x1x84x120xi32, #tpu.memory_space<hbm>> -> memref<84x120xi32, #tpu.memory_space<hbm>>
      %dma_start3A_115 = arith.constant 0 : i32
      %dma_start3A_116 = arith.constant 0 : i32
      %dma_start3A_117 = tpu.memref_slice %arg4[%arg1, %run_scoped3A_1, %dma_start3A_115, %dma_start3A_116] : memref<16x2x84x120xi32, #tpu.memory_space<hbm>> -> memref<1x1x84x120xi32, #tpu.memory_space<hbm>>
      %dma_start3A_118 = tpu.memref_squeeze %dma_start3A_117 : memref<1x1x84x120xi32, #tpu.memory_space<hbm>> -> memref<84x120xi32, #tpu.memory_space<hbm>>
      tpu.enqueue_dma source(%dma_start3A_118 : memref<84x120xi32, #tpu.memory_space<hbm>>) target(%arg8 : memref<84x120xi32, #tpu.memory_space<vmem>>) target_semaphore(%run_scoped3A_110 : memref<!tpu.dma_semaphore, #tpu.memory_space<semaphore_mem>>)
      %dma_wait3A_119 = arith.constant 0 : i32
      %dma_wait3A_120 = arith.constant 0 : i32
      %dma_wait3A_121 = tpu.memref_slice %arg4[%arg1, %run_scoped3A_1, %dma_wait3A_119, %dma_wait3A_120] : memref<16x2x84x120xi32, #tpu.memory_space<hbm>> -> memref<1x1x84x120xi32, #tpu.memory_space<hbm>>
      %dma_wait3A_122 = tpu.memref_squeeze %dma_wait3A_121 : memref<1x1x84x120xi32, #tpu.memory_space<hbm>> -> memref<84x120xi32, #tpu.memory_space<hbm>>
      %dma_wait3A_123 = arith.constant 0 : i32
      %dma_wait3A_124 = arith.constant 0 : i32
      %dma_wait3A_125 = tpu.memref_slice %arg4[%arg1, %run_scoped3A_1, %dma_wait3A_123, %dma_wait3A_124] : memref<16x2x84x120xi32, #tpu.memory_space<hbm>> -> memref<1x1x84x120xi32, #tpu.memory_space<hbm>>
      %dma_wait3A_126 = tpu.memref_squeeze %dma_wait3A_125 : memref<1x1x84x120xi32, #tpu.memory_space<hbm>> -> memref<84x120xi32, #tpu.memory_space<hbm>>
      tpu.wait_dma2 semaphore(%run_scoped3A_110 : memref<!tpu.dma_semaphore, #tpu.memory_space<semaphore_mem>>) src(%dma_wait3A_126 : memref<84x120xi32, #tpu.memory_space<hbm>>) dst(%arg8 : memref<84x120xi32, #tpu.memory_space<vmem>>)
      tpu.yield
    }) : () -> ()
    %dma_start3A = arith.constant 0 : i32
    %dma_start3A_2 = arith.constant 0 : i32
    %dma_start3A_3 = arith.constant 0 : i32
    %dma_start3A_4 = arith.constant 0 : i32
    %dma_start3A_5 = tpu.memref_slice %arg9[%dma_start3A_2, %dma_start3A_3, %dma_start3A_4] : memref<4x120x64xf32, #tpu.memory_space<vmem>> -> memref<1x120x64xf32, #tpu.memory_space<vmem>>
    %dma_start3A_6 = tpu.memref_squeeze %dma_start3A_5 : memref<1x120x64xf32, #tpu.memory_space<vmem>> -> memref<120x64xf32, #tpu.memory_space<vmem>>
    %dma_start3A_7 = arith.constant 0 : i32
    %dma_start3A_8 = tpu.memref_slice %arg7[%dma_start3A, %dma_start3A_7] : memref<84x120xi32, #tpu.memory_space<vmem>> -> memref<1x120xi32, #tpu.memory_space<vmem>>
    %dma_start3A_9 = tpu.memref_squeeze %dma_start3A_8 : memref<1x120xi32, #tpu.memory_space<vmem>> -> memref<120xi32, #tpu.memory_space<vmem>>
    %dma_start3A_10 = arith.constant 0 : i32
    %dma_start3A_11 = arith.constant 0 : i32
    %dma_start3A_12 = tpu.memref_slice %arg11[%dma_start3A_10, %dma_start3A_11] : memref<10016x64xf32, #tpu.memory_space<vmem_shared>> -> memref<10016x64xf32, #tpu.memory_space<vmem_shared>>
    tpu.enqueue_indirect_dma source(%dma_start3A_12 : memref<10016x64xf32, #tpu.memory_space<vmem_shared>>) target(%dma_start3A_6 : memref<120x64xf32, #tpu.memory_space<vmem>>) offsets(%dma_start3A_9 : memref<120xi32, #tpu.memory_space<vmem>>) semaphore(%arg12 : memref<!tpu.dma_semaphore, #tpu.memory_space<semaphore_mem>>)
    %dma_start3A_13 = arith.constant 1 : i32
    %dma_start3A_14 = arith.constant 1 : i32
    %dma_start3A_15 = arith.constant 0 : i32
    %dma_start3A_16 = arith.constant 0 : i32
    %dma_start3A_17 = tpu.memref_slice %arg9[%dma_start3A_14, %dma_start3A_15, %dma_start3A_16] : memref<4x120x64xf32, #tpu.memory_space<vmem>> -> memref<1x120x64xf32, #tpu.memory_space<vmem>>
    %dma_start3A_18 = tpu.memref_squeeze %dma_start3A_17 : memref<1x120x64xf32, #tpu.memory_space<vmem>> -> memref<120x64xf32, #tpu.memory_space<vmem>>
    %dma_start3A_19 = arith.constant 0 : i32
    %dma_start3A_20 = tpu.memref_slice %arg7[%dma_start3A_13, %dma_start3A_19] : memref<84x120xi32, #tpu.memory_space<vmem>> -> memref<1x120xi32, #tpu.memory_space<vmem>>
    %dma_start3A_21 = tpu.memref_squeeze %dma_start3A_20 : memref<1x120xi32, #tpu.memory_space<vmem>> -> memref<120xi32, #tpu.memory_space<vmem>>
    %dma_start3A_22 = arith.constant 0 : i32
    %dma_start3A_23 = arith.constant 0 : i32
    %dma_start3A_24 = tpu.memref_slice %arg11[%dma_start3A_22, %dma_start3A_23] : memref<10016x64xf32, #tpu.memory_space<vmem_shared>> -> memref<10016x64xf32, #tpu.memory_space<vmem_shared>>
    tpu.enqueue_indirect_dma source(%dma_start3A_24 : memref<10016x64xf32, #tpu.memory_space<vmem_shared>>) target(%dma_start3A_18 : memref<120x64xf32, #tpu.memory_space<vmem>>) offsets(%dma_start3A_21 : memref<120xi32, #tpu.memory_space<vmem>>) semaphore(%arg12 : memref<!tpu.dma_semaphore, #tpu.memory_space<semaphore_mem>>)
    %scan3A = arith.constant 0 : i32
    %scan3A_25 = arith.constant 0 : i32
    %scan3A_26 = arith.constant 42 : i32
    %scan3A_27 = arith.addi %scan3A_25, %scan3A_26 : i32
    %scan3A_28 = arith.constant 1 : i32
    scf.for %scan3A_110 = %scan3A_25 to %scan3A_27 step %scan3A_28  : i32 {
      %jit3A = arith.constant 2 : i32
      %eq3A = arith.constant 0 : i32
      %eq3A_111 = arith.cmpi eq, %jit3A, %eq3A : i32
      %jit3A_112 = arith.constant 1 : i32
      %select_n3A = arith.select %eq3A_111, %jit3A_112, %jit3A : i32
      %rem3A = arith.remsi %scan3A_110, %select_n3A : i32
      %ne3A = arith.constant 0 : i32
      %ne3A_113 = arith.cmpi ne, %rem3A, %ne3A : i32
      %lt3A = arith.constant 0 : i32
      %lt3A_114 = arith.cmpi slt, %rem3A, %lt3A : i32
      %lt3A_115 = arith.constant 0 : i32
      %lt3A_116 = arith.cmpi slt, %select_n3A, %lt3A_115 : i32
      %ne3A_117 = arith.xori %lt3A_114, %lt3A_116 : i1
      %and3A = arith.andi %ne3A_117, %ne3A_113 : i1
      %add3A = arith.addi %rem3A, %select_n3A : i32
      %select_n3A_118 = arith.select %and3A, %add3A, %rem3A : i32
      %mul3A_119 = arith.constant 2 : i32
      %mul3A_120 = arith.muli %select_n3A_118, %mul3A_119 : i32
      %sub3A = arith.constant 2 : i32
      %sub3A_121 = arith.subi %sub3A, %mul3A_120 : i32
      %ge3A = arith.constant 1 : i32
      %ge3A_122 = arith.cmpi sge, %scan3A_110, %ge3A : i32
      %convert_element_type3A = arith.extui %ge3A_122 : i1 to i32
      %cond3A = arith.constant 0 : i32
      %cond3A_123 = arith.cmpi ne, %convert_element_type3A, %cond3A : i32
      scf.if %cond3A_123 {
        %dma_wait3A_187 = arith.constant 0 : i32
        %dma_wait3A_188 = arith.constant 0 : i32
        %dma_wait3A_189 = arith.constant 0 : i32
        %dma_wait3A_190 = arith.constant 0 : i32
        %dma_wait3A_191 = tpu.memref_slice %arg9[%dma_wait3A_187, %dma_wait3A_189, %dma_wait3A_190] : memref<4x120x64xf32, #tpu.memory_space<vmem>> -> memref<1x120x64xf32, #tpu.memory_space<vmem>>
        %dma_wait3A_192 = tpu.memref_squeeze %dma_wait3A_191 : memref<1x120x64xf32, #tpu.memory_space<vmem>> -> memref<120x64xf32, #tpu.memory_space<vmem>>
        %dma_wait3A_193 = arith.constant 0 : i32
        %dma_wait3A_194 = tpu.memref_slice %arg8[%dma_wait3A_188, %dma_wait3A_193] : memref<84x120xi32, #tpu.memory_space<vmem>> -> memref<1x120xi32, #tpu.memory_space<vmem>>
        %dma_wait3A_195 = tpu.memref_squeeze %dma_wait3A_194 : memref<1x120xi32, #tpu.memory_space<vmem>> -> memref<120xi32, #tpu.memory_space<vmem>>
        %dma_wait3A_196 = arith.constant 0 : i32
        %dma_wait3A_197 = arith.constant 0 : i32
        %dma_wait3A_198 = tpu.memref_slice %arg10[%dma_wait3A_196, %dma_wait3A_197] : memref<10016x64xf32, #tpu.memory_space<vmem_shared>> -> memref<10016x64xf32, #tpu.memory_space<vmem_shared>>
        tpu.wait_indirect_dma semaphore(%arg13 : memref<!tpu.dma_semaphore, #tpu.memory_space<semaphore_mem>>) src(%dma_wait3A_192 : memref<120x64xf32, #tpu.memory_space<vmem>>) dst(%dma_wait3A_198 : memref<10016x64xf32, #tpu.memory_space<vmem_shared>>)
        %dma_wait3A_199 = arith.constant 0 : i32
        %dma_wait3A_200 = arith.constant 0 : i32
        %dma_wait3A_201 = arith.constant 0 : i32
        %dma_wait3A_202 = arith.constant 0 : i32
        %dma_wait3A_203 = tpu.memref_slice %arg9[%dma_wait3A_199, %dma_wait3A_201, %dma_wait3A_202] : memref<4x120x64xf32, #tpu.memory_space<vmem>> -> memref<1x120x64xf32, #tpu.memory_space<vmem>>
        %dma_wait3A_204 = tpu.memref_squeeze %dma_wait3A_203 : memref<1x120x64xf32, #tpu.memory_space<vmem>> -> memref<120x64xf32, #tpu.memory_space<vmem>>
        %dma_wait3A_205 = arith.constant 0 : i32
        %dma_wait3A_206 = tpu.memref_slice %arg8[%dma_wait3A_200, %dma_wait3A_205] : memref<84x120xi32, #tpu.memory_space<vmem>> -> memref<1x120xi32, #tpu.memory_space<vmem>>
        %dma_wait3A_207 = tpu.memref_squeeze %dma_wait3A_206 : memref<1x120xi32, #tpu.memory_space<vmem>> -> memref<120xi32, #tpu.memory_space<vmem>>
        %dma_wait3A_208 = arith.constant 0 : i32
        %dma_wait3A_209 = arith.constant 0 : i32
        %dma_wait3A_210 = tpu.memref_slice %arg10[%dma_wait3A_208, %dma_wait3A_209] : memref<10016x64xf32, #tpu.memory_space<vmem_shared>> -> memref<10016x64xf32, #tpu.memory_space<vmem_shared>>
        tpu.wait_indirect_dma semaphore(%arg13 : memref<!tpu.dma_semaphore, #tpu.memory_space<semaphore_mem>>) src(%dma_wait3A_204 : memref<120x64xf32, #tpu.memory_space<vmem>>) dst(%dma_wait3A_210 : memref<10016x64xf32, #tpu.memory_space<vmem_shared>>)
      } else {
      }
      %add3A_124 = arith.constant 1 : i32
      %add3A_125 = arith.addi %scan3A_110, %add3A_124 : i32
      %lt3A_126 = arith.constant 42 : i32
      %lt3A_127 = arith.cmpi slt, %add3A_125, %lt3A_126 : i32
      %convert_element_type3A_128 = arith.extui %lt3A_127 : i1 to i32
      %cond3A_129 = arith.constant 0 : i32
      %cond3A_130 = arith.cmpi ne, %convert_element_type3A_128, %cond3A_129 : i32
      scf.if %cond3A_130 {
        %add3A_187 = arith.constant 1 : i32
        %add3A_188 = arith.addi %scan3A_110, %add3A_187 : i32
        %mul3A_189 = arith.constant 2 : i32
        %mul3A_190 = arith.muli %add3A_188, %mul3A_189 : i32
        %add3A_191 = arith.constant 0 : i32
        %add3A_192 = arith.addi %mul3A_190, %add3A_191 : i32
        %add3A_193 = arith.constant 0 : i32
        %add3A_194 = arith.addi %sub3A_121, %add3A_193 : i32
        %dma_start3A_195 = arith.constant 0 : i32
        %dma_start3A_196 = arith.constant 0 : i32
        %dma_start3A_197 = tpu.memref_slice %arg9[%add3A_194, %dma_start3A_195, %dma_start3A_196] : memref<4x120x64xf32, #tpu.memory_space<vmem>> -> memref<1x120x64xf32, #tpu.memory_space<vmem>>
        %dma_start3A_198 = tpu.memref_squeeze %dma_start3A_197 : memref<1x120x64xf32, #tpu.memory_space<vmem>> -> memref<120x64xf32, #tpu.memory_space<vmem>>
        %dma_start3A_199 = arith.constant 0 : i32
        %dma_start3A_200 = tpu.memref_slice %arg7[%add3A_192, %dma_start3A_199] : memref<84x120xi32, #tpu.memory_space<vmem>> -> memref<1x120xi32, #tpu.memory_space<vmem>>
        %dma_start3A_201 = tpu.memref_squeeze %dma_start3A_200 : memref<1x120xi32, #tpu.memory_space<vmem>> -> memref<120xi32, #tpu.memory_space<vmem>>
        %dma_start3A_202 = arith.constant 0 : i32
        %dma_start3A_203 = arith.constant 0 : i32
        %dma_start3A_204 = tpu.memref_slice %arg11[%dma_start3A_202, %dma_start3A_203] : memref<10016x64xf32, #tpu.memory_space<vmem_shared>> -> memref<10016x64xf32, #tpu.memory_space<vmem_shared>>
        tpu.enqueue_indirect_dma source(%dma_start3A_204 : memref<10016x64xf32, #tpu.memory_space<vmem_shared>>) target(%dma_start3A_198 : memref<120x64xf32, #tpu.memory_space<vmem>>) offsets(%dma_start3A_201 : memref<120xi32, #tpu.memory_space<vmem>>) semaphore(%arg12 : memref<!tpu.dma_semaphore, #tpu.memory_space<semaphore_mem>>)
        %mul3A_205 = arith.constant 2 : i32
        %mul3A_206 = arith.muli %add3A_188, %mul3A_205 : i32
        %add3A_207 = arith.constant 1 : i32
        %add3A_208 = arith.addi %mul3A_206, %add3A_207 : i32
        %add3A_209 = arith.constant 1 : i32
        %add3A_210 = arith.addi %sub3A_121, %add3A_209 : i32
        %dma_start3A_211 = arith.constant 0 : i32
        %dma_start3A_212 = arith.constant 0 : i32
        %dma_start3A_213 = tpu.memref_slice %arg9[%add3A_210, %dma_start3A_211, %dma_start3A_212] : memref<4x120x64xf32, #tpu.memory_space<vmem>> -> memref<1x120x64xf32, #tpu.memory_space<vmem>>
        %dma_start3A_214 = tpu.memref_squeeze %dma_start3A_213 : memref<1x120x64xf32, #tpu.memory_space<vmem>> -> memref<120x64xf32, #tpu.memory_space<vmem>>
        %dma_start3A_215 = arith.constant 0 : i32
        %dma_start3A_216 = tpu.memref_slice %arg7[%add3A_208, %dma_start3A_215] : memref<84x120xi32, #tpu.memory_space<vmem>> -> memref<1x120xi32, #tpu.memory_space<vmem>>
        %dma_start3A_217 = tpu.memref_squeeze %dma_start3A_216 : memref<1x120xi32, #tpu.memory_space<vmem>> -> memref<120xi32, #tpu.memory_space<vmem>>
        %dma_start3A_218 = arith.constant 0 : i32
        %dma_start3A_219 = arith.constant 0 : i32
        %dma_start3A_220 = tpu.memref_slice %arg11[%dma_start3A_218, %dma_start3A_219] : memref<10016x64xf32, #tpu.memory_space<vmem_shared>> -> memref<10016x64xf32, #tpu.memory_space<vmem_shared>>
        tpu.enqueue_indirect_dma source(%dma_start3A_220 : memref<10016x64xf32, #tpu.memory_space<vmem_shared>>) target(%dma_start3A_214 : memref<120x64xf32, #tpu.memory_space<vmem>>) offsets(%dma_start3A_217 : memref<120xi32, #tpu.memory_space<vmem>>) semaphore(%arg12 : memref<!tpu.dma_semaphore, #tpu.memory_space<semaphore_mem>>)
      } else {
      }
      %dma_wait3A_131 = arith.constant 0 : i32
      %dma_wait3A_132 = arith.constant 0 : i32
      %dma_wait3A_133 = arith.constant 0 : i32
      %dma_wait3A_134 = arith.constant 0 : i32
      %dma_wait3A_135 = tpu.memref_slice %arg9[%dma_wait3A_132, %dma_wait3A_133, %dma_wait3A_134] : memref<4x120x64xf32, #tpu.memory_space<vmem>> -> memref<1x120x64xf32, #tpu.memory_space<vmem>>
      %dma_wait3A_136 = tpu.memref_squeeze %dma_wait3A_135 : memref<1x120x64xf32, #tpu.memory_space<vmem>> -> memref<120x64xf32, #tpu.memory_space<vmem>>
      %dma_wait3A_137 = arith.constant 0 : i32
      %dma_wait3A_138 = tpu.memref_slice %arg7[%dma_wait3A_131, %dma_wait3A_137] : memref<84x120xi32, #tpu.memory_space<vmem>> -> memref<1x120xi32, #tpu.memory_space<vmem>>
      %dma_wait3A_139 = tpu.memref_squeeze %dma_wait3A_138 : memref<1x120xi32, #tpu.memory_space<vmem>> -> memref<120xi32, #tpu.memory_space<vmem>>
      %dma_wait3A_140 = arith.constant 0 : i32
      %dma_wait3A_141 = arith.constant 0 : i32
      %dma_wait3A_142 = tpu.memref_slice %arg11[%dma_wait3A_140, %dma_wait3A_141] : memref<10016x64xf32, #tpu.memory_space<vmem_shared>> -> memref<10016x64xf32, #tpu.memory_space<vmem_shared>>
      tpu.wait_indirect_dma semaphore(%arg12 : memref<!tpu.dma_semaphore, #tpu.memory_space<semaphore_mem>>) src(%dma_wait3A_142 : memref<10016x64xf32, #tpu.memory_space<vmem_shared>>) dst(%dma_wait3A_136 : memref<120x64xf32, #tpu.memory_space<vmem>>)
      %dma_wait3A_143 = arith.constant 0 : i32
      %dma_wait3A_144 = arith.constant 0 : i32
      %dma_wait3A_145 = arith.constant 0 : i32
      %dma_wait3A_146 = arith.constant 0 : i32
      %dma_wait3A_147 = tpu.memref_slice %arg9[%dma_wait3A_144, %dma_wait3A_145, %dma_wait3A_146] : memref<4x120x64xf32, #tpu.memory_space<vmem>> -> memref<1x120x64xf32, #tpu.memory_space<vmem>>
      %dma_wait3A_148 = tpu.memref_squeeze %dma_wait3A_147 : memref<1x120x64xf32, #tpu.memory_space<vmem>> -> memref<120x64xf32, #tpu.memory_space<vmem>>
      %dma_wait3A_149 = arith.constant 0 : i32
      %dma_wait3A_150 = tpu.memref_slice %arg7[%dma_wait3A_143, %dma_wait3A_149] : memref<84x120xi32, #tpu.memory_space<vmem>> -> memref<1x120xi32, #tpu.memory_space<vmem>>
      %dma_wait3A_151 = tpu.memref_squeeze %dma_wait3A_150 : memref<1x120xi32, #tpu.memory_space<vmem>> -> memref<120xi32, #tpu.memory_space<vmem>>
      %dma_wait3A_152 = arith.constant 0 : i32
      %dma_wait3A_153 = arith.constant 0 : i32
      %dma_wait3A_154 = tpu.memref_slice %arg11[%dma_wait3A_152, %dma_wait3A_153] : memref<10016x64xf32, #tpu.memory_space<vmem_shared>> -> memref<10016x64xf32, #tpu.memory_space<vmem_shared>>
      tpu.wait_indirect_dma semaphore(%arg12 : memref<!tpu.dma_semaphore, #tpu.memory_space<semaphore_mem>>) src(%dma_wait3A_154 : memref<10016x64xf32, #tpu.memory_space<vmem_shared>>) dst(%dma_wait3A_148 : memref<120x64xf32, #tpu.memory_space<vmem>>)
      %add3A_155 = arith.constant 0 : i32
      %add3A_156 = arith.addi %mul3A_120, %add3A_155 : i32
      %mul3A_157 = arith.constant 2 : i32
      %mul3A_158 = arith.muli %scan3A_110, %mul3A_157 : i32
      %add3A_159 = arith.constant 0 : i32
      %add3A_160 = arith.addi %mul3A_158, %add3A_159 : i32
      %dma_start3A_161 = arith.constant 0 : i32
      %dma_start3A_162 = arith.constant 0 : i32
      %dma_start3A_163 = tpu.memref_slice %arg9[%add3A_156, %dma_start3A_161, %dma_start3A_162] : memref<4x120x64xf32, #tpu.memory_space<vmem>> -> memref<1x120x64xf32, #tpu.memory_space<vmem>>
      %dma_start3A_164 = tpu.memref_squeeze %dma_start3A_163 : memref<1x120x64xf32, #tpu.memory_space<vmem>> -> memref<120x64xf32, #tpu.memory_space<vmem>>
      %dma_start3A_165 = arith.constant 0 : i32
      %dma_start3A_166 = tpu.memref_slice %arg8[%add3A_160, %dma_start3A_165] : memref<84x120xi32, #tpu.memory_space<vmem>> -> memref<1x120xi32, #tpu.memory_space<vmem>>
      %dma_start3A_167 = tpu.memref_squeeze %dma_start3A_166 : memref<1x120xi32, #tpu.memory_space<vmem>> -> memref<120xi32, #tpu.memory_space<vmem>>
      %dma_start3A_168 = arith.constant 0 : i32
      %dma_start3A_169 = arith.constant 0 : i32
      %dma_start3A_170 = tpu.memref_slice %arg10[%dma_start3A_168, %dma_start3A_169] : memref<10016x64xf32, #tpu.memory_space<vmem_shared>> -> memref<10016x64xf32, #tpu.memory_space<vmem_shared>>
      tpu.enqueue_indirect_dma source(%dma_start3A_164 : memref<120x64xf32, #tpu.memory_space<vmem>>) target(%dma_start3A_170 : memref<10016x64xf32, #tpu.memory_space<vmem_shared>>) offsets(%dma_start3A_167 : memref<120xi32, #tpu.memory_space<vmem>>) semaphore(%arg13 : memref<!tpu.dma_semaphore, #tpu.memory_space<semaphore_mem>>) {add = true}
      %add3A_171 = arith.constant 1 : i32
      %add3A_172 = arith.addi %mul3A_120, %add3A_171 : i32
      %mul3A_173 = arith.constant 2 : i32
      %mul3A_174 = arith.muli %scan3A_110, %mul3A_173 : i32
      %add3A_175 = arith.constant 1 : i32
      %add3A_176 = arith.addi %mul3A_174, %add3A_175 : i32
      %dma_start3A_177 = arith.constant 0 : i32
      %dma_start3A_178 = arith.constant 0 : i32
      %dma_start3A_179 = tpu.memref_slice %arg9[%add3A_172, %dma_start3A_177, %dma_start3A_178] : memref<4x120x64xf32, #tpu.memory_space<vmem>> -> memref<1x120x64xf32, #tpu.memory_space<vmem>>
      %dma_start3A_180 = tpu.memref_squeeze %dma_start3A_179 : memref<1x120x64xf32, #tpu.memory_space<vmem>> -> memref<120x64xf32, #tpu.memory_space<vmem>>
      %dma_start3A_181 = arith.constant 0 : i32
      %dma_start3A_182 = tpu.memref_slice %arg8[%add3A_176, %dma_start3A_181] : memref<84x120xi32, #tpu.memory_space<vmem>> -> memref<1x120xi32, #tpu.memory_space<vmem>>
      %dma_start3A_183 = tpu.memref_squeeze %dma_start3A_182 : memref<1x120xi32, #tpu.memory_space<vmem>> -> memref<120xi32, #tpu.memory_space<vmem>>
      %dma_start3A_184 = arith.constant 0 : i32
      %dma_start3A_185 = arith.constant 0 : i32
      %dma_start3A_186 = tpu.memref_slice %arg10[%dma_start3A_184, %dma_start3A_185] : memref<10016x64xf32, #tpu.memory_space<vmem_shared>> -> memref<10016x64xf32, #tpu.memory_space<vmem_shared>>
      tpu.enqueue_indirect_dma source(%dma_start3A_180 : memref<120x64xf32, #tpu.memory_space<vmem>>) target(%dma_start3A_186 : memref<10016x64xf32, #tpu.memory_space<vmem_shared>>) offsets(%dma_start3A_183 : memref<120xi32, #tpu.memory_space<vmem>>) semaphore(%arg13 : memref<!tpu.dma_semaphore, #tpu.memory_space<semaphore_mem>>) {add = true}
    }
    %scan3A_29 = arith.constant 42 : i32
    %dma_wait3A = arith.constant 0 : i32
    %dma_wait3A_30 = arith.constant 0 : i32
    %dma_wait3A_31 = arith.constant 0 : i32
    %dma_wait3A_32 = arith.constant 0 : i32
    %dma_wait3A_33 = tpu.memref_slice %arg9[%dma_wait3A, %dma_wait3A_31, %dma_wait3A_32] : memref<4x120x64xf32, #tpu.memory_space<vmem>> -> memref<1x120x64xf32, #tpu.memory_space<vmem>>
    %dma_wait3A_34 = tpu.memref_squeeze %dma_wait3A_33 : memref<1x120x64xf32, #tpu.memory_space<vmem>> -> memref<120x64xf32, #tpu.memory_space<vmem>>
    %dma_wait3A_35 = arith.constant 0 : i32
    %dma_wait3A_36 = tpu.memref_slice %arg8[%dma_wait3A_30, %dma_wait3A_35] : memref<84x120xi32, #tpu.memory_space<vmem>> -> memref<1x120xi32, #tpu.memory_space<vmem>>
    %dma_wait3A_37 = tpu.memref_squeeze %dma_wait3A_36 : memref<1x120xi32, #tpu.memory_space<vmem>> -> memref<120xi32, #tpu.memory_space<vmem>>
    %dma_wait3A_38 = arith.constant 0 : i32
    %dma_wait3A_39 = arith.constant 0 : i32
    %dma_wait3A_40 = tpu.memref_slice %arg10[%dma_wait3A_38, %dma_wait3A_39] : memref<10016x64xf32, #tpu.memory_space<vmem_shared>> -> memref<10016x64xf32, #tpu.memory_space<vmem_shared>>
    tpu.wait_indirect_dma semaphore(%arg13 : memref<!tpu.dma_semaphore, #tpu.memory_space<semaphore_mem>>) src(%dma_wait3A_34 : memref<120x64xf32, #tpu.memory_space<vmem>>) dst(%dma_wait3A_40 : memref<10016x64xf32, #tpu.memory_space<vmem_shared>>)
    %dma_wait3A_41 = arith.constant 0 : i32
    %dma_wait3A_42 = arith.constant 0 : i32
    %dma_wait3A_43 = arith.constant 0 : i32
    %dma_wait3A_44 = arith.constant 0 : i32
    %dma_wait3A_45 = tpu.memref_slice %arg9[%dma_wait3A_41, %dma_wait3A_43, %dma_wait3A_44] : memref<4x120x64xf32, #tpu.memory_space<vmem>> -> memref<1x120x64xf32, #tpu.memory_space<vmem>>
    %dma_wait3A_46 = tpu.memref_squeeze %dma_wait3A_45 : memref<1x120x64xf32, #tpu.memory_space<vmem>> -> memref<120x64xf32, #tpu.memory_space<vmem>>
    %dma_wait3A_47 = arith.constant 0 : i32
    %dma_wait3A_48 = tpu.memref_slice %arg8[%dma_wait3A_42, %dma_wait3A_47] : memref<84x120xi32, #tpu.memory_space<vmem>> -> memref<1x120xi32, #tpu.memory_space<vmem>>
    %dma_wait3A_49 = tpu.memref_squeeze %dma_wait3A_48 : memref<1x120xi32, #tpu.memory_space<vmem>> -> memref<120xi32, #tpu.memory_space<vmem>>
    %dma_wait3A_50 = arith.constant 0 : i32
    %dma_wait3A_51 = arith.constant 0 : i32
    %dma_wait3A_52 = tpu.memref_slice %arg10[%dma_wait3A_50, %dma_wait3A_51] : memref<10016x64xf32, #tpu.memory_space<vmem_shared>> -> memref<10016x64xf32, #tpu.memory_space<vmem_shared>>
    tpu.wait_indirect_dma semaphore(%arg13 : memref<!tpu.dma_semaphore, #tpu.memory_space<semaphore_mem>>) src(%dma_wait3A_46 : memref<120x64xf32, #tpu.memory_space<vmem>>) dst(%dma_wait3A_52 : memref<10016x64xf32, #tpu.memory_space<vmem_shared>>)
    %run_scoped3A_53 = arith.constant 1 : i32
    "tpu.region"() ({
      %run_scoped3A_110 = tpu.sem_alloc : memref<!tpu.dma_semaphore, #tpu.memory_space<semaphore_mem>>
      %dma_start3A_111 = arith.constant 0 : i32
      %dma_start3A_112 = arith.constant 0 : i32
      %dma_start3A_113 = tpu.memref_slice %arg3[%arg1, %run_scoped3A_53, %dma_start3A_111, %dma_start3A_112] : memref<16x2x84x120xi32, #tpu.memory_space<hbm>> -> memref<1x1x84x120xi32, #tpu.memory_space<hbm>>
      %dma_start3A_114 = tpu.memref_squeeze %dma_start3A_113 : memref<1x1x84x120xi32, #tpu.memory_space<hbm>> -> memref<84x120xi32, #tpu.memory_space<hbm>>
      %dma_start3A_115 = arith.constant 0 : i32
      %dma_start3A_116 = arith.constant 0 : i32
      %dma_start3A_117 = tpu.memref_slice %arg3[%arg1, %run_scoped3A_53, %dma_start3A_115, %dma_start3A_116] : memref<16x2x84x120xi32, #tpu.memory_space<hbm>> -> memref<1x1x84x120xi32, #tpu.memory_space<hbm>>
      %dma_start3A_118 = tpu.memref_squeeze %dma_start3A_117 : memref<1x1x84x120xi32, #tpu.memory_space<hbm>> -> memref<84x120xi32, #tpu.memory_space<hbm>>
      tpu.enqueue_dma source(%dma_start3A_118 : memref<84x120xi32, #tpu.memory_space<hbm>>) target(%arg7 : memref<84x120xi32, #tpu.memory_space<vmem>>) target_semaphore(%run_scoped3A_110 : memref<!tpu.dma_semaphore, #tpu.memory_space<semaphore_mem>>)
      %dma_wait3A_119 = arith.constant 0 : i32
      %dma_wait3A_120 = arith.constant 0 : i32
      %dma_wait3A_121 = tpu.memref_slice %arg3[%arg1, %run_scoped3A_53, %dma_wait3A_119, %dma_wait3A_120] : memref<16x2x84x120xi32, #tpu.memory_space<hbm>> -> memref<1x1x84x120xi32, #tpu.memory_space<hbm>>
      %dma_wait3A_122 = tpu.memref_squeeze %dma_wait3A_121 : memref<1x1x84x120xi32, #tpu.memory_space<hbm>> -> memref<84x120xi32, #tpu.memory_space<hbm>>
      %dma_wait3A_123 = arith.constant 0 : i32
      %dma_wait3A_124 = arith.constant 0 : i32
      %dma_wait3A_125 = tpu.memref_slice %arg3[%arg1, %run_scoped3A_53, %dma_wait3A_123, %dma_wait3A_124] : memref<16x2x84x120xi32, #tpu.memory_space<hbm>> -> memref<1x1x84x120xi32, #tpu.memory_space<hbm>>
      %dma_wait3A_126 = tpu.memref_squeeze %dma_wait3A_125 : memref<1x1x84x120xi32, #tpu.memory_space<hbm>> -> memref<84x120xi32, #tpu.memory_space<hbm>>
      tpu.wait_dma2 semaphore(%run_scoped3A_110 : memref<!tpu.dma_semaphore, #tpu.memory_space<semaphore_mem>>) src(%dma_wait3A_126 : memref<84x120xi32, #tpu.memory_space<hbm>>) dst(%arg7 : memref<84x120xi32, #tpu.memory_space<vmem>>)
      tpu.yield
    }) : () -> ()
    %run_scoped3A_54 = arith.constant 1 : i32
    "tpu.region"() ({
      %run_scoped3A_110 = tpu.sem_alloc : memref<!tpu.dma_semaphore, #tpu.memory_space<semaphore_mem>>
      %dma_start3A_111 = arith.constant 0 : i32
      %dma_start3A_112 = arith.constant 0 : i32
      %dma_start3A_113 = tpu.memref_slice %arg4[%arg1, %run_scoped3A_54, %dma_start3A_111, %dma_start3A_112] : memref<16x2x84x120xi32, #tpu.memory_space<hbm>> -> memref<1x1x84x120xi32, #tpu.memory_space<hbm>>
      %dma_start3A_114 = tpu.memref_squeeze %dma_start3A_113 : memref<1x1x84x120xi32, #tpu.memory_space<hbm>> -> memref<84x120xi32, #tpu.memory_space<hbm>>
      %dma_start3A_115 = arith.constant 0 : i32
      %dma_start3A_116 = arith.constant 0 : i32
      %dma_start3A_117 = tpu.memref_slice %arg4[%arg1, %run_scoped3A_54, %dma_start3A_115, %dma_start3A_116] : memref<16x2x84x120xi32, #tpu.memory_space<hbm>> -> memref<1x1x84x120xi32, #tpu.memory_space<hbm>>
      %dma_start3A_118 = tpu.memref_squeeze %dma_start3A_117 : memref<1x1x84x120xi32, #tpu.memory_space<hbm>> -> memref<84x120xi32, #tpu.memory_space<hbm>>
      tpu.enqueue_dma source(%dma_start3A_118 : memref<84x120xi32, #tpu.memory_space<hbm>>) target(%arg8 : memref<84x120xi32, #tpu.memory_space<vmem>>) target_semaphore(%run_scoped3A_110 : memref<!tpu.dma_semaphore, #tpu.memory_space<semaphore_mem>>)
      %dma_wait3A_119 = arith.constant 0 : i32
      %dma_wait3A_120 = arith.constant 0 : i32
      %dma_wait3A_121 = tpu.memref_slice %arg4[%arg1, %run_scoped3A_54, %dma_wait3A_119, %dma_wait3A_120] : memref<16x2x84x120xi32, #tpu.memory_space<hbm>> -> memref<1x1x84x120xi32, #tpu.memory_space<hbm>>
      %dma_wait3A_122 = tpu.memref_squeeze %dma_wait3A_121 : memref<1x1x84x120xi32, #tpu.memory_space<hbm>> -> memref<84x120xi32, #tpu.memory_space<hbm>>
      %dma_wait3A_123 = arith.constant 0 : i32
      %dma_wait3A_124 = arith.constant 0 : i32
      %dma_wait3A_125 = tpu.memref_slice %arg4[%arg1, %run_scoped3A_54, %dma_wait3A_123, %dma_wait3A_124] : memref<16x2x84x120xi32, #tpu.memory_space<hbm>> -> memref<1x1x84x120xi32, #tpu.memory_space<hbm>>
      %dma_wait3A_126 = tpu.memref_squeeze %dma_wait3A_125 : memref<1x1x84x120xi32, #tpu.memory_space<hbm>> -> memref<84x120xi32, #tpu.memory_space<hbm>>
      tpu.wait_dma2 semaphore(%run_scoped3A_110 : memref<!tpu.dma_semaphore, #tpu.memory_space<semaphore_mem>>) src(%dma_wait3A_126 : memref<84x120xi32, #tpu.memory_space<hbm>>) dst(%arg8 : memref<84x120xi32, #tpu.memory_space<vmem>>)
      tpu.yield
    }) : () -> ()
    %dma_start3A_55 = arith.constant 0 : i32
    %dma_start3A_56 = arith.constant 0 : i32
    %dma_start3A_57 = arith.constant 0 : i32
    %dma_start3A_58 = arith.constant 0 : i32
    %dma_start3A_59 = tpu.memref_slice %arg9[%dma_start3A_56, %dma_start3A_57, %dma_start3A_58] : memref<4x120x64xf32, #tpu.memory_space<vmem>> -> memref<1x120x64xf32, #tpu.memory_space<vmem>>
    %dma_start3A_60 = tpu.memref_squeeze %dma_start3A_59 : memref<1x120x64xf32, #tpu.memory_space<vmem>> -> memref<120x64xf32, #tpu.memory_space<vmem>>
    %dma_start3A_61 = arith.constant 0 : i32
    %dma_start3A_62 = tpu.memref_slice %arg7[%dma_start3A_55, %dma_start3A_61] : memref<84x120xi32, #tpu.memory_space<vmem>> -> memref<1x120xi32, #tpu.memory_space<vmem>>
    %dma_start3A_63 = tpu.memref_squeeze %dma_start3A_62 : memref<1x120xi32, #tpu.memory_space<vmem>> -> memref<120xi32, #tpu.memory_space<vmem>>
    %dma_start3A_64 = arith.constant 0 : i32
    %dma_start3A_65 = arith.constant 0 : i32
    %dma_start3A_66 = tpu.memref_slice %arg11[%dma_start3A_64, %dma_start3A_65] : memref<10016x64xf32, #tpu.memory_space<vmem_shared>> -> memref<10016x64xf32, #tpu.memory_space<vmem_shared>>
    tpu.enqueue_indirect_dma source(%dma_start3A_66 : memref<10016x64xf32, #tpu.memory_space<vmem_shared>>) target(%dma_start3A_60 : memref<120x64xf32, #tpu.memory_space<vmem>>) offsets(%dma_start3A_63 : memref<120xi32, #tpu.memory_space<vmem>>) semaphore(%arg12 : memref<!tpu.dma_semaphore, #tpu.memory_space<semaphore_mem>>)
    %dma_start3A_67 = arith.constant 1 : i32
    %dma_start3A_68 = arith.constant 1 : i32
    %dma_start3A_69 = arith.constant 0 : i32
    %dma_start3A_70 = arith.constant 0 : i32
    %dma_start3A_71 = tpu.memref_slice %arg9[%dma_start3A_68, %dma_start3A_69, %dma_start3A_70] : memref<4x120x64xf32, #tpu.memory_space<vmem>> -> memref<1x120x64xf32, #tpu.memory_space<vmem>>
    %dma_start3A_72 = tpu.memref_squeeze %dma_start3A_71 : memref<1x120x64xf32, #tpu.memory_space<vmem>> -> memref<120x64xf32, #tpu.memory_space<vmem>>
    %dma_start3A_73 = arith.constant 0 : i32
    %dma_start3A_74 = tpu.memref_slice %arg7[%dma_start3A_67, %dma_start3A_73] : memref<84x120xi32, #tpu.memory_space<vmem>> -> memref<1x120xi32, #tpu.memory_space<vmem>>
    %dma_start3A_75 = tpu.memref_squeeze %dma_start3A_74 : memref<1x120xi32, #tpu.memory_space<vmem>> -> memref<120xi32, #tpu.memory_space<vmem>>
    %dma_start3A_76 = arith.constant 0 : i32
    %dma_start3A_77 = arith.constant 0 : i32
    %dma_start3A_78 = tpu.memref_slice %arg11[%dma_start3A_76, %dma_start3A_77] : memref<10016x64xf32, #tpu.memory_space<vmem_shared>> -> memref<10016x64xf32, #tpu.memory_space<vmem_shared>>
    tpu.enqueue_indirect_dma source(%dma_start3A_78 : memref<10016x64xf32, #tpu.memory_space<vmem_shared>>) target(%dma_start3A_72 : memref<120x64xf32, #tpu.memory_space<vmem>>) offsets(%dma_start3A_75 : memref<120xi32, #tpu.memory_space<vmem>>) semaphore(%arg12 : memref<!tpu.dma_semaphore, #tpu.memory_space<semaphore_mem>>)
    %scan3A_79 = arith.constant 0 : i32
    %scan3A_80 = arith.constant 0 : i32
    %scan3A_81 = arith.constant 42 : i32
    %scan3A_82 = arith.addi %scan3A_80, %scan3A_81 : i32
    %scan3A_83 = arith.constant 1 : i32
    scf.for %scan3A_110 = %scan3A_80 to %scan3A_82 step %scan3A_83  : i32 {
      %jit3A = arith.constant 2 : i32
      %eq3A = arith.constant 0 : i32
      %eq3A_111 = arith.cmpi eq, %jit3A, %eq3A : i32
      %jit3A_112 = arith.constant 1 : i32
      %select_n3A = arith.select %eq3A_111, %jit3A_112, %jit3A : i32
      %rem3A = arith.remsi %scan3A_110, %select_n3A : i32
      %ne3A = arith.constant 0 : i32
      %ne3A_113 = arith.cmpi ne, %rem3A, %ne3A : i32
      %lt3A = arith.constant 0 : i32
      %lt3A_114 = arith.cmpi slt, %rem3A, %lt3A : i32
      %lt3A_115 = arith.constant 0 : i32
      %lt3A_116 = arith.cmpi slt, %select_n3A, %lt3A_115 : i32
      %ne3A_117 = arith.xori %lt3A_114, %lt3A_116 : i1
      %and3A = arith.andi %ne3A_117, %ne3A_113 : i1
      %add3A = arith.addi %rem3A, %select_n3A : i32
      %select_n3A_118 = arith.select %and3A, %add3A, %rem3A : i32
      %mul3A_119 = arith.constant 2 : i32
      %mul3A_120 = arith.muli %select_n3A_118, %mul3A_119 : i32
      %sub3A = arith.constant 2 : i32
      %sub3A_121 = arith.subi %sub3A, %mul3A_120 : i32
      %ge3A = arith.constant 1 : i32
      %ge3A_122 = arith.cmpi sge, %scan3A_110, %ge3A : i32
      %convert_element_type3A = arith.extui %ge3A_122 : i1 to i32
      %cond3A = arith.constant 0 : i32
      %cond3A_123 = arith.cmpi ne, %convert_element_type3A, %cond3A : i32
      scf.if %cond3A_123 {
        %dma_wait3A_187 = arith.constant 0 : i32
        %dma_wait3A_188 = arith.constant 0 : i32
        %dma_wait3A_189 = arith.constant 0 : i32
        %dma_wait3A_190 = arith.constant 0 : i32
        %dma_wait3A_191 = tpu.memref_slice %arg9[%dma_wait3A_187, %dma_wait3A_189, %dma_wait3A_190] : memref<4x120x64xf32, #tpu.memory_space<vmem>> -> memref<1x120x64xf32, #tpu.memory_space<vmem>>
        %dma_wait3A_192 = tpu.memref_squeeze %dma_wait3A_191 : memref<1x120x64xf32, #tpu.memory_space<vmem>> -> memref<120x64xf32, #tpu.memory_space<vmem>>
        %dma_wait3A_193 = arith.constant 0 : i32
        %dma_wait3A_194 = tpu.memref_slice %arg8[%dma_wait3A_188, %dma_wait3A_193] : memref<84x120xi32, #tpu.memory_space<vmem>> -> memref<1x120xi32, #tpu.memory_space<vmem>>
        %dma_wait3A_195 = tpu.memref_squeeze %dma_wait3A_194 : memref<1x120xi32, #tpu.memory_space<vmem>> -> memref<120xi32, #tpu.memory_space<vmem>>
        %dma_wait3A_196 = arith.constant 0 : i32
        %dma_wait3A_197 = arith.constant 0 : i32
        %dma_wait3A_198 = tpu.memref_slice %arg10[%dma_wait3A_196, %dma_wait3A_197] : memref<10016x64xf32, #tpu.memory_space<vmem_shared>> -> memref<10016x64xf32, #tpu.memory_space<vmem_shared>>
        tpu.wait_indirect_dma semaphore(%arg13 : memref<!tpu.dma_semaphore, #tpu.memory_space<semaphore_mem>>) src(%dma_wait3A_192 : memref<120x64xf32, #tpu.memory_space<vmem>>) dst(%dma_wait3A_198 : memref<10016x64xf32, #tpu.memory_space<vmem_shared>>)
        %dma_wait3A_199 = arith.constant 0 : i32
        %dma_wait3A_200 = arith.constant 0 : i32
        %dma_wait3A_201 = arith.constant 0 : i32
        %dma_wait3A_202 = arith.constant 0 : i32
        %dma_wait3A_203 = tpu.memref_slice %arg9[%dma_wait3A_199, %dma_wait3A_201, %dma_wait3A_202] : memref<4x120x64xf32, #tpu.memory_space<vmem>> -> memref<1x120x64xf32, #tpu.memory_space<vmem>>
        %dma_wait3A_204 = tpu.memref_squeeze %dma_wait3A_203 : memref<1x120x64xf32, #tpu.memory_space<vmem>> -> memref<120x64xf32, #tpu.memory_space<vmem>>
        %dma_wait3A_205 = arith.constant 0 : i32
        %dma_wait3A_206 = tpu.memref_slice %arg8[%dma_wait3A_200, %dma_wait3A_205] : memref<84x120xi32, #tpu.memory_space<vmem>> -> memref<1x120xi32, #tpu.memory_space<vmem>>
        %dma_wait3A_207 = tpu.memref_squeeze %dma_wait3A_206 : memref<1x120xi32, #tpu.memory_space<vmem>> -> memref<120xi32, #tpu.memory_space<vmem>>
        %dma_wait3A_208 = arith.constant 0 : i32
        %dma_wait3A_209 = arith.constant 0 : i32
        %dma_wait3A_210 = tpu.memref_slice %arg10[%dma_wait3A_208, %dma_wait3A_209] : memref<10016x64xf32, #tpu.memory_space<vmem_shared>> -> memref<10016x64xf32, #tpu.memory_space<vmem_shared>>
        tpu.wait_indirect_dma semaphore(%arg13 : memref<!tpu.dma_semaphore, #tpu.memory_space<semaphore_mem>>) src(%dma_wait3A_204 : memref<120x64xf32, #tpu.memory_space<vmem>>) dst(%dma_wait3A_210 : memref<10016x64xf32, #tpu.memory_space<vmem_shared>>)
      } else {
      }
      %add3A_124 = arith.constant 1 : i32
      %add3A_125 = arith.addi %scan3A_110, %add3A_124 : i32
      %lt3A_126 = arith.constant 42 : i32
      %lt3A_127 = arith.cmpi slt, %add3A_125, %lt3A_126 : i32
      %convert_element_type3A_128 = arith.extui %lt3A_127 : i1 to i32
      %cond3A_129 = arith.constant 0 : i32
      %cond3A_130 = arith.cmpi ne, %convert_element_type3A_128, %cond3A_129 : i32
      scf.if %cond3A_130 {
        %add3A_187 = arith.constant 1 : i32
        %add3A_188 = arith.addi %scan3A_110, %add3A_187 : i32
        %mul3A_189 = arith.constant 2 : i32
        %mul3A_190 = arith.muli %add3A_188, %mul3A_189 : i32
        %add3A_191 = arith.constant 0 : i32
        %add3A_192 = arith.addi %mul3A_190, %add3A_191 : i32
        %add3A_193 = arith.constant 0 : i32
        %add3A_194 = arith.addi %sub3A_121, %add3A_193 : i32
        %dma_start3A_195 = arith.constant 0 : i32
        %dma_start3A_196 = arith.constant 0 : i32
        %dma_start3A_197 = tpu.memref_slice %arg9[%add3A_194, %dma_start3A_195, %dma_start3A_196] : memref<4x120x64xf32, #tpu.memory_space<vmem>> -> memref<1x120x64xf32, #tpu.memory_space<vmem>>
        %dma_start3A_198 = tpu.memref_squeeze %dma_start3A_197 : memref<1x120x64xf32, #tpu.memory_space<vmem>> -> memref<120x64xf32, #tpu.memory_space<vmem>>
        %dma_start3A_199 = arith.constant 0 : i32
        %dma_start3A_200 = tpu.memref_slice %arg7[%add3A_192, %dma_start3A_199] : memref<84x120xi32, #tpu.memory_space<vmem>> -> memref<1x120xi32, #tpu.memory_space<vmem>>
        %dma_start3A_201 = tpu.memref_squeeze %dma_start3A_200 : memref<1x120xi32, #tpu.memory_space<vmem>> -> memref<120xi32, #tpu.memory_space<vmem>>
        %dma_start3A_202 = arith.constant 0 : i32
        %dma_start3A_203 = arith.constant 0 : i32
        %dma_start3A_204 = tpu.memref_slice %arg11[%dma_start3A_202, %dma_start3A_203] : memref<10016x64xf32, #tpu.memory_space<vmem_shared>> -> memref<10016x64xf32, #tpu.memory_space<vmem_shared>>
        tpu.enqueue_indirect_dma source(%dma_start3A_204 : memref<10016x64xf32, #tpu.memory_space<vmem_shared>>) target(%dma_start3A_198 : memref<120x64xf32, #tpu.memory_space<vmem>>) offsets(%dma_start3A_201 : memref<120xi32, #tpu.memory_space<vmem>>) semaphore(%arg12 : memref<!tpu.dma_semaphore, #tpu.memory_space<semaphore_mem>>)
        %mul3A_205 = arith.constant 2 : i32
        %mul3A_206 = arith.muli %add3A_188, %mul3A_205 : i32
        %add3A_207 = arith.constant 1 : i32
        %add3A_208 = arith.addi %mul3A_206, %add3A_207 : i32
        %add3A_209 = arith.constant 1 : i32
        %add3A_210 = arith.addi %sub3A_121, %add3A_209 : i32
        %dma_start3A_211 = arith.constant 0 : i32
        %dma_start3A_212 = arith.constant 0 : i32
        %dma_start3A_213 = tpu.memref_slice %arg9[%add3A_210, %dma_start3A_211, %dma_start3A_212] : memref<4x120x64xf32, #tpu.memory_space<vmem>> -> memref<1x120x64xf32, #tpu.memory_space<vmem>>
        %dma_start3A_214 = tpu.memref_squeeze %dma_start3A_213 : memref<1x120x64xf32, #tpu.memory_space<vmem>> -> memref<120x64xf32, #tpu.memory_space<vmem>>
        %dma_start3A_215 = arith.constant 0 : i32
        %dma_start3A_216 = tpu.memref_slice %arg7[%add3A_208, %dma_start3A_215] : memref<84x120xi32, #tpu.memory_space<vmem>> -> memref<1x120xi32, #tpu.memory_space<vmem>>
        %dma_start3A_217 = tpu.memref_squeeze %dma_start3A_216 : memref<1x120xi32, #tpu.memory_space<vmem>> -> memref<120xi32, #tpu.memory_space<vmem>>
        %dma_start3A_218 = arith.constant 0 : i32
        %dma_start3A_219 = arith.constant 0 : i32
        %dma_start3A_220 = tpu.memref_slice %arg11[%dma_start3A_218, %dma_start3A_219] : memref<10016x64xf32, #tpu.memory_space<vmem_shared>> -> memref<10016x64xf32, #tpu.memory_space<vmem_shared>>
        tpu.enqueue_indirect_dma source(%dma_start3A_220 : memref<10016x64xf32, #tpu.memory_space<vmem_shared>>) target(%dma_start3A_214 : memref<120x64xf32, #tpu.memory_space<vmem>>) offsets(%dma_start3A_217 : memref<120xi32, #tpu.memory_space<vmem>>) semaphore(%arg12 : memref<!tpu.dma_semaphore, #tpu.memory_space<semaphore_mem>>)
      } else {
      }
      %dma_wait3A_131 = arith.constant 0 : i32
      %dma_wait3A_132 = arith.constant 0 : i32
      %dma_wait3A_133 = arith.constant 0 : i32
      %dma_wait3A_134 = arith.constant 0 : i32
      %dma_wait3A_135 = tpu.memref_slice %arg9[%dma_wait3A_132, %dma_wait3A_133, %dma_wait3A_134] : memref<4x120x64xf32, #tpu.memory_space<vmem>> -> memref<1x120x64xf32, #tpu.memory_space<vmem>>
      %dma_wait3A_136 = tpu.memref_squeeze %dma_wait3A_135 : memref<1x120x64xf32, #tpu.memory_space<vmem>> -> memref<120x64xf32, #tpu.memory_space<vmem>>
      %dma_wait3A_137 = arith.constant 0 : i32
      %dma_wait3A_138 = tpu.memref_slice %arg7[%dma_wait3A_131, %dma_wait3A_137] : memref<84x120xi32, #tpu.memory_space<vmem>> -> memref<1x120xi32, #tpu.memory_space<vmem>>
      %dma_wait3A_139 = tpu.memref_squeeze %dma_wait3A_138 : memref<1x120xi32, #tpu.memory_space<vmem>> -> memref<120xi32, #tpu.memory_space<vmem>>
      %dma_wait3A_140 = arith.constant 0 : i32
      %dma_wait3A_141 = arith.constant 0 : i32
      %dma_wait3A_142 = tpu.memref_slice %arg11[%dma_wait3A_140, %dma_wait3A_141] : memref<10016x64xf32, #tpu.memory_space<vmem_shared>> -> memref<10016x64xf32, #tpu.memory_space<vmem_shared>>
      tpu.wait_indirect_dma semaphore(%arg12 : memref<!tpu.dma_semaphore, #tpu.memory_space<semaphore_mem>>) src(%dma_wait3A_142 : memref<10016x64xf32, #tpu.memory_space<vmem_shared>>) dst(%dma_wait3A_136 : memref<120x64xf32, #tpu.memory_space<vmem>>)
      %dma_wait3A_143 = arith.constant 0 : i32
      %dma_wait3A_144 = arith.constant 0 : i32
      %dma_wait3A_145 = arith.constant 0 : i32
      %dma_wait3A_146 = arith.constant 0 : i32
      %dma_wait3A_147 = tpu.memref_slice %arg9[%dma_wait3A_144, %dma_wait3A_145, %dma_wait3A_146] : memref<4x120x64xf32, #tpu.memory_space<vmem>> -> memref<1x120x64xf32, #tpu.memory_space<vmem>>
      %dma_wait3A_148 = tpu.memref_squeeze %dma_wait3A_147 : memref<1x120x64xf32, #tpu.memory_space<vmem>> -> memref<120x64xf32, #tpu.memory_space<vmem>>
      %dma_wait3A_149 = arith.constant 0 : i32
      %dma_wait3A_150 = tpu.memref_slice %arg7[%dma_wait3A_143, %dma_wait3A_149] : memref<84x120xi32, #tpu.memory_space<vmem>> -> memref<1x120xi32, #tpu.memory_space<vmem>>
      %dma_wait3A_151 = tpu.memref_squeeze %dma_wait3A_150 : memref<1x120xi32, #tpu.memory_space<vmem>> -> memref<120xi32, #tpu.memory_space<vmem>>
      %dma_wait3A_152 = arith.constant 0 : i32
      %dma_wait3A_153 = arith.constant 0 : i32
      %dma_wait3A_154 = tpu.memref_slice %arg11[%dma_wait3A_152, %dma_wait3A_153] : memref<10016x64xf32, #tpu.memory_space<vmem_shared>> -> memref<10016x64xf32, #tpu.memory_space<vmem_shared>>
      tpu.wait_indirect_dma semaphore(%arg12 : memref<!tpu.dma_semaphore, #tpu.memory_space<semaphore_mem>>) src(%dma_wait3A_154 : memref<10016x64xf32, #tpu.memory_space<vmem_shared>>) dst(%dma_wait3A_148 : memref<120x64xf32, #tpu.memory_space<vmem>>)
      %add3A_155 = arith.constant 0 : i32
      %add3A_156 = arith.addi %mul3A_120, %add3A_155 : i32
      %mul3A_157 = arith.constant 2 : i32
      %mul3A_158 = arith.muli %scan3A_110, %mul3A_157 : i32
      %add3A_159 = arith.constant 0 : i32
      %add3A_160 = arith.addi %mul3A_158, %add3A_159 : i32
      %dma_start3A_161 = arith.constant 0 : i32
      %dma_start3A_162 = arith.constant 0 : i32
      %dma_start3A_163 = tpu.memref_slice %arg9[%add3A_156, %dma_start3A_161, %dma_start3A_162] : memref<4x120x64xf32, #tpu.memory_space<vmem>> -> memref<1x120x64xf32, #tpu.memory_space<vmem>>
      %dma_start3A_164 = tpu.memref_squeeze %dma_start3A_163 : memref<1x120x64xf32, #tpu.memory_space<vmem>> -> memref<120x64xf32, #tpu.memory_space<vmem>>
      %dma_start3A_165 = arith.constant 0 : i32
      %dma_start3A_166 = tpu.memref_slice %arg8[%add3A_160, %dma_start3A_165] : memref<84x120xi32, #tpu.memory_space<vmem>> -> memref<1x120xi32, #tpu.memory_space<vmem>>
      %dma_start3A_167 = tpu.memref_squeeze %dma_start3A_166 : memref<1x120xi32, #tpu.memory_space<vmem>> -> memref<120xi32, #tpu.memory_space<vmem>>
      %dma_start3A_168 = arith.constant 0 : i32
      %dma_start3A_169 = arith.constant 0 : i32
      %dma_start3A_170 = tpu.memref_slice %arg10[%dma_start3A_168, %dma_start3A_169] : memref<10016x64xf32, #tpu.memory_space<vmem_shared>> -> memref<10016x64xf32, #tpu.memory_space<vmem_shared>>
      tpu.enqueue_indirect_dma source(%dma_start3A_164 : memref<120x64xf32, #tpu.memory_space<vmem>>) target(%dma_start3A_170 : memref<10016x64xf32, #tpu.memory_space<vmem_shared>>) offsets(%dma_start3A_167 : memref<120xi32, #tpu.memory_space<vmem>>) semaphore(%arg13 : memref<!tpu.dma_semaphore, #tpu.memory_space<semaphore_mem>>) {add = true}
      %add3A_171 = arith.constant 1 : i32
      %add3A_172 = arith.addi %mul3A_120, %add3A_171 : i32
      %mul3A_173 = arith.constant 2 : i32
      %mul3A_174 = arith.muli %scan3A_110, %mul3A_173 : i32
      %add3A_175 = arith.constant 1 : i32
      %add3A_176 = arith.addi %mul3A_174, %add3A_175 : i32
      %dma_start3A_177 = arith.constant 0 : i32
      %dma_start3A_178 = arith.constant 0 : i32
      %dma_start3A_179 = tpu.memref_slice %arg9[%add3A_172, %dma_start3A_177, %dma_start3A_178] : memref<4x120x64xf32, #tpu.memory_space<vmem>> -> memref<1x120x64xf32, #tpu.memory_space<vmem>>
      %dma_start3A_180 = tpu.memref_squeeze %dma_start3A_179 : memref<1x120x64xf32, #tpu.memory_space<vmem>> -> memref<120x64xf32, #tpu.memory_space<vmem>>
      %dma_start3A_181 = arith.constant 0 : i32
      %dma_start3A_182 = tpu.memref_slice %arg8[%add3A_176, %dma_start3A_181] : memref<84x120xi32, #tpu.memory_space<vmem>> -> memref<1x120xi32, #tpu.memory_space<vmem>>
      %dma_start3A_183 = tpu.memref_squeeze %dma_start3A_182 : memref<1x120xi32, #tpu.memory_space<vmem>> -> memref<120xi32, #tpu.memory_space<vmem>>
      %dma_start3A_184 = arith.constant 0 : i32
      %dma_start3A_185 = arith.constant 0 : i32
      %dma_start3A_186 = tpu.memref_slice %arg10[%dma_start3A_184, %dma_start3A_185] : memref<10016x64xf32, #tpu.memory_space<vmem_shared>> -> memref<10016x64xf32, #tpu.memory_space<vmem_shared>>
      tpu.enqueue_indirect_dma source(%dma_start3A_180 : memref<120x64xf32, #tpu.memory_space<vmem>>) target(%dma_start3A_186 : memref<10016x64xf32, #tpu.memory_space<vmem_shared>>) offsets(%dma_start3A_183 : memref<120xi32, #tpu.memory_space<vmem>>) semaphore(%arg13 : memref<!tpu.dma_semaphore, #tpu.memory_space<semaphore_mem>>) {add = true}
    }
    %scan3A_84 = arith.constant 42 : i32
    %dma_wait3A_85 = arith.constant 0 : i32
    %dma_wait3A_86 = arith.constant 0 : i32
    %dma_wait3A_87 = arith.constant 0 : i32
    %dma_wait3A_88 = arith.constant 0 : i32
    %dma_wait3A_89 = tpu.memref_slice %arg9[%dma_wait3A_85, %dma_wait3A_87, %dma_wait3A_88] : memref<4x120x64xf32, #tpu.memory_space<vmem>> -> memref<1x120x64xf32, #tpu.memory_space<vmem>>
    %dma_wait3A_90 = tpu.memref_squeeze %dma_wait3A_89 : memref<1x120x64xf32, #tpu.memory_space<vmem>> -> memref<120x64xf32, #tpu.memory_space<vmem>>
    %dma_wait3A_91 = arith.constant 0 : i32
    %dma_wait3A_92 = tpu.memref_slice %arg8[%dma_wait3A_86, %dma_wait3A_91] : memref<84x120xi32, #tpu.memory_space<vmem>> -> memref<1x120xi32, #tpu.memory_space<vmem>>
    %dma_wait3A_93 = tpu.memref_squeeze %dma_wait3A_92 : memref<1x120xi32, #tpu.memory_space<vmem>> -> memref<120xi32, #tpu.memory_space<vmem>>
    %dma_wait3A_94 = arith.constant 0 : i32
    %dma_wait3A_95 = arith.constant 0 : i32
    %dma_wait3A_96 = tpu.memref_slice %arg10[%dma_wait3A_94, %dma_wait3A_95] : memref<10016x64xf32, #tpu.memory_space<vmem_shared>> -> memref<10016x64xf32, #tpu.memory_space<vmem_shared>>
    tpu.wait_indirect_dma semaphore(%arg13 : memref<!tpu.dma_semaphore, #tpu.memory_space<semaphore_mem>>) src(%dma_wait3A_90 : memref<120x64xf32, #tpu.memory_space<vmem>>) dst(%dma_wait3A_96 : memref<10016x64xf32, #tpu.memory_space<vmem_shared>>)
    %dma_wait3A_97 = arith.constant 0 : i32
    %dma_wait3A_98 = arith.constant 0 : i32
    %dma_wait3A_99 = arith.constant 0 : i32
    %dma_wait3A_100 = arith.constant 0 : i32
    %dma_wait3A_101 = tpu.memref_slice %arg9[%dma_wait3A_97, %dma_wait3A_99, %dma_wait3A_100] : memref<4x120x64xf32, #tpu.memory_space<vmem>> -> memref<1x120x64xf32, #tpu.memory_space<vmem>>
    %dma_wait3A_102 = tpu.memref_squeeze %dma_wait3A_101 : memref<1x120x64xf32, #tpu.memory_space<vmem>> -> memref<120x64xf32, #tpu.memory_space<vmem>>
    %dma_wait3A_103 = arith.constant 0 : i32
    %dma_wait3A_104 = tpu.memref_slice %arg8[%dma_wait3A_98, %dma_wait3A_103] : memref<84x120xi32, #tpu.memory_space<vmem>> -> memref<1x120xi32, #tpu.memory_space<vmem>>
    %dma_wait3A_105 = tpu.memref_squeeze %dma_wait3A_104 : memref<1x120xi32, #tpu.memory_space<vmem>> -> memref<120xi32, #tpu.memory_space<vmem>>
    %dma_wait3A_106 = arith.constant 0 : i32
    %dma_wait3A_107 = arith.constant 0 : i32
    %dma_wait3A_108 = tpu.memref_slice %arg10[%dma_wait3A_106, %dma_wait3A_107] : memref<10016x64xf32, #tpu.memory_space<vmem_shared>> -> memref<10016x64xf32, #tpu.memory_space<vmem_shared>>
    tpu.wait_indirect_dma semaphore(%arg13 : memref<!tpu.dma_semaphore, #tpu.memory_space<semaphore_mem>>) src(%dma_wait3A_102 : memref<120x64xf32, #tpu.memory_space<vmem>>) dst(%dma_wait3A_108 : memref<10016x64xf32, #tpu.memory_space<vmem_shared>>)
    %barrier3A_109 = arith.constant 0 : index
    tpu.barrier barrier_id(%barrier3A_109)
    "tpu.region"() ({
      %run_scoped3A_110 = tpu.sem_alloc : memref<!tpu.dma_semaphore, #tpu.memory_space<semaphore_mem>>
      %dma_start3A_111 = arith.constant 0 : i32
      %dma_start3A_112 = tpu.memref_slice %arg6[%arg0, %mul3A_0, %dma_start3A_111] : memref<2x10016x64xf32, #tpu.memory_space<hbm>> -> memref<1x626x64xf32, #tpu.memory_space<hbm>>
      %dma_start3A_113 = tpu.memref_squeeze %dma_start3A_112 : memref<1x626x64xf32, #tpu.memory_space<hbm>> -> memref<626x64xf32, #tpu.memory_space<hbm>>
      %dma_start3A_114 = arith.constant 0 : i32
      %dma_start3A_115 = tpu.memref_slice %arg10[%mul3A_0, %dma_start3A_114] : memref<10016x64xf32, #tpu.memory_space<vmem_shared>> -> memref<626x64xf32, #tpu.memory_space<vmem_shared>>
      tpu.enqueue_dma source(%dma_start3A_115 : memref<626x64xf32, #tpu.memory_space<vmem_shared>>) target(%dma_start3A_113 : memref<626x64xf32, #tpu.memory_space<hbm>>) target_semaphore(%run_scoped3A_110 : memref<!tpu.dma_semaphore, #tpu.memory_space<semaphore_mem>>)
      %dma_wait3A_116 = arith.constant 0 : i32
      %dma_wait3A_117 = tpu.memref_slice %arg6[%arg0, %mul3A_0, %dma_wait3A_116] : memref<2x10016x64xf32, #tpu.memory_space<hbm>> -> memref<1x626x64xf32, #tpu.memory_space<hbm>>
      %dma_wait3A_118 = tpu.memref_squeeze %dma_wait3A_117 : memref<1x626x64xf32, #tpu.memory_space<hbm>> -> memref<626x64xf32, #tpu.memory_space<hbm>>
      %dma_wait3A_119 = arith.constant 0 : i32
      %dma_wait3A_120 = tpu.memref_slice %arg10[%mul3A_0, %dma_wait3A_119] : memref<10016x64xf32, #tpu.memory_space<vmem_shared>> -> memref<626x64xf32, #tpu.memory_space<vmem_shared>>
      tpu.wait_dma2 semaphore(%run_scoped3A_110 : memref<!tpu.dma_semaphore, #tpu.memory_space<semaphore_mem>>) src(%dma_wait3A_120 : memref<626x64xf32, #tpu.memory_space<vmem_shared>>) dst(%dma_wait3A_118 : memref<626x64xf32, #tpu.memory_space<hbm>>)
      tpu.yield
    }) : () -> ()
    return
  }
}

module attributes {stable_mosaic.version = 14 : i64} {
  func.func @body(%arg0: memref<2x10016x1xf32, #tpu.memory_space<vmem>>, %arg1: memref<2x10016x1xf32, #tpu.memory_space<vmem>>, %arg2: memref<10016x32xf32, #tpu.memory_space<vmem>>, %arg3: memref<10016x1xf32, #tpu.memory_space<vmem>>, %arg4: memref<10016x1xf32, #tpu.memory_space<vmem>>, %arg5: memref<10016x32xf32, #tpu.memory_space<vmem>>) attributes {dimension_semantics = [], scalar_prefetch = 0 : i64, scratch_operands = 0 : i64, tpu.core_type = #tpu.core_type<tc>} {
    %get3A = arith.constant 0 : index
    %get3A_0 = arith.constant 0 : index
    %get3A_1 = arith.constant 0 : index
    %get3A_2 = vector.load %arg0[%get3A, %get3A_0, %get3A_1] : memref<2x10016x1xf32, #tpu.memory_space<vmem>>, vector<1x10016x1xf32>
    %get3A_3 = vector.shape_cast %get3A_2 : vector<1x10016x1xf32> to vector<10016x1xf32>
    %get3A_4 = arith.constant 1 : index
    %get3A_5 = arith.constant 0 : index
    %get3A_6 = arith.constant 0 : index
    %get3A_7 = vector.load %arg0[%get3A_4, %get3A_5, %get3A_6] : memref<2x10016x1xf32, #tpu.memory_space<vmem>>, vector<1x10016x1xf32>
    %get3A_8 = vector.shape_cast %get3A_7 : vector<1x10016x1xf32> to vector<10016x1xf32>
    %add3A = arith.addf %get3A_3, %get3A_8 : vector<10016x1xf32>
    %get3A_9 = arith.constant 0 : index
    %get3A_10 = arith.constant 0 : index
    %get3A_11 = arith.constant 0 : index
    %get3A_12 = vector.load %arg1[%get3A_9, %get3A_10, %get3A_11] : memref<2x10016x1xf32, #tpu.memory_space<vmem>>, vector<1x10016x1xf32>
    %get3A_13 = vector.shape_cast %get3A_12 : vector<1x10016x1xf32> to vector<10016x1xf32>
    %get3A_14 = arith.constant 1 : index
    %get3A_15 = arith.constant 0 : index
    %get3A_16 = arith.constant 0 : index
    %get3A_17 = vector.load %arg1[%get3A_14, %get3A_15, %get3A_16] : memref<2x10016x1xf32, #tpu.memory_space<vmem>>, vector<1x10016x1xf32>
    %get3A_18 = vector.shape_cast %get3A_17 : vector<1x10016x1xf32> to vector<10016x1xf32>
    %add3A_19 = arith.addf %get3A_13, %get3A_18 : vector<10016x1xf32>
    %gt3A = arith.constant 0.000000e+00 : f32
    %gt3A_20 = vector.broadcast %gt3A : f32 to vector<10016x1xf32>
    %gt3A_21 = arith.cmpf ogt, %add3A, %gt3A_20 : vector<10016x1xf32>
    %rsqrt3A = math.rsqrt %add3A : vector<10016x1xf32>
    %jit3A = arith.constant 0.000000e+00 : f32
    %broadcast_in_dim3A = vector.broadcast %jit3A : f32 to vector<10016x1xf32>
    %select_n3A = arith.select %gt3A_21, %rsqrt3A, %broadcast_in_dim3A : vector<10016x1xi1>, vector<10016x1xf32>
    %gt3A_22 = arith.constant 0.000000e+00 : f32
    %gt3A_23 = vector.broadcast %gt3A_22 : f32 to vector<10016x1xf32>
    %gt3A_24 = arith.cmpf ogt, %add3A_19, %gt3A_23 : vector<10016x1xf32>
    %rsqrt3A_25 = math.rsqrt %add3A_19 : vector<10016x1xf32>
    %jit3A_26 = arith.constant 0.000000e+00 : f32
    %broadcast_in_dim3A_27 = vector.broadcast %jit3A_26 : f32 to vector<10016x1xf32>
    %select_n3A_28 = arith.select %gt3A_24, %rsqrt3A_25, %broadcast_in_dim3A_27 : vector<10016x1xi1>, vector<10016x1xf32>
    %swap3A = arith.constant 0 : index
    %swap3A_29 = arith.constant 0 : index
    %swap3A_30 = vector.load %arg3[%swap3A, %swap3A_29] : memref<10016x1xf32, #tpu.memory_space<vmem>>, vector<10016x1xf32>
    tpu.vector_store %arg3[%swap3A, %swap3A_29], %select_n3A {strides = array<i32>} : memref<10016x1xf32, #tpu.memory_space<vmem>>, vector<10016x1xf32>,
    %swap3A_31 = arith.constant 0 : index
    %swap3A_32 = arith.constant 0 : index
    %swap3A_33 = vector.load %arg4[%swap3A_31, %swap3A_32] : memref<10016x1xf32, #tpu.memory_space<vmem>>, vector<10016x1xf32>
    tpu.vector_store %arg4[%swap3A_31, %swap3A_32], %select_n3A_28 {strides = array<i32>} : memref<10016x1xf32, #tpu.memory_space<vmem>>, vector<10016x1xf32>,
    %get3A_34 = arith.constant 0 : index
    %get3A_35 = arith.constant 0 : index
    %get3A_36 = vector.load %arg2[%get3A_34, %get3A_35] : memref<10016x32xf32, #tpu.memory_space<vmem>>, vector<10016x32xf32>
    %mul3A = vector.broadcast %select_n3A : vector<10016x1xf32> to vector<10016x32xf32>
    %mul3A_37 = arith.mulf %get3A_36, %mul3A : vector<10016x32xf32>
    %swap3A_38 = arith.constant 0 : index
    %swap3A_39 = arith.constant 0 : index
    %swap3A_40 = vector.load %arg5[%swap3A_38, %swap3A_39] : memref<10016x32xf32, #tpu.memory_space<vmem>>, vector<10016x32xf32>
    tpu.vector_store %arg5[%swap3A_38, %swap3A_39], %mul3A_37 {strides = array<i32>} : memref<10016x32xf32, #tpu.memory_space<vmem>>, vector<10016x32xf32>,
    return
  }
}

module attributes {stable_mosaic.version = 14 : i64} {
  func.func @body(%arg0: memref<2x10016x32xf32, #tpu.memory_space<vmem>>, %arg1: memref<32x32xf32, #tpu.memory_space<vmem>>, %arg2: memref<1x32xf32, #tpu.memory_space<vmem>>, %arg3: memref<10016x1xf32, #tpu.memory_space<vmem>>, %arg4: memref<10016x1xf32, #tpu.memory_space<vmem>>, %arg5: memref<10016x32xf32, #tpu.memory_space<vmem>>) attributes {dimension_semantics = [], scalar_prefetch = 0 : i64, scratch_operands = 0 : i64, tpu.core_type = #tpu.core_type<tc>} {
    %get3A = arith.constant 0 : index
    %get3A_0 = arith.constant 0 : index
    %get3A_1 = arith.constant 0 : index
    %get3A_2 = vector.load %arg0[%get3A, %get3A_0, %get3A_1] : memref<2x10016x32xf32, #tpu.memory_space<vmem>>, vector<1x10016x32xf32>
    %get3A_3 = vector.shape_cast %get3A_2 : vector<1x10016x32xf32> to vector<10016x32xf32>
    %get3A_4 = arith.constant 1 : index
    %get3A_5 = arith.constant 0 : index
    %get3A_6 = arith.constant 0 : index
    %get3A_7 = vector.load %arg0[%get3A_4, %get3A_5, %get3A_6] : memref<2x10016x32xf32, #tpu.memory_space<vmem>>, vector<1x10016x32xf32>
    %get3A_8 = vector.shape_cast %get3A_7 : vector<1x10016x32xf32> to vector<10016x32xf32>
    %add3A = arith.addf %get3A_3, %get3A_8 : vector<10016x32xf32>
    %get3A_9 = arith.constant 0 : index
    %get3A_10 = arith.constant 0 : index
    %get3A_11 = vector.load %arg1[%get3A_9, %get3A_10] : memref<32x32xf32, #tpu.memory_space<vmem>>, vector<32x32xf32>
    %dot_general3A = arith.constant dense<0.000000e+00> : vector<10016x32xf32>
    %dot_general3A_12 = tpu.matmul %add3A, %get3A_11, %dot_general3A {dimension_numbers = #tpu.dot_dimension_numbers<[1], [0], [0], [1], [0, 0, 1, 1], [], []>, transpose_lhs_hint = false} : vector<10016x32xf32>, vector<32x32xf32>, vector<10016x32xf32> -> vector<10016x32xf32>
    %get3A_13 = arith.constant 0 : index
    %get3A_14 = arith.constant 0 : index
    %get3A_15 = vector.load %arg3[%get3A_13, %get3A_14] : memref<10016x1xf32, #tpu.memory_space<vmem>>, vector<10016x1xf32>
    %mul3A = vector.broadcast %get3A_15 : vector<10016x1xf32> to vector<10016x32xf32>
    %mul3A_16 = arith.mulf %dot_general3A_12, %mul3A : vector<10016x32xf32>
    %get3A_17 = arith.constant 0 : index
    %get3A_18 = arith.constant 0 : index
    %get3A_19 = vector.load %arg2[%get3A_17, %get3A_18] : memref<1x32xf32, #tpu.memory_space<vmem>>, vector<1x32xf32>
    %add3A_20 = vector.broadcast %get3A_19 : vector<1x32xf32> to vector<10016x32xf32>
    %add3A_21 = arith.addf %mul3A_16, %add3A_20 : vector<10016x32xf32>
    %max3A = arith.constant 0.000000e+00 : f32
    %max3A_22 = vector.broadcast %max3A : f32 to vector<10016x32xf32>
    %max3A_23 = arith.maximumf %add3A_21, %max3A_22 : vector<10016x32xf32>
    %get3A_24 = arith.constant 0 : index
    %get3A_25 = arith.constant 0 : index
    %get3A_26 = vector.load %arg4[%get3A_24, %get3A_25] : memref<10016x1xf32, #tpu.memory_space<vmem>>, vector<10016x1xf32>
    %mul3A_27 = vector.broadcast %get3A_26 : vector<10016x1xf32> to vector<10016x32xf32>
    %mul3A_28 = arith.mulf %max3A_23, %mul3A_27 : vector<10016x32xf32>
    %swap3A = arith.constant 0 : index
    %swap3A_29 = arith.constant 0 : index
    %swap3A_30 = vector.load %arg5[%swap3A, %swap3A_29] : memref<10016x32xf32, #tpu.memory_space<vmem>>, vector<10016x32xf32>
    tpu.vector_store %arg5[%swap3A, %swap3A_29], %mul3A_28 {strides = array<i32>} : memref<10016x32xf32, #tpu.memory_space<vmem>>, vector<10016x32xf32>,
    return
  }
}

module attributes {stable_mosaic.version = 14 : i64} {
  func.func @body(%arg0: memref<2x10016x32xf32, #tpu.memory_space<vmem>>, %arg1: memref<32x64xf32, #tpu.memory_space<vmem>>, %arg2: memref<1x64xf32, #tpu.memory_space<vmem>>, %arg3: memref<10016x1xf32, #tpu.memory_space<vmem>>, %arg4: memref<10016x1xf32, #tpu.memory_space<vmem>>, %arg5: memref<10016x64xf32, #tpu.memory_space<vmem>>) attributes {dimension_semantics = [], scalar_prefetch = 0 : i64, scratch_operands = 0 : i64, tpu.core_type = #tpu.core_type<tc>} {
    %get3A = arith.constant 0 : index
    %get3A_0 = arith.constant 0 : index
    %get3A_1 = arith.constant 0 : index
    %get3A_2 = vector.load %arg0[%get3A, %get3A_0, %get3A_1] : memref<2x10016x32xf32, #tpu.memory_space<vmem>>, vector<1x10016x32xf32>
    %get3A_3 = vector.shape_cast %get3A_2 : vector<1x10016x32xf32> to vector<10016x32xf32>
    %get3A_4 = arith.constant 1 : index
    %get3A_5 = arith.constant 0 : index
    %get3A_6 = arith.constant 0 : index
    %get3A_7 = vector.load %arg0[%get3A_4, %get3A_5, %get3A_6] : memref<2x10016x32xf32, #tpu.memory_space<vmem>>, vector<1x10016x32xf32>
    %get3A_8 = vector.shape_cast %get3A_7 : vector<1x10016x32xf32> to vector<10016x32xf32>
    %add3A = arith.addf %get3A_3, %get3A_8 : vector<10016x32xf32>
    %get3A_9 = arith.constant 0 : index
    %get3A_10 = arith.constant 0 : index
    %get3A_11 = vector.load %arg1[%get3A_9, %get3A_10] : memref<32x64xf32, #tpu.memory_space<vmem>>, vector<32x64xf32>
    %dot_general3A = arith.constant dense<0.000000e+00> : vector<10016x64xf32>
    %dot_general3A_12 = tpu.matmul %add3A, %get3A_11, %dot_general3A {dimension_numbers = #tpu.dot_dimension_numbers<[1], [0], [0], [1], [0, 0, 1, 1], [], []>, transpose_lhs_hint = false} : vector<10016x32xf32>, vector<32x64xf32>, vector<10016x64xf32> -> vector<10016x64xf32>
    %get3A_13 = arith.constant 0 : index
    %get3A_14 = arith.constant 0 : index
    %get3A_15 = vector.load %arg3[%get3A_13, %get3A_14] : memref<10016x1xf32, #tpu.memory_space<vmem>>, vector<10016x1xf32>
    %mul3A = vector.broadcast %get3A_15 : vector<10016x1xf32> to vector<10016x64xf32>
    %mul3A_16 = arith.mulf %dot_general3A_12, %mul3A : vector<10016x64xf32>
    %get3A_17 = arith.constant 0 : index
    %get3A_18 = arith.constant 0 : index
    %get3A_19 = vector.load %arg2[%get3A_17, %get3A_18] : memref<1x64xf32, #tpu.memory_space<vmem>>, vector<1x64xf32>
    %add3A_20 = vector.broadcast %get3A_19 : vector<1x64xf32> to vector<10016x64xf32>
    %add3A_21 = arith.addf %mul3A_16, %add3A_20 : vector<10016x64xf32>
    %max3A = arith.constant 0.000000e+00 : f32
    %max3A_22 = vector.broadcast %max3A : f32 to vector<10016x64xf32>
    %max3A_23 = arith.maximumf %add3A_21, %max3A_22 : vector<10016x64xf32>
    %get3A_24 = arith.constant 0 : index
    %get3A_25 = arith.constant 0 : index
    %get3A_26 = vector.load %arg4[%get3A_24, %get3A_25] : memref<10016x1xf32, #tpu.memory_space<vmem>>, vector<10016x1xf32>
    %mul3A_27 = vector.broadcast %get3A_26 : vector<10016x1xf32> to vector<10016x64xf32>
    %mul3A_28 = arith.mulf %max3A_23, %mul3A_27 : vector<10016x64xf32>
    %swap3A = arith.constant 0 : index
    %swap3A_29 = arith.constant 0 : index
    %swap3A_30 = vector.load %arg5[%swap3A, %swap3A_29] : memref<10016x64xf32, #tpu.memory_space<vmem>>, vector<10016x64xf32>
    tpu.vector_store %arg5[%swap3A, %swap3A_29], %mul3A_28 {strides = array<i32>} : memref<10016x64xf32, #tpu.memory_space<vmem>>, vector<10016x64xf32>,
    return
  }
}

module attributes {stable_mosaic.version = 14 : i64} {
  func.func @body(%arg0: memref<2x10016x64xf32, #tpu.memory_space<vmem>>, %arg1: memref<64x128xf32, #tpu.memory_space<vmem>>, %arg2: memref<1x128xf32, #tpu.memory_space<vmem>>, %arg3: memref<10016x1xf32, #tpu.memory_space<vmem>>, %arg4: memref<10016x1xf32, #tpu.memory_space<vmem>>, %arg5: memref<2x10016x64xf32, #tpu.memory_space<vmem>>) attributes {dimension_semantics = [], scalar_prefetch = 0 : i64, scratch_operands = 0 : i64, tpu.core_type = #tpu.core_type<tc>} {
    %get3A = arith.constant 0 : index
    %get3A_0 = arith.constant 0 : index
    %get3A_1 = arith.constant 0 : index
    %get3A_2 = vector.load %arg0[%get3A, %get3A_0, %get3A_1] : memref<2x10016x64xf32, #tpu.memory_space<vmem>>, vector<1x10016x64xf32>
    %get3A_3 = vector.shape_cast %get3A_2 : vector<1x10016x64xf32> to vector<10016x64xf32>
    %get3A_4 = arith.constant 1 : index
    %get3A_5 = arith.constant 0 : index
    %get3A_6 = arith.constant 0 : index
    %get3A_7 = vector.load %arg0[%get3A_4, %get3A_5, %get3A_6] : memref<2x10016x64xf32, #tpu.memory_space<vmem>>, vector<1x10016x64xf32>
    %get3A_8 = vector.shape_cast %get3A_7 : vector<1x10016x64xf32> to vector<10016x64xf32>
    %add3A = arith.addf %get3A_3, %get3A_8 : vector<10016x64xf32>
    %get3A_9 = arith.constant 0 : index
    %get3A_10 = arith.constant 0 : index
    %get3A_11 = vector.load %arg1[%get3A_9, %get3A_10] : memref<64x128xf32, #tpu.memory_space<vmem>>, vector<64x128xf32>
    %dot_general3A = arith.constant dense<0.000000e+00> : vector<10016x128xf32>
    %dot_general3A_12 = tpu.matmul %add3A, %get3A_11, %dot_general3A {dimension_numbers = #tpu.dot_dimension_numbers<[1], [0], [0], [1], [0, 0, 1, 1], [], []>, transpose_lhs_hint = false} : vector<10016x64xf32>, vector<64x128xf32>, vector<10016x128xf32> -> vector<10016x128xf32>
    %get3A_13 = arith.constant 0 : index
    %get3A_14 = arith.constant 0 : index
    %get3A_15 = vector.load %arg3[%get3A_13, %get3A_14] : memref<10016x1xf32, #tpu.memory_space<vmem>>, vector<10016x1xf32>
    %mul3A = vector.broadcast %get3A_15 : vector<10016x1xf32> to vector<10016x128xf32>
    %mul3A_16 = arith.mulf %dot_general3A_12, %mul3A : vector<10016x128xf32>
    %get3A_17 = arith.constant 0 : index
    %get3A_18 = arith.constant 0 : index
    %get3A_19 = vector.load %arg2[%get3A_17, %get3A_18] : memref<1x128xf32, #tpu.memory_space<vmem>>, vector<1x128xf32>
    %add3A_20 = vector.broadcast %get3A_19 : vector<1x128xf32> to vector<10016x128xf32>
    %add3A_21 = arith.addf %mul3A_16, %add3A_20 : vector<10016x128xf32>
    %max3A = arith.constant 0.000000e+00 : f32
    %max3A_22 = vector.broadcast %max3A : f32 to vector<10016x128xf32>
    %max3A_23 = arith.maximumf %add3A_21, %max3A_22 : vector<10016x128xf32>
    %get3A_24 = arith.constant 0 : index
    %get3A_25 = arith.constant 0 : index
    %get3A_26 = vector.load %arg4[%get3A_24, %get3A_25] : memref<10016x1xf32, #tpu.memory_space<vmem>>, vector<10016x1xf32>
    %mul3A_27 = vector.broadcast %get3A_26 : vector<10016x1xf32> to vector<10016x128xf32>
    %mul3A_28 = arith.mulf %max3A_23, %mul3A_27 : vector<10016x128xf32>
    %slice3A = vector.extract_strided_slice %mul3A_28 {offsets = [0, 0], sizes = [10016, 64], strides = [1, 1]} : vector<10016x128xf32> to vector<10016x64xf32>
    %swap3A = arith.constant 0 : index
    %swap3A_29 = arith.constant 0 : index
    %swap3A_30 = arith.constant 0 : index
    %swap3A_31 = vector.load %arg5[%swap3A, %swap3A_29, %swap3A_30] : memref<2x10016x64xf32, #tpu.memory_space<vmem>>, vector<1x10016x64xf32>
    %swap3A_32 = vector.shape_cast %swap3A_31 : vector<1x10016x64xf32> to vector<10016x64xf32>
    %swap3A_33 = vector.shape_cast %slice3A : vector<10016x64xf32> to vector<1x10016x64xf32>
    tpu.vector_store %arg5[%swap3A, %swap3A_29, %swap3A_30], %swap3A_33 {strides = array<i32>} : memref<2x10016x64xf32, #tpu.memory_space<vmem>>, vector<1x10016x64xf32>,
    %slice3A_34 = vector.extract_strided_slice %mul3A_28 {offsets = [0, 64], sizes = [10016, 64], strides = [1, 1]} : vector<10016x128xf32> to vector<10016x64xf32>
    %swap3A_35 = arith.constant 1 : index
    %swap3A_36 = arith.constant 0 : index
    %swap3A_37 = arith.constant 0 : index
    %swap3A_38 = vector.load %arg5[%swap3A_35, %swap3A_36, %swap3A_37] : memref<2x10016x64xf32, #tpu.memory_space<vmem>>, vector<1x10016x64xf32>
    %swap3A_39 = vector.shape_cast %swap3A_38 : vector<1x10016x64xf32> to vector<10016x64xf32>
    %swap3A_40 = vector.shape_cast %slice3A_34 : vector<10016x64xf32> to vector<1x10016x64xf32>
    tpu.vector_store %arg5[%swap3A_35, %swap3A_36, %swap3A_37], %swap3A_40 {strides = array<i32>} : memref<2x10016x64xf32, #tpu.memory_space<vmem>>, vector<1x10016x64xf32>,
    return
  }
}

module attributes {stable_mosaic.version = 14 : i64} {
  func.func @body(%arg0: memref<2x10016x64xf32, #tpu.memory_space<vmem>>, %arg1: memref<128x128xf32, #tpu.memory_space<vmem>>, %arg2: memref<1x128xf32, #tpu.memory_space<vmem>>, %arg3: memref<10016x1xf32, #tpu.memory_space<vmem>>, %arg4: memref<10000x128xf32, #tpu.memory_space<vmem>>) attributes {dimension_semantics = [], scalar_prefetch = 0 : i64, scratch_operands = 0 : i64, tpu.core_type = #tpu.core_type<tc>} {
    %get3A = arith.constant 0 : index
    %get3A_0 = arith.constant 0 : index
    %get3A_1 = arith.constant 0 : index
    %get3A_2 = vector.load %arg0[%get3A, %get3A_0, %get3A_1] : memref<2x10016x64xf32, #tpu.memory_space<vmem>>, vector<1x10016x64xf32>
    %get3A_3 = vector.shape_cast %get3A_2 : vector<1x10016x64xf32> to vector<10016x64xf32>
    %get3A_4 = arith.constant 0 : index
    %get3A_5 = arith.constant 0 : index
    %get3A_6 = vector.load %arg1[%get3A_4, %get3A_5] : memref<128x128xf32, #tpu.memory_space<vmem>>, vector<64x128xf32>
    %dot_general3A = arith.constant dense<0.000000e+00> : vector<10016x128xf32>
    %dot_general3A_7 = tpu.matmul %get3A_3, %get3A_6, %dot_general3A {dimension_numbers = #tpu.dot_dimension_numbers<[1], [0], [0], [1], [0, 0, 1, 1], [], []>, transpose_lhs_hint = false} : vector<10016x64xf32>, vector<64x128xf32>, vector<10016x128xf32> -> vector<10016x128xf32>
    %get3A_8 = arith.constant 1 : index
    %get3A_9 = arith.constant 0 : index
    %get3A_10 = arith.constant 0 : index
    %get3A_11 = vector.load %arg0[%get3A_8, %get3A_9, %get3A_10] : memref<2x10016x64xf32, #tpu.memory_space<vmem>>, vector<1x10016x64xf32>
    %get3A_12 = vector.shape_cast %get3A_11 : vector<1x10016x64xf32> to vector<10016x64xf32>
    %get3A_13 = arith.constant 64 : index
    %get3A_14 = arith.constant 0 : index
    %get3A_15 = vector.load %arg1[%get3A_13, %get3A_14] : memref<128x128xf32, #tpu.memory_space<vmem>>, vector<64x128xf32>
    %dot_general3A_16 = arith.constant dense<0.000000e+00> : vector<10016x128xf32>
    %dot_general3A_17 = tpu.matmul %get3A_12, %get3A_15, %dot_general3A_16 {dimension_numbers = #tpu.dot_dimension_numbers<[1], [0], [0], [1], [0, 0, 1, 1], [], []>, transpose_lhs_hint = false} : vector<10016x64xf32>, vector<64x128xf32>, vector<10016x128xf32> -> vector<10016x128xf32>
    %add3A = arith.addf %dot_general3A_7, %dot_general3A_17 : vector<10016x128xf32>
    %get3A_18 = arith.constant 0 : index
    %get3A_19 = arith.constant 0 : index
    %get3A_20 = vector.load %arg3[%get3A_18, %get3A_19] : memref<10016x1xf32, #tpu.memory_space<vmem>>, vector<10016x1xf32>
    %mul3A = vector.broadcast %get3A_20 : vector<10016x1xf32> to vector<10016x128xf32>
    %mul3A_21 = arith.mulf %add3A, %mul3A : vector<10016x128xf32>
    %get3A_22 = arith.constant 0 : index
    %get3A_23 = arith.constant 0 : index
    %get3A_24 = vector.load %arg2[%get3A_22, %get3A_23] : memref<1x128xf32, #tpu.memory_space<vmem>>, vector<1x128xf32>
    %add3A_25 = vector.broadcast %get3A_24 : vector<1x128xf32> to vector<10016x128xf32>
    %add3A_26 = arith.addf %mul3A_21, %add3A_25 : vector<10016x128xf32>
    %max3A = arith.constant 0.000000e+00 : f32
    %max3A_27 = vector.broadcast %max3A : f32 to vector<10016x128xf32>
    %max3A_28 = arith.maximumf %add3A_26, %max3A_27 : vector<10016x128xf32>
    %slice3A = vector.extract_strided_slice %max3A_28 {offsets = [0, 0], sizes = [10000, 128], strides = [1, 1]} : vector<10016x128xf32> to vector<10000x128xf32>
    %swap3A = arith.constant 0 : index
    %swap3A_29 = arith.constant 0 : index
    %swap3A_30 = vector.load %arg4[%swap3A, %swap3A_29] : memref<10000x128xf32, #tpu.memory_space<vmem>>, vector<10000x128xf32>
    tpu.vector_store %arg4[%swap3A, %swap3A_29], %slice3A {strides = array<i32>} : memref<10000x128xf32, #tpu.memory_space<vmem>>, vector<10000x128xf32>,
    return
  }
}

</mosaic_0001>

<sc_bundles>
// kernel: kernel.12.cloned.1.call-start
scs
__scs_entry_jumppad:
0x0: {  	(pc) =	sbr.rel $0x88, $3  }
0x1: {  	(tag) =	ssettag $0x0;
	lr =	simm.s32 $0x1  }
0x2: {  	[smem:$0x3F97] =	sst lr;
	_ =	strace $0xD0000000  }
0x3: {  	_ = 	snop  }
0x4: {  	_ = 	snop  }
0x5: {  	_ = 	snop  }
0x6: {  	_ = 	snop  }
0x7: {  	_ = 	snop  }
__scs_overlays_trampoline_lowered:
0x8: {  	[smem:$0x3FA6] =	sst s0  }
0x9: {  	[smem:$0x3FA7] =	sst s1  }
0xa: {  	[smem:$0x3FA8] =	sst s2  }
0xb: {  	[smem:$0x3FA9] =	sst s3  }
0xc: {  	[smem:$0x3FAA] =	sst s4  }
0xd: {  	[smem:$0x3FAB] =	sst s5  }
0xe: {  	[smem:$0x3FAC] =	sst s6  }
0xf: {  	[smem:$0x3FAD] =	sst s7  }
0x10: {  	[smem:$0x3FAE] =	sst s8  }
0x11: {  	[smem:$0x3FAF] =	sst s9;
	s0 =	simm.s32 @!p0 $0x0  }
0x12: {  	s1 =	sld [smem:$0x3F95];
	s0 =	simm.s32 @p0 $0x1  }
0x13: {  	[smem:$0x3FB0] =	sst s0;
	s0 =	simm.s32 @!p1 $0x0  }
0x14: {  	s2 =	sld [smem:$0x3F94];
	s0 =	simm.s32 @p1 $0x1  }
0x15: {  	[smem:$0x3FB1] =	sst s0;
	s0 =	simm.s32 @!p2 $0x0  }
0x16: {  	s3 =	sld [smem:$0x3FDB];
	s0 =	simm.s32 @p2 $0x1  }
0x17: {  	s4 =	simm.s32 $0x1BF5;
	[smem:$0x3FB3] =	sst s0  }
0x18: {  	s0 =	sld [smem:$0x3F96];
	_ =	swait.ge [sflag:s4], $0x0  }
0x19: {  	s7 =	sld [smem:$0x3F97]  }
0x1a: {  	s8 =	sadd.s32 $0xFFFFE003, lr  }
0x1b: {  	s9 =	sadd.s32 $0xFFFFFEF7, lr;
	s5 =	simm.s32 $0xFFFFFFFF;
	p2 =	slt.u32 s8, $0xFFFFF086  }
0x1c: {  	p1 =	slt.u32 s9, $0xF7A;
	s5 =	simm.s32 @!p2 $0x0  }
0x1d: {  	s5 =	simm.s32 @p1 $0x1;
	p0 =	seq.s32 s7, s2  }
0x1e: {  	s7 =	smul.u32 @!p0 $0xF7A, s2;
	p2 =	seq.s32 @!p0 s5, $0x0  }
0x1f: {  	s9 =	smul.u32 $0xF7A, s1;
	s8 =	simm.s32 @!p0 $0x1BF5;
	p2 =	por !p2, p0  }
0x20: {  	[sflag:s8] =	ssyncset.s32 @!p0 $0xFFFFF086;
	s6 =	sadd.s32 @!p0 s3, s7;
	s7 =	simm.s32 @!p0 $0x108  }
0x21: {  	s3 =	sadd.s32 s3, s9;
	s6 =	sadd.s32 @!p0 $0x88, s6;
	s7 =	simm.s32 @p2 $0x1082  }
0x22: {  	[simem:s7], [sflag:s8] =	dma.local @!p0 [hbm:s6], $0xF7A  }
0x23: {  	s9 =	sor.u32 $0xD0000000, s2;
	s6 =	simm.s32 $0x108;
	_ =	swait.ge @!p0 [sflag:s8], $0x0  }
0x24: {  	s3 =	sadd.s32 $0x88, s3;
	s6 =	simm.s32 @!p1 $0x1082;
	[sflag:s4] =	ssyncset.s32 $0xFFFFF086  }
0x25: {  	[simem:s6], [sflag:s4] =	dma.local [hbm:s3], $0xF7A  }
0x26: {  	[smem:$0x3F97] =	sst s1;
	(tag) =	ssettag s2;
	_ =	strace s9  }
0x27: {  	s1 =	sld [smem:$0x3FA7]  }
0x28: {  	s2 =	sld [smem:$0x3FA8]  }
0x29: {  	s4 =	sld [smem:$0x3FAA]  }
0x2a: {  	p0 =	seq.s32 s5, $0x0;
	s5 =	sld [smem:$0x3FAB]  }
0x2b: {  	s6 =	sld [smem:$0x3FAC]  }
0x2c: {  	s7 =	sld [smem:$0x3FAD]  }
0x2d: {  	s3 =	simm.s32 $0x108;
	s8 =	sld [smem:$0x3FAE]  }
0x2e: {  	s3 =	simm.s32 @!p0 $0x1082;
	s9 =	sld [smem:$0x3FAF]  }
0x2f: {  	lr =	sadd.s32 s0, s3;
	s0 =	sld [smem:$0x3FA6]  }
0x30: {  	s3 =	sld [smem:$0x3FA9]  }
0x31: {  	[smem:$0x3FB2] =	sst s10  }
0x32: {  	s10 =	sld [smem:$0x3FB0];
	_ =	sdelay $0x3  }
0x33: {  	p0 =	seq.s32 s10, $0x1;
	s10 =	sld [smem:$0x3FB2];
	_ =	sdelay $0x3  }
0x34: {  	[smem:$0x3FB2] =	sst s10  }
0x35: {  	s10 =	sld [smem:$0x3FB1];
	_ =	sdelay $0x3  }
0x36: {  	p1 =	seq.s32 s10, $0x1;
	s10 =	sld [smem:$0x3FB2];
	_ =	sdelay $0x3  }
0x37: {  	[smem:$0x3FB2] =	sst s10  }
0x38: {  	s10 =	sld [smem:$0x3FB3]  }
0x39: {  	_ = 	snop;
	(pc) =	sbr.ind lr, $3  }
0x3a: {  	_ = 	snop  }
0x3b: {  	_ = 	snop  }
0x3c: {  	p2 =	seq.s32 s10, $0x1;
	s10 =	sld [smem:$0x3FB2]  }
0x3d: {  	_ =	shalt  }
0x3e: {  	_ =	shalt  }
0x3f: {  	_ =	shalt  }
0x40: {  	_ =	shalt  }
0x41: {  	_ =	shalt  }
0x42: {  	_ =	shalt  }
0x43: {  	_ =	shalt  }
0x44: {  	_ =	shalt  }
0x45: {  	_ =	shalt  }
0x46: {  	_ =	shalt  }
0x47: {  	_ =	shalt  }
0x48: {  	_ =	shalt  }
0x49: {  	_ =	shalt  }
0x4a: {  	_ =	shalt  }
0x4b: {  	_ =	shalt  }
0x4c: {  	_ =	shalt  }
0x4d: {  	_ =	shalt  }
0x4e: {  	_ =	shalt  }
0x4f: {  	_ =	shalt  }
0x50: {  	_ =	shalt  }
0x51: {  	_ =	shalt  }
0x52: {  	_ =	shalt  }
0x53: {  	_ =	shalt  }
0x54: {  	_ =	shalt  }
0x55: {  	_ =	shalt  }
0x56: {  	_ =	shalt  }
0x57: {  	_ =	shalt  }
0x58: {  	_ =	shalt  }
0x59: {  	_ =	shalt  }
0x5a: {  	_ =	shalt  }
0x5b: {  	_ =	shalt  }
0x5c: {  	_ =	shalt  }
0x5d: {  	_ =	shalt  }
0x5e: {  	_ =	shalt  }
0x5f: {  	_ =	shalt  }
0x60: {  	_ =	shalt  }
0x61: {  	_ =	shalt  }
0x62: {  	_ =	shalt  }
0x63: {  	_ =	shalt  }
0x64: {  	_ =	shalt  }
0x65: {  	_ =	shalt  }
0x66: {  	_ =	shalt  }
0x67: {  	_ =	shalt  }
0x68: {  	_ =	shalt  }
0x69: {  	_ =	shalt  }
0x6a: {  	_ =	shalt  }
0x6b: {  	_ =	shalt  }
0x6c: {  	_ =	shalt  }
0x6d: {  	_ =	shalt  }
0x6e: {  	_ =	shalt  }
0x6f: {  	_ =	shalt  }
0x70: {  	_ =	shalt  }
0x71: {  	_ =	shalt  }
0x72: {  	_ =	shalt  }
0x73: {  	_ =	shalt  }
0x74: {  	_ =	shalt  }
0x75: {  	_ =	shalt  }
0x76: {  	_ =	shalt  }
0x77: {  	_ =	shalt  }
0x78: {  	_ =	shalt  }
0x79: {  	_ =	shalt  }
0x7a: {  	_ =	shalt  }
0x7b: {  	_ =	shalt  }
0x7c: {  	_ =	shalt  }
0x7d: {  	_ =	shalt  }
0x7e: {  	_ =	shalt  }
0x7f: {  	_ =	shalt  }
0x80: {  	_ =	shalt  }
0x81: {  	_ =	shalt  }
0x82: {  	_ =	shalt  }
0x83: {  	_ =	shalt  }
0x84: {  	_ =	shalt  }
0x85: {  	_ =	shalt  }
0x86: {  	_ =	shalt  }
0x87: {  	_ =	shalt  }
.Lfunc_end0:
.L_simem_size_0:
called_computation_lowered:
.L_overlay_start_0:
0x88: {  	s2 =	sld [smem:$0x3FD9]  }
0x89: {  	s3 =	sld [smem:$0x3FFE];
	_ =	sdelay $0x1  }
0x8a: {  	s1 =	srdreg.scid  }
0x8b: {  	s0 =	sand.u32 $0x1, s1  }
0x8c: {  	s17 =	sshll.u32 s0, $0xA;
	s2 =	sadd.s32 s3, s2  }
0x8d: {  	s2 =	sadd.s32 s2, s17  }
0x8e: {  	[smem:$0x3FBE] =	sst s2  }
0x8f: {  	_ = 	snop  }
0x90: {  	s2 =	sld [smem:$0x3FD0];
	(tm) =	ssettm $0x1  }
0x91: {  	s18 =	sld [smem:$0x3FFB];
	_ =	sdelay $0x3  }
0x92: {  	_ =	strace s18  }
0x93: {  	s3 =	sld [smem:$0x3FFC];
	_ =	sdelay $0x3  }
0x94: {  	_ =	strace s3  }
0x95: {  	s3 =	sld [smem:$0x3FFD];
	_ =	sdelay $0x3  }
0x96: {  	_ =	strace s3  }
0x97: {  	_ =	strace $0x8FFFFFFF  }
0x98: {  	s19 =	sld [smem:$0x3FDB];
	_ =	sdelay $0x1  }
0x99: {  	s4 =	simm.s32 $_scs_section_size  }
0x9a: {  	s5 =	simm.s32 $_size__tile_overlayer_lowered;
	s6 =	simm.s32 $_tile_overlayer_lowered  }
0x9b: {  	s22 =	simm.s32 $0x1BFF;
	s21 =	sshll.u32 s6, $0x1;
	s3 =	sadd.s32 s4, s19  }
0x9c: {  	s7 =	simm.s32 $0x0;
	s20 =	sshll.u32 s5, $0x1;
	s5 =	sadd.s32 s21, s3  }
0x9d: {  	[timem:s7], [sflag:s22] =	dma.local [hbm:s5], s20  }
0x9e: {  	_ =	swait.ge [sflag:s22], s20  }
0x9f: {  	s4 =	ssub.s32 $0x0, s20;
	[sflag:s22] =	ssyncset.done $0x0  }
0xa0: {  	[sflag:s22] =	ssyncadd.s32 s4;
	_ =	sdelay $0x1  }
0xa1: {  	s23 =	simm.s32 $0x1B8B  }
0xa2: {  	_ =	swait.ge [sflag:s23], $0x1  }
0xa3: {  	[sflag:s23] =	ssyncset.done $0x0  }
0xa4: {  	s25 =	simm.s32 $0x1B8E;
	s24 =	sld [smem:$0x3FFE];
	[sflag:s23] =	ssyncadd.s32 $0xFFFFFFFF  }
0xa5: {  	s26 =	simm.s32 $execute0_lowered;
	[smem:$0x3FD2] =	sst s25  }
0xa6: {  	s5 =	sshll.u32 s26, $0x1;
	_ =	strace $0x80000046;
	[dreg:$0x1] =	wrdreg $0xFFFFFFFF  }
0xa7: {  	s28 =	simm.s32 $_size_execute0_lowered;
	s3 =	sadd.s32 s3, s5;
	[dreg:$0x0] =	wrdreg $0x0  }
0xa8: {  	s5 =	sshll.u32 s28, $0x1;
	[dreg:$0x2] =	wrdreg s3  }
0xa9: {  	[dreg:$0x3] =	wrdreg s5  }
0xaa: {  	[dreg:$0x4] =	wrdreg $0xC0  }
0xab: {  	_ =	task [dreg:s7], $0x5FFFF  }
0xac: {  	[dreg:$0x1] =	wrdreg $0xFFFFFFFF  }
0xad: {  	[dreg:$0x0] =	wrdreg $0x60  }
0xae: {  	[dreg:$0x2] =	wrdreg s24  }
0xaf: {  	[dreg:$0x3] =	wrdreg s2  }
0xb0: {  	[dreg:$0x4] =	wrdreg $0x50800  }
0xb1: {  	[dreg:$0x5] =	wrdreg $0x53000  }
0xb2: {  	[dreg:$0x6] =	wrdreg $0x9  }
0xb3: {  	_ =	task.clear_ibuf [dreg:s7], $0x7FFFF;
	_ =	strace $0x90000046  }
0xb4: {  	s29 =	simm.s32 $0x9;
	_ =	strace $0x80000048  }
0xb5: {  	_ =	swait.ge [sflag:s29], $0x1  }
0xb6: {  	[sflag:s29] =	ssyncadd.s32 $0xFFFFFFFF  }
0xb7: {  	_ =	strace $0x90000048  }
0xb8: {  	_ =	sfence  }
0xb9: {  	s30 =	sld [smem:$0x0];
	_ =	sdelay $0x2  }
0xba: {  	s31 =	sshll.u32 s1, $0xD;
	s1 =	sshrl.u32 s1, $0x2  }
0xbb: {  	s3 =	sand.u32 $0x4000, s31;
	s1 =	sadd.s32 s1, s30  }
0xbc: {  	s0 =	sor.u32 s3, s0;
	s1 =	sshll.u32 s1, $0x11  }
0xbd: {  	s0 =	sor.u32 s1, s0  }
0xbe: {  	s0 =	sadd.s32 $0x8F2B, s0  }
0xbf: {  	[sflag:s0] =	ssyncadd.remote.s32 $0x1  }
0xc0: {  	_ =	sfence.sel $0xFFFF  }
0xc1: {  	[dreg:$0x0] =	wrdreg $0xFFFFFFFF;
	(pc) =	sbr.abs _section_cstart, $3  }
0xc2: {  	[dreg:$0x1] =	wrdreg $0xFFFFFFFF  }
0xc3: {  	_ =	task.clear_ibuf [dreg:s7], $0x2FFFF;
	_ =	strace $0x9FFFFFFF  }
0xc4: {  	(tm) =	ssettm $0x7FFFFFFF  }
0xc5: {  	_ =	shalt  }
tec
execute0_lowered:
.L_overlay_start_1:
0x0: {  	(tag) =	ssettag $0x1  }
0x1: {  	s6 =	rddreg [dreg:$0x0]  }
0x2: {  	s10 =	rddreg [dreg:$0x1];
	s1 =	srdreg.scid  }
0x3: {  	s0 =	stileid.u32;
	s2 =	rddreg [dreg:$0x2]  }
0x4: {  	s3 =	rddreg [dreg:$0x3];
	s4 =	simm.s32 $0x0;
	s17 =	simm.s32 $0x2800  }
0x5: {  	s18 =	simm.s32 $0x80;
	s19 =	simm.s32 $0x1;
	s20 =	simm.s32 $0x20  }
0x6: {  	s21 =	simm.s32 $0x10;
	s22 =	simm.s32 $0x0;
	s7 =	sand.u32 $0x1, s1  }
0x7: {  	s25 =	sshll.u32 s0, $0x1;
	s1 =	rddreg [dreg:$0x4];
	s8 =	smul.u32 $0x500, s0  }
0x8: {  	[smem:$0x7FF] =	sst s4;
	s9 =	smul.u32 $0x280, s0;
	s31 =	sshll.u32 s0, $0x6  }
0x9: {  	s5 =	sor.u32 s7, s25;
	_ =	strace $0x80000047;
	s11 =	sshll.u32 s7, $0x7  }
0xa: {  	s7 =	ssub.s32 $0x2, s7;
	s5 =	smul.u32 $0x500, s5;
	s8 =	sor.u32 s11, s8  }
0xb: {  	s26 =	sshrl.u32 s9, $0x3;
	s30 =	sshrl.u32 s7, $0x1;
	s15 =	sadd.s32 s9, s2  }
0xc: {  	s16 =	sadd.s32 s9, s3;
	s13 =	sshrl.u32 s8, $0x3;
	s28 =	sadd.s32 s26, s6  }
0xd: {  	s14 =	ssub.s32 s7, s30;
	s7 =	sor.u32 $0x1C02, s31;
	s12 =	sadd.s32 s5, s6  }
0xe: {  	s5 =	sadd.s32 $0x16C00, s6;
	s29 =	sadd.s32 s13, s6;
	s6 =	sadd.s32 $0x16600, s28  }
0xf: {  	s10 =	sadd.s32 s10, s13;
	s13 =	sshrl.u32 s15, $0x3;
	s15 =	sshrl.u32 s16, $0x3  }
0x10: {  	s16 =	simm.s32 $0x5000;
	s8 =	sadd.s32 $0x2600, s12;
	s9 =	sadd.s32 $0xC600, s12  }
0x11: {  	s11 =	sadd.s32 $0x16E00, s29;
	s12 =	smax.u32 s14, $0x1;
	s14 =	simm.s32 $0x2  }
.LBB2_1:
0x12: {  	[spmem:s13], [sflag:s7] =	dma.local [hbm:s6], $0x50  }
0x13: {  	_ =	swait.ge [sflag:s14], $0x50  }
0x14: {  	[sflag:s14] =	ssyncset.done $0x0  }
0x15: {  	[sflag:s14] =	ssyncadd.s32 $0xFFFFFFB0  }
0x16: {  	[spmem:s15], [sflag:s7] =	dma.local [hbm:s6], $0x50  }
0x17: {  	_ =	swait.ge [sflag:s14], $0x50  }
0x18: {  	[sflag:s14] =	ssyncset.done $0x0  }
0x19: {  	[sflag:s14] =	ssyncadd.s32 $0xFFFFFFB0  }
0x1a: {  	[tilespmem:s16], [sflag:$0x2] =	stream.linear.gather [hbm4b:s5+s4], $0x80, $0x38;
	[tilespmem:$0x5580] =	vst v63  }
0x1b: {  	_ =	swait.ge [sflag:s14], $0x80  }
0x1c: {  	[sflag:s14] =	ssyncset.done $0x0  }
0x1d: {  	[sflag:s14] =	ssyncadd.s32 $0xFFFFFF80  }
0x1e: {  	[tilespmem:s4], [sflag:$0x2] =	stream.linear.gather [hbm4b:s8+s4], $0x2800, $0x38;
	[tilespmem:$0x5580] =	vst v63  }
0x1f: {  	_ =	swait.ge [sflag:s14], $0x2800  }
0x20: {  	[sflag:s14] =	ssyncset.done $0x0  }
0x21: {  	[sflag:s14] =	ssyncadd.s32 $0xFFFFD800  }
0x22: {  	[tilespmem:s17], [sflag:$0x2] =	stream.linear.gather [hbm4b:s9+s4], $0x2800, $0x38;
	[tilespmem:$0x5580] =	vst v63  }
0x23: {  	_ =	swait.ge [sflag:s14], $0x2800  }
0x24: {  	p0 =	por $0x1, $0x1;
	[sflag:s14] =	ssyncset.done $0x0  }
0x25: {  	p0 =	por p0, p0;
	[sflag:s14] =	ssyncadd.s32 $0xFFFFD800  }
0x26: {  	s23 =	simm.s32 @!p0 $0x1;
	[bflag:$0x0] =	sbarrier.arrive $0xFFFF  }
0x27: {  	_ =	swait.ge @!p0 [sflag:s23], $0x80  }
0x28: {  	[sflag:s23] =	ssyncset.done @!p0 $0x0  }
0x29: {  	[sflag:s23] =	ssyncadd.s32 @!p0 $0xFFFFFF80  }
0x2a: {  	_ =	swait.ge @!p0 [sflag:s23], $0x80  }
0x2b: {  	[sflag:s23] =	ssyncset.done @!p0 $0x0  }
0x2c: {  	[sflag:s23] =	ssyncadd.s32 @!p0 $0xFFFFFF80  }
0x2d: {  	_ =	swait.ge @!p0 [sflag:s23], $0x80  }
0x2e: {  	[sflag:s23] =	ssyncset.done @!p0 $0x0  }
0x2f: {  	[sflag:s23] =	ssyncadd.s32 @!p0 $0xFFFFFF80  }
0x30: {  	_ =	swait.ge @!p0 [sflag:s23], $0x80  }
0x31: {  	[sflag:s23] =	ssyncset.done @!p0 $0x0  }
0x32: {  	[sflag:s23] =	ssyncadd.s32 @!p0 $0xFFFFFF80  }
0x33: {  	_ =	swait.ge @!p0 [sflag:s23], $0x80  }
0x34: {  	[sflag:s23] =	ssyncset.done @!p0 $0x0  }
0x35: {  	[sflag:s23] =	ssyncadd.s32 @!p0 $0xFFFFFF80  }
0x36: {  	_ =	swait.ge @!p0 [sflag:s23], $0x80  }
0x37: {  	[sflag:s23] =	ssyncset.done @!p0 $0x0  }
0x38: {  	[sflag:s23] =	ssyncadd.s32 @!p0 $0xFFFFFF80  }
0x39: {  	_ =	swait.ge @!p0 [sflag:s23], $0x80  }
0x3a: {  	[sflag:s23] =	ssyncset.done @!p0 $0x0  }
0x3b: {  	[sflag:s23] =	ssyncadd.s32 @!p0 $0xFFFFFF80  }
0x3c: {  	_ =	swait.ge @!p0 [sflag:s23], $0x80  }
0x3d: {  	[sflag:s23] =	ssyncset.done @!p0 $0x0  }
0x3e: {  	[sflag:s23] =	ssyncadd.s32 @!p0 $0xFFFFFF80  }
0x3f: {  	_ =	swait.ge @!p0 [sflag:s23], $0x80  }
0x40: {  	[sflag:s23] =	ssyncset.done @!p0 $0x0  }
0x41: {  	[sflag:s23] =	ssyncadd.s32 @!p0 $0xFFFFFF80  }
0x42: {  	_ =	swait.ge @!p0 [sflag:s23], $0x80  }
0x43: {  	[sflag:s23] =	ssyncset.done @!p0 $0x0  }
0x44: {  	[sflag:s23] =	ssyncadd.s32 @!p0 $0xFFFFFF80  }
0x45: {  	_ =	swait.ge @!p0 [sflag:s23], $0x80  }
0x46: {  	[sflag:s23] =	ssyncset.done @!p0 $0x0  }
0x47: {  	[sflag:s23] =	ssyncadd.s32 @!p0 $0xFFFFFF80  }
0x48: {  	_ =	swait.ge @!p0 [sflag:s23], $0x80  }
0x49: {  	[sflag:s23] =	ssyncset.done @!p0 $0x0  }
0x4a: {  	[sflag:s23] =	ssyncadd.s32 @!p0 $0xFFFFFF80  }
0x4b: {  	_ =	swait.ge @!p0 [sflag:s23], $0x80  }
0x4c: {  	[sflag:s23] =	ssyncset.done @!p0 $0x0  }
0x4d: {  	[sflag:s23] =	ssyncadd.s32 @!p0 $0xFFFFFF80  }
0x4e: {  	_ =	swait.ge @!p0 [sflag:s23], $0x80  }
0x4f: {  	[sflag:s23] =	ssyncset.done @!p0 $0x0  }
0x50: {  	[sflag:s23] =	ssyncadd.s32 @!p0 $0xFFFFFF80  }
0x51: {  	_ =	swait.ge @!p0 [sflag:s23], $0x80  }
0x52: {  	[sflag:s23] =	ssyncset.done @!p0 $0x0  }
0x53: {  	[sflag:s23] =	ssyncadd.s32 @!p0 $0xFFFFFF80  }
0x54: {  	_ =	swait.ge @!p0 [sflag:s23], $0x80  }
0x55: {  	[sflag:s23] =	ssyncset.done @!p0 $0x0  }
0x56: {  	s31 =	simm.s32 $0x0;
	[sflag:s23] =	ssyncadd.s32 @!p0 $0xFFFFFF80  }
0x57: {  	[spmem:s2] =	stream.indirect.scatter.add.f32 [tilespmem:s16], [sflag:$0x1], $0x1, s31, s18, $0xb8;
	[tilespmem:$0x5580] =	vst v63  }
0x58: {  	s24 =	simm.s32 $0x2800  }
0x59: {  	[spmem:s3] =	stream.indirect.scatter.add.f32 [tilespmem:s16], [sflag:$0x1], $0x1, s24, s18, $0xb8;
	[tilespmem:$0x5580] =	vst v63  }
0x5a: {  	s25 =	simm.s32 $0x80  }
0x5b: {  	[spmem:s2] =	stream.indirect.scatter.add.f32 [tilespmem:s16], [sflag:$0x1], $0x1, s25, s18, $0xb8;
	[tilespmem:$0x5580] =	vst v63  }
0x5c: {  	s26 =	simm.s32 $0x2880  }
0x5d: {  	[spmem:s3] =	stream.indirect.scatter.add.f32 [tilespmem:s16], [sflag:$0x1], $0x1, s26, s18, $0xb8;
	[tilespmem:$0x5580] =	vst v63  }
0x5e: {  	s28 =	simm.s32 $0x100  }
0x5f: {  	[spmem:s2] =	stream.indirect.scatter.add.f32 [tilespmem:s16], [sflag:$0x1], $0x1, s28, s18, $0xb8;
	[tilespmem:$0x5580] =	vst v63  }
0x60: {  	s29 =	simm.s32 $0x2900  }
0x61: {  	[spmem:s3] =	stream.indirect.scatter.add.f32 [tilespmem:s16], [sflag:$0x1], $0x1, s29, s18, $0xb8;
	[tilespmem:$0x5580] =	vst v63  }
0x62: {  	s30 =	simm.s32 $0x180  }
0x63: {  	[spmem:s2] =	stream.indirect.scatter.add.f32 [tilespmem:s16], [sflag:$0x1], $0x1, s30, s18, $0xb8;
	[tilespmem:$0x5580] =	vst v63  }
0x64: {  	s31 =	simm.s32 $0x2980  }
0x65: {  	[spmem:s3] =	stream.indirect.scatter.add.f32 [tilespmem:s16], [sflag:$0x1], $0x1, s31, s18, $0xb8;
	[tilespmem:$0x5580] =	vst v63  }
0x66: {  	s24 =	simm.s32 $0x200  }
0x67: {  	[spmem:s2] =	stream.indirect.scatter.add.f32 [tilespmem:s16], [sflag:$0x1], $0x1, s24, s18, $0xb8;
	[tilespmem:$0x5580] =	vst v63  }
0x68: {  	s25 =	simm.s32 $0x2A00  }
0x69: {  	[spmem:s3] =	stream.indirect.scatter.add.f32 [tilespmem:s16], [sflag:$0x1], $0x1, s25, s18, $0xb8;
	[tilespmem:$0x5580] =	vst v63  }
0x6a: {  	s26 =	simm.s32 $0x280  }
0x6b: {  	[spmem:s2] =	stream.indirect.scatter.add.f32 [tilespmem:s16], [sflag:$0x1], $0x1, s26, s18, $0xb8;
	[tilespmem:$0x5580] =	vst v63  }
0x6c: {  	s28 =	simm.s32 $0x2A80  }
0x6d: {  	[spmem:s3] =	stream.indirect.scatter.add.f32 [tilespmem:s16], [sflag:$0x1], $0x1, s28, s18, $0xb8;
	[tilespmem:$0x5580] =	vst v63  }
0x6e: {  	p6 =	por $0x0, $0x0;
	s29 =	simm.s32 $0x300  }
0x6f: {  	[spmem:s2] =	stream.indirect.scatter.add.f32 [tilespmem:s16], [sflag:$0x1], $0x1, s29, s18, $0xb8;
	[tilespmem:$0x5580] =	vst v63  }
0x70: {  	s23 =	simm.s32 $0x1000;
	p0 =	por p6, p6;
	s30 =	simm.s32 $0x2B00  }
0x71: {  	[spmem:s3] =	stream.indirect.scatter.add.f32 [tilespmem:s16], [sflag:$0x1], $0x1, s30, s18, $0xb8;
	[tilespmem:$0x5580] =	vst v63  }
0x72: {  	s31 =	simm.s32 $0x380;
	s24 =	simm.s32 $0x2000;
	s25 =	simm.s32 $0x2B80  }
0x73: {  	[spmem:s2] =	stream.indirect.scatter.add.f32 [tilespmem:s16], [sflag:$0x1], $0x1, s31, s18, $0xb8;
	[tilespmem:$0x5580] =	vst v63  }
.LBB2_2:
0x74: {  	[spmem:s3] =	stream.indirect.scatter.add.f32 [tilespmem:s16], [sflag:$0x1], $0x1, s25, s18, $0xb8;
	[tilespmem:$0x5580] =	vst v63  }
0x75: {  	s25 =	smov.u32 s24  }
0x76: {  	s24 =	sadd.s32 $0x1000, s24;
	s26 =	simm.s32 @!p0 $0x1;
	p2 =	seq.s32 s25, $0x0  }
0x77: {  	p1 =	sne.s32 s24, $0xA000;
	_ =	swait.ge @!p0 [sflag:s26], $0x80  }
0x78: {  	[sflag:s26] =	ssyncset.done @!p0 $0x0  }
0x79: {  	[sflag:s26] =	ssyncadd.s32 @!p0 $0xFFFFFF80  }
0x7a: {  	_ =	swait.ge @!p0 [sflag:s26], $0x80  }
0x7b: {  	[sflag:s26] =	ssyncset.done @!p0 $0x0  }
0x7c: {  	[sflag:s26] =	ssyncadd.s32 @!p0 $0xFFFFFF80  }
0x7d: {  	_ =	swait.ge @!p0 [sflag:s26], $0x80  }
0x7e: {  	[sflag:s26] =	ssyncset.done @!p0 $0x0  }
0x7f: {  	[sflag:s26] =	ssyncadd.s32 @!p0 $0xFFFFFF80  }
0x80: {  	_ =	swait.ge @!p0 [sflag:s26], $0x80  }
0x81: {  	[sflag:s26] =	ssyncset.done @!p0 $0x0  }
0x82: {  	[sflag:s26] =	ssyncadd.s32 @!p0 $0xFFFFFF80  }
0x83: {  	_ =	swait.ge @!p0 [sflag:s26], $0x80  }
0x84: {  	[sflag:s26] =	ssyncset.done @!p0 $0x0  }
0x85: {  	[sflag:s26] =	ssyncadd.s32 @!p0 $0xFFFFFF80  }
0x86: {  	_ =	swait.ge @!p0 [sflag:s26], $0x80  }
0x87: {  	[sflag:s26] =	ssyncset.done @!p0 $0x0  }
0x88: {  	[sflag:s26] =	ssyncadd.s32 @!p0 $0xFFFFFF80  }
0x89: {  	_ =	swait.ge @!p0 [sflag:s26], $0x80  }
0x8a: {  	[sflag:s26] =	ssyncset.done @!p0 $0x0  }
0x8b: {  	[sflag:s26] =	ssyncadd.s32 @!p0 $0xFFFFFF80  }
0x8c: {  	_ =	swait.ge @!p0 [sflag:s26], $0x80  }
0x8d: {  	[sflag:s26] =	ssyncset.done @!p0 $0x0  }
0x8e: {  	[sflag:s26] =	ssyncadd.s32 @!p0 $0xFFFFFF80  }
0x8f: {  	_ =	swait.ge @!p0 [sflag:s26], $0x80  }
0x90: {  	[sflag:s26] =	ssyncset.done @!p0 $0x0  }
0x91: {  	[sflag:s26] =	ssyncadd.s32 @!p0 $0xFFFFFF80  }
0x92: {  	_ =	swait.ge @!p0 [sflag:s26], $0x80  }
0x93: {  	[sflag:s26] =	ssyncset.done @!p0 $0x0  }
0x94: {  	[sflag:s26] =	ssyncadd.s32 @!p0 $0xFFFFFF80  }
0x95: {  	_ =	swait.ge @!p0 [sflag:s26], $0x80  }
0x96: {  	[sflag:s26] =	ssyncset.done @!p0 $0x0  }
0x97: {  	[sflag:s26] =	ssyncadd.s32 @!p0 $0xFFFFFF80  }
0x98: {  	_ =	swait.ge @!p0 [sflag:s26], $0x80  }
0x99: {  	[sflag:s26] =	ssyncset.done @!p0 $0x0  }
0x9a: {  	[sflag:s26] =	ssyncadd.s32 @!p0 $0xFFFFFF80  }
0x9b: {  	_ =	swait.ge @!p0 [sflag:s26], $0x80  }
0x9c: {  	[sflag:s26] =	ssyncset.done @!p0 $0x0  }
0x9d: {  	[sflag:s26] =	ssyncadd.s32 @!p0 $0xFFFFFF80  }
0x9e: {  	_ =	swait.ge @!p0 [sflag:s26], $0x80  }
0x9f: {  	[sflag:s26] =	ssyncset.done @!p0 $0x0  }
0xa0: {  	[sflag:s26] =	ssyncadd.s32 @!p0 $0xFFFFFF80  }
0xa1: {  	_ =	swait.ge @!p0 [sflag:s26], $0x80  }
0xa2: {  	[sflag:s26] =	ssyncset.done @!p0 $0x0  }
0xa3: {  	[sflag:s26] =	ssyncadd.s32 @!p0 $0xFFFFFF80  }
0xa4: {  	_ =	swait.ge @!p0 [sflag:s26], $0x80  }
0xa5: {  	[sflag:s26] =	ssyncset.done @!p0 $0x0  }
0xa6: {  	[sflag:s26] =	ssyncadd.s32 @!p0 $0xFFFFFF80;
	s26 =	sshra.s32 s23, $0x2;
	s23 =	smov.u32 s25  }
0xa7: {  	[spmem:s2] =	stream.indirect.scatter.add.f32 [tilespmem:s16], [sflag:$0x1], $0x1, s26, s18, $0xb8;
	[tilespmem:$0x5580] =	vst v63  }
0xa8: {  	p0 =	por p2, p2;
	s25 =	sadd.s32 $0x2800, s26  }
0xa9: {  	[spmem:s3] =	stream.indirect.scatter.add.f32 [tilespmem:s16], [sflag:$0x1], $0x1, s25, s18, $0xb8;
	[tilespmem:$0x5580] =	vst v63  }
0xaa: {  	s25 =	sadd.s32 $0x80, s26  }
0xab: {  	[spmem:s2] =	stream.indirect.scatter.add.f32 [tilespmem:s16], [sflag:$0x1], $0x1, s25, s18, $0xb8;
	[tilespmem:$0x5580] =	vst v63  }
0xac: {  	s25 =	sadd.s32 $0x2880, s26  }
0xad: {  	[spmem:s3] =	stream.indirect.scatter.add.f32 [tilespmem:s16], [sflag:$0x1], $0x1, s25, s18, $0xb8;
	[tilespmem:$0x5580] =	vst v63  }
0xae: {  	s25 =	sadd.s32 $0x100, s26  }
0xaf: {  	[spmem:s2] =	stream.indirect.scatter.add.f32 [tilespmem:s16], [sflag:$0x1], $0x1, s25, s18, $0xb8;
	[tilespmem:$0x5580] =	vst v63  }
0xb0: {  	s25 =	sadd.s32 $0x2900, s26  }
0xb1: {  	[spmem:s3] =	stream.indirect.scatter.add.f32 [tilespmem:s16], [sflag:$0x1], $0x1, s25, s18, $0xb8;
	[tilespmem:$0x5580] =	vst v63  }
0xb2: {  	s25 =	sadd.s32 $0x180, s26  }
0xb3: {  	[spmem:s2] =	stream.indirect.scatter.add.f32 [tilespmem:s16], [sflag:$0x1], $0x1, s25, s18, $0xb8;
	[tilespmem:$0x5580] =	vst v63  }
0xb4: {  	s25 =	sadd.s32 $0x2980, s26  }
0xb5: {  	[spmem:s3] =	stream.indirect.scatter.add.f32 [tilespmem:s16], [sflag:$0x1], $0x1, s25, s18, $0xb8;
	[tilespmem:$0x5580] =	vst v63  }
0xb6: {  	s25 =	sadd.s32 $0x200, s26  }
0xb7: {  	[spmem:s2] =	stream.indirect.scatter.add.f32 [tilespmem:s16], [sflag:$0x1], $0x1, s25, s18, $0xb8;
	[tilespmem:$0x5580] =	vst v63  }
0xb8: {  	s25 =	sadd.s32 $0x2A00, s26  }
0xb9: {  	[spmem:s3] =	stream.indirect.scatter.add.f32 [tilespmem:s16], [sflag:$0x1], $0x1, s25, s18, $0xb8;
	[tilespmem:$0x5580] =	vst v63  }
0xba: {  	s25 =	sadd.s32 $0x280, s26  }
0xbb: {  	[spmem:s2] =	stream.indirect.scatter.add.f32 [tilespmem:s16], [sflag:$0x1], $0x1, s25, s18, $0xb8;
	[tilespmem:$0x5580] =	vst v63  }
0xbc: {  	s25 =	sadd.s32 $0x2A80, s26  }
0xbd: {  	[spmem:s3] =	stream.indirect.scatter.add.f32 [tilespmem:s16], [sflag:$0x1], $0x1, s25, s18, $0xb8;
	[tilespmem:$0x5580] =	vst v63  }
0xbe: {  	s25 =	sadd.s32 $0x300, s26  }
0xbf: {  	[spmem:s2] =	stream.indirect.scatter.add.f32 [tilespmem:s16], [sflag:$0x1], $0x1, s25, s18, $0xb8;
	[tilespmem:$0x5580] =	vst v63  }
.Ltmp0:
0xc0: {  	s25 =	sadd.s32 $0x2B00, s26;
	(pc) =	sbr.rel @p1 .LBB2_2-.Ltmp0, $4  }
0xc1: {  	[spmem:s3] =	stream.indirect.scatter.add.f32 [tilespmem:s16], [sflag:$0x1], $0x1, s25, s18, $0xb8;
	[tilespmem:$0x5580] =	vst v63  }
0xc2: {  	s25 =	sadd.s32 $0x380, s26  }
0xc3: {  	[spmem:s2] =	stream.indirect.scatter.add.f32 [tilespmem:s16], [sflag:$0x1], $0x1, s25, s18, $0xb8;
	[tilespmem:$0x5580] =	vst v63  }
0xc4: {  	s25 =	sadd.s32 $0x2B80, s26  }
0xc5: {  	[spmem:s3] =	stream.indirect.scatter.add.f32 [tilespmem:s16], [sflag:$0x1], $0x1, s25, s18, $0xb8;
	[tilespmem:$0x5580] =	vst v63  }
0xc6: {  	s24 =	simm.s32 @!p0 $0x1  }
0xc7: {  	_ =	swait.ge @!p0 [sflag:s24], $0x80  }
0xc8: {  	[sflag:s24] =	ssyncset.done @!p0 $0x0  }
0xc9: {  	[sflag:s24] =	ssyncadd.s32 @!p0 $0xFFFFFF80  }
0xca: {  	_ =	swait.ge @!p0 [sflag:s24], $0x80  }
0xcb: {  	[sflag:s24] =	ssyncset.done @!p0 $0x0  }
0xcc: {  	[sflag:s24] =	ssyncadd.s32 @!p0 $0xFFFFFF80  }
0xcd: {  	_ =	swait.ge @!p0 [sflag:s24], $0x80  }
0xce: {  	[sflag:s24] =	ssyncset.done @!p0 $0x0  }
0xcf: {  	[sflag:s24] =	ssyncadd.s32 @!p0 $0xFFFFFF80  }
0xd0: {  	_ =	swait.ge @!p0 [sflag:s24], $0x80  }
0xd1: {  	[sflag:s24] =	ssyncset.done @!p0 $0x0  }
0xd2: {  	[sflag:s24] =	ssyncadd.s32 @!p0 $0xFFFFFF80  }
0xd3: {  	_ =	swait.ge @!p0 [sflag:s24], $0x80  }
0xd4: {  	[sflag:s24] =	ssyncset.done @!p0 $0x0  }
0xd5: {  	[sflag:s24] =	ssyncadd.s32 @!p0 $0xFFFFFF80  }
0xd6: {  	_ =	swait.ge @!p0 [sflag:s24], $0x80  }
0xd7: {  	[sflag:s24] =	ssyncset.done @!p0 $0x0  }
0xd8: {  	[sflag:s24] =	ssyncadd.s32 @!p0 $0xFFFFFF80  }
0xd9: {  	_ =	swait.ge @!p0 [sflag:s24], $0x80  }
0xda: {  	[sflag:s24] =	ssyncset.done @!p0 $0x0  }
0xdb: {  	[sflag:s24] =	ssyncadd.s32 @!p0 $0xFFFFFF80  }
0xdc: {  	_ =	swait.ge @!p0 [sflag:s24], $0x80  }
0xdd: {  	[sflag:s24] =	ssyncset.done @!p0 $0x0  }
0xde: {  	[sflag:s24] =	ssyncadd.s32 @!p0 $0xFFFFFF80  }
0xdf: {  	_ =	swait.ge @!p0 [sflag:s24], $0x80  }
0xe0: {  	[sflag:s24] =	ssyncset.done @!p0 $0x0  }
0xe1: {  	[sflag:s24] =	ssyncadd.s32 @!p0 $0xFFFFFF80  }
0xe2: {  	_ =	swait.ge @!p0 [sflag:s24], $0x80  }
0xe3: {  	[sflag:s24] =	ssyncset.done @!p0 $0x0  }
0xe4: {  	[sflag:s24] =	ssyncadd.s32 @!p0 $0xFFFFFF80  }
0xe5: {  	_ =	swait.ge @!p0 [sflag:s24], $0x80  }
0xe6: {  	[sflag:s24] =	ssyncset.done @!p0 $0x0  }
0xe7: {  	[sflag:s24] =	ssyncadd.s32 @!p0 $0xFFFFFF80  }
0xe8: {  	_ =	swait.ge @!p0 [sflag:s24], $0x80  }
0xe9: {  	[sflag:s24] =	ssyncset.done @!p0 $0x0  }
0xea: {  	[sflag:s24] =	ssyncadd.s32 @!p0 $0xFFFFFF80  }
0xeb: {  	_ =	swait.ge @!p0 [sflag:s24], $0x80  }
0xec: {  	[sflag:s24] =	ssyncset.done @!p0 $0x0  }
0xed: {  	[sflag:s24] =	ssyncadd.s32 @!p0 $0xFFFFFF80  }
0xee: {  	_ =	swait.ge @!p0 [sflag:s24], $0x80  }
0xef: {  	[sflag:s24] =	ssyncset.done @!p0 $0x0  }
0xf0: {  	[sflag:s24] =	ssyncadd.s32 @!p0 $0xFFFFFF80  }
0xf1: {  	_ =	swait.ge @!p0 [sflag:s24], $0x80  }
0xf2: {  	[sflag:s24] =	ssyncset.done @!p0 $0x0  }
0xf3: {  	[sflag:s24] =	ssyncadd.s32 @!p0 $0xFFFFFF80  }
0xf4: {  	_ =	swait.ge @!p0 [sflag:s24], $0x80  }
0xf5: {  	[sflag:s24] =	ssyncset.done @!p0 $0x0  }
0xf6: {  	s23 =	sshra.s32 s23, $0x2;
	[sflag:s24] =	ssyncadd.s32 @!p0 $0xFFFFFF80  }
0xf7: {  	[spmem:s2] =	stream.indirect.scatter.add.f32 [tilespmem:s16], [sflag:$0x1], $0x1, s23, s18, $0xb8;
	[tilespmem:$0x5580] =	vst v63  }
0xf8: {  	s30 =	sadd.s32 $0x2800, s23  }
0xf9: {  	[spmem:s3] =	stream.indirect.scatter.add.f32 [tilespmem:s16], [sflag:$0x1], $0x1, s30, s18, $0xb8;
	[tilespmem:$0x5580] =	vst v63  }
0xfa: {  	s31 =	sadd.s32 $0x80, s23  }
0xfb: {  	[spmem:s2] =	stream.indirect.scatter.add.f32 [tilespmem:s16], [sflag:$0x1], $0x1, s31, s18, $0xb8;
	[tilespmem:$0x5580] =	vst v63  }
0xfc: {  	s25 =	sadd.s32 $0x2880, s23  }
0xfd: {  	[spmem:s3] =	stream.indirect.scatter.add.f32 [tilespmem:s16], [sflag:$0x1], $0x1, s25, s18, $0xb8;
	[tilespmem:$0x5580] =	vst v63  }
0xfe: {  	s26 =	sadd.s32 $0x100, s23  }
0xff: {  	[spmem:s2] =	stream.indirect.scatter.add.f32 [tilespmem:s16], [sflag:$0x1], $0x1, s26, s18, $0xb8;
	[tilespmem:$0x5580] =	vst v63  }
0x100: {  	s28 =	sadd.s32 $0x2900, s23  }
0x101: {  	[spmem:s3] =	stream.indirect.scatter.add.f32 [tilespmem:s16], [sflag:$0x1], $0x1, s28, s18, $0xb8;
	[tilespmem:$0x5580] =	vst v63  }
0x102: {  	s29 =	sadd.s32 $0x180, s23  }
0x103: {  	[spmem:s2] =	stream.indirect.scatter.add.f32 [tilespmem:s16], [sflag:$0x1], $0x1, s29, s18, $0xb8;
	[tilespmem:$0x5580] =	vst v63  }
0x104: {  	s30 =	sadd.s32 $0x2980, s23  }
0x105: {  	[spmem:s3] =	stream.indirect.scatter.add.f32 [tilespmem:s16], [sflag:$0x1], $0x1, s30, s18, $0xb8;
	[tilespmem:$0x5580] =	vst v63  }
0x106: {  	s31 =	sadd.s32 $0x200, s23  }
0x107: {  	[spmem:s2] =	stream.indirect.scatter.add.f32 [tilespmem:s16], [sflag:$0x1], $0x1, s31, s18, $0xb8;
	[tilespmem:$0x5580] =	vst v63  }
0x108: {  	s25 =	sadd.s32 $0x2A00, s23  }
0x109: {  	[spmem:s3] =	stream.indirect.scatter.add.f32 [tilespmem:s16], [sflag:$0x1], $0x1, s25, s18, $0xb8;
	[tilespmem:$0x5580] =	vst v63  }
0x10a: {  	s26 =	sadd.s32 $0x280, s23  }
0x10b: {  	[spmem:s2] =	stream.indirect.scatter.add.f32 [tilespmem:s16], [sflag:$0x1], $0x1, s26, s18, $0xb8;
	[tilespmem:$0x5580] =	vst v63  }
0x10c: {  	s28 =	sadd.s32 $0x2A80, s23  }
0x10d: {  	[spmem:s3] =	stream.indirect.scatter.add.f32 [tilespmem:s16], [sflag:$0x1], $0x1, s28, s18, $0xb8;
	[tilespmem:$0x5580] =	vst v63  }
0x10e: {  	s29 =	sadd.s32 $0x300, s23  }
0x10f: {  	[spmem:s2] =	stream.indirect.scatter.add.f32 [tilespmem:s16], [sflag:$0x1], $0x1, s29, s18, $0xb8;
	[tilespmem:$0x5580] =	vst v63  }
0x110: {  	s30 =	sadd.s32 $0x2B00, s23  }
0x111: {  	[spmem:s3] =	stream.indirect.scatter.add.f32 [tilespmem:s16], [sflag:$0x1], $0x1, s30, s18, $0xb8;
	[tilespmem:$0x5580] =	vst v63  }
0x112: {  	s31 =	sadd.s32 $0x380, s23  }
0x113: {  	[spmem:s2] =	stream.indirect.scatter.add.f32 [tilespmem:s16], [sflag:$0x1], $0x1, s31, s18, $0xb8;
	[tilespmem:$0x5580] =	vst v63  }
0x114: {  	s23 =	sadd.s32 $0x2B80, s23  }
0x115: {  	[spmem:s3] =	stream.indirect.scatter.add.f32 [tilespmem:s16], [sflag:$0x1], $0x1, s23, s18, $0xb8;
	[tilespmem:$0x5580] =	vst v63  }
0x116: {  	_ =	swait.ge [sflag:s19], $0x80  }
0x117: {  	[sflag:s19] =	ssyncset.done $0x0  }
0x118: {  	[sflag:s19] =	ssyncadd.s32 $0xFFFFFF80  }
0x119: {  	_ =	swait.ge [sflag:s19], $0x80  }
0x11a: {  	[sflag:s19] =	ssyncset.done $0x0  }
0x11b: {  	[sflag:s19] =	ssyncadd.s32 $0xFFFFFF80  }
0x11c: {  	_ =	swait.ge [sflag:s19], $0x80  }
0x11d: {  	[sflag:s19] =	ssyncset.done $0x0  }
0x11e: {  	[sflag:s19] =	ssyncadd.s32 $0xFFFFFF80  }
0x11f: {  	_ =	swait.ge [sflag:s19], $0x80  }
0x120: {  	[sflag:s19] =	ssyncset.done $0x0  }
0x121: {  	[sflag:s19] =	ssyncadd.s32 $0xFFFFFF80  }
0x122: {  	_ =	swait.ge [sflag:s19], $0x80  }
0x123: {  	[sflag:s19] =	ssyncset.done $0x0  }
0x124: {  	[sflag:s19] =	ssyncadd.s32 $0xFFFFFF80  }
0x125: {  	_ =	swait.ge [sflag:s19], $0x80  }
0x126: {  	[sflag:s19] =	ssyncset.done $0x0  }
0x127: {  	[sflag:s19] =	ssyncadd.s32 $0xFFFFFF80  }
0x128: {  	_ =	swait.ge [sflag:s19], $0x80  }
0x129: {  	[sflag:s19] =	ssyncset.done $0x0  }
0x12a: {  	[sflag:s19] =	ssyncadd.s32 $0xFFFFFF80  }
0x12b: {  	_ =	swait.ge [sflag:s19], $0x80  }
0x12c: {  	[sflag:s19] =	ssyncset.done $0x0  }
0x12d: {  	[sflag:s19] =	ssyncadd.s32 $0xFFFFFF80  }
0x12e: {  	_ =	swait.ge [sflag:s19], $0x80  }
0x12f: {  	[sflag:s19] =	ssyncset.done $0x0  }
0x130: {  	[sflag:s19] =	ssyncadd.s32 $0xFFFFFF80  }
0x131: {  	_ =	swait.ge [sflag:s19], $0x80  }
0x132: {  	[sflag:s19] =	ssyncset.done $0x0  }
0x133: {  	[sflag:s19] =	ssyncadd.s32 $0xFFFFFF80  }
0x134: {  	_ =	swait.ge [sflag:s19], $0x80  }
0x135: {  	[sflag:s19] =	ssyncset.done $0x0  }
0x136: {  	[sflag:s19] =	ssyncadd.s32 $0xFFFFFF80  }
0x137: {  	_ =	swait.ge [sflag:s19], $0x80  }
0x138: {  	[sflag:s19] =	ssyncset.done $0x0  }
0x139: {  	[sflag:s19] =	ssyncadd.s32 $0xFFFFFF80  }
0x13a: {  	_ =	swait.ge [sflag:s19], $0x80  }
0x13b: {  	[sflag:s19] =	ssyncset.done $0x0  }
0x13c: {  	[sflag:s19] =	ssyncadd.s32 $0xFFFFFF80  }
0x13d: {  	_ =	swait.ge [sflag:s19], $0x80  }
0x13e: {  	[sflag:s19] =	ssyncset.done $0x0  }
0x13f: {  	[sflag:s19] =	ssyncadd.s32 $0xFFFFFF80  }
0x140: {  	_ =	swait.ge [sflag:s19], $0x80  }
0x141: {  	[sflag:s19] =	ssyncset.done $0x0  }
0x142: {  	[sflag:s19] =	ssyncadd.s32 $0xFFFFFF80  }
0x143: {  	_ =	swait.ge [sflag:s19], $0x80  }
0x144: {  	[sflag:s19] =	ssyncset.done $0x0  }
0x145: {  	[sflag:s19] =	ssyncadd.s32 $0xFFFFFF80  }
0x146: {  	[bflag:$0x0] =	sbarrier.arrive $0xFFFF  }
0x147: {  	[hbm:s10@s20], [sflag:s7] =	dma.strided [spmem:s13@s21], $0x50, s19, $0x10   }
0x148: {  	s22 =	sadd.s32 $0x1, s22;
	_ =	swait.ge [sflag:s14], $0x50  }
0x149: {  	p0 =	sne.s32 s22, s12;
	[sflag:s14] =	ssyncset.done $0x0  }
.Ltmp1:
0x14a: {  	[sflag:s14] =	ssyncadd.s32 $0xFFFFFFB0;
	(pc) =	sbr.rel @p0 .LBB2_1-.Ltmp1, $4  }
0x14b: {  	[hbm:s11@s20], [sflag:s7] =	dma.strided [spmem:s15@s21], $0x50, s19, $0x10   }
0x14c: {  	_ =	swait.ge [sflag:s14], $0x50  }
0x14d: {  	[sflag:s14] =	ssyncset.done $0x0  }
0x14e: {  	[sflag:s14] =	ssyncadd.s32 $0xFFFFFFB0  }
0x14f: {  	_ =	sfence.sel $0x180000  }
0x150: {  	[bflag:$0x0] =	sbarrier.arrive $0xFFFF  }
0x151: {  	p0 =	sne.s32 s0, $0x0;
	_ =	strace $0x90000047  }
0x152: {  	s0 =	sadd.s32 @!p0 $0x100000, s1;
	[bflag:$0x2] =	sbarrier.arrive $0xFFFF  }
0x153: {  	[sflag:s0] =	ssyncadd.tile.s32 @!p0 $0x1;
	_ =	shalt  }
.Lfunc_end2:
_tile_overlayer_lowered:
.L_overlay_start_2:
0x154: {  	(tag) =	ssettag $0x2  }
0x155: {  	s0 =	rddreg [dreg:$0x0];
	s2 =	stileid.u32  }
0x156: {  	s1 =	rddreg [dreg:$0x1];
	p0 =	sne.s32 s2, $0x0  }
0x157: {  	s3 =	rddreg [dreg:$0x2];
	[bflag:$0x3] =	sbarrier.arrive $0xFFFF;
	s2 =	simm.s32 @!p0 $0x1C02  }
0x158: {  	[timem:s3], [sflag:s2] =	dma.local @!p0 [hbm:s0], s1  }
0x159: {  	s0 =	simm.s32 @!p0 $0x2  }
0x15a: {  	_ =	swait.ge @!p0 [sflag:s0], s1  }
0x15b: {  	s1 =	ssub.s32 @!p0 $0x0, s1;
	[sflag:s0] =	ssyncset.done @!p0 $0x0  }
0x15c: {  	[sflag:s0] =	ssyncadd.s32 @!p0 s1  }
0x15d: {  	[bflag:$0x3] =	sbarrier.arrive $0xFFFF  }
0x15e: {  	_ =	shalt  }

// kernel: kernel.15.cloned.1.call-start
scs
__scs_entry_jumppad:
0x0: {  	(pc) =	sbr.rel $0x88, $3  }
0x1: {  	(tag) =	ssettag $0x0;
	lr =	simm.s32 $0x1  }
0x2: {  	[smem:$0x3F97] =	sst lr;
	_ =	strace $0xD0000000  }
0x3: {  	_ = 	snop  }
0x4: {  	_ = 	snop  }
0x5: {  	_ = 	snop  }
0x6: {  	_ = 	snop  }
0x7: {  	_ = 	snop  }
__scs_overlays_trampoline_lowered:
0x8: {  	[smem:$0x3FA6] =	sst s0  }
0x9: {  	[smem:$0x3FA7] =	sst s1  }
0xa: {  	[smem:$0x3FA8] =	sst s2  }
0xb: {  	[smem:$0x3FA9] =	sst s3  }
0xc: {  	[smem:$0x3FAA] =	sst s4  }
0xd: {  	[smem:$0x3FAB] =	sst s5  }
0xe: {  	[smem:$0x3FAC] =	sst s6  }
0xf: {  	[smem:$0x3FAD] =	sst s7  }
0x10: {  	[smem:$0x3FAE] =	sst s8  }
0x11: {  	[smem:$0x3FAF] =	sst s9;
	s0 =	simm.s32 @!p0 $0x0  }
0x12: {  	s1 =	sld [smem:$0x3F95];
	s0 =	simm.s32 @p0 $0x1  }
0x13: {  	[smem:$0x3FB0] =	sst s0;
	s0 =	simm.s32 @!p1 $0x0  }
0x14: {  	s2 =	sld [smem:$0x3F94];
	s0 =	simm.s32 @p1 $0x1  }
0x15: {  	[smem:$0x3FB1] =	sst s0;
	s0 =	simm.s32 @!p2 $0x0  }
0x16: {  	s3 =	sld [smem:$0x3FDB];
	s0 =	simm.s32 @p2 $0x1  }
0x17: {  	s4 =	simm.s32 $0x1BF5;
	[smem:$0x3FB3] =	sst s0  }
0x18: {  	s0 =	sld [smem:$0x3F96];
	_ =	swait.ge [sflag:s4], $0x0  }
0x19: {  	s7 =	sld [smem:$0x3F97]  }
0x1a: {  	s8 =	sadd.s32 $0xFFFFE003, lr  }
0x1b: {  	s9 =	sadd.s32 $0xFFFFFEF7, lr;
	s5 =	simm.s32 $0xFFFFFFFF;
	p2 =	slt.u32 s8, $0xFFFFF086  }
0x1c: {  	p1 =	slt.u32 s9, $0xF7A;
	s5 =	simm.s32 @!p2 $0x0  }
0x1d: {  	s5 =	simm.s32 @p1 $0x1;
	p0 =	seq.s32 s7, s2  }
0x1e: {  	s7 =	smul.u32 @!p0 $0xF7A, s2;
	p2 =	seq.s32 @!p0 s5, $0x0  }
0x1f: {  	s9 =	smul.u32 $0xF7A, s1;
	s8 =	simm.s32 @!p0 $0x1BF5;
	p2 =	por !p2, p0  }
0x20: {  	[sflag:s8] =	ssyncset.s32 @!p0 $0xFFFFF086;
	s6 =	sadd.s32 @!p0 s3, s7;
	s7 =	simm.s32 @!p0 $0x108  }
0x21: {  	s3 =	sadd.s32 s3, s9;
	s6 =	sadd.s32 @!p0 $0x88, s6;
	s7 =	simm.s32 @p2 $0x1082  }
0x22: {  	[simem:s7], [sflag:s8] =	dma.local @!p0 [hbm:s6], $0xF7A  }
0x23: {  	s9 =	sor.u32 $0xD0000000, s2;
	s6 =	simm.s32 $0x108;
	_ =	swait.ge @!p0 [sflag:s8], $0x0  }
0x24: {  	s3 =	sadd.s32 $0x88, s3;
	s6 =	simm.s32 @!p1 $0x1082;
	[sflag:s4] =	ssyncset.s32 $0xFFFFF086  }
0x25: {  	[simem:s6], [sflag:s4] =	dma.local [hbm:s3], $0xF7A  }
0x26: {  	[smem:$0x3F97] =	sst s1;
	(tag) =	ssettag s2;
	_ =	strace s9  }
0x27: {  	s1 =	sld [smem:$0x3FA7]  }
0x28: {  	s2 =	sld [smem:$0x3FA8]  }
0x29: {  	s4 =	sld [smem:$0x3FAA]  }
0x2a: {  	p0 =	seq.s32 s5, $0x0;
	s5 =	sld [smem:$0x3FAB]  }
0x2b: {  	s6 =	sld [smem:$0x3FAC]  }
0x2c: {  	s7 =	sld [smem:$0x3FAD]  }
0x2d: {  	s3 =	simm.s32 $0x108;
	s8 =	sld [smem:$0x3FAE]  }
0x2e: {  	s3 =	simm.s32 @!p0 $0x1082;
	s9 =	sld [smem:$0x3FAF]  }
0x2f: {  	lr =	sadd.s32 s0, s3;
	s0 =	sld [smem:$0x3FA6]  }
0x30: {  	s3 =	sld [smem:$0x3FA9]  }
0x31: {  	[smem:$0x3FB2] =	sst s10  }
0x32: {  	s10 =	sld [smem:$0x3FB0];
	_ =	sdelay $0x3  }
0x33: {  	p0 =	seq.s32 s10, $0x1;
	s10 =	sld [smem:$0x3FB2];
	_ =	sdelay $0x3  }
0x34: {  	[smem:$0x3FB2] =	sst s10  }
0x35: {  	s10 =	sld [smem:$0x3FB1];
	_ =	sdelay $0x3  }
0x36: {  	p1 =	seq.s32 s10, $0x1;
	s10 =	sld [smem:$0x3FB2];
	_ =	sdelay $0x3  }
0x37: {  	[smem:$0x3FB2] =	sst s10  }
0x38: {  	s10 =	sld [smem:$0x3FB3]  }
0x39: {  	_ = 	snop;
	(pc) =	sbr.ind lr, $3  }
0x3a: {  	_ = 	snop  }
0x3b: {  	_ = 	snop  }
0x3c: {  	p2 =	seq.s32 s10, $0x1;
	s10 =	sld [smem:$0x3FB2]  }
0x3d: {  	_ =	shalt  }
0x3e: {  	_ =	shalt  }
0x3f: {  	_ =	shalt  }
0x40: {  	_ =	shalt  }
0x41: {  	_ =	shalt  }
0x42: {  	_ =	shalt  }
0x43: {  	_ =	shalt  }
0x44: {  	_ =	shalt  }
0x45: {  	_ =	shalt  }
0x46: {  	_ =	shalt  }
0x47: {  	_ =	shalt  }
0x48: {  	_ =	shalt  }
0x49: {  	_ =	shalt  }
0x4a: {  	_ =	shalt  }
0x4b: {  	_ =	shalt  }
0x4c: {  	_ =	shalt  }
0x4d: {  	_ =	shalt  }
0x4e: {  	_ =	shalt  }
0x4f: {  	_ =	shalt  }
0x50: {  	_ =	shalt  }
0x51: {  	_ =	shalt  }
0x52: {  	_ =	shalt  }
0x53: {  	_ =	shalt  }
0x54: {  	_ =	shalt  }
0x55: {  	_ =	shalt  }
0x56: {  	_ =	shalt  }
0x57: {  	_ =	shalt  }
0x58: {  	_ =	shalt  }
0x59: {  	_ =	shalt  }
0x5a: {  	_ =	shalt  }
0x5b: {  	_ =	shalt  }
0x5c: {  	_ =	shalt  }
0x5d: {  	_ =	shalt  }
0x5e: {  	_ =	shalt  }
0x5f: {  	_ =	shalt  }
0x60: {  	_ =	shalt  }
0x61: {  	_ =	shalt  }
0x62: {  	_ =	shalt  }
0x63: {  	_ =	shalt  }
0x64: {  	_ =	shalt  }
0x65: {  	_ =	shalt  }
0x66: {  	_ =	shalt  }
0x67: {  	_ =	shalt  }
0x68: {  	_ =	shalt  }
0x69: {  	_ =	shalt  }
0x6a: {  	_ =	shalt  }
0x6b: {  	_ =	shalt  }
0x6c: {  	_ =	shalt  }
0x6d: {  	_ =	shalt  }
0x6e: {  	_ =	shalt  }
0x6f: {  	_ =	shalt  }
0x70: {  	_ =	shalt  }
0x71: {  	_ =	shalt  }
0x72: {  	_ =	shalt  }
0x73: {  	_ =	shalt  }
0x74: {  	_ =	shalt  }
0x75: {  	_ =	shalt  }
0x76: {  	_ =	shalt  }
0x77: {  	_ =	shalt  }
0x78: {  	_ =	shalt  }
0x79: {  	_ =	shalt  }
0x7a: {  	_ =	shalt  }
0x7b: {  	_ =	shalt  }
0x7c: {  	_ =	shalt  }
0x7d: {  	_ =	shalt  }
0x7e: {  	_ =	shalt  }
0x7f: {  	_ =	shalt  }
0x80: {  	_ =	shalt  }
0x81: {  	_ =	shalt  }
0x82: {  	_ =	shalt  }
0x83: {  	_ =	shalt  }
0x84: {  	_ =	shalt  }
0x85: {  	_ =	shalt  }
0x86: {  	_ =	shalt  }
0x87: {  	_ =	shalt  }
.Lfunc_end0:
.L_simem_size_0:
called_computation.1_lowered:
.L_overlay_start_0:
0x88: {  	s2 =	sld [smem:$0x3FD9]  }
0x89: {  	s3 =	sld [smem:$0x3FFE];
	_ =	sdelay $0x1  }
0x8a: {  	s1 =	srdreg.scid  }
0x8b: {  	s0 =	sand.u32 $0x1, s1  }
0x8c: {  	s17 =	sshll.u32 s0, $0xA;
	s2 =	sadd.s32 s3, s2  }
0x8d: {  	s2 =	sadd.s32 s2, s17  }
0x8e: {  	[smem:$0x3FBE] =	sst s2  }
0x8f: {  	_ = 	snop  }
0x90: {  	s2 =	sld [smem:$0x3FD0];
	(tm) =	ssettm $0x1  }
0x91: {  	s18 =	sld [smem:$0x3FFB];
	_ =	sdelay $0x3  }
0x92: {  	_ =	strace s18  }
0x93: {  	s3 =	sld [smem:$0x3FFC];
	_ =	sdelay $0x3  }
0x94: {  	_ =	strace s3  }
0x95: {  	s3 =	sld [smem:$0x3FFD];
	_ =	sdelay $0x3  }
0x96: {  	_ =	strace s3  }
0x97: {  	_ =	strace $0x8FFFFFFF  }
0x98: {  	s19 =	sld [smem:$0x3FDB];
	_ =	sdelay $0x1  }
0x99: {  	s4 =	simm.s32 $_scs_section_size  }
0x9a: {  	s5 =	simm.s32 $_size__tile_overlayer_lowered;
	s6 =	simm.s32 $_tile_overlayer_lowered  }
0x9b: {  	s22 =	simm.s32 $0x1BFF;
	s21 =	sshll.u32 s6, $0x1;
	s3 =	sadd.s32 s4, s19  }
0x9c: {  	s7 =	simm.s32 $0x0;
	s20 =	sshll.u32 s5, $0x1;
	s5 =	sadd.s32 s21, s3  }
0x9d: {  	[timem:s7], [sflag:s22] =	dma.local [hbm:s5], s20  }
0x9e: {  	_ =	swait.ge [sflag:s22], s20  }
0x9f: {  	s4 =	ssub.s32 $0x0, s20;
	[sflag:s22] =	ssyncset.done $0x0  }
0xa0: {  	[sflag:s22] =	ssyncadd.s32 s4;
	_ =	sdelay $0x1  }
0xa1: {  	s23 =	simm.s32 $0x1B8B  }
0xa2: {  	_ =	swait.ge [sflag:s23], $0x1  }
0xa3: {  	[sflag:s23] =	ssyncset.done $0x0  }
0xa4: {  	s25 =	simm.s32 $0x1B8E;
	s24 =	sld [smem:$0x3FFE];
	[sflag:s23] =	ssyncadd.s32 $0xFFFFFFFF  }
0xa5: {  	s26 =	simm.s32 $execute0_lowered;
	[smem:$0x3FD2] =	sst s25  }
0xa6: {  	s5 =	sshll.u32 s26, $0x1;
	_ =	strace $0x80000049;
	[dreg:$0x1] =	wrdreg $0xFFFFFFFF  }
0xa7: {  	s28 =	simm.s32 $_size_execute0_lowered;
	s3 =	sadd.s32 s3, s5;
	[dreg:$0x0] =	wrdreg $0x0  }
0xa8: {  	s5 =	sshll.u32 s28, $0x1;
	[dreg:$0x2] =	wrdreg s3  }
0xa9: {  	[dreg:$0x3] =	wrdreg s5  }
0xaa: {  	[dreg:$0x4] =	wrdreg $0xC0  }
0xab: {  	_ =	task [dreg:s7], $0x5FFFF  }
0xac: {  	[dreg:$0x1] =	wrdreg $0xFFFFFFFF  }
0xad: {  	[dreg:$0x0] =	wrdreg $0x60  }
0xae: {  	[dreg:$0x2] =	wrdreg s24  }
0xaf: {  	[dreg:$0x3] =	wrdreg s2  }
0xb0: {  	[dreg:$0x4] =	wrdreg $0x150000  }
0xb1: {  	[dreg:$0x5] =	wrdreg $0x19E400  }
0xb2: {  	[dreg:$0x6] =	wrdreg $0x9  }
0xb3: {  	_ =	task.clear_ibuf [dreg:s7], $0x7FFFF;
	_ =	strace $0x90000049  }
0xb4: {  	s29 =	simm.s32 $0x9;
	_ =	strace $0x8000004B  }
0xb5: {  	_ =	swait.ge [sflag:s29], $0x1  }
0xb6: {  	[sflag:s29] =	ssyncadd.s32 $0xFFFFFFFF  }
0xb7: {  	_ =	strace $0x9000004B  }
0xb8: {  	_ =	sfence  }
0xb9: {  	s30 =	sld [smem:$0x0];
	_ =	sdelay $0x2  }
0xba: {  	s31 =	sshll.u32 s1, $0xD;
	s1 =	sshrl.u32 s1, $0x2  }
0xbb: {  	s3 =	sand.u32 $0x4000, s31;
	s1 =	sadd.s32 s1, s30  }
0xbc: {  	s0 =	sor.u32 s3, s0;
	s1 =	sshll.u32 s1, $0x11  }
0xbd: {  	s0 =	sor.u32 s1, s0  }
0xbe: {  	s0 =	sadd.s32 $0x8F2B, s0  }
0xbf: {  	[sflag:s0] =	ssyncadd.remote.s32 $0x1  }
0xc0: {  	_ =	sfence.sel $0xFFFF  }
0xc1: {  	[dreg:$0x0] =	wrdreg $0xFFFFFFFF;
	(pc) =	sbr.abs _section_cstart, $3  }
0xc2: {  	[dreg:$0x1] =	wrdreg $0xFFFFFFFF  }
0xc3: {  	_ =	task.clear_ibuf [dreg:s7], $0x2FFFF;
	_ =	strace $0x9FFFFFFF  }
0xc4: {  	(tm) =	ssettm $0x7FFFFFFF  }
0xc5: {  	_ =	shalt  }
tec
execute0_lowered:
.L_overlay_start_1:
0x0: {  	(tag) =	ssettag $0x1  }
0x1: {  	s0 =	rddreg [dreg:$0x0]  }
0x2: {  	s1 =	rddreg [dreg:$0x1]  }
0x3: {  	s2 =	rddreg [dreg:$0x2]  }
0x4: {  	s3 =	rddreg [dreg:$0x3];
	s10 =	stileid.u32  }
0x5: {  	s4 =	srdreg.scid;
	s13 =	simm.s32 $0x3;
	s16 =	simm.s32 $0x80  }
0x6: {  	s28 =	simm.s32 $0x300;
	s29 =	simm.s32 $0xB000;
	s30 =	simm.s32 $0x380  }
0x7: {  	s31 =	simm.s32 $0xC000;
	s15 =	simm.s32 $0x0;
	s5 =	sand.u32 $0x1, s4  }
0x8: {  	s6 =	sshll.u32 s10, $0x1;
	s4 =	simm.s32 $0x0;
	s8 =	smul.u32 $0x4E40, s10  }
0x9: {  	s23 =	sshll.u32 s10, $0x6;
	s6 =	sor.u32 s5, s6;
	s24 =	smul.u32 $0x4E400, s5  }
0xa: {  	[smem:$0x7FF] =	sst s4;
	s9 =	ssub.s32 $0x2, s5;
	s6 =	smul.u32 $0x500, s6  }
0xb: {  	_ =	strace $0x8000004A;
	s7 =	sshrl.u32 s8, $0x3;
	s22 =	sshrl.u32 s9, $0x1  }
0xc: {  	s12 =	sadd.s32 s8, s2;
	s14 =	sadd.s32 s8, s3;
	s7 =	sadd.s32 s7, s0  }
0xd: {  	s11 =	ssub.s32 s9, s22;
	s25 =	sadd.s32 s8, s24;
	s12 =	sshrl.u32 s12, $0x3  }
.Ltmp0:
0xe: {  	s14 =	sshrl.u32 s14, $0x3;
	s0 =	sadd.s32 s6, s0;
	(pc) =	sbr.rel .LBB2_1-.Ltmp0, $4  }
0xf: {  	s5 =	sadd.s32 $0x20400, s7;
	s6 =	sor.u32 $0x1C03, s23;
	s7 =	sadd.s32 $0x16600, s7  }
0x10: {  	s26 =	sshrl.u32 s25, $0x3;
	s11 =	smax.u32 s11, $0x1;
	s25 =	simm.s32 $0x280  }
0x11: {  	s8 =	sadd.s32 $0x2600, s0;
	s9 =	sadd.s32 $0xC600, s0;
	s10 =	sadd.s32 s1, s26  }
0x12: {  	s26 =	simm.s32 $0xA000;
	s0 =	simm.s32 $0x1;
	s1 =	simm.s32 $0x2  }
.LBB2_5:
0x13: {  	_ =	swait.ge [sflag:s1], $0x1000  }
0x14: {  	[sflag:s1] =	ssyncset.done $0x0  }
0x15: {  	[sflag:s1] =	ssyncadd.s32 $0xFFFFF000  }
0x16: {  	_ =	swait.ge [sflag:s1], $0x1000  }
0x17: {  	[sflag:s1] =	ssyncset.done $0x0  }
0x18: {  	[sflag:s1] =	ssyncadd.s32 $0xFFFFF000  }
0x19: {  	_ =	swait.ge [sflag:s1], $0x1000  }
0x1a: {  	[sflag:s1] =	ssyncset.done $0x0  }
0x1b: {  	[sflag:s1] =	ssyncadd.s32 $0xFFFFF000  }
0x1c: {  	_ =	swait.ge [sflag:s1], $0x1000  }
0x1d: {  	[sflag:s1] =	ssyncset.done $0x0  }
0x1e: {  	[sflag:s1] =	ssyncadd.s32 $0xFFFFF000  }
0x1f: {  	_ =	swait.ge [sflag:s1], $0x1000  }
0x20: {  	[sflag:s1] =	ssyncset.done $0x0  }
0x21: {  	[sflag:s1] =	ssyncadd.s32 $0xFFFFF000  }
0x22: {  	_ =	swait.ge [sflag:s1], $0x1000  }
0x23: {  	[sflag:s1] =	ssyncset.done $0x0  }
0x24: {  	[sflag:s1] =	ssyncadd.s32 $0xFFFFF000  }
0x25: {  	_ =	swait.ge [sflag:s1], $0x1000  }
0x26: {  	[sflag:s1] =	ssyncset.done $0x0  }
0x27: {  	[sflag:s1] =	ssyncadd.s32 $0xFFFFF000  }
0x28: {  	_ =	swait.ge [sflag:s1], $0x1000  }
0x29: {  	s15 =	sadd.s32 $0x1, s15;
	[sflag:s1] =	ssyncset.done $0x0  }
0x2a: {  	p0 =	sne.s32 s15, s11;
	[sflag:s1] =	ssyncadd.s32 $0xFFFFF000  }
.Ltmp1:
0x2b: {  	[bflag:$0x0] =	sbarrier.arrive $0xFFFF;
	(pc) =	sbr.rel @!p0 .LBB2_6-.Ltmp1, $4  }
0x2c: {  	[hbm:s10], [sflag:s6] =	dma.local [spmem:s12], $0x9C8  }
0x2d: {  	_ =	swait.ge [sflag:s13], $0x9C8  }
0x2e: {  	[sflag:s13] =	ssyncset.done $0x0  }
0x2f: {  	[sflag:s13] =	ssyncadd.s32 $0xFFFFF638  }
.LBB2_1:
0x30: {  	[spmem:s12], [sflag:s6] =	dma.local [hbm:s5], $0x9C8  }
0x31: {  	_ =	swait.ge [sflag:s13], $0x9C8  }
0x32: {  	[sflag:s13] =	ssyncset.done $0x0  }
0x33: {  	[sflag:s13] =	ssyncadd.s32 $0xFFFFF638  }
0x34: {  	[spmem:s14], [sflag:s6] =	dma.local [hbm:s7], $0x9C8  }
0x35: {  	_ =	swait.ge [sflag:s13], $0x9C8  }
0x36: {  	[sflag:s13] =	ssyncset.done $0x0  }
0x37: {  	[sflag:s13] =	ssyncadd.s32 $0xFFFFF638  }
0x38: {  	[tilespmem:s4], [sflag:$0x3] =	stream.linear.gather [hbm4b:s8+s4], $0x2800, $0x38;
	[tilespmem:$0x1EC80] =	vst v63  }
0x39: {  	_ =	swait.ge [sflag:s13], $0x2800  }
0x3a: {  	[sflag:s13] =	ssyncset.done $0x0  }
0x3b: {  	s17 =	simm.s32 $0x2800;
	[sflag:s13] =	ssyncadd.s32 $0xFFFFD800  }
0x3c: {  	[tilespmem:s17], [sflag:$0x3] =	stream.linear.gather [hbm4b:s9+s4], $0x2800, $0x38;
	[tilespmem:$0x1EC80] =	vst v63  }
0x3d: {  	_ =	swait.ge [sflag:s13], $0x2800  }
0x3e: {  	[sflag:s13] =	ssyncset.done $0x0  }
0x3f: {  	[sflag:s13] =	ssyncadd.s32 $0xFFFFD800  }
0x40: {  	s18 =	simm.s32 $0x5000;
	[bflag:$0x0] =	sbarrier.arrive $0xFFFF  }
0x41: {  	[tilespmem:s18], [sflag:$0x1] =	stream.indirect.gather [spmem:s3], $0x20, s4, s16, $0xb8;
	[tilespmem:$0x1EC80] =	vst v63  }
0x42: {  	s19 =	simm.s32 $0x6000  }
0x43: {  	[tilespmem:s19], [sflag:$0x1] =	stream.indirect.gather [spmem:s3], $0x20, s16, s16, $0xb8;
	[tilespmem:$0x1EC80] =	vst v63  }
0x44: {  	s20 =	simm.s32 $0x100;
	s18 =	simm.s32 $0x7000  }
0x45: {  	[tilespmem:s18], [sflag:$0x1] =	stream.indirect.gather [spmem:s3], $0x20, s20, s16, $0xb8;
	[tilespmem:$0x1EC80] =	vst v63  }
0x46: {  	s21 =	simm.s32 $0x180;
	s22 =	simm.s32 $0x8000  }
0x47: {  	[tilespmem:s22], [sflag:$0x1] =	stream.indirect.gather [spmem:s3], $0x20, s21, s16, $0xb8;
	[tilespmem:$0x1EC80] =	vst v63  }
0x48: {  	s23 =	simm.s32 $0x200;
	s24 =	simm.s32 $0x9000  }
0x49: {  	[tilespmem:s24], [sflag:$0x1] =	stream.indirect.gather [spmem:s3], $0x20, s23, s16, $0xb8;
	[tilespmem:$0x1EC80] =	vst v63  }
0x4a: {  	_ = 	snop  }
0x4b: {  	[tilespmem:s26], [sflag:$0x1] =	stream.indirect.gather [spmem:s3], $0x20, s25, s16, $0xb8;
	[tilespmem:$0x1EC80] =	vst v63  }
.Ltmp2:
0x4c: {  	_ = 	snop;
	(pc) =	sbr.rel .LBB2_2-.Ltmp2, $4  }
0x4d: {  	_ = 	snop  }
0x4e: {  	[tilespmem:s29], [sflag:$0x1] =	stream.indirect.gather [spmem:s3], $0x20, s28, s16, $0xb8;
	[tilespmem:$0x1EC80] =	vst v63  }
0x4f: {  	s17 =	simm.s32 $0x0  }
0x50: {  	[tilespmem:s31], [sflag:$0x1] =	stream.indirect.gather [spmem:s3], $0x20, s30, s16, $0xb8;
	[tilespmem:$0x1EC80] =	vst v63  }
.LBB2_4:
0x51: {  	_ =	swait.ge [sflag:s0], $0x1000  }
0x52: {  	[sflag:s0] =	ssyncset.done $0x0  }
0x53: {  	[sflag:s0] =	ssyncadd.s32 $0xFFFFF000  }
0x54: {  	_ =	swait.ge [sflag:s0], $0x1000  }
0x55: {  	[sflag:s0] =	ssyncset.done $0x0  }
0x56: {  	[sflag:s0] =	ssyncadd.s32 $0xFFFFF000  }
0x57: {  	_ =	swait.ge [sflag:s0], $0x1000  }
0x58: {  	[sflag:s0] =	ssyncset.done $0x0  }
0x59: {  	[sflag:s0] =	ssyncadd.s32 $0xFFFFF000  }
0x5a: {  	_ =	swait.ge [sflag:s0], $0x1000  }
0x5b: {  	[sflag:s0] =	ssyncset.done $0x0  }
0x5c: {  	[sflag:s0] =	ssyncadd.s32 $0xFFFFF000  }
0x5d: {  	_ =	swait.ge [sflag:s0], $0x1000  }
0x5e: {  	[sflag:s0] =	ssyncset.done $0x0  }
0x5f: {  	[sflag:s0] =	ssyncadd.s32 $0xFFFFF000  }
0x60: {  	_ =	swait.ge [sflag:s0], $0x1000  }
0x61: {  	[sflag:s0] =	ssyncset.done $0x0  }
0x62: {  	[sflag:s0] =	ssyncadd.s32 $0xFFFFF000  }
0x63: {  	_ =	swait.ge [sflag:s0], $0x1000  }
0x64: {  	[sflag:s0] =	ssyncset.done $0x0  }
0x65: {  	[sflag:s0] =	ssyncadd.s32 $0xFFFFF000  }
0x66: {  	s17 =	sshll.u32 s17, $0xA;
	_ =	swait.ge [sflag:s0], $0x1000  }
0x67: {  	s19 =	sshll.u32 s19, $0xC;
	s17 =	sand.u32 $0x3FFFFC00, s17;
	[sflag:s0] =	ssyncset.done $0x0  }
0x68: {  	s20 =	sadd.s32 $0x5000, s19;
	s21 =	sadd.s32 $0x2800, s17;
	[sflag:s0] =	ssyncadd.s32 $0xFFFFF000  }
0x69: {  	[spmem:s2] =	stream.indirect.scatter.add.f32 [tilespmem:s20], [sflag:$0x2], $0x20, s21, s16, $0xb8;
	[tilespmem:$0x1EC80] =	vst v63  }
0x6a: {  	s22 =	sadd.s32 $0x2880, s17;
	s21 =	sadd.s32 $0x6000, s19  }
0x6b: {  	[spmem:s2] =	stream.indirect.scatter.add.f32 [tilespmem:s21], [sflag:$0x2], $0x20, s22, s16, $0xb8;
	[tilespmem:$0x1EC80] =	vst v63  }
0x6c: {  	s23 =	sadd.s32 $0x7000, s19;
	s24 =	sadd.s32 $0x2900, s17  }
0x6d: {  	[spmem:s2] =	stream.indirect.scatter.add.f32 [tilespmem:s23], [sflag:$0x2], $0x20, s24, s16, $0xb8;
	[tilespmem:$0x1EC80] =	vst v63  }
0x6e: {  	s21 =	sadd.s32 $0x8000, s19;
	s22 =	sadd.s32 $0x2980, s17  }
0x6f: {  	[spmem:s2] =	stream.indirect.scatter.add.f32 [tilespmem:s21], [sflag:$0x2], $0x20, s22, s16, $0xb8;
	[tilespmem:$0x1EC80] =	vst v63  }
0x70: {  	s23 =	sadd.s32 $0x9000, s19;
	s24 =	sadd.s32 $0x2A00, s17  }
0x71: {  	[spmem:s2] =	stream.indirect.scatter.add.f32 [tilespmem:s23], [sflag:$0x2], $0x20, s24, s16, $0xb8;
	[tilespmem:$0x1EC80] =	vst v63  }
0x72: {  	p0 =	slt.u32 s18, $0xA;
	s21 =	sadd.s32 $0xA000, s19;
	s22 =	sadd.s32 $0x2A80, s17  }
0x73: {  	[spmem:s2] =	stream.indirect.scatter.add.f32 [tilespmem:s21], [sflag:$0x2], $0x20, s22, s16, $0xb8;
	[tilespmem:$0x1EC80] =	vst v63  }
.Ltmp3:
0x74: {  	s23 =	sadd.s32 $0xB000, s19;
	s24 =	sadd.s32 $0x2B00, s17;
	(pc) =	sbr.rel @!p0 .LBB2_5-.Ltmp3, $4  }
0x75: {  	[spmem:s2] =	stream.indirect.scatter.add.f32 [tilespmem:s23], [sflag:$0x2], $0x20, s24, s16, $0xb8;
	[tilespmem:$0x1EC80] =	vst v63  }
0x76: {  	s19 =	sadd.s32 $0xC000, s19;
	s17 =	sadd.s32 $0x2B80, s17  }
0x77: {  	[spmem:s2] =	stream.indirect.scatter.add.f32 [tilespmem:s19], [sflag:$0x2], $0x20, s17, s16, $0xb8;
	[tilespmem:$0x1EC80] =	vst v63  }
0x78: {  	s17 =	smov.u32 s18  }
.LBB2_2:
0x79: {  	p0 =	seq.s32 s17, $0x0  }
0x7a: {  	s18 =	simm.s32 @!p0 $0x2  }
0x7b: {  	_ =	swait.ge @!p0 [sflag:s18], $0x1000  }
0x7c: {  	[sflag:s18] =	ssyncset.done @!p0 $0x0  }
0x7d: {  	[sflag:s18] =	ssyncadd.s32 @!p0 $0xFFFFF000  }
0x7e: {  	_ =	swait.ge @!p0 [sflag:s18], $0x1000  }
0x7f: {  	[sflag:s18] =	ssyncset.done @!p0 $0x0  }
0x80: {  	[sflag:s18] =	ssyncadd.s32 @!p0 $0xFFFFF000  }
0x81: {  	_ =	swait.ge @!p0 [sflag:s18], $0x1000  }
0x82: {  	[sflag:s18] =	ssyncset.done @!p0 $0x0  }
0x83: {  	[sflag:s18] =	ssyncadd.s32 @!p0 $0xFFFFF000  }
0x84: {  	_ =	swait.ge @!p0 [sflag:s18], $0x1000  }
0x85: {  	[sflag:s18] =	ssyncset.done @!p0 $0x0  }
0x86: {  	[sflag:s18] =	ssyncadd.s32 @!p0 $0xFFFFF000  }
0x87: {  	_ =	swait.ge @!p0 [sflag:s18], $0x1000  }
0x88: {  	[sflag:s18] =	ssyncset.done @!p0 $0x0  }
0x89: {  	[sflag:s18] =	ssyncadd.s32 @!p0 $0xFFFFF000  }
0x8a: {  	_ =	swait.ge @!p0 [sflag:s18], $0x1000  }
0x8b: {  	[sflag:s18] =	ssyncset.done @!p0 $0x0  }
0x8c: {  	p1 =	seq.s32 @!p0 s17, $0x9;
	[sflag:s18] =	ssyncadd.s32 @!p0 $0xFFFFF000  }
0x8d: {  	p1 =	por p0, !p1;
	_ =	swait.ge @!p0 [sflag:s18], $0x1000  }
.Ltmp4:
0x8e: {  	[sflag:s18] =	ssyncset.done @!p0 $0x0;
	(pc) =	sbr.rel @!p1 .LBB2_4-.Ltmp4, $4  }
0x8f: {  	[sflag:s18] =	ssyncadd.s32 @!p0 $0xFFFFF000  }
0x90: {  	_ =	swait.ge @!p0 [sflag:s18], $0x1000  }
0x91: {  	s19 =	sshll.u32 s17, $0x3;
	[sflag:s18] =	ssyncset.done @!p0 $0x0  }
0x92: {  	s19 =	sand.u32 $0x8, s19;
	[sflag:s18] =	ssyncadd.s32 @!p0 $0xFFFFF000;
	s18 =	simm.s32 @!p0 $0xA  }
0x93: {  	s18 =	sadd.s32 @!p0 $0x1, s17  }
0x94: {  	s18 =	simm.s32 @p0 $0x1  }
0x95: {  	s20 =	sshll.u32 s19, $0xC;
	s21 =	sshll.u32 s18, $0xA  }
0x96: {  	s22 =	ssub.s32 $0xD000, s20;
	s21 =	sand.u32 $0x3FFFFC00, s21  }
0x97: {  	[tilespmem:s22], [sflag:$0x1] =	stream.indirect.gather [spmem:s3], $0x20, s21, s16, $0xb8;
	[tilespmem:$0x1EC80] =	vst v63  }
0x98: {  	s24 =	ssub.s32 $0xE000, s20;
	s23 =	sor.u32 $0x80, s21  }
0x99: {  	[tilespmem:s24], [sflag:$0x1] =	stream.indirect.gather [spmem:s3], $0x20, s23, s16, $0xb8;
	[tilespmem:$0x1EC80] =	vst v63  }
0x9a: {  	s24 =	sor.u32 $0x100, s21;
	s23 =	sxor.u32 $0xF000, s20  }
0x9b: {  	[tilespmem:s23], [sflag:$0x1] =	stream.indirect.gather [spmem:s3], $0x20, s24, s16, $0xb8;
	[tilespmem:$0x1EC80] =	vst v63  }
0x9c: {  	s22 =	ssub.s32 $0x10000, s20;
	s24 =	sor.u32 $0x180, s21  }
0x9d: {  	[tilespmem:s22], [sflag:$0x1] =	stream.indirect.gather [spmem:s3], $0x20, s24, s16, $0xb8;
	[tilespmem:$0x1EC80] =	vst v63  }
0x9e: {  	s22 =	ssub.s32 $0x11000, s20;
	s24 =	sor.u32 $0x200, s21  }
0x9f: {  	[tilespmem:s22], [sflag:$0x1] =	stream.indirect.gather [spmem:s3], $0x20, s24, s16, $0xb8;
	[tilespmem:$0x1EC80] =	vst v63  }
0xa0: {  	s22 =	ssub.s32 $0x12000, s20;
	s24 =	sor.u32 $0x280, s21  }
0xa1: {  	[tilespmem:s22], [sflag:$0x1] =	stream.indirect.gather [spmem:s3], $0x20, s24, s16, $0xb8;
	[tilespmem:$0x1EC80] =	vst v63  }
.Ltmp5:
0xa2: {  	_ = 	snop;
	(pc) =	sbr.rel .LBB2_4-.Ltmp5, $4  }
0xa3: {  	s20 =	ssub.s32 $0x13000, s20;
	s24 =	sor.u32 $0x300, s21  }
0xa4: {  	[tilespmem:s20], [sflag:$0x1] =	stream.indirect.gather [spmem:s3], $0x20, s24, s16, $0xb8;
	[tilespmem:$0x1EC80] =	vst v63  }
0xa5: {  	s21 =	sor.u32 $0x380, s21;
	s24 =	sadd.s32 $0x5000, s23  }
0xa6: {  	[tilespmem:s24], [sflag:$0x1] =	stream.indirect.gather [spmem:s3], $0x20, s21, s16, $0xb8;
	[tilespmem:$0x1EC80] =	vst v63  }
.LBB2_6:
0xa7: {  	_ =	sfence.sel $0x180000  }
0xa8: {  	[bflag:$0x0] =	sbarrier.arrive $0xFFFF  }
0xa9: {  	_ =	strace $0x9000004A  }
0xaa: {  	s0 =	stileid.u32;
	[bflag:$0x2] =	sbarrier.arrive $0xFFFF  }
0xab: {  	p0 =	sne.s32 s0, $0x0;
	s0 =	rddreg [dreg:$0x4]  }
0xac: {  	s0 =	sadd.s32 @!p0 $0x100000, s0  }
0xad: {  	[sflag:s0] =	ssyncadd.tile.s32 @!p0 $0x1;
	_ =	shalt  }
.Lfunc_end2:
_tile_overlayer_lowered:
.L_overlay_start_2:
0xae: {  	(tag) =	ssettag $0x2  }
0xaf: {  	s0 =	rddreg [dreg:$0x0];
	s2 =	stileid.u32  }
0xb0: {  	s1 =	rddreg [dreg:$0x1];
	p0 =	sne.s32 s2, $0x0  }
0xb1: {  	s3 =	rddreg [dreg:$0x2];
	[bflag:$0x3] =	sbarrier.arrive $0xFFFF;
	s2 =	simm.s32 @!p0 $0x1C03  }
0xb2: {  	[timem:s3], [sflag:s2] =	dma.local @!p0 [hbm:s0], s1  }
0xb3: {  	s0 =	simm.s32 @!p0 $0x3  }
0xb4: {  	_ =	swait.ge @!p0 [sflag:s0], s1  }
0xb5: {  	s1 =	ssub.s32 @!p0 $0x0, s1;
	[sflag:s0] =	ssyncset.done @!p0 $0x0  }
0xb6: {  	[sflag:s0] =	ssyncadd.s32 @!p0 s1  }
0xb7: {  	[bflag:$0x3] =	sbarrier.arrive $0xFFFF  }
0xb8: {  	_ =	shalt  }

// kernel: kernel.18.cloned.1.call-start
scs
__scs_entry_jumppad:
0x0: {  	(pc) =	sbr.rel $0x88, $3  }
0x1: {  	(tag) =	ssettag $0x0;
	lr =	simm.s32 $0x1  }
0x2: {  	[smem:$0x3F97] =	sst lr;
	_ =	strace $0xD0000000  }
0x3: {  	_ = 	snop  }
0x4: {  	_ = 	snop  }
0x5: {  	_ = 	snop  }
0x6: {  	_ = 	snop  }
0x7: {  	_ = 	snop  }
__scs_overlays_trampoline_lowered:
0x8: {  	[smem:$0x3FA6] =	sst s0  }
0x9: {  	[smem:$0x3FA7] =	sst s1  }
0xa: {  	[smem:$0x3FA8] =	sst s2  }
0xb: {  	[smem:$0x3FA9] =	sst s3  }
0xc: {  	[smem:$0x3FAA] =	sst s4  }
0xd: {  	[smem:$0x3FAB] =	sst s5  }
0xe: {  	[smem:$0x3FAC] =	sst s6  }
0xf: {  	[smem:$0x3FAD] =	sst s7  }
0x10: {  	[smem:$0x3FAE] =	sst s8  }
0x11: {  	[smem:$0x3FAF] =	sst s9;
	s0 =	simm.s32 @!p0 $0x0  }
0x12: {  	s1 =	sld [smem:$0x3F95];
	s0 =	simm.s32 @p0 $0x1  }
0x13: {  	[smem:$0x3FB0] =	sst s0;
	s0 =	simm.s32 @!p1 $0x0  }
0x14: {  	s2 =	sld [smem:$0x3F94];
	s0 =	simm.s32 @p1 $0x1  }
0x15: {  	[smem:$0x3FB1] =	sst s0;
	s0 =	simm.s32 @!p2 $0x0  }
0x16: {  	s3 =	sld [smem:$0x3FDB];
	s0 =	simm.s32 @p2 $0x1  }
0x17: {  	s4 =	simm.s32 $0x1BF5;
	[smem:$0x3FB3] =	sst s0  }
0x18: {  	s0 =	sld [smem:$0x3F96];
	_ =	swait.ge [sflag:s4], $0x0  }
0x19: {  	s7 =	sld [smem:$0x3F97]  }
0x1a: {  	s8 =	sadd.s32 $0xFFFFE003, lr  }
0x1b: {  	s9 =	sadd.s32 $0xFFFFFEF7, lr;
	s5 =	simm.s32 $0xFFFFFFFF;
	p2 =	slt.u32 s8, $0xFFFFF086  }
0x1c: {  	p1 =	slt.u32 s9, $0xF7A;
	s5 =	simm.s32 @!p2 $0x0  }
0x1d: {  	s5 =	simm.s32 @p1 $0x1;
	p0 =	seq.s32 s7, s2  }
0x1e: {  	s7 =	smul.u32 @!p0 $0xF7A, s2;
	p2 =	seq.s32 @!p0 s5, $0x0  }
0x1f: {  	s9 =	smul.u32 $0xF7A, s1;
	s8 =	simm.s32 @!p0 $0x1BF5;
	p2 =	por !p2, p0  }
0x20: {  	[sflag:s8] =	ssyncset.s32 @!p0 $0xFFFFF086;
	s6 =	sadd.s32 @!p0 s3, s7;
	s7 =	simm.s32 @!p0 $0x108  }
0x21: {  	s3 =	sadd.s32 s3, s9;
	s6 =	sadd.s32 @!p0 $0x88, s6;
	s7 =	simm.s32 @p2 $0x1082  }
0x22: {  	[simem:s7], [sflag:s8] =	dma.local @!p0 [hbm:s6], $0xF7A  }
0x23: {  	s9 =	sor.u32 $0xD0000000, s2;
	s6 =	simm.s32 $0x108;
	_ =	swait.ge @!p0 [sflag:s8], $0x0  }
0x24: {  	s3 =	sadd.s32 $0x88, s3;
	s6 =	simm.s32 @!p1 $0x1082;
	[sflag:s4] =	ssyncset.s32 $0xFFFFF086  }
0x25: {  	[simem:s6], [sflag:s4] =	dma.local [hbm:s3], $0xF7A  }
0x26: {  	[smem:$0x3F97] =	sst s1;
	(tag) =	ssettag s2;
	_ =	strace s9  }
0x27: {  	s1 =	sld [smem:$0x3FA7]  }
0x28: {  	s2 =	sld [smem:$0x3FA8]  }
0x29: {  	s4 =	sld [smem:$0x3FAA]  }
0x2a: {  	p0 =	seq.s32 s5, $0x0;
	s5 =	sld [smem:$0x3FAB]  }
0x2b: {  	s6 =	sld [smem:$0x3FAC]  }
0x2c: {  	s7 =	sld [smem:$0x3FAD]  }
0x2d: {  	s3 =	simm.s32 $0x108;
	s8 =	sld [smem:$0x3FAE]  }
0x2e: {  	s3 =	simm.s32 @!p0 $0x1082;
	s9 =	sld [smem:$0x3FAF]  }
0x2f: {  	lr =	sadd.s32 s0, s3;
	s0 =	sld [smem:$0x3FA6]  }
0x30: {  	s3 =	sld [smem:$0x3FA9]  }
0x31: {  	[smem:$0x3FB2] =	sst s10  }
0x32: {  	s10 =	sld [smem:$0x3FB0];
	_ =	sdelay $0x3  }
0x33: {  	p0 =	seq.s32 s10, $0x1;
	s10 =	sld [smem:$0x3FB2];
	_ =	sdelay $0x3  }
0x34: {  	[smem:$0x3FB2] =	sst s10  }
0x35: {  	s10 =	sld [smem:$0x3FB1];
	_ =	sdelay $0x3  }
0x36: {  	p1 =	seq.s32 s10, $0x1;
	s10 =	sld [smem:$0x3FB2];
	_ =	sdelay $0x3  }
0x37: {  	[smem:$0x3FB2] =	sst s10  }
0x38: {  	s10 =	sld [smem:$0x3FB3]  }
0x39: {  	_ = 	snop;
	(pc) =	sbr.ind lr, $3  }
0x3a: {  	_ = 	snop  }
0x3b: {  	_ = 	snop  }
0x3c: {  	p2 =	seq.s32 s10, $0x1;
	s10 =	sld [smem:$0x3FB2]  }
0x3d: {  	_ =	shalt  }
0x3e: {  	_ =	shalt  }
0x3f: {  	_ =	shalt  }
0x40: {  	_ =	shalt  }
0x41: {  	_ =	shalt  }
0x42: {  	_ =	shalt  }
0x43: {  	_ =	shalt  }
0x44: {  	_ =	shalt  }
0x45: {  	_ =	shalt  }
0x46: {  	_ =	shalt  }
0x47: {  	_ =	shalt  }
0x48: {  	_ =	shalt  }
0x49: {  	_ =	shalt  }
0x4a: {  	_ =	shalt  }
0x4b: {  	_ =	shalt  }
0x4c: {  	_ =	shalt  }
0x4d: {  	_ =	shalt  }
0x4e: {  	_ =	shalt  }
0x4f: {  	_ =	shalt  }
0x50: {  	_ =	shalt  }
0x51: {  	_ =	shalt  }
0x52: {  	_ =	shalt  }
0x53: {  	_ =	shalt  }
0x54: {  	_ =	shalt  }
0x55: {  	_ =	shalt  }
0x56: {  	_ =	shalt  }
0x57: {  	_ =	shalt  }
0x58: {  	_ =	shalt  }
0x59: {  	_ =	shalt  }
0x5a: {  	_ =	shalt  }
0x5b: {  	_ =	shalt  }
0x5c: {  	_ =	shalt  }
0x5d: {  	_ =	shalt  }
0x5e: {  	_ =	shalt  }
0x5f: {  	_ =	shalt  }
0x60: {  	_ =	shalt  }
0x61: {  	_ =	shalt  }
0x62: {  	_ =	shalt  }
0x63: {  	_ =	shalt  }
0x64: {  	_ =	shalt  }
0x65: {  	_ =	shalt  }
0x66: {  	_ =	shalt  }
0x67: {  	_ =	shalt  }
0x68: {  	_ =	shalt  }
0x69: {  	_ =	shalt  }
0x6a: {  	_ =	shalt  }
0x6b: {  	_ =	shalt  }
0x6c: {  	_ =	shalt  }
0x6d: {  	_ =	shalt  }
0x6e: {  	_ =	shalt  }
0x6f: {  	_ =	shalt  }
0x70: {  	_ =	shalt  }
0x71: {  	_ =	shalt  }
0x72: {  	_ =	shalt  }
0x73: {  	_ =	shalt  }
0x74: {  	_ =	shalt  }
0x75: {  	_ =	shalt  }
0x76: {  	_ =	shalt  }
0x77: {  	_ =	shalt  }
0x78: {  	_ =	shalt  }
0x79: {  	_ =	shalt  }
0x7a: {  	_ =	shalt  }
0x7b: {  	_ =	shalt  }
0x7c: {  	_ =	shalt  }
0x7d: {  	_ =	shalt  }
0x7e: {  	_ =	shalt  }
0x7f: {  	_ =	shalt  }
0x80: {  	_ =	shalt  }
0x81: {  	_ =	shalt  }
0x82: {  	_ =	shalt  }
0x83: {  	_ =	shalt  }
0x84: {  	_ =	shalt  }
0x85: {  	_ =	shalt  }
0x86: {  	_ =	shalt  }
0x87: {  	_ =	shalt  }
.Lfunc_end0:
.L_simem_size_0:
called_computation.2_lowered:
.L_overlay_start_0:
0x88: {  	s2 =	sld [smem:$0x3FD9]  }
0x89: {  	s3 =	sld [smem:$0x3FFE];
	_ =	sdelay $0x1  }
0x8a: {  	s1 =	srdreg.scid  }
0x8b: {  	s0 =	sand.u32 $0x1, s1  }
0x8c: {  	s17 =	sshll.u32 s0, $0xA;
	s2 =	sadd.s32 s3, s2  }
0x8d: {  	s2 =	sadd.s32 s2, s17  }
0x8e: {  	[smem:$0x3FBE] =	sst s2  }
0x8f: {  	_ = 	snop  }
0x90: {  	s2 =	sld [smem:$0x3FD0];
	(tm) =	ssettm $0x1  }
0x91: {  	s18 =	sld [smem:$0x3FFB];
	_ =	sdelay $0x3  }
0x92: {  	_ =	strace s18  }
0x93: {  	s3 =	sld [smem:$0x3FFC];
	_ =	sdelay $0x3  }
0x94: {  	_ =	strace s3  }
0x95: {  	s3 =	sld [smem:$0x3FFD];
	_ =	sdelay $0x3  }
0x96: {  	_ =	strace s3  }
0x97: {  	_ =	strace $0x8FFFFFFF  }
0x98: {  	s19 =	sld [smem:$0x3FDB];
	_ =	sdelay $0x1  }
0x99: {  	s4 =	simm.s32 $_scs_section_size  }
0x9a: {  	s5 =	simm.s32 $_size__tile_overlayer_lowered;
	s6 =	simm.s32 $_tile_overlayer_lowered  }
0x9b: {  	s22 =	simm.s32 $0x1BFF;
	s21 =	sshll.u32 s6, $0x1;
	s3 =	sadd.s32 s4, s19  }
0x9c: {  	s7 =	simm.s32 $0x0;
	s20 =	sshll.u32 s5, $0x1;
	s5 =	sadd.s32 s21, s3  }
0x9d: {  	[timem:s7], [sflag:s22] =	dma.local [hbm:s5], s20  }
0x9e: {  	_ =	swait.ge [sflag:s22], s20  }
0x9f: {  	s4 =	ssub.s32 $0x0, s20;
	[sflag:s22] =	ssyncset.done $0x0  }
0xa0: {  	[sflag:s22] =	ssyncadd.s32 s4;
	_ =	sdelay $0x1  }
0xa1: {  	s23 =	simm.s32 $0x1B8B  }
0xa2: {  	_ =	swait.ge [sflag:s23], $0x1  }
0xa3: {  	[sflag:s23] =	ssyncset.done $0x0  }
0xa4: {  	s25 =	simm.s32 $0x1B8E;
	s24 =	sld [smem:$0x3FFE];
	[sflag:s23] =	ssyncadd.s32 $0xFFFFFFFF  }
0xa5: {  	s26 =	simm.s32 $execute0_lowered;
	[smem:$0x3FD2] =	sst s25  }
0xa6: {  	s5 =	sshll.u32 s26, $0x1;
	_ =	strace $0x8000004C;
	[dreg:$0x1] =	wrdreg $0xFFFFFFFF  }
0xa7: {  	s28 =	simm.s32 $_size_execute0_lowered;
	s3 =	sadd.s32 s3, s5;
	[dreg:$0x0] =	wrdreg $0x0  }
0xa8: {  	s5 =	sshll.u32 s28, $0x1;
	[dreg:$0x2] =	wrdreg s3  }
0xa9: {  	[dreg:$0x3] =	wrdreg s5  }
0xaa: {  	[dreg:$0x4] =	wrdreg $0xC0  }
0xab: {  	_ =	task [dreg:s7], $0x5FFFF  }
0xac: {  	[dreg:$0x1] =	wrdreg $0xFFFFFFFF  }
0xad: {  	[dreg:$0x0] =	wrdreg $0x60  }
0xae: {  	[dreg:$0x2] =	wrdreg s24  }
0xaf: {  	[dreg:$0x3] =	wrdreg s2  }
0xb0: {  	[dreg:$0x4] =	wrdreg $0x150000  }
0xb1: {  	[dreg:$0x5] =	wrdreg $0x19E400  }
0xb2: {  	[dreg:$0x6] =	wrdreg $0x9  }
0xb3: {  	_ =	task.clear_ibuf [dreg:s7], $0x7FFFF;
	_ =	strace $0x9000004C  }
0xb4: {  	s29 =	simm.s32 $0x9;
	_ =	strace $0x8000004E  }
0xb5: {  	_ =	swait.ge [sflag:s29], $0x1  }
0xb6: {  	[sflag:s29] =	ssyncadd.s32 $0xFFFFFFFF  }
0xb7: {  	_ =	strace $0x9000004E  }
0xb8: {  	_ =	sfence  }
0xb9: {  	s30 =	sld [smem:$0x0];
	_ =	sdelay $0x2  }
0xba: {  	s31 =	sshll.u32 s1, $0xD;
	s1 =	sshrl.u32 s1, $0x2  }
0xbb: {  	s3 =	sand.u32 $0x4000, s31;
	s1 =	sadd.s32 s1, s30  }
0xbc: {  	s0 =	sor.u32 s3, s0;
	s1 =	sshll.u32 s1, $0x11  }
0xbd: {  	s0 =	sor.u32 s1, s0  }
0xbe: {  	s0 =	sadd.s32 $0x8F2B, s0  }
0xbf: {  	[sflag:s0] =	ssyncadd.remote.s32 $0x1  }
0xc0: {  	_ =	sfence.sel $0xFFFF  }
0xc1: {  	[dreg:$0x0] =	wrdreg $0xFFFFFFFF;
	(pc) =	sbr.abs _section_cstart, $3  }
0xc2: {  	[dreg:$0x1] =	wrdreg $0xFFFFFFFF  }
0xc3: {  	_ =	task.clear_ibuf [dreg:s7], $0x2FFFF;
	_ =	strace $0x9FFFFFFF  }
0xc4: {  	(tm) =	ssettm $0x7FFFFFFF  }
0xc5: {  	_ =	shalt  }
tec
execute0_lowered:
.L_overlay_start_1:
0x0: {  	(tag) =	ssettag $0x1  }
0x1: {  	s0 =	rddreg [dreg:$0x0]  }
0x2: {  	s1 =	rddreg [dreg:$0x1]  }
0x3: {  	s2 =	rddreg [dreg:$0x2]  }
0x4: {  	s3 =	rddreg [dreg:$0x3];
	s10 =	stileid.u32  }
0x5: {  	s4 =	srdreg.scid;
	s13 =	simm.s32 $0x3;
	s16 =	simm.s32 $0x80  }
0x6: {  	s28 =	simm.s32 $0x300;
	s29 =	simm.s32 $0xB000;
	s30 =	simm.s32 $0x380  }
0x7: {  	s31 =	simm.s32 $0xC000;
	s15 =	simm.s32 $0x0;
	s5 =	sand.u32 $0x1, s4  }
0x8: {  	s6 =	sshll.u32 s10, $0x1;
	s4 =	simm.s32 $0x0;
	s8 =	smul.u32 $0x4E40, s10  }
0x9: {  	s23 =	sshll.u32 s10, $0x6;
	s6 =	sor.u32 s5, s6;
	s24 =	smul.u32 $0x4E400, s5  }
0xa: {  	[smem:$0x7FF] =	sst s4;
	s9 =	ssub.s32 $0x2, s5;
	s6 =	smul.u32 $0x500, s6  }
0xb: {  	_ =	strace $0x8000004D;
	s7 =	sshrl.u32 s8, $0x3;
	s22 =	sshrl.u32 s9, $0x1  }
0xc: {  	s12 =	sadd.s32 s8, s2;
	s14 =	sadd.s32 s8, s3;
	s7 =	sadd.s32 s7, s0  }
0xd: {  	s11 =	ssub.s32 s9, s22;
	s25 =	sadd.s32 s8, s24;
	s12 =	sshrl.u32 s12, $0x3  }
.Ltmp0:
0xe: {  	s14 =	sshrl.u32 s14, $0x3;
	s0 =	sadd.s32 s6, s0;
	(pc) =	sbr.rel .LBB2_1-.Ltmp0, $4  }
0xf: {  	s5 =	sadd.s32 $0x20400, s7;
	s6 =	sor.u32 $0x1C03, s23;
	s7 =	sadd.s32 $0x16600, s7  }
0x10: {  	s26 =	sshrl.u32 s25, $0x3;
	s11 =	smax.u32 s11, $0x1;
	s25 =	simm.s32 $0x280  }
0x11: {  	s8 =	sadd.s32 $0x2600, s0;
	s9 =	sadd.s32 $0xC600, s0;
	s10 =	sadd.s32 s1, s26  }
0x12: {  	s26 =	simm.s32 $0xA000;
	s0 =	simm.s32 $0x1;
	s1 =	simm.s32 $0x2  }
.LBB2_5:
0x13: {  	_ =	swait.ge [sflag:s1], $0x1000  }
0x14: {  	[sflag:s1] =	ssyncset.done $0x0  }
0x15: {  	[sflag:s1] =	ssyncadd.s32 $0xFFFFF000  }
0x16: {  	_ =	swait.ge [sflag:s1], $0x1000  }
0x17: {  	[sflag:s1] =	ssyncset.done $0x0  }
0x18: {  	[sflag:s1] =	ssyncadd.s32 $0xFFFFF000  }
0x19: {  	_ =	swait.ge [sflag:s1], $0x1000  }
0x1a: {  	[sflag:s1] =	ssyncset.done $0x0  }
0x1b: {  	[sflag:s1] =	ssyncadd.s32 $0xFFFFF000  }
0x1c: {  	_ =	swait.ge [sflag:s1], $0x1000  }
0x1d: {  	[sflag:s1] =	ssyncset.done $0x0  }
0x1e: {  	[sflag:s1] =	ssyncadd.s32 $0xFFFFF000  }
0x1f: {  	_ =	swait.ge [sflag:s1], $0x1000  }
0x20: {  	[sflag:s1] =	ssyncset.done $0x0  }
0x21: {  	[sflag:s1] =	ssyncadd.s32 $0xFFFFF000  }
0x22: {  	_ =	swait.ge [sflag:s1], $0x1000  }
0x23: {  	[sflag:s1] =	ssyncset.done $0x0  }
0x24: {  	[sflag:s1] =	ssyncadd.s32 $0xFFFFF000  }
0x25: {  	_ =	swait.ge [sflag:s1], $0x1000  }
0x26: {  	[sflag:s1] =	ssyncset.done $0x0  }
0x27: {  	[sflag:s1] =	ssyncadd.s32 $0xFFFFF000  }
0x28: {  	_ =	swait.ge [sflag:s1], $0x1000  }
0x29: {  	s15 =	sadd.s32 $0x1, s15;
	[sflag:s1] =	ssyncset.done $0x0  }
0x2a: {  	p0 =	sne.s32 s15, s11;
	[sflag:s1] =	ssyncadd.s32 $0xFFFFF000  }
.Ltmp1:
0x2b: {  	[bflag:$0x0] =	sbarrier.arrive $0xFFFF;
	(pc) =	sbr.rel @!p0 .LBB2_6-.Ltmp1, $4  }
0x2c: {  	[hbm:s10], [sflag:s6] =	dma.local [spmem:s12], $0x9C8  }
0x2d: {  	_ =	swait.ge [sflag:s13], $0x9C8  }
0x2e: {  	[sflag:s13] =	ssyncset.done $0x0  }
0x2f: {  	[sflag:s13] =	ssyncadd.s32 $0xFFFFF638  }
.LBB2_1:
0x30: {  	[spmem:s12], [sflag:s6] =	dma.local [hbm:s5], $0x9C8  }
0x31: {  	_ =	swait.ge [sflag:s13], $0x9C8  }
0x32: {  	[sflag:s13] =	ssyncset.done $0x0  }
0x33: {  	[sflag:s13] =	ssyncadd.s32 $0xFFFFF638  }
0x34: {  	[spmem:s14], [sflag:s6] =	dma.local [hbm:s7], $0x9C8  }
0x35: {  	_ =	swait.ge [sflag:s13], $0x9C8  }
0x36: {  	[sflag:s13] =	ssyncset.done $0x0  }
0x37: {  	[sflag:s13] =	ssyncadd.s32 $0xFFFFF638  }
0x38: {  	[tilespmem:s4], [sflag:$0x3] =	stream.linear.gather [hbm4b:s8+s4], $0x2800, $0x38;
	[tilespmem:$0x1EC80] =	vst v63  }
0x39: {  	_ =	swait.ge [sflag:s13], $0x2800  }
0x3a: {  	[sflag:s13] =	ssyncset.done $0x0  }
0x3b: {  	s17 =	simm.s32 $0x2800;
	[sflag:s13] =	ssyncadd.s32 $0xFFFFD800  }
0x3c: {  	[tilespmem:s17], [sflag:$0x3] =	stream.linear.gather [hbm4b:s9+s4], $0x2800, $0x38;
	[tilespmem:$0x1EC80] =	vst v63  }
0x3d: {  	_ =	swait.ge [sflag:s13], $0x2800  }
0x3e: {  	[sflag:s13] =	ssyncset.done $0x0  }
0x3f: {  	[sflag:s13] =	ssyncadd.s32 $0xFFFFD800  }
0x40: {  	s18 =	simm.s32 $0x5000;
	[bflag:$0x0] =	sbarrier.arrive $0xFFFF  }
0x41: {  	[tilespmem:s18], [sflag:$0x1] =	stream.indirect.gather [spmem:s3], $0x20, s4, s16, $0xb8;
	[tilespmem:$0x1EC80] =	vst v63  }
0x42: {  	s19 =	simm.s32 $0x6000  }
0x43: {  	[tilespmem:s19], [sflag:$0x1] =	stream.indirect.gather [spmem:s3], $0x20, s16, s16, $0xb8;
	[tilespmem:$0x1EC80] =	vst v63  }
0x44: {  	s20 =	simm.s32 $0x100;
	s18 =	simm.s32 $0x7000  }
0x45: {  	[tilespmem:s18], [sflag:$0x1] =	stream.indirect.gather [spmem:s3], $0x20, s20, s16, $0xb8;
	[tilespmem:$0x1EC80] =	vst v63  }
0x46: {  	s21 =	simm.s32 $0x180;
	s22 =	simm.s32 $0x8000  }
0x47: {  	[tilespmem:s22], [sflag:$0x1] =	stream.indirect.gather [spmem:s3], $0x20, s21, s16, $0xb8;
	[tilespmem:$0x1EC80] =	vst v63  }
0x48: {  	s23 =	simm.s32 $0x200;
	s24 =	simm.s32 $0x9000  }
0x49: {  	[tilespmem:s24], [sflag:$0x1] =	stream.indirect.gather [spmem:s3], $0x20, s23, s16, $0xb8;
	[tilespmem:$0x1EC80] =	vst v63  }
0x4a: {  	_ = 	snop  }
0x4b: {  	[tilespmem:s26], [sflag:$0x1] =	stream.indirect.gather [spmem:s3], $0x20, s25, s16, $0xb8;
	[tilespmem:$0x1EC80] =	vst v63  }
.Ltmp2:
0x4c: {  	_ = 	snop;
	(pc) =	sbr.rel .LBB2_2-.Ltmp2, $4  }
0x4d: {  	_ = 	snop  }
0x4e: {  	[tilespmem:s29], [sflag:$0x1] =	stream.indirect.gather [spmem:s3], $0x20, s28, s16, $0xb8;
	[tilespmem:$0x1EC80] =	vst v63  }
0x4f: {  	s17 =	simm.s32 $0x0  }
0x50: {  	[tilespmem:s31], [sflag:$0x1] =	stream.indirect.gather [spmem:s3], $0x20, s30, s16, $0xb8;
	[tilespmem:$0x1EC80] =	vst v63  }
.LBB2_4:
0x51: {  	_ =	swait.ge [sflag:s0], $0x1000  }
0x52: {  	[sflag:s0] =	ssyncset.done $0x0  }
0x53: {  	[sflag:s0] =	ssyncadd.s32 $0xFFFFF000  }
0x54: {  	_ =	swait.ge [sflag:s0], $0x1000  }
0x55: {  	[sflag:s0] =	ssyncset.done $0x0  }
0x56: {  	[sflag:s0] =	ssyncadd.s32 $0xFFFFF000  }
0x57: {  	_ =	swait.ge [sflag:s0], $0x1000  }
0x58: {  	[sflag:s0] =	ssyncset.done $0x0  }
0x59: {  	[sflag:s0] =	ssyncadd.s32 $0xFFFFF000  }
0x5a: {  	_ =	swait.ge [sflag:s0], $0x1000  }
0x5b: {  	[sflag:s0] =	ssyncset.done $0x0  }
0x5c: {  	[sflag:s0] =	ssyncadd.s32 $0xFFFFF000  }
0x5d: {  	_ =	swait.ge [sflag:s0], $0x1000  }
0x5e: {  	[sflag:s0] =	ssyncset.done $0x0  }
0x5f: {  	[sflag:s0] =	ssyncadd.s32 $0xFFFFF000  }
0x60: {  	_ =	swait.ge [sflag:s0], $0x1000  }
0x61: {  	[sflag:s0] =	ssyncset.done $0x0  }
0x62: {  	[sflag:s0] =	ssyncadd.s32 $0xFFFFF000  }
0x63: {  	_ =	swait.ge [sflag:s0], $0x1000  }
0x64: {  	[sflag:s0] =	ssyncset.done $0x0  }
0x65: {  	[sflag:s0] =	ssyncadd.s32 $0xFFFFF000  }
0x66: {  	s17 =	sshll.u32 s17, $0xA;
	_ =	swait.ge [sflag:s0], $0x1000  }
0x67: {  	s19 =	sshll.u32 s19, $0xC;
	s17 =	sand.u32 $0x3FFFFC00, s17;
	[sflag:s0] =	ssyncset.done $0x0  }
0x68: {  	s20 =	sadd.s32 $0x5000, s19;
	s21 =	sadd.s32 $0x2800, s17;
	[sflag:s0] =	ssyncadd.s32 $0xFFFFF000  }
0x69: {  	[spmem:s2] =	stream.indirect.scatter.add.f32 [tilespmem:s20], [sflag:$0x2], $0x20, s21, s16, $0xb8;
	[tilespmem:$0x1EC80] =	vst v63  }
0x6a: {  	s22 =	sadd.s32 $0x2880, s17;
	s21 =	sadd.s32 $0x6000, s19  }
0x6b: {  	[spmem:s2] =	stream.indirect.scatter.add.f32 [tilespmem:s21], [sflag:$0x2], $0x20, s22, s16, $0xb8;
	[tilespmem:$0x1EC80] =	vst v63  }
0x6c: {  	s23 =	sadd.s32 $0x7000, s19;
	s24 =	sadd.s32 $0x2900, s17  }
0x6d: {  	[spmem:s2] =	stream.indirect.scatter.add.f32 [tilespmem:s23], [sflag:$0x2], $0x20, s24, s16, $0xb8;
	[tilespmem:$0x1EC80] =	vst v63  }
0x6e: {  	s21 =	sadd.s32 $0x8000, s19;
	s22 =	sadd.s32 $0x2980, s17  }
0x6f: {  	[spmem:s2] =	stream.indirect.scatter.add.f32 [tilespmem:s21], [sflag:$0x2], $0x20, s22, s16, $0xb8;
	[tilespmem:$0x1EC80] =	vst v63  }
0x70: {  	s23 =	sadd.s32 $0x9000, s19;
	s24 =	sadd.s32 $0x2A00, s17  }
0x71: {  	[spmem:s2] =	stream.indirect.scatter.add.f32 [tilespmem:s23], [sflag:$0x2], $0x20, s24, s16, $0xb8;
	[tilespmem:$0x1EC80] =	vst v63  }
0x72: {  	p0 =	slt.u32 s18, $0xA;
	s21 =	sadd.s32 $0xA000, s19;
	s22 =	sadd.s32 $0x2A80, s17  }
0x73: {  	[spmem:s2] =	stream.indirect.scatter.add.f32 [tilespmem:s21], [sflag:$0x2], $0x20, s22, s16, $0xb8;
	[tilespmem:$0x1EC80] =	vst v63  }
.Ltmp3:
0x74: {  	s23 =	sadd.s32 $0xB000, s19;
	s24 =	sadd.s32 $0x2B00, s17;
	(pc) =	sbr.rel @!p0 .LBB2_5-.Ltmp3, $4  }
0x75: {  	[spmem:s2] =	stream.indirect.scatter.add.f32 [tilespmem:s23], [sflag:$0x2], $0x20, s24, s16, $0xb8;
	[tilespmem:$0x1EC80] =	vst v63  }
0x76: {  	s19 =	sadd.s32 $0xC000, s19;
	s17 =	sadd.s32 $0x2B80, s17  }
0x77: {  	[spmem:s2] =	stream.indirect.scatter.add.f32 [tilespmem:s19], [sflag:$0x2], $0x20, s17, s16, $0xb8;
	[tilespmem:$0x1EC80] =	vst v63  }
0x78: {  	s17 =	smov.u32 s18  }
.LBB2_2:
0x79: {  	p0 =	seq.s32 s17, $0x0  }
0x7a: {  	s18 =	simm.s32 @!p0 $0x2  }
0x7b: {  	_ =	swait.ge @!p0 [sflag:s18], $0x1000  }
0x7c: {  	[sflag:s18] =	ssyncset.done @!p0 $0x0  }
0x7d: {  	[sflag:s18] =	ssyncadd.s32 @!p0 $0xFFFFF000  }
0x7e: {  	_ =	swait.ge @!p0 [sflag:s18], $0x1000  }
0x7f: {  	[sflag:s18] =	ssyncset.done @!p0 $0x0  }
0x80: {  	[sflag:s18] =	ssyncadd.s32 @!p0 $0xFFFFF000  }
0x81: {  	_ =	swait.ge @!p0 [sflag:s18], $0x1000  }
0x82: {  	[sflag:s18] =	ssyncset.done @!p0 $0x0  }
0x83: {  	[sflag:s18] =	ssyncadd.s32 @!p0 $0xFFFFF000  }
0x84: {  	_ =	swait.ge @!p0 [sflag:s18], $0x1000  }
0x85: {  	[sflag:s18] =	ssyncset.done @!p0 $0x0  }
0x86: {  	[sflag:s18] =	ssyncadd.s32 @!p0 $0xFFFFF000  }
0x87: {  	_ =	swait.ge @!p0 [sflag:s18], $0x1000  }
0x88: {  	[sflag:s18] =	ssyncset.done @!p0 $0x0  }
0x89: {  	[sflag:s18] =	ssyncadd.s32 @!p0 $0xFFFFF000  }
0x8a: {  	_ =	swait.ge @!p0 [sflag:s18], $0x1000  }
0x8b: {  	[sflag:s18] =	ssyncset.done @!p0 $0x0  }
0x8c: {  	p1 =	seq.s32 @!p0 s17, $0x9;
	[sflag:s18] =	ssyncadd.s32 @!p0 $0xFFFFF000  }
0x8d: {  	p1 =	por p0, !p1;
	_ =	swait.ge @!p0 [sflag:s18], $0x1000  }
.Ltmp4:
0x8e: {  	[sflag:s18] =	ssyncset.done @!p0 $0x0;
	(pc) =	sbr.rel @!p1 .LBB2_4-.Ltmp4, $4  }
0x8f: {  	[sflag:s18] =	ssyncadd.s32 @!p0 $0xFFFFF000  }
0x90: {  	_ =	swait.ge @!p0 [sflag:s18], $0x1000  }
0x91: {  	s19 =	sshll.u32 s17, $0x3;
	[sflag:s18] =	ssyncset.done @!p0 $0x0  }
0x92: {  	s19 =	sand.u32 $0x8, s19;
	[sflag:s18] =	ssyncadd.s32 @!p0 $0xFFFFF000;
	s18 =	simm.s32 @!p0 $0xA  }
0x93: {  	s18 =	sadd.s32 @!p0 $0x1, s17  }
0x94: {  	s18 =	simm.s32 @p0 $0x1  }
0x95: {  	s20 =	sshll.u32 s19, $0xC;
	s21 =	sshll.u32 s18, $0xA  }
0x96: {  	s22 =	ssub.s32 $0xD000, s20;
	s21 =	sand.u32 $0x3FFFFC00, s21  }
0x97: {  	[tilespmem:s22], [sflag:$0x1] =	stream.indirect.gather [spmem:s3], $0x20, s21, s16, $0xb8;
	[tilespmem:$0x1EC80] =	vst v63  }
0x98: {  	s24 =	ssub.s32 $0xE000, s20;
	s23 =	sor.u32 $0x80, s21  }
0x99: {  	[tilespmem:s24], [sflag:$0x1] =	stream.indirect.gather [spmem:s3], $0x20, s23, s16, $0xb8;
	[tilespmem:$0x1EC80] =	vst v63  }
0x9a: {  	s24 =	sor.u32 $0x100, s21;
	s23 =	sxor.u32 $0xF000, s20  }
0x9b: {  	[tilespmem:s23], [sflag:$0x1] =	stream.indirect.gather [spmem:s3], $0x20, s24, s16, $0xb8;
	[tilespmem:$0x1EC80] =	vst v63  }
0x9c: {  	s22 =	ssub.s32 $0x10000, s20;
	s24 =	sor.u32 $0x180, s21  }
0x9d: {  	[tilespmem:s22], [sflag:$0x1] =	stream.indirect.gather [spmem:s3], $0x20, s24, s16, $0xb8;
	[tilespmem:$0x1EC80] =	vst v63  }
0x9e: {  	s22 =	ssub.s32 $0x11000, s20;
	s24 =	sor.u32 $0x200, s21  }
0x9f: {  	[tilespmem:s22], [sflag:$0x1] =	stream.indirect.gather [spmem:s3], $0x20, s24, s16, $0xb8;
	[tilespmem:$0x1EC80] =	vst v63  }
0xa0: {  	s22 =	ssub.s32 $0x12000, s20;
	s24 =	sor.u32 $0x280, s21  }
0xa1: {  	[tilespmem:s22], [sflag:$0x1] =	stream.indirect.gather [spmem:s3], $0x20, s24, s16, $0xb8;
	[tilespmem:$0x1EC80] =	vst v63  }
.Ltmp5:
0xa2: {  	_ = 	snop;
	(pc) =	sbr.rel .LBB2_4-.Ltmp5, $4  }
0xa3: {  	s20 =	ssub.s32 $0x13000, s20;
	s24 =	sor.u32 $0x300, s21  }
0xa4: {  	[tilespmem:s20], [sflag:$0x1] =	stream.indirect.gather [spmem:s3], $0x20, s24, s16, $0xb8;
	[tilespmem:$0x1EC80] =	vst v63  }
0xa5: {  	s21 =	sor.u32 $0x380, s21;
	s24 =	sadd.s32 $0x5000, s23  }
0xa6: {  	[tilespmem:s24], [sflag:$0x1] =	stream.indirect.gather [spmem:s3], $0x20, s21, s16, $0xb8;
	[tilespmem:$0x1EC80] =	vst v63  }
.LBB2_6:
0xa7: {  	_ =	sfence.sel $0x180000  }
0xa8: {  	[bflag:$0x0] =	sbarrier.arrive $0xFFFF  }
0xa9: {  	_ =	strace $0x9000004D  }
0xaa: {  	s0 =	stileid.u32;
	[bflag:$0x2] =	sbarrier.arrive $0xFFFF  }
0xab: {  	p0 =	sne.s32 s0, $0x0;
	s0 =	rddreg [dreg:$0x4]  }
0xac: {  	s0 =	sadd.s32 @!p0 $0x100000, s0  }
0xad: {  	[sflag:s0] =	ssyncadd.tile.s32 @!p0 $0x1;
	_ =	shalt  }
.Lfunc_end2:
_tile_overlayer_lowered:
.L_overlay_start_2:
0xae: {  	(tag) =	ssettag $0x2  }
0xaf: {  	s0 =	rddreg [dreg:$0x0];
	s2 =	stileid.u32  }
0xb0: {  	s1 =	rddreg [dreg:$0x1];
	p0 =	sne.s32 s2, $0x0  }
0xb1: {  	s3 =	rddreg [dreg:$0x2];
	[bflag:$0x3] =	sbarrier.arrive $0xFFFF;
	s2 =	simm.s32 @!p0 $0x1C03  }
0xb2: {  	[timem:s3], [sflag:s2] =	dma.local @!p0 [hbm:s0], s1  }
0xb3: {  	s0 =	simm.s32 @!p0 $0x3  }
0xb4: {  	_ =	swait.ge @!p0 [sflag:s0], s1  }
0xb5: {  	s1 =	ssub.s32 @!p0 $0x0, s1;
	[sflag:s0] =	ssyncset.done @!p0 $0x0  }
0xb6: {  	[sflag:s0] =	ssyncadd.s32 @!p0 s1  }
0xb7: {  	[bflag:$0x3] =	sbarrier.arrive $0xFFFF  }
0xb8: {  	_ =	shalt  }

// kernel: kernel.21.cloned.1.call-start
scs
__scs_entry_jumppad:
0x0: {  	(pc) =	sbr.rel $0x88, $3  }
0x1: {  	(tag) =	ssettag $0x0;
	lr =	simm.s32 $0x1  }
0x2: {  	[smem:$0x3F97] =	sst lr;
	_ =	strace $0xD0000000  }
0x3: {  	_ = 	snop  }
0x4: {  	_ = 	snop  }
0x5: {  	_ = 	snop  }
0x6: {  	_ = 	snop  }
0x7: {  	_ = 	snop  }
__scs_overlays_trampoline_lowered:
0x8: {  	[smem:$0x3FA6] =	sst s0  }
0x9: {  	[smem:$0x3FA7] =	sst s1  }
0xa: {  	[smem:$0x3FA8] =	sst s2  }
0xb: {  	[smem:$0x3FA9] =	sst s3  }
0xc: {  	[smem:$0x3FAA] =	sst s4  }
0xd: {  	[smem:$0x3FAB] =	sst s5  }
0xe: {  	[smem:$0x3FAC] =	sst s6  }
0xf: {  	[smem:$0x3FAD] =	sst s7  }
0x10: {  	[smem:$0x3FAE] =	sst s8  }
0x11: {  	[smem:$0x3FAF] =	sst s9;
	s0 =	simm.s32 @!p0 $0x0  }
0x12: {  	s1 =	sld [smem:$0x3F95];
	s0 =	simm.s32 @p0 $0x1  }
0x13: {  	[smem:$0x3FB0] =	sst s0;
	s0 =	simm.s32 @!p1 $0x0  }
0x14: {  	s2 =	sld [smem:$0x3F94];
	s0 =	simm.s32 @p1 $0x1  }
0x15: {  	[smem:$0x3FB1] =	sst s0;
	s0 =	simm.s32 @!p2 $0x0  }
0x16: {  	s3 =	sld [smem:$0x3FDB];
	s0 =	simm.s32 @p2 $0x1  }
0x17: {  	s4 =	simm.s32 $0x1BF5;
	[smem:$0x3FB3] =	sst s0  }
0x18: {  	s0 =	sld [smem:$0x3F96];
	_ =	swait.ge [sflag:s4], $0x0  }
0x19: {  	s7 =	sld [smem:$0x3F97]  }
0x1a: {  	s8 =	sadd.s32 $0xFFFFE003, lr  }
0x1b: {  	s9 =	sadd.s32 $0xFFFFFEF7, lr;
	s5 =	simm.s32 $0xFFFFFFFF;
	p2 =	slt.u32 s8, $0xFFFFF086  }
0x1c: {  	p1 =	slt.u32 s9, $0xF7A;
	s5 =	simm.s32 @!p2 $0x0  }
0x1d: {  	s5 =	simm.s32 @p1 $0x1;
	p0 =	seq.s32 s7, s2  }
0x1e: {  	s7 =	smul.u32 @!p0 $0xF7A, s2;
	p2 =	seq.s32 @!p0 s5, $0x0  }
0x1f: {  	s9 =	smul.u32 $0xF7A, s1;
	s8 =	simm.s32 @!p0 $0x1BF5;
	p2 =	por !p2, p0  }
0x20: {  	[sflag:s8] =	ssyncset.s32 @!p0 $0xFFFFF086;
	s6 =	sadd.s32 @!p0 s3, s7;
	s7 =	simm.s32 @!p0 $0x108  }
0x21: {  	s3 =	sadd.s32 s3, s9;
	s6 =	sadd.s32 @!p0 $0x88, s6;
	s7 =	simm.s32 @p2 $0x1082  }
0x22: {  	[simem:s7], [sflag:s8] =	dma.local @!p0 [hbm:s6], $0xF7A  }
0x23: {  	s9 =	sor.u32 $0xD0000000, s2;
	s6 =	simm.s32 $0x108;
	_ =	swait.ge @!p0 [sflag:s8], $0x0  }
0x24: {  	s3 =	sadd.s32 $0x88, s3;
	s6 =	simm.s32 @!p1 $0x1082;
	[sflag:s4] =	ssyncset.s32 $0xFFFFF086  }
0x25: {  	[simem:s6], [sflag:s4] =	dma.local [hbm:s3], $0xF7A  }
0x26: {  	[smem:$0x3F97] =	sst s1;
	(tag) =	ssettag s2;
	_ =	strace s9  }
0x27: {  	s1 =	sld [smem:$0x3FA7]  }
0x28: {  	s2 =	sld [smem:$0x3FA8]  }
0x29: {  	s4 =	sld [smem:$0x3FAA]  }
0x2a: {  	p0 =	seq.s32 s5, $0x0;
	s5 =	sld [smem:$0x3FAB]  }
0x2b: {  	s6 =	sld [smem:$0x3FAC]  }
0x2c: {  	s7 =	sld [smem:$0x3FAD]  }
0x2d: {  	s3 =	simm.s32 $0x108;
	s8 =	sld [smem:$0x3FAE]  }
0x2e: {  	s3 =	simm.s32 @!p0 $0x1082;
	s9 =	sld [smem:$0x3FAF]  }
0x2f: {  	lr =	sadd.s32 s0, s3;
	s0 =	sld [smem:$0x3FA6]  }
0x30: {  	s3 =	sld [smem:$0x3FA9]  }
0x31: {  	[smem:$0x3FB2] =	sst s10  }
0x32: {  	s10 =	sld [smem:$0x3FB0];
	_ =	sdelay $0x3  }
0x33: {  	p0 =	seq.s32 s10, $0x1;
	s10 =	sld [smem:$0x3FB2];
	_ =	sdelay $0x3  }
0x34: {  	[smem:$0x3FB2] =	sst s10  }
0x35: {  	s10 =	sld [smem:$0x3FB1];
	_ =	sdelay $0x3  }
0x36: {  	p1 =	seq.s32 s10, $0x1;
	s10 =	sld [smem:$0x3FB2];
	_ =	sdelay $0x3  }
0x37: {  	[smem:$0x3FB2] =	sst s10  }
0x38: {  	s10 =	sld [smem:$0x3FB3]  }
0x39: {  	_ = 	snop;
	(pc) =	sbr.ind lr, $3  }
0x3a: {  	_ = 	snop  }
0x3b: {  	_ = 	snop  }
0x3c: {  	p2 =	seq.s32 s10, $0x1;
	s10 =	sld [smem:$0x3FB2]  }
0x3d: {  	_ =	shalt  }
0x3e: {  	_ =	shalt  }
0x3f: {  	_ =	shalt  }
0x40: {  	_ =	shalt  }
0x41: {  	_ =	shalt  }
0x42: {  	_ =	shalt  }
0x43: {  	_ =	shalt  }
0x44: {  	_ =	shalt  }
0x45: {  	_ =	shalt  }
0x46: {  	_ =	shalt  }
0x47: {  	_ =	shalt  }
0x48: {  	_ =	shalt  }
0x49: {  	_ =	shalt  }
0x4a: {  	_ =	shalt  }
0x4b: {  	_ =	shalt  }
0x4c: {  	_ =	shalt  }
0x4d: {  	_ =	shalt  }
0x4e: {  	_ =	shalt  }
0x4f: {  	_ =	shalt  }
0x50: {  	_ =	shalt  }
0x51: {  	_ =	shalt  }
0x52: {  	_ =	shalt  }
0x53: {  	_ =	shalt  }
0x54: {  	_ =	shalt  }
0x55: {  	_ =	shalt  }
0x56: {  	_ =	shalt  }
0x57: {  	_ =	shalt  }
0x58: {  	_ =	shalt  }
0x59: {  	_ =	shalt  }
0x5a: {  	_ =	shalt  }
0x5b: {  	_ =	shalt  }
0x5c: {  	_ =	shalt  }
0x5d: {  	_ =	shalt  }
0x5e: {  	_ =	shalt  }
0x5f: {  	_ =	shalt  }
0x60: {  	_ =	shalt  }
0x61: {  	_ =	shalt  }
0x62: {  	_ =	shalt  }
0x63: {  	_ =	shalt  }
0x64: {  	_ =	shalt  }
0x65: {  	_ =	shalt  }
0x66: {  	_ =	shalt  }
0x67: {  	_ =	shalt  }
0x68: {  	_ =	shalt  }
0x69: {  	_ =	shalt  }
0x6a: {  	_ =	shalt  }
0x6b: {  	_ =	shalt  }
0x6c: {  	_ =	shalt  }
0x6d: {  	_ =	shalt  }
0x6e: {  	_ =	shalt  }
0x6f: {  	_ =	shalt  }
0x70: {  	_ =	shalt  }
0x71: {  	_ =	shalt  }
0x72: {  	_ =	shalt  }
0x73: {  	_ =	shalt  }
0x74: {  	_ =	shalt  }
0x75: {  	_ =	shalt  }
0x76: {  	_ =	shalt  }
0x77: {  	_ =	shalt  }
0x78: {  	_ =	shalt  }
0x79: {  	_ =	shalt  }
0x7a: {  	_ =	shalt  }
0x7b: {  	_ =	shalt  }
0x7c: {  	_ =	shalt  }
0x7d: {  	_ =	shalt  }
0x7e: {  	_ =	shalt  }
0x7f: {  	_ =	shalt  }
0x80: {  	_ =	shalt  }
0x81: {  	_ =	shalt  }
0x82: {  	_ =	shalt  }
0x83: {  	_ =	shalt  }
0x84: {  	_ =	shalt  }
0x85: {  	_ =	shalt  }
0x86: {  	_ =	shalt  }
0x87: {  	_ =	shalt  }
.Lfunc_end0:
.L_simem_size_0:
called_computation.3_lowered:
.L_overlay_start_0:
0x88: {  	s2 =	sld [smem:$0x3FD9]  }
0x89: {  	s3 =	sld [smem:$0x3FFE];
	_ =	sdelay $0x1  }
0x8a: {  	s1 =	srdreg.scid  }
0x8b: {  	s0 =	sand.u32 $0x1, s1  }
0x8c: {  	s17 =	sshll.u32 s0, $0xA;
	s2 =	sadd.s32 s3, s2  }
0x8d: {  	s2 =	sadd.s32 s2, s17  }
0x8e: {  	[smem:$0x3FBE] =	sst s2  }
0x8f: {  	_ = 	snop  }
0x90: {  	s2 =	sld [smem:$0x3FD0];
	(tm) =	ssettm $0x1  }
0x91: {  	s18 =	sld [smem:$0x3FFB];
	_ =	sdelay $0x3  }
0x92: {  	_ =	strace s18  }
0x93: {  	s3 =	sld [smem:$0x3FFC];
	_ =	sdelay $0x3  }
0x94: {  	_ =	strace s3  }
0x95: {  	s3 =	sld [smem:$0x3FFD];
	_ =	sdelay $0x3  }
0x96: {  	_ =	strace s3  }
0x97: {  	_ =	strace $0x8FFFFFFF  }
0x98: {  	s19 =	sld [smem:$0x3FDB];
	_ =	sdelay $0x1  }
0x99: {  	s4 =	simm.s32 $_scs_section_size  }
0x9a: {  	s5 =	simm.s32 $_size__tile_overlayer_lowered;
	s6 =	simm.s32 $_tile_overlayer_lowered  }
0x9b: {  	s22 =	simm.s32 $0x1BFF;
	s21 =	sshll.u32 s6, $0x1;
	s3 =	sadd.s32 s4, s19  }
0x9c: {  	s7 =	simm.s32 $0x0;
	s20 =	sshll.u32 s5, $0x1;
	s5 =	sadd.s32 s21, s3  }
0x9d: {  	[timem:s7], [sflag:s22] =	dma.local [hbm:s5], s20  }
0x9e: {  	_ =	swait.ge [sflag:s22], s20  }
0x9f: {  	s4 =	ssub.s32 $0x0, s20;
	[sflag:s22] =	ssyncset.done $0x0  }
0xa0: {  	[sflag:s22] =	ssyncadd.s32 s4;
	_ =	sdelay $0x1  }
0xa1: {  	s23 =	simm.s32 $0x1B8B  }
0xa2: {  	_ =	swait.ge [sflag:s23], $0x1  }
0xa3: {  	[sflag:s23] =	ssyncset.done $0x0  }
0xa4: {  	s25 =	simm.s32 $0x1B8E;
	s24 =	sld [smem:$0x3FFE];
	[sflag:s23] =	ssyncadd.s32 $0xFFFFFFFF  }
0xa5: {  	s26 =	simm.s32 $execute0_lowered;
	[smem:$0x3FD2] =	sst s25  }
0xa6: {  	s5 =	sshll.u32 s26, $0x1;
	_ =	strace $0x8000004F;
	[dreg:$0x1] =	wrdreg $0xFFFFFFFF  }
0xa7: {  	s28 =	simm.s32 $_size_execute0_lowered;
	s3 =	sadd.s32 s3, s5;
	[dreg:$0x0] =	wrdreg $0x0  }
0xa8: {  	s5 =	sshll.u32 s28, $0x1;
	[dreg:$0x2] =	wrdreg s3  }
0xa9: {  	[dreg:$0x3] =	wrdreg s5  }
0xaa: {  	[dreg:$0x4] =	wrdreg $0xC0  }
0xab: {  	_ =	task [dreg:s7], $0x5FFFF  }
0xac: {  	[dreg:$0x1] =	wrdreg $0xFFFFFFFF  }
0xad: {  	[dreg:$0x0] =	wrdreg $0x60  }
0xae: {  	[dreg:$0x2] =	wrdreg s2  }
0xaf: {  	[dreg:$0x3] =	wrdreg s24  }
0xb0: {  	[dreg:$0x4] =	wrdreg $0xC6C00  }
0xb1: {  	[dreg:$0x5] =	wrdreg $0x163400  }
0xb2: {  	[dreg:$0x6] =	wrdreg $0x9  }
0xb3: {  	_ =	task.clear_ibuf [dreg:s7], $0x7FFFF;
	_ =	strace $0x9000004F  }
0xb4: {  	s29 =	simm.s32 $0x9;
	_ =	strace $0x80000051  }
0xb5: {  	_ =	swait.ge [sflag:s29], $0x1  }
0xb6: {  	[sflag:s29] =	ssyncadd.s32 $0xFFFFFFFF  }
0xb7: {  	_ =	strace $0x90000051  }
0xb8: {  	_ =	sfence  }
0xb9: {  	s30 =	sld [smem:$0x0];
	_ =	sdelay $0x2  }
0xba: {  	s31 =	sshll.u32 s1, $0xD;
	s1 =	sshrl.u32 s1, $0x2  }
0xbb: {  	s3 =	sand.u32 $0x4000, s31;
	s1 =	sadd.s32 s1, s30  }
0xbc: {  	s0 =	sor.u32 s3, s0;
	s1 =	sshll.u32 s1, $0x11  }
0xbd: {  	s0 =	sor.u32 s1, s0  }
0xbe: {  	s0 =	sadd.s32 $0x8F2B, s0  }
0xbf: {  	[sflag:s0] =	ssyncadd.remote.s32 $0x1  }
0xc0: {  	_ =	sfence.sel $0xFFFF  }
0xc1: {  	[dreg:$0x0] =	wrdreg $0xFFFFFFFF;
	(pc) =	sbr.abs _section_cstart, $3  }
0xc2: {  	[dreg:$0x1] =	wrdreg $0xFFFFFFFF  }
0xc3: {  	_ =	task.clear_ibuf [dreg:s7], $0x2FFFF;
	_ =	strace $0x9FFFFFFF  }
0xc4: {  	(tm) =	ssettm $0x7FFFFFFF  }
0xc5: {  	_ =	shalt  }
tec
execute0_lowered:
.L_overlay_start_1:
0x0: {  	(tag) =	ssettag $0x1  }
0x1: {  	s7 =	rddreg [dreg:$0x0]  }
0x2: {  	s6 =	rddreg [dreg:$0x1]  }
0x3: {  	s1 =	srdreg.scid;
	s2 =	rddreg [dreg:$0x2]  }
0x4: {  	s0 =	stileid.u32;
	s3 =	rddreg [dreg:$0x3];
	s4 =	simm.s32 $0x0  }
0x5: {  	s17 =	simm.s32 $0x4EC0;
	s18 =	simm.s32 $0x6CC0;
	s19 =	simm.s32 $0x1  }
0x6: {  	s20 =	simm.s32 $0x2;
	s21 =	simm.s32 $0x0;
	s5 =	sand.u32 $0x1, s1  }
0x7: {  	s26 =	sshll.u32 s0, $0x1;
	s9 =	smul.u32 $0x9C80, s0;
	[smem:$0x7FF] =	sst s4  }
0x8: {  	s31 =	sshll.u32 s0, $0x6;
	s1 =	sor.u32 s5, s26;
	s10 =	smul.u32 $0x9C800, s5  }
0x9: {  	s5 =	ssub.s32 $0x2, s5;
	s8 =	smul.u32 $0x4EC, s1;
	s1 =	rddreg [dreg:$0x4]  }
0xa: {  	_ =	strace $0x80000050;
	s29 =	sshrl.u32 s9, $0x3;
	s30 =	sshrl.u32 s5, $0x1  }
0xb: {  	s15 =	sadd.s32 s9, s2;
	s16 =	sadd.s32 s9, s3;
	s28 =	sadd.s32 s9, s10  }
0xc: {  	s12 =	sadd.s32 s29, s6;
	s14 =	ssub.s32 s5, s30;
	s7 =	sadd.s32 s7, s29  }
.Ltmp0:
0xd: {  	s11 =	sadd.s32 s8, s6;
	s8 =	sshrl.u32 s28, $0x3;
	(pc) =	sbr.rel .LBB2_1-.Ltmp0, $4  }
0xe: {  	s5 =	sadd.s32 $0x2600, s12;
	s12 =	sshrl.u32 s15, $0x3;
	s15 =	simm.s32 $0x2760  }
0xf: {  	s13 =	sadd.s32 s8, s6;
	s6 =	sor.u32 $0x1C03, s31;
	s8 =	sadd.s32 $0x34000, s11  }
0x10: {  	s9 =	sadd.s32 $0x2A200, s11;
	s11 =	smax.u32 s14, $0x1;
	s14 =	sshrl.u32 s16, $0x3  }
0x11: {  	s16 =	simm.s32 $0x78;
	s10 =	sadd.s32 $0x3DE00, s13;
	s13 =	simm.s32 $0x3  }
.LBB2_5:
0x12: {  	_ =	swait.ge [sflag:s20], $0x1E00  }
0x13: {  	[sflag:s20] =	ssyncset.done $0x0  }
0x14: {  	[sflag:s20] =	ssyncadd.s32 $0xFFFFE200  }
0x15: {  	_ =	swait.ge [sflag:s20], $0x1E00  }
0x16: {  	s21 =	sadd.s32 $0x1, s21;
	[sflag:s20] =	ssyncset.done $0x0  }
0x17: {  	p0 =	sne.s32 s21, s11;
	[sflag:s20] =	ssyncadd.s32 $0xFFFFE200  }
.Ltmp1:
0x18: {  	[bflag:$0x0] =	sbarrier.arrive $0xFFFF;
	(pc) =	sbr.rel @!p0 .LBB2_6-.Ltmp1, $4  }
0x19: {  	[hbm:s10], [sflag:s6] =	dma.local [spmem:s12], $0x1390  }
0x1a: {  	_ =	swait.ge [sflag:s13], $0x1390  }
0x1b: {  	[sflag:s13] =	ssyncset.done $0x0  }
0x1c: {  	[sflag:s13] =	ssyncadd.s32 $0xFFFFEC70  }
.LBB2_1:
0x1d: {  	[spmem:s12], [sflag:s6] =	dma.local [hbm:s5], $0x1390  }
0x1e: {  	_ =	swait.ge [sflag:s13], $0x1390  }
0x1f: {  	[sflag:s13] =	ssyncset.done $0x0  }
0x20: {  	[sflag:s13] =	ssyncadd.s32 $0xFFFFEC70  }
0x21: {  	[spmem:s14], [sflag:s6] =	dma.local [hbm:s7], $0x1390  }
0x22: {  	_ =	swait.ge [sflag:s13], $0x1390  }
0x23: {  	[sflag:s13] =	ssyncset.done $0x0  }
0x24: {  	[sflag:s13] =	ssyncadd.s32 $0xFFFFEC70  }
0x25: {  	[tilespmem:s4], [sflag:$0x3] =	stream.linear.gather [hbm4b:s8+s4], $0x2760, $0x38;
	v63 =	vld [tilespmem:$0x0]  }
0x26: {  	_ =	swait.ge [sflag:s13], $0x2760  }
0x27: {  	[sflag:s13] =	ssyncset.done $0x0  }
0x28: {  	[sflag:s13] =	ssyncadd.s32 $0xFFFFD8A0  }
0x29: {  	[tilespmem:s15], [sflag:$0x3] =	stream.linear.gather [hbm4b:s9+s4], $0x2760, $0x38;
	v63 =	vld [tilespmem:$0x0]  }
0x2a: {  	_ =	swait.ge [sflag:s13], $0x2760  }
0x2b: {  	[sflag:s13] =	ssyncset.done $0x0  }
.Ltmp2:
0x2c: {  	[sflag:s13] =	ssyncadd.s32 $0xFFFFD8A0;
	(pc) =	sbr.rel .LBB2_2-.Ltmp2, $4  }
0x2d: {  	[bflag:$0x0] =	sbarrier.arrive $0xFFFF  }
0x2e: {  	[tilespmem:s17], [sflag:$0x1] =	stream.indirect.gather [spmem:s3], $0x40, s4, s16, $0xb8;
	v63 =	vld [tilespmem:$0x0]  }
0x2f: {  	s22 =	simm.s32 $0x0  }
0x30: {  	[tilespmem:s18], [sflag:$0x1] =	stream.indirect.gather [spmem:s3], $0x40, s16, s16, $0xb8;
	v63 =	vld [tilespmem:$0x0]  }
.LBB2_4:
0x31: {  	_ =	swait.ge [sflag:s19], $0x1E00  }
0x32: {  	s24 =	smul.u32 $0x7800, s24;
	[sflag:s19] =	ssyncset.done $0x0  }
0x33: {  	s22 =	smul.u32 $0x3C0, s22;
	[sflag:s19] =	ssyncadd.s32 $0xFFFFE200  }
0x34: {  	p0 =	slt.u32 s23, $0x2A;
	s24 =	sshrl.u32 s24, $0x2;
	_ =	swait.ge [sflag:s19], $0x1E00  }
0x35: {  	s22 =	sshra.s32 s22, $0x2;
	s25 =	sadd.s32 $0x4EC0, s24;
	[sflag:s19] =	ssyncset.done $0x0  }
.Ltmp3:
0x36: {  	s26 =	sadd.s32 $0x2760, s22;
	[sflag:s19] =	ssyncadd.s32 $0xFFFFE200;
	(pc) =	sbr.rel @!p0 .LBB2_5-.Ltmp3, $4  }
0x37: {  	[spmem:s2] =	stream.indirect.scatter.add.f32 [tilespmem:s25], [sflag:$0x2], $0x40, s26, s16, $0xb8;
	v63 =	vld [tilespmem:$0x0]  }
0x38: {  	s24 =	sadd.s32 $0x6CC0, s24;
	s22 =	sadd.s32 $0x27D8, s22  }
0x39: {  	[spmem:s2] =	stream.indirect.scatter.add.f32 [tilespmem:s24], [sflag:$0x2], $0x40, s22, s16, $0xb8;
	v63 =	vld [tilespmem:$0x0]  }
0x3a: {  	s22 =	smov.u32 s23  }
.LBB2_2:
0x3b: {  	p0 =	seq.s32 s22, $0x0  }
0x3c: {  	s23 =	simm.s32 @!p0 $0x2;
	p1 =	seq.s32 @!p0 s22, $0x29  }
0x3d: {  	_ =	swait.ge @!p0 [sflag:s23], $0x1E00;
	p1 =	por p0, !p1  }
.Ltmp4:
0x3e: {  	[sflag:s23] =	ssyncset.done @!p0 $0x0;
	(pc) =	sbr.rel @!p1 .LBB2_4-.Ltmp4, $4  }
0x3f: {  	[sflag:s23] =	ssyncadd.s32 @!p0 $0xFFFFE200  }
0x40: {  	_ =	swait.ge @!p0 [sflag:s23], $0x1E00  }
0x41: {  	s24 =	sshll.u32 s22, $0x1;
	[sflag:s23] =	ssyncset.done @!p0 $0x0  }
0x42: {  	s24 =	sand.u32 $0x2, s24;
	[sflag:s23] =	ssyncadd.s32 @!p0 $0xFFFFE200;
	s23 =	simm.s32 @!p0 $0x2A  }
0x43: {  	s25 =	sxor.u32 $0x2, s24  }
0x44: {  	s23 =	sadd.s32 @!p0 $0x1, s22;
	s28 =	sxor.u32 $0x3, s24;
	s25 =	smul.u32 $0x7800, s25  }
0x45: {  	s23 =	simm.s32 @p0 $0x1;
	s28 =	smul.u32 $0x7800, s28  }
0x46: {  	s26 =	smul.u32 $0x3C0, s23  }
.Ltmp5:
0x47: {  	s25 =	sshrl.u32 s25, $0x2;
	(pc) =	sbr.rel .LBB2_4-.Ltmp5, $4  }
0x48: {  	s31 =	sshrl.u32 s28, $0x2;
	s25 =	sadd.s32 $0x4EC0, s25;
	s26 =	sshra.s32 s26, $0x2  }
0x49: {  	[tilespmem:s25], [sflag:$0x1] =	stream.indirect.gather [spmem:s3], $0x40, s26, s16, $0xb8;
	v63 =	vld [tilespmem:$0x0]  }
0x4a: {  	s25 =	sadd.s32 $0x4EC0, s31;
	s26 =	sadd.s32 $0x78, s26  }
0x4b: {  	[tilespmem:s25], [sflag:$0x1] =	stream.indirect.gather [spmem:s3], $0x40, s26, s16, $0xb8;
	v63 =	vld [tilespmem:$0x0]  }
.LBB2_6:
0x4c: {  	_ =	sfence.sel $0x180000  }
0x4d: {  	[bflag:$0x0] =	sbarrier.arrive $0xFFFF  }
0x4e: {  	p0 =	sne.s32 s0, $0x0;
	_ =	strace $0x90000050  }
0x4f: {  	s0 =	sadd.s32 @!p0 $0x100000, s1;
	[bflag:$0x2] =	sbarrier.arrive $0xFFFF  }
0x50: {  	[sflag:s0] =	ssyncadd.tile.s32 @!p0 $0x1;
	_ =	shalt  }
.Lfunc_end2:
_tile_overlayer_lowered:
.L_overlay_start_2:
0x51: {  	(tag) =	ssettag $0x2  }
0x52: {  	s0 =	rddreg [dreg:$0x0];
	s2 =	stileid.u32  }
0x53: {  	s1 =	rddreg [dreg:$0x1];
	p0 =	sne.s32 s2, $0x0  }
0x54: {  	s3 =	rddreg [dreg:$0x2];
	[bflag:$0x3] =	sbarrier.arrive $0xFFFF;
	s2 =	simm.s32 @!p0 $0x1C03  }
0x55: {  	[timem:s3], [sflag:s2] =	dma.local @!p0 [hbm:s0], s1  }
0x56: {  	s0 =	simm.s32 @!p0 $0x3  }
0x57: {  	_ =	swait.ge @!p0 [sflag:s0], s1  }
0x58: {  	s1 =	ssub.s32 @!p0 $0x0, s1;
	[sflag:s0] =	ssyncset.done @!p0 $0x0  }
0x59: {  	[sflag:s0] =	ssyncadd.s32 @!p0 s1  }
0x5a: {  	[bflag:$0x3] =	sbarrier.arrive $0xFFFF  }
0x5b: {  	_ =	shalt  }

// kernel: kernel.24.cloned.1.call-start
scs
__scs_entry_jumppad:
0x0: {  	(pc) =	sbr.rel $0x88, $3  }
0x1: {  	(tag) =	ssettag $0x0;
	lr =	simm.s32 $0x1  }
0x2: {  	[smem:$0x3F97] =	sst lr;
	_ =	strace $0xD0000000  }
0x3: {  	_ = 	snop  }
0x4: {  	_ = 	snop  }
0x5: {  	_ = 	snop  }
0x6: {  	_ = 	snop  }
0x7: {  	_ = 	snop  }
__scs_overlays_trampoline_lowered:
0x8: {  	[smem:$0x3FA6] =	sst s0  }
0x9: {  	[smem:$0x3FA7] =	sst s1  }
0xa: {  	[smem:$0x3FA8] =	sst s2  }
0xb: {  	[smem:$0x3FA9] =	sst s3  }
0xc: {  	[smem:$0x3FAA] =	sst s4  }
0xd: {  	[smem:$0x3FAB] =	sst s5  }
0xe: {  	[smem:$0x3FAC] =	sst s6  }
0xf: {  	[smem:$0x3FAD] =	sst s7  }
0x10: {  	[smem:$0x3FAE] =	sst s8  }
0x11: {  	[smem:$0x3FAF] =	sst s9;
	s0 =	simm.s32 @!p0 $0x0  }
0x12: {  	s1 =	sld [smem:$0x3F95];
	s0 =	simm.s32 @p0 $0x1  }
0x13: {  	[smem:$0x3FB0] =	sst s0;
	s0 =	simm.s32 @!p1 $0x0  }
0x14: {  	s2 =	sld [smem:$0x3F94];
	s0 =	simm.s32 @p1 $0x1  }
0x15: {  	[smem:$0x3FB1] =	sst s0;
	s0 =	simm.s32 @!p2 $0x0  }
0x16: {  	s3 =	sld [smem:$0x3FDB];
	s0 =	simm.s32 @p2 $0x1  }
0x17: {  	s4 =	simm.s32 $0x1BF5;
	[smem:$0x3FB3] =	sst s0  }
0x18: {  	s0 =	sld [smem:$0x3F96];
	_ =	swait.ge [sflag:s4], $0x0  }
0x19: {  	s7 =	sld [smem:$0x3F97]  }
0x1a: {  	s8 =	sadd.s32 $0xFFFFE003, lr  }
0x1b: {  	s9 =	sadd.s32 $0xFFFFFEF7, lr;
	s5 =	simm.s32 $0xFFFFFFFF;
	p2 =	slt.u32 s8, $0xFFFFF086  }
0x1c: {  	p1 =	slt.u32 s9, $0xF7A;
	s5 =	simm.s32 @!p2 $0x0  }
0x1d: {  	s5 =	simm.s32 @p1 $0x1;
	p0 =	seq.s32 s7, s2  }
0x1e: {  	s7 =	smul.u32 @!p0 $0xF7A, s2;
	p2 =	seq.s32 @!p0 s5, $0x0  }
0x1f: {  	s9 =	smul.u32 $0xF7A, s1;
	s8 =	simm.s32 @!p0 $0x1BF5;
	p2 =	por !p2, p0  }
0x20: {  	[sflag:s8] =	ssyncset.s32 @!p0 $0xFFFFF086;
	s6 =	sadd.s32 @!p0 s3, s7;
	s7 =	simm.s32 @!p0 $0x108  }
0x21: {  	s3 =	sadd.s32 s3, s9;
	s6 =	sadd.s32 @!p0 $0x88, s6;
	s7 =	simm.s32 @p2 $0x1082  }
0x22: {  	[simem:s7], [sflag:s8] =	dma.local @!p0 [hbm:s6], $0xF7A  }
0x23: {  	s9 =	sor.u32 $0xD0000000, s2;
	s6 =	simm.s32 $0x108;
	_ =	swait.ge @!p0 [sflag:s8], $0x0  }
0x24: {  	s3 =	sadd.s32 $0x88, s3;
	s6 =	simm.s32 @!p1 $0x1082;
	[sflag:s4] =	ssyncset.s32 $0xFFFFF086  }
0x25: {  	[simem:s6], [sflag:s4] =	dma.local [hbm:s3], $0xF7A  }
0x26: {  	[smem:$0x3F97] =	sst s1;
	(tag) =	ssettag s2;
	_ =	strace s9  }
0x27: {  	s1 =	sld [smem:$0x3FA7]  }
0x28: {  	s2 =	sld [smem:$0x3FA8]  }
0x29: {  	s4 =	sld [smem:$0x3FAA]  }
0x2a: {  	p0 =	seq.s32 s5, $0x0;
	s5 =	sld [smem:$0x3FAB]  }
0x2b: {  	s6 =	sld [smem:$0x3FAC]  }
0x2c: {  	s7 =	sld [smem:$0x3FAD]  }
0x2d: {  	s3 =	simm.s32 $0x108;
	s8 =	sld [smem:$0x3FAE]  }
0x2e: {  	s3 =	simm.s32 @!p0 $0x1082;
	s9 =	sld [smem:$0x3FAF]  }
0x2f: {  	lr =	sadd.s32 s0, s3;
	s0 =	sld [smem:$0x3FA6]  }
0x30: {  	s3 =	sld [smem:$0x3FA9]  }
0x31: {  	[smem:$0x3FB2] =	sst s10  }
0x32: {  	s10 =	sld [smem:$0x3FB0];
	_ =	sdelay $0x3  }
0x33: {  	p0 =	seq.s32 s10, $0x1;
	s10 =	sld [smem:$0x3FB2];
	_ =	sdelay $0x3  }
0x34: {  	[smem:$0x3FB2] =	sst s10  }
0x35: {  	s10 =	sld [smem:$0x3FB1];
	_ =	sdelay $0x3  }
0x36: {  	p1 =	seq.s32 s10, $0x1;
	s10 =	sld [smem:$0x3FB2];
	_ =	sdelay $0x3  }
0x37: {  	[smem:$0x3FB2] =	sst s10  }
0x38: {  	s10 =	sld [smem:$0x3FB3]  }
0x39: {  	_ = 	snop;
	(pc) =	sbr.ind lr, $3  }
0x3a: {  	_ = 	snop  }
0x3b: {  	_ = 	snop  }
0x3c: {  	p2 =	seq.s32 s10, $0x1;
	s10 =	sld [smem:$0x3FB2]  }
0x3d: {  	_ =	shalt  }
0x3e: {  	_ =	shalt  }
0x3f: {  	_ =	shalt  }
0x40: {  	_ =	shalt  }
0x41: {  	_ =	shalt  }
0x42: {  	_ =	shalt  }
0x43: {  	_ =	shalt  }
0x44: {  	_ =	shalt  }
0x45: {  	_ =	shalt  }
0x46: {  	_ =	shalt  }
0x47: {  	_ =	shalt  }
0x48: {  	_ =	shalt  }
0x49: {  	_ =	shalt  }
0x4a: {  	_ =	shalt  }
0x4b: {  	_ =	shalt  }
0x4c: {  	_ =	shalt  }
0x4d: {  	_ =	shalt  }
0x4e: {  	_ =	shalt  }
0x4f: {  	_ =	shalt  }
0x50: {  	_ =	shalt  }
0x51: {  	_ =	shalt  }
0x52: {  	_ =	shalt  }
0x53: {  	_ =	shalt  }
0x54: {  	_ =	shalt  }
0x55: {  	_ =	shalt  }
0x56: {  	_ =	shalt  }
0x57: {  	_ =	shalt  }
0x58: {  	_ =	shalt  }
0x59: {  	_ =	shalt  }
0x5a: {  	_ =	shalt  }
0x5b: {  	_ =	shalt  }
0x5c: {  	_ =	shalt  }
0x5d: {  	_ =	shalt  }
0x5e: {  	_ =	shalt  }
0x5f: {  	_ =	shalt  }
0x60: {  	_ =	shalt  }
0x61: {  	_ =	shalt  }
0x62: {  	_ =	shalt  }
0x63: {  	_ =	shalt  }
0x64: {  	_ =	shalt  }
0x65: {  	_ =	shalt  }
0x66: {  	_ =	shalt  }
0x67: {  	_ =	shalt  }
0x68: {  	_ =	shalt  }
0x69: {  	_ =	shalt  }
0x6a: {  	_ =	shalt  }
0x6b: {  	_ =	shalt  }
0x6c: {  	_ =	shalt  }
0x6d: {  	_ =	shalt  }
0x6e: {  	_ =	shalt  }
0x6f: {  	_ =	shalt  }
0x70: {  	_ =	shalt  }
0x71: {  	_ =	shalt  }
0x72: {  	_ =	shalt  }
0x73: {  	_ =	shalt  }
0x74: {  	_ =	shalt  }
0x75: {  	_ =	shalt  }
0x76: {  	_ =	shalt  }
0x77: {  	_ =	shalt  }
0x78: {  	_ =	shalt  }
0x79: {  	_ =	shalt  }
0x7a: {  	_ =	shalt  }
0x7b: {  	_ =	shalt  }
0x7c: {  	_ =	shalt  }
0x7d: {  	_ =	shalt  }
0x7e: {  	_ =	shalt  }
0x7f: {  	_ =	shalt  }
0x80: {  	_ =	shalt  }
0x81: {  	_ =	shalt  }
0x82: {  	_ =	shalt  }
0x83: {  	_ =	shalt  }
0x84: {  	_ =	shalt  }
0x85: {  	_ =	shalt  }
0x86: {  	_ =	shalt  }
0x87: {  	_ =	shalt  }
.Lfunc_end0:
.L_simem_size_0:
called_computation.4_lowered:
.L_overlay_start_0:
0x88: {  	s2 =	sld [smem:$0x3FD9]  }
0x89: {  	s3 =	sld [smem:$0x3FFE];
	_ =	sdelay $0x1  }
0x8a: {  	s1 =	srdreg.scid  }
0x8b: {  	s0 =	sand.u32 $0x1, s1  }
0x8c: {  	s16 =	sshll.u32 s0, $0xA;
	s2 =	sadd.s32 s3, s2  }
0x8d: {  	s2 =	sadd.s32 s2, s16  }
0x8e: {  	[smem:$0x3FBE] =	sst s2  }
0x8f: {  	_ = 	snop  }
0x90: {  	(tm) =	ssettm $0x1  }
0x91: {  	s17 =	sld [smem:$0x3FFB];
	_ =	sdelay $0x3  }
0x92: {  	_ =	strace s17  }
0x93: {  	s2 =	sld [smem:$0x3FFC];
	_ =	sdelay $0x3  }
0x94: {  	_ =	strace s2  }
0x95: {  	s2 =	sld [smem:$0x3FFD];
	_ =	sdelay $0x3  }
0x96: {  	_ =	strace s2  }
0x97: {  	_ =	strace $0x8FFFFFFF  }
0x98: {  	s18 =	sld [smem:$0x3FDB];
	_ =	sdelay $0x1  }
0x99: {  	s19 =	simm.s32 $_scs_section_size  }
0x9a: {  	s4 =	simm.s32 $_size__tile_overlayer_lowered;
	s5 =	simm.s32 $_tile_overlayer_lowered  }
0x9b: {  	s22 =	simm.s32 $0x1BFF;
	s21 =	sshll.u32 s5, $0x1;
	s2 =	sadd.s32 s19, s18  }
0x9c: {  	s6 =	simm.s32 $0x0;
	s20 =	sshll.u32 s4, $0x1;
	s4 =	sadd.s32 s21, s2  }
0x9d: {  	[timem:s6], [sflag:s22] =	dma.local [hbm:s4], s20  }
0x9e: {  	_ =	swait.ge [sflag:s22], s20  }
0x9f: {  	s3 =	ssub.s32 $0x0, s20;
	[sflag:s22] =	ssyncset.done $0x0  }
0xa0: {  	[sflag:s22] =	ssyncadd.s32 s3;
	_ =	sdelay $0x1  }
0xa1: {  	s23 =	simm.s32 $0x1B8B  }
0xa2: {  	_ =	swait.ge [sflag:s23], $0x1  }
0xa3: {  	[sflag:s23] =	ssyncset.done $0x0  }
0xa4: {  	s25 =	simm.s32 $0x1B8E;
	s24 =	sld [smem:$0x3FFE];
	[sflag:s23] =	ssyncadd.s32 $0xFFFFFFFF  }
0xa5: {  	s26 =	simm.s32 $execute0_lowered;
	[smem:$0x3FD2] =	sst s25  }
0xa6: {  	s4 =	sshll.u32 s26, $0x1;
	_ =	strace $0x80000052;
	[dreg:$0x1] =	wrdreg $0xFFFFFFFF  }
0xa7: {  	s28 =	simm.s32 $_size_execute0_lowered;
	s2 =	sadd.s32 s2, s4;
	[dreg:$0x0] =	wrdreg $0x0  }
0xa8: {  	s4 =	sshll.u32 s28, $0x1;
	[dreg:$0x2] =	wrdreg s2  }
0xa9: {  	[dreg:$0x3] =	wrdreg s4  }
0xaa: {  	[dreg:$0x4] =	wrdreg $0xC0  }
0xab: {  	_ =	task [dreg:s6], $0x5FFFF  }
0xac: {  	[dreg:$0x1] =	wrdreg $0xFFFFFFFF  }
0xad: {  	[dreg:$0x0] =	wrdreg $0x60  }
0xae: {  	[dreg:$0x2] =	wrdreg s24  }
0xaf: {  	[dreg:$0x3] =	wrdreg $0xC6C00  }
0xb0: {  	[dreg:$0x4] =	wrdreg $0x163400  }
0xb1: {  	[dreg:$0x5] =	wrdreg $0x9  }
0xb2: {  	_ =	task.clear_ibuf [dreg:s6], $0x6FFFF;
	_ =	strace $0x90000052  }
0xb3: {  	s29 =	simm.s32 $0x9;
	_ =	strace $0x80000054  }
0xb4: {  	_ =	swait.ge [sflag:s29], $0x1  }
0xb5: {  	[sflag:s29] =	ssyncadd.s32 $0xFFFFFFFF  }
0xb6: {  	_ =	strace $0x90000054  }
0xb7: {  	_ =	sfence  }
0xb8: {  	s30 =	sld [smem:$0x0];
	_ =	sdelay $0x2  }
0xb9: {  	s31 =	sshll.u32 s1, $0xD;
	s1 =	sshrl.u32 s1, $0x2  }
0xba: {  	s3 =	sand.u32 $0x4000, s31;
	s1 =	sadd.s32 s1, s30  }
0xbb: {  	s0 =	sor.u32 s3, s0;
	s1 =	sshll.u32 s1, $0x11  }
0xbc: {  	s0 =	sor.u32 s1, s0  }
0xbd: {  	s0 =	sadd.s32 $0x8F2B, s0  }
0xbe: {  	[sflag:s0] =	ssyncadd.remote.s32 $0x1  }
0xbf: {  	_ =	sfence.sel $0xFFFF  }
0xc0: {  	[dreg:$0x0] =	wrdreg $0xFFFFFFFF;
	(pc) =	sbr.abs _section_cstart, $3  }
0xc1: {  	[dreg:$0x1] =	wrdreg $0xFFFFFFFF  }
0xc2: {  	_ =	task.clear_ibuf [dreg:s6], $0x2FFFF;
	_ =	strace $0x9FFFFFFF  }
0xc3: {  	(tm) =	ssettm $0x7FFFFFFF  }
tec
execute0_lowered:
.L_overlay_start_1:
0x0: {  	(tag) =	ssettag $0x1  }
0x1: {  	s5 =	rddreg [dreg:$0x0]  }
0x2: {  	s2 =	rddreg [dreg:$0x1]  }
0x3: {  	s3 =	rddreg [dreg:$0x2]  }
0x4: {  	s0 =	rddreg [dreg:$0x3]  }
0x5: {  	s1 =	stileid.u32;
	s6 =	srdreg.scid  }
0x6: {  	s4 =	simm.s32 $0x0;
	s17 =	simm.s32 $0x2760;
	s18 =	simm.s32 $0x78  }
0x7: {  	s19 =	simm.s32 $0x4EC0;
	s20 =	simm.s32 $0x6CC0;
	s21 =	simm.s32 $0x1  }
0x8: {  	s22 =	simm.s32 $0x2;
	s23 =	simm.s32 $0x0;
	s7 =	smul.u32 $0x9C80, s1  }
0x9: {  	s6 =	sand.u32 $0x1, s6;
	[smem:$0x7FF] =	sst s4;
	s10 =	sadd.s32 $0x34000, s5  }
0xa: {  	s11 =	sadd.s32 $0x2A200, s5;
	s28 =	smul.u32 $0x4EC0, s1;
	s29 =	sshll.u32 s1, $0x6  }
0xb: {  	s8 =	smul.u32 $0x9C800, s6;
	_ =	strace $0x80000053;
	s6 =	ssub.s32 $0x2, s6  }
0xc: {  	s9 =	sshrl.u32 s7, $0x3;
	s12 =	sshrl.u32 s6, $0x1;
	s15 =	sadd.s32 s7, s2  }
0xd: {  	s16 =	sadd.s32 s7, s3;
	s30 =	sshrl.u32 s28, $0x3;
	s8 =	sadd.s32 s7, s8  }
0xe: {  	s9 =	sadd.s32 s9, s5;
	s14 =	ssub.s32 s6, s12;
	s6 =	sor.u32 $0x1C03, s29  }
.Ltmp0:
0xf: {  	s31 =	sadd.s32 $0x4EC, s30;
	s8 =	sshrl.u32 s8, $0x3;
	(pc) =	sbr.rel .LBB2_1-.Ltmp0, $4  }
0x10: {  	s16 =	sshrl.u32 s16, $0x3;
	s13 =	sadd.s32 s8, s5;
	s5 =	sadd.s32 $0x2600, s9  }
0x11: {  	s8 =	sadd.s32 s10, s30;
	s9 =	sadd.s32 s11, s30;
	s10 =	sadd.s32 s10, s31  }
0x12: {  	s11 =	sadd.s32 s11, s31;
	s7 =	sadd.s32 $0x3DE00, s13;
	s12 =	sadd.s32 $0x65000, s13  }
0x13: {  	s13 =	smax.u32 s14, $0x1;
	s14 =	sshrl.u32 s15, $0x3;
	s15 =	simm.s32 $0x3  }
.LBB2_9:
0x14: {  	_ =	swait.ge [sflag:s22], $0x1E00  }
0x15: {  	[sflag:s22] =	ssyncset.done $0x0  }
0x16: {  	[sflag:s22] =	ssyncadd.s32 $0xFFFFE200  }
0x17: {  	_ =	swait.ge [sflag:s22], $0x1E00  }
0x18: {  	s23 =	sadd.s32 $0x1, s23;
	[sflag:s22] =	ssyncset.done $0x0  }
0x19: {  	p0 =	sne.s32 s23, s13;
	[sflag:s22] =	ssyncadd.s32 $0xFFFFE200  }
.Ltmp1:
0x1a: {  	[bflag:$0x0] =	sbarrier.arrive $0xFFFF;
	(pc) =	sbr.rel @!p0 .LBB2_10-.Ltmp1, $4  }
0x1b: {  	[hbm:s12], [sflag:s6] =	dma.local [spmem:s14], $0x1390  }
0x1c: {  	_ =	swait.ge [sflag:s15], $0x1390  }
0x1d: {  	[sflag:s15] =	ssyncset.done $0x0  }
0x1e: {  	[sflag:s15] =	ssyncadd.s32 $0xFFFFEC70  }
.LBB2_1:
0x1f: {  	[spmem:s14], [sflag:s6] =	dma.local [hbm:s5], $0x1390  }
0x20: {  	_ =	swait.ge [sflag:s15], $0x1390  }
0x21: {  	[sflag:s15] =	ssyncset.done $0x0  }
0x22: {  	[sflag:s15] =	ssyncadd.s32 $0xFFFFEC70  }
0x23: {  	[spmem:s16], [sflag:s6] =	dma.local [hbm:s7], $0x1390  }
0x24: {  	_ =	swait.ge [sflag:s15], $0x1390  }
0x25: {  	[sflag:s15] =	ssyncset.done $0x0  }
0x26: {  	[sflag:s15] =	ssyncadd.s32 $0xFFFFEC70  }
0x27: {  	[bflag:$0x0] =	sbarrier.arrive $0xFFFF  }
0x28: {  	[tilespmem:s4], [sflag:$0x3] =	stream.linear.gather [hbm4b:s8+s4], $0x2760, $0x38;
	v63 =	vld [tilespmem:$0x0]  }
0x29: {  	_ =	swait.ge [sflag:s15], $0x2760  }
0x2a: {  	[sflag:s15] =	ssyncset.done $0x0  }
0x2b: {  	[sflag:s15] =	ssyncadd.s32 $0xFFFFD8A0  }
0x2c: {  	[tilespmem:s17], [sflag:$0x3] =	stream.linear.gather [hbm4b:s9+s4], $0x2760, $0x38;
	v63 =	vld [tilespmem:$0x0]  }
0x2d: {  	_ =	swait.ge [sflag:s15], $0x2760  }
.Ltmp2:
0x2e: {  	[sflag:s15] =	ssyncset.done $0x0;
	(pc) =	sbr.rel .LBB2_2-.Ltmp2, $4  }
0x2f: {  	[sflag:s15] =	ssyncadd.s32 $0xFFFFD8A0  }
0x30: {  	[tilespmem:s19], [sflag:$0x1] =	stream.indirect.gather [spmem:s3], $0x40, s4, s18, $0xb8;
	v63 =	vld [tilespmem:$0x0]  }
0x31: {  	s24 =	simm.s32 $0x0  }
0x32: {  	[tilespmem:s20], [sflag:$0x1] =	stream.indirect.gather [spmem:s3], $0x40, s18, s18, $0xb8;
	v63 =	vld [tilespmem:$0x0]  }
.LBB2_4:
0x33: {  	_ =	swait.ge [sflag:s21], $0x1E00  }
0x34: {  	s26 =	smul.u32 $0x7800, s26;
	[sflag:s21] =	ssyncset.done $0x0  }
0x35: {  	s24 =	smul.u32 $0x3C0, s24;
	[sflag:s21] =	ssyncadd.s32 $0xFFFFE200  }
0x36: {  	p0 =	slt.u32 s25, $0x2A;
	s26 =	sshrl.u32 s26, $0x2;
	_ =	swait.ge [sflag:s21], $0x1E00  }
0x37: {  	s24 =	sshra.s32 s24, $0x2;
	s28 =	sadd.s32 $0x4EC0, s26;
	[sflag:s21] =	ssyncset.done $0x0  }
.Ltmp3:
0x38: {  	s29 =	sadd.s32 $0x2760, s24;
	[sflag:s21] =	ssyncadd.s32 $0xFFFFE200;
	(pc) =	sbr.rel @!p0 .LBB2_5-.Ltmp3, $4  }
0x39: {  	[spmem:s2] =	stream.indirect.scatter.add.f32 [tilespmem:s28], [sflag:$0x2], $0x40, s29, s18, $0xb8;
	v63 =	vld [tilespmem:$0x0]  }
0x3a: {  	s26 =	sadd.s32 $0x6CC0, s26;
	s24 =	sadd.s32 $0x27D8, s24  }
0x3b: {  	[spmem:s2] =	stream.indirect.scatter.add.f32 [tilespmem:s26], [sflag:$0x2], $0x40, s24, s18, $0xb8;
	v63 =	vld [tilespmem:$0x0]  }
0x3c: {  	s24 =	smov.u32 s25  }
.LBB2_2:
0x3d: {  	p0 =	seq.s32 s24, $0x0  }
0x3e: {  	s25 =	simm.s32 @!p0 $0x2;
	p1 =	seq.s32 @!p0 s24, $0x29  }
0x3f: {  	_ =	swait.ge @!p0 [sflag:s25], $0x1E00;
	p1 =	por p0, !p1  }
.Ltmp4:
0x40: {  	[sflag:s25] =	ssyncset.done @!p0 $0x0;
	(pc) =	sbr.rel @!p1 .LBB2_4-.Ltmp4, $4  }
0x41: {  	[sflag:s25] =	ssyncadd.s32 @!p0 $0xFFFFE200  }
0x42: {  	_ =	swait.ge @!p0 [sflag:s25], $0x1E00  }
0x43: {  	s26 =	sshll.u32 s24, $0x1;
	[sflag:s25] =	ssyncset.done @!p0 $0x0  }
0x44: {  	s26 =	sand.u32 $0x2, s26;
	[sflag:s25] =	ssyncadd.s32 @!p0 $0xFFFFE200;
	s25 =	simm.s32 @!p0 $0x2A  }
0x45: {  	s28 =	sxor.u32 $0x2, s26  }
0x46: {  	s25 =	sadd.s32 @!p0 $0x1, s24;
	s30 =	sxor.u32 $0x3, s26;
	s28 =	smul.u32 $0x7800, s28  }
0x47: {  	s25 =	simm.s32 @p0 $0x1;
	s30 =	smul.u32 $0x7800, s30  }
0x48: {  	s29 =	smul.u32 $0x3C0, s25  }
.Ltmp5:
0x49: {  	s28 =	sshrl.u32 s28, $0x2;
	(pc) =	sbr.rel .LBB2_4-.Ltmp5, $4  }
0x4a: {  	s31 =	sshrl.u32 s30, $0x2;
	s28 =	sadd.s32 $0x4EC0, s28;
	s29 =	sshra.s32 s29, $0x2  }
0x4b: {  	[tilespmem:s28], [sflag:$0x1] =	stream.indirect.gather [spmem:s3], $0x40, s29, s18, $0xb8;
	v63 =	vld [tilespmem:$0x0]  }
0x4c: {  	s28 =	sadd.s32 $0x4EC0, s31;
	s29 =	sadd.s32 $0x78, s29  }
0x4d: {  	[tilespmem:s28], [sflag:$0x1] =	stream.indirect.gather [spmem:s3], $0x40, s29, s18, $0xb8;
	v63 =	vld [tilespmem:$0x0]  }
.LBB2_5:
0x4e: {  	_ =	swait.ge [sflag:s22], $0x1E00  }
0x4f: {  	[sflag:s22] =	ssyncset.done $0x0  }
0x50: {  	[sflag:s22] =	ssyncadd.s32 $0xFFFFE200  }
0x51: {  	_ =	swait.ge [sflag:s22], $0x1E00  }
0x52: {  	[sflag:s22] =	ssyncset.done $0x0  }
0x53: {  	s24 =	simm.s32 $0x0;
	[sflag:s22] =	ssyncadd.s32 $0xFFFFE200  }
0x54: {  	[tilespmem:s24], [sflag:$0x3] =	stream.linear.gather [hbm4b:s10+s24], $0x2760, $0x38;
	v63 =	vld [tilespmem:$0x0]  }
0x55: {  	_ =	swait.ge [sflag:s15], $0x2760  }
0x56: {  	[sflag:s15] =	ssyncset.done $0x0  }
0x57: {  	[sflag:s15] =	ssyncadd.s32 $0xFFFFD8A0  }
0x58: {  	[tilespmem:s17], [sflag:$0x3] =	stream.linear.gather [hbm4b:s11+s24], $0x2760, $0x38;
	v63 =	vld [tilespmem:$0x0]  }
0x59: {  	_ =	swait.ge [sflag:s15], $0x2760  }
.Ltmp6:
0x5a: {  	[sflag:s15] =	ssyncset.done $0x0;
	(pc) =	sbr.rel .LBB2_6-.Ltmp6, $4  }
0x5b: {  	[sflag:s15] =	ssyncadd.s32 $0xFFFFD8A0  }
0x5c: {  	[tilespmem:s19], [sflag:$0x1] =	stream.indirect.gather [spmem:s3], $0x40, s24, s18, $0xb8;
	v63 =	vld [tilespmem:$0x0]  }
0x5d: {  	_ = 	snop  }
0x5e: {  	[tilespmem:s20], [sflag:$0x1] =	stream.indirect.gather [spmem:s3], $0x40, s18, s18, $0xb8;
	v63 =	vld [tilespmem:$0x0]  }
.LBB2_8:
0x5f: {  	_ =	swait.ge [sflag:s21], $0x1E00  }
0x60: {  	s26 =	smul.u32 $0x7800, s26;
	[sflag:s21] =	ssyncset.done $0x0  }
0x61: {  	s24 =	smul.u32 $0x3C0, s24;
	[sflag:s21] =	ssyncadd.s32 $0xFFFFE200  }
0x62: {  	p0 =	slt.u32 s25, $0x2A;
	s26 =	sshrl.u32 s26, $0x2;
	_ =	swait.ge [sflag:s21], $0x1E00  }
0x63: {  	s24 =	sshra.s32 s24, $0x2;
	s28 =	sadd.s32 $0x4EC0, s26;
	[sflag:s21] =	ssyncset.done $0x0  }
.Ltmp7:
0x64: {  	s29 =	sadd.s32 $0x2760, s24;
	[sflag:s21] =	ssyncadd.s32 $0xFFFFE200;
	(pc) =	sbr.rel @!p0 .LBB2_9-.Ltmp7, $4  }
0x65: {  	[spmem:s2] =	stream.indirect.scatter.add.f32 [tilespmem:s28], [sflag:$0x2], $0x40, s29, s18, $0xb8;
	v63 =	vld [tilespmem:$0x0]  }
0x66: {  	s26 =	sadd.s32 $0x6CC0, s26;
	s24 =	sadd.s32 $0x27D8, s24  }
0x67: {  	[spmem:s2] =	stream.indirect.scatter.add.f32 [tilespmem:s26], [sflag:$0x2], $0x40, s24, s18, $0xb8;
	v63 =	vld [tilespmem:$0x0]  }
0x68: {  	s24 =	smov.u32 s25  }
.LBB2_6:
0x69: {  	p0 =	seq.s32 s24, $0x0  }
0x6a: {  	s25 =	simm.s32 @!p0 $0x2;
	p1 =	seq.s32 @!p0 s24, $0x29  }
0x6b: {  	_ =	swait.ge @!p0 [sflag:s25], $0x1E00;
	p1 =	por p0, !p1  }
.Ltmp8:
0x6c: {  	[sflag:s25] =	ssyncset.done @!p0 $0x0;
	(pc) =	sbr.rel @!p1 .LBB2_8-.Ltmp8, $4  }
0x6d: {  	[sflag:s25] =	ssyncadd.s32 @!p0 $0xFFFFE200  }
0x6e: {  	_ =	swait.ge @!p0 [sflag:s25], $0x1E00  }
0x6f: {  	s26 =	sshll.u32 s24, $0x1;
	[sflag:s25] =	ssyncset.done @!p0 $0x0  }
0x70: {  	s26 =	sand.u32 $0x2, s26;
	[sflag:s25] =	ssyncadd.s32 @!p0 $0xFFFFE200;
	s25 =	simm.s32 @!p0 $0x2A  }
0x71: {  	s28 =	sxor.u32 $0x2, s26  }
0x72: {  	s25 =	sadd.s32 @!p0 $0x1, s24;
	s30 =	sxor.u32 $0x3, s26;
	s28 =	smul.u32 $0x7800, s28  }
0x73: {  	s25 =	simm.s32 @p0 $0x1;
	s30 =	smul.u32 $0x7800, s30  }
0x74: {  	s29 =	smul.u32 $0x3C0, s25  }
.Ltmp9:
0x75: {  	s28 =	sshrl.u32 s28, $0x2;
	(pc) =	sbr.rel .LBB2_8-.Ltmp9, $4  }
0x76: {  	s31 =	sshrl.u32 s30, $0x2;
	s28 =	sadd.s32 $0x4EC0, s28;
	s29 =	sshra.s32 s29, $0x2  }
0x77: {  	[tilespmem:s28], [sflag:$0x1] =	stream.indirect.gather [spmem:s3], $0x40, s29, s18, $0xb8;
	v63 =	vld [tilespmem:$0x0]  }
0x78: {  	s28 =	sadd.s32 $0x4EC0, s31;
	s29 =	sadd.s32 $0x78, s29  }
0x79: {  	[tilespmem:s28], [sflag:$0x1] =	stream.indirect.gather [spmem:s3], $0x40, s29, s18, $0xb8;
	v63 =	vld [tilespmem:$0x0]  }
.LBB2_10:
0x7a: {  	_ =	sfence.sel $0x180000  }
0x7b: {  	[bflag:$0x0] =	sbarrier.arrive $0xFFFF  }
0x7c: {  	p0 =	sne.s32 s1, $0x0;
	_ =	strace $0x90000053  }
0x7d: {  	s0 =	sadd.s32 @!p0 $0x100000, s0;
	[bflag:$0x2] =	sbarrier.arrive $0xFFFF  }
0x7e: {  	[sflag:s0] =	ssyncadd.tile.s32 @!p0 $0x1;
	_ =	shalt  }
.Lfunc_end2:
_tile_overlayer_lowered:
.L_overlay_start_2:
0x7f: {  	(tag) =	ssettag $0x2  }
0x80: {  	s0 =	rddreg [dreg:$0x0];
	s2 =	stileid.u32  }
0x81: {  	s1 =	rddreg [dreg:$0x1];
	p0 =	sne.s32 s2, $0x0  }
0x82: {  	s3 =	rddreg [dreg:$0x2];
	[bflag:$0x3] =	sbarrier.arrive $0xFFFF;
	s2 =	simm.s32 @!p0 $0x1C03  }
0x83: {  	[timem:s3], [sflag:s2] =	dma.local @!p0 [hbm:s0], s1  }
0x84: {  	s0 =	simm.s32 @!p0 $0x3  }
0x85: {  	_ =	swait.ge @!p0 [sflag:s0], s1  }
0x86: {  	s1 =	ssub.s32 @!p0 $0x0, s1;
	[sflag:s0] =	ssyncset.done @!p0 $0x0  }
0x87: {  	[sflag:s0] =	ssyncadd.s32 @!p0 s1  }
0x88: {  	[bflag:$0x3] =	sbarrier.arrive $0xFFFF  }
0x89: {  	_ =	shalt  }

</sc_bundles>
